<compile_context>
chip_gen: v7x
topology: tpu7x:2x2x1
jax: 0.10.2.dev20260603
libtpu: 0.0.44.dev20260713+nightly
codegen_flags: <defaults>
</compile_context>

<pallas_src>
import functools

import jax
import jax.numpy as jnp
from jax import lax
from jax.experimental import pallas as pl
from jax.experimental.pallas import tpu as pltpu
from jax.experimental.pallas import tpu_sc as plsc

N = 10000
D_IN = 128
D_H = 16
E = 320000

NC = 2
NS = 16
NW = NC * NS
C = 128
NCHUNK = 78
CT = 16
E_MAIN = NW * NCHUNK * C
PN = 10240
RPT = PN // NS
SPT = PN // NW
LAG = 4

_sc_mesh = plsc.VectorSubcoreMesh(core_axis_name="c", subcore_axis_name="s")
_sc_params = pltpu.CompilerParams(use_tc_tiling_on_sc=False)
_sc_params_nl = pltpu.CompilerParams(use_tc_tiling_on_sc=False,
                                     needs_layout_passes=False)


@functools.partial(
    pl.kernel,
    out_type=jax.ShapeDtypeStruct((NC, 2, PN), jnp.float32),
    mesh=_sc_mesh,
    scratch_types=[
        pltpu.VMEM((NCHUNK, C), jnp.int32),
        pltpu.VMEM((NCHUNK, C), jnp.int32),
        pltpu.VMEM((CT,), jnp.int32),
        pltpu.VMEM((CT,), jnp.int32),
        pltpu.VMEM((C,), jnp.float32),
        pltpu.VMEM((RPT,), jnp.float32),
        pltpu.VMEM_SHARED((PN,), jnp.float32),
        pltpu.VMEM_SHARED((PN,), jnp.float32),
        pltpu.SemaphoreType.DMA,
        pltpu.SemaphoreType.DMA,
    ],
    compiler_params=_sc_params,
)
def _deg_kernel(srcs, dsts, srcs_t, dsts_t, ones_hbm, zeros_hbm, degp,
                idxs_v, idxd_v, idxst_v, idxdt_v, ones_v, buf_v,
                degs_sh, degd_sh, sem0, sem1):
    c = lax.axis_index("c")
    s = lax.axis_index("s")
    wid = s * NC + c
    base = s * RPT
    pltpu.sync_copy(ones_hbm, ones_v)
    pltpu.sync_copy(zeros_hbm.at[pl.ds(base, RPT)], buf_v)
    pltpu.sync_copy(buf_v, degs_sh.at[pl.ds(base, RPT)])
    pltpu.sync_copy(buf_v, degd_sh.at[pl.ds(base, RPT)])
    plsc.subcore_barrier()
    pltpu.sync_copy(srcs.at[wid], idxs_v)
    pltpu.sync_copy(dsts.at[wid], idxd_v)
    pltpu.sync_copy(srcs_t.at[wid], idxst_v)
    pltpu.sync_copy(dsts_t.at[wid], idxdt_v)

    def body(j, carry):
        pltpu.async_copy(ones_v, degs_sh.at[idxs_v.at[j]], sem0, add=True)
        pltpu.async_copy(ones_v, degd_sh.at[idxd_v.at[j]], sem1, add=True)

        @pl.when(j >= LAG)
        def _():
            k = j - LAG
            pltpu.make_async_copy(ones_v, degs_sh.at[idxs_v.at[k]], sem0).wait()
            pltpu.make_async_copy(ones_v, degd_sh.at[idxd_v.at[k]], sem1).wait()

        return carry

    lax.fori_loop(0, NCHUNK, body, 0)

    def drain(j, carry):
        pltpu.make_async_copy(ones_v, degs_sh.at[idxs_v.at[j]], sem0).wait()
        pltpu.make_async_copy(ones_v, degd_sh.at[idxd_v.at[j]], sem1).wait()
        return carry

    lax.fori_loop(NCHUNK - LAG, NCHUNK, drain, 0)
    pltpu.sync_copy(ones_v.at[pl.ds(0, CT)], degs_sh.at[idxst_v], add=True)
    pltpu.sync_copy(ones_v.at[pl.ds(0, CT)], degd_sh.at[idxdt_v], add=True)
    plsc.subcore_barrier()
    pltpu.sync_copy(degs_sh.at[pl.ds(base, RPT)], buf_v)
    pltpu.sync_copy(buf_v, degp.at[c, 0, pl.ds(base, RPT)])
    pltpu.sync_copy(degd_sh.at[pl.ds(base, RPT)], buf_v)
    pltpu.sync_copy(buf_v, degp.at[c, 1, pl.ds(base, RPT)])


@functools.partial(
    pl.kernel,
    out_type=jax.ShapeDtypeStruct((NC, PN, D_H), jnp.float32),
    mesh=_sc_mesh,
    scratch_types=[
        pltpu.VMEM((NCHUNK, C), jnp.int32),
        pltpu.VMEM((NCHUNK, C), jnp.int32),
        pltpu.VMEM((CT,), jnp.int32),
        pltpu.VMEM((CT,), jnp.int32),
        *[pltpu.VMEM((C, D_H), jnp.float32) for _ in range(8)],
        pltpu.VMEM((CT, D_H), jnp.float32),
        pltpu.VMEM((RPT, D_H), jnp.float32),
        pltpu.VMEM_SHARED((PN, D_H), jnp.float32),
        *[pltpu.SemaphoreType.DMA for _ in range(16)],
    ],
    compiler_params=_sc_params,
)
def _agg_kernel(x, srcs, dsts, srcs_t, dsts_t, zeros_hbm, aggp,
                idxs_v, idxd_v, idxst_v, idxdt_v,
                r0, r1, r2, r3, r4, r5, r6, r7, rowst,
                buf_v, acc_sh,
                g0, g1, g2, g3, g4, g5, g6, g7,
                s0, s1, s2, s3, s4, s5, s6, s7):
    c = lax.axis_index("c")
    s = lax.axis_index("s")
    wid = s * NC + c
    base = s * RPT
    rows = (r0, r1, r2, r3, r4, r5, r6, r7)
    gs = (g0, g1, g2, g3, g4, g5, g6, g7)
    ss = (s0, s1, s2, s3, s4, s5, s6, s7)
    NB, PF = 8, 4
    pltpu.sync_copy(zeros_hbm.at[pl.ds(base, RPT)], buf_v)
    pltpu.sync_copy(buf_v, acc_sh.at[pl.ds(base, RPT)])
    plsc.subcore_barrier()
    pltpu.sync_copy(srcs.at[wid], idxs_v)
    pltpu.sync_copy(dsts.at[wid], idxd_v)
    pltpu.sync_copy(srcs_t.at[wid], idxst_v)
    pltpu.sync_copy(dsts_t.at[wid], idxdt_v)
    for p in range(PF):
        pltpu.async_copy(x.at[idxs_v.at[p]], rows[p], gs[p])

    def body(j, carry):
        for p in range(NB):
            @pl.when(j % NB == p)
            def _(p=p):
                q = (p + PF) % NB
                pltpu.make_async_copy(x.at[idxs_v.at[j]], rows[p], gs[p]).wait()
                pltpu.async_copy(rows[p], acc_sh.at[idxd_v.at[j]], ss[p],
                                 add=True)

                @pl.when(j + PF < NCHUNK)
                def _():
                    @pl.when(j >= PF)
                    def _():
                        pltpu.make_async_copy(
                            rows[q], acc_sh.at[idxd_v.at[j - PF]], ss[q]).wait()

                    pltpu.async_copy(x.at[idxs_v.at[j + PF]], rows[q], gs[q])

        return carry

    lax.fori_loop(0, NCHUNK, body, 0)
    for k in range(NCHUNK - 2 * PF, NCHUNK):
        pltpu.make_async_copy(rows[k % NB], acc_sh.at[idxd_v.at[k]],
                              ss[k % NB]).wait()
    pltpu.async_copy(x.at[idxst_v], rowst, gs[0]).wait()
    pltpu.sync_copy(rowst, acc_sh.at[idxdt_v], add=True)
    plsc.subcore_barrier()
    pltpu.sync_copy(acc_sh.at[pl.ds(base, RPT)], buf_v)
    pltpu.sync_copy(buf_v, aggp.at[c, pl.ds(base, RPT)])


def _rsqrt16(d):
    i = plsc.bitcast(d, jnp.int32)
    i = jnp.int32(0x5F3759DF) - lax.shift_right_arithmetic(i, 1)
    z = plsc.bitcast(i, jnp.float32)
    h = d * 0.5
    for _ in range(3):
        z = z * (1.5 - h * z * z)
    return z


@functools.partial(
    pl.kernel,
    out_type=[
        jax.ShapeDtypeStruct((PN, D_H), jnp.float32),
        jax.ShapeDtypeStruct((PN,), jnp.float32),
        jax.ShapeDtypeStruct((PN,), jnp.float32),
        jax.ShapeDtypeStruct((PN,), jnp.float32),
    ],
    mesh=_sc_mesh,
    scratch_types=[
        pltpu.VMEM((SPT, D_H), jnp.float32),
        pltpu.VMEM((SPT,), jnp.float32),
        pltpu.VMEM((SPT,), jnp.float32),
        pltpu.VMEM((SPT,), jnp.float32),
        pltpu.VMEM((SPT,), jnp.float32),
        pltpu.VMEM((SPT,), jnp.float32),
        pltpu.VMEM((SPT,), jnp.float32),
        pltpu.VMEM((SPT,), jnp.float32),
        pltpu.VMEM((SPT, D_H), jnp.float32),
    ],
    compiler_params=_sc_params_nl,
)
def _scale_kernel(y, degp, x1, m, so, si,
                  y_v, d00, d01, d10, d11, m_v, so_v, si_v, x1_v):
    c = lax.axis_index("c")
    s = lax.axis_index("s")
    wid = s * NC + c
    base = wid * SPT
    pltpu.sync_copy(y.at[pl.ds(base, SPT)], y_v)
    pltpu.sync_copy(degp.at[0, 0, pl.ds(base, SPT)], d00)
    pltpu.sync_copy(degp.at[0, 1, pl.ds(base, SPT)], d01)
    pltpu.sync_copy(degp.at[1, 0, pl.ds(base, SPT)], d10)
    pltpu.sync_copy(degp.at[1, 1, pl.ds(base, SPT)], d11)

    def scales(t, carry):
        sl = pl.ds(t * 16, 16)
        dout = jnp.maximum(d00[sl] + d10[sl], 1.0)
        din = jnp.maximum(d01[sl] + d11[sl], 1.0)
        so_c = _rsqrt16(dout)
        si_c = _rsqrt16(din)
        so_v[sl] = so_c
        si_v[sl] = si_c
        m_v[sl] = so_c * si_c
        return carry

    lax.fori_loop(0, SPT // 16, scales, 0)

    def rows(t, carry):
        r = t * 4
        for u in range(4):
            srow = plsc.load_gather(so_v, [jnp.full((D_H,), r + u, jnp.int32)])
            x1_v[r + u] = y_v[r + u] * srow
        return carry

    lax.fori_loop(0, SPT // 4, rows, 0)
    pltpu.sync_copy(x1_v, x1.at[pl.ds(base, SPT)])
    pltpu.sync_copy(m_v, m.at[pl.ds(base, SPT)])
    pltpu.sync_copy(so_v, so.at[pl.ds(base, SPT)])
    pltpu.sync_copy(si_v, si.at[pl.ds(base, SPT)])


@functools.partial(
    pl.kernel,
    out_type=jax.ShapeDtypeStruct((PN, D_H), jnp.float32),
    mesh=_sc_mesh,
    scratch_types=[
        pltpu.VMEM((SPT, D_H), jnp.float32),
        pltpu.VMEM((SPT, D_H), jnp.float32),
        pltpu.VMEM((SPT,), jnp.float32),
        pltpu.VMEM((SPT,), jnp.float32),
        pltpu.VMEM((D_H,), jnp.float32),
        pltpu.VMEM((SPT, D_H), jnp.float32),
    ],
    compiler_params=_sc_params_nl,
)
def _combine_kernel(aggp, m, so, b1, feat2, p0_v, p1_v, m_v, so_v, b1_v, o_v):
    c = lax.axis_index("c")
    s = lax.axis_index("s")
    wid = s * NC + c
    base = wid * SPT
    pltpu.sync_copy(aggp.at[0, pl.ds(base, SPT)], p0_v)
    pltpu.sync_copy(aggp.at[1, pl.ds(base, SPT)], p1_v)
    pltpu.sync_copy(m.at[pl.ds(base, SPT)], m_v)
    pltpu.sync_copy(so.at[pl.ds(base, SPT)], so_v)
    pltpu.sync_copy(b1, b1_v)
    bvec = b1_v[...]

    def body(t, carry):
        r = t * 2
        ridx0 = jnp.full((D_H,), r, jnp.int32)
        ridx1 = jnp.full((D_H,), r + 1, jnp.int32)
        mrow0 = plsc.load_gather(m_v, [ridx0])
        srow0 = plsc.load_gather(so_v, [ridx0])
        mrow1 = plsc.load_gather(m_v, [ridx1])
        srow1 = plsc.load_gather(so_v, [ridx1])
        o_v[r] = (p0_v[r] + p1_v[r]) * mrow0 + bvec * srow0
        o_v[r + 1] = (p0_v[r + 1] + p1_v[r + 1]) * mrow1 + bvec * srow1
        return carry

    lax.fori_loop(0, SPT // 2, body, 0)
    pltpu.sync_copy(o_v, feat2.at[pl.ds(base, SPT)])


RB = PN


def _k1a_body(feat, w1, y):
    y[...] = jnp.dot(feat[...], w1[...], preferred_element_type=jnp.float32)


def _k5_body(q, si, w2, b2, wl, bl, h, out):
    qs = q[...]
    si_col = si[...][:, None]
    g = jnp.dot(qs[0] + qs[1], w2[...],
                preferred_element_type=jnp.float32) * si_col + b2[...]
    h[...] = g
    out[...] = jnp.dot(g, wl[...], preferred_element_type=jnp.float32) + bl[...]


def kernel(feature, edge_index, W1, b1, W2, b2, Wl, bl):
    srcs = edge_index[0, :E_MAIN].reshape(NW, NCHUNK, C)
    dsts = edge_index[1, :E_MAIN].reshape(NW, NCHUNK, C)
    srcs_t = edge_index[0, E_MAIN:].reshape(NW, CT)
    dsts_t = edge_index[1, E_MAIN:].reshape(NW, CT)
    ones = jnp.ones((C,), jnp.float32)
    zeros1 = jnp.zeros((PN,), jnp.float32)
    zeros2 = jnp.zeros((PN, D_H), jnp.float32)

    y = pl.pallas_call(
        _k1a_body,
        grid=(PN // RB,),
        in_specs=[
            pl.BlockSpec((RB, D_IN), lambda i: (i, 0)),
            pl.BlockSpec((D_IN, D_H), lambda i: (0, 0)),
        ],
        out_specs=pl.BlockSpec((RB, D_H), lambda i: (i, 0)),
        out_shape=jax.ShapeDtypeStruct((PN, D_H), jnp.float32),
    )(feature, W1)

    degp = _deg_kernel(srcs, dsts, srcs_t, dsts_t, ones, zeros1)
    x1, m, so, si = _scale_kernel(y, degp)

    aggp1 = _agg_kernel(x1, srcs, dsts, srcs_t, dsts_t, zeros2)
    feat2 = _combine_kernel(aggp1, m, so, b1)
    aggp2 = _agg_kernel(feat2, srcs, dsts, srcs_t, dsts_t, zeros2)

    h, out = pl.pallas_call(
        _k5_body,
        grid=(PN // RB,),
        in_specs=[
            pl.BlockSpec((NC, RB, D_H), lambda i: (0, i, 0)),
            pl.BlockSpec((RB,), lambda i: (i,)),
            pl.BlockSpec((D_H, D_H), lambda i: (0, 0)),
            pl.BlockSpec((1, D_H), lambda i: (0, 0)),
            pl.BlockSpec((D_H, 2), lambda i: (0, 0)),
            pl.BlockSpec((1, 2), lambda i: (0, 0)),
        ],
        out_specs=[
            pl.BlockSpec((RB, D_H), lambda i: (i, 0)),
            pl.BlockSpec((RB, 2), lambda i: (i, 0)),
        ],
        out_shape=[
            jax.ShapeDtypeStruct((N, D_H), jnp.float32),
            jax.ShapeDtypeStruct((N, 2), jnp.float32),
        ],
    )(aggp2, si, W2, b2.reshape(1, D_H), Wl, bl.reshape(1, 2))

    return (h, out)

# --- scband reference (transcript-rebuilt; emitter-appended) ---
"""Pipeline reference for scband-label-svdd-72043781423170 (READ-ONLY COPY).

The authoritative reference and input builder live on the scoring server;
editing this copy changes nothing except your own understanding.
"""

import jax, jax.numpy as jnp
import numpy as np

N = 10000
E = 320000
D_IN = 128
D_H = 16
D_E = 16
N_CLS = 2


def setup_inputs(seed: int = 0) -> dict:
    key = jax.random.key(seed)
    ks = jax.random.split(key, 9)
    feature = jax.random.normal(ks[0], (N, D_IN), dtype=jnp.float32)
    edge_index = jax.random.randint(ks[1], (2, E), 0, N, dtype=jnp.int32)
    # DGL GraphConv weights are (in_feats, out_feats), glorot-uniform init
    W1 = jax.random.uniform(ks[2], (D_IN, D_H), dtype=jnp.float32, minval=-1.0, maxval=1.0) * np.sqrt(6.0 / (D_IN + D_H))
    b1 = jnp.zeros((D_H,), dtype=jnp.float32)
    W2 = jax.random.uniform(ks[3], (D_H, D_E), dtype=jnp.float32, minval=-1.0, maxval=1.0) * np.sqrt(6.0 / (D_H + D_E))
    b2 = jnp.zeros((D_E,), dtype=jnp.float32)
    # nn.Linear(embedding_dim, number_class) stored as (in, out) for x @ Wl + bl
    Wl = jax.random.uniform(ks[4], (D_E, N_CLS), dtype=jnp.float32, minval=-1.0, maxval=1.0) * np.sqrt(1.0 / D_E)
    bl = jax.random.uniform(ks[5], (N_CLS,), dtype=jnp.float32, minval=-1.0, maxval=1.0) * np.sqrt(1.0 / D_E)
    return {"feature": feature, "edge_index": edge_index, "W1": W1, "b1": b1, "W2": W2, "b2": b2, "Wl": Wl, "bl": bl}


def graph_conv(feat, src, dst, W, b, num_nodes):
    # DGL GraphConv with norm='both', allow_zero_in_degree=True
    ones = jnp.ones((src.shape[0],), dtype=jnp.float32)
    deg_out = jnp.clip(jax.ops.segment_sum(ones, src, num_segments=num_nodes), 1.0)
    deg_in = jnp.clip(jax.ops.segment_sum(ones, dst, num_segments=num_nodes), 1.0)
    feat = feat * (deg_out ** -0.5)[:, None]
    if W.shape[0] > W.shape[1]:
        # mult W first to reduce message dim (memory-saving path in DGL)
        feat = feat @ W
        msg = jnp.take(feat, src, axis=0)
        agg = jax.ops.segment_sum(msg, dst, num_segments=num_nodes)
    else:
        msg = jnp.take(feat, src, axis=0)
        agg = jax.ops.segment_sum(msg, dst, num_segments=num_nodes)
        agg = agg @ W
    rst = agg * (deg_in ** -0.5)[:, None] + b
    return rst


def reference(feature, edge_index, W1, b1, W2, b2, Wl, bl):
    src = edge_index[0]
    dst = edge_index[1]
    n = feature.shape[0]
    # layer 0 (followed by dropout, identity in eval/reference)
    h = graph_conv(feature, src, dst, W1, b1, n)
    # layer 1 (last layer, no dropout)
    h = graph_conv(h, src, dst, W2, b2, n)
    out = h @ Wl + bl
    return (h, out)

if __name__ == "__main__":
    import jax
    _d = setup_inputs()
    print(jax.jit(kernel)(*tuple(_d.values())))

</pallas_src>

<mosaic_0001>
#map = affine_map<(d0, d1) -> (0, 0)>
#map1 = affine_map<(d0, d1) -> (0, 0, 0)>
#map2 = affine_map<(d0, d1) -> (0)>
module attributes {stable_mosaic.version = 14 : i64} {
  func.func @_scale_kernel(%arg0: i32, %arg1: i32, %arg2: memref<10240x16xf32, #tpu.memory_space<hbm>>, %arg3: memref<2x2x10240xf32, #tpu.memory_space<hbm>>, %arg4: memref<10240x16xf32, #tpu.memory_space<hbm>>, %arg5: memref<10240xf32, #tpu.memory_space<hbm>>, %arg6: memref<10240xf32, #tpu.memory_space<hbm>>, %arg7: memref<10240xf32, #tpu.memory_space<hbm>>, %arg8: memref<320x16xf32, #tpu.memory_space<vmem>>, %arg9: memref<320xf32, #tpu.memory_space<vmem>>, %arg10: memref<320xf32, #tpu.memory_space<vmem>>, %arg11: memref<320xf32, #tpu.memory_space<vmem>>, %arg12: memref<320xf32, #tpu.memory_space<vmem>>, %arg13: memref<320xf32, #tpu.memory_space<vmem>>, %arg14: memref<320xf32, #tpu.memory_space<vmem>>, %arg15: memref<320xf32, #tpu.memory_space<vmem>>, %arg16: memref<320x16xf32, #tpu.memory_space<vmem>>) attributes {dimension_semantics = [#tpu.dimension_semantics<core_parallel>, #tpu.dimension_semantics<subcore_parallel>], iteration_bounds = array<i64: 2, 16>, scalar_prefetch = 0 : i64, scratch_operands = 9 : i64, tpu.core_type = #tpu.core_type<sc_vector_subcore>, window_params = [{transform_indices = #map}, {transform_indices = #map1}, {transform_indices = #map}, {transform_indices = #map2}, {transform_indices = #map2}, {transform_indices = #map2}]} {
    %mul3A = arith.constant 2 : i32
    %mul3A_0 = arith.muli %arg1, %mul3A : i32
    %add3A = arith.addi %mul3A_0, %arg0 : i32
    %mul3A_1 = arith.constant 320 : i32
    %mul3A_2 = arith.muli %add3A, %mul3A_1 : i32
    "tpu.region"() ({
      %run_scoped3A_21 = tpu.sem_alloc : memref<!tpu.dma_semaphore, #tpu.memory_space<semaphore_mem>>
      %dma_start3A = arith.constant 0 : i32
      %dma_start3A_22 = tpu.memref_slice %arg2[%mul3A_2, %dma_start3A] : memref<10240x16xf32, #tpu.memory_space<hbm>> -> memref<320x16xf32, #tpu.memory_space<hbm>>
      %dma_start3A_23 = arith.constant 0 : i32
      %dma_start3A_24 = tpu.memref_slice %arg2[%mul3A_2, %dma_start3A_23] : memref<10240x16xf32, #tpu.memory_space<hbm>> -> memref<320x16xf32, #tpu.memory_space<hbm>>
      tpu.enqueue_dma source(%dma_start3A_24 : memref<320x16xf32, #tpu.memory_space<hbm>>) target(%arg8 : memref<320x16xf32, #tpu.memory_space<vmem>>) target_semaphore(%run_scoped3A_21 : memref<!tpu.dma_semaphore, #tpu.memory_space<semaphore_mem>>)
      %dma_wait3A = arith.constant 0 : i32
      %dma_wait3A_25 = tpu.memref_slice %arg2[%mul3A_2, %dma_wait3A] : memref<10240x16xf32, #tpu.memory_space<hbm>> -> memref<320x16xf32, #tpu.memory_space<hbm>>
      %dma_wait3A_26 = arith.constant 0 : i32
      %dma_wait3A_27 = tpu.memref_slice %arg2[%mul3A_2, %dma_wait3A_26] : memref<10240x16xf32, #tpu.memory_space<hbm>> -> memref<320x16xf32, #tpu.memory_space<hbm>>
      tpu.wait_dma2 semaphore(%run_scoped3A_21 : memref<!tpu.dma_semaphore, #tpu.memory_space<semaphore_mem>>) src(%dma_wait3A_27 : memref<320x16xf32, #tpu.memory_space<hbm>>) dst(%arg8 : memref<320x16xf32, #tpu.memory_space<vmem>>)
      tpu.yield
    }) : () -> ()
    %run_scoped3A = arith.constant 0 : i32
    %run_scoped3A_3 = arith.constant 0 : i32
    "tpu.region"() ({
      %run_scoped3A_21 = tpu.sem_alloc : memref<!tpu.dma_semaphore, #tpu.memory_space<semaphore_mem>>
      %dma_start3A = tpu.memref_slice %arg3[%run_scoped3A, %run_scoped3A_3, %mul3A_2] : memref<2x2x10240xf32, #tpu.memory_space<hbm>> -> memref<1x1x320xf32, #tpu.memory_space<hbm>>
      %dma_start3A_22 = tpu.memref_squeeze %dma_start3A : memref<1x1x320xf32, #tpu.memory_space<hbm>> -> memref<320xf32, #tpu.memory_space<hbm>>
      %dma_start3A_23 = tpu.memref_slice %arg3[%run_scoped3A, %run_scoped3A_3, %mul3A_2] : memref<2x2x10240xf32, #tpu.memory_space<hbm>> -> memref<1x1x320xf32, #tpu.memory_space<hbm>>
      %dma_start3A_24 = tpu.memref_squeeze %dma_start3A_23 : memref<1x1x320xf32, #tpu.memory_space<hbm>> -> memref<320xf32, #tpu.memory_space<hbm>>
      tpu.enqueue_dma source(%dma_start3A_24 : memref<320xf32, #tpu.memory_space<hbm>>) target(%arg9 : memref<320xf32, #tpu.memory_space<vmem>>) target_semaphore(%run_scoped3A_21 : memref<!tpu.dma_semaphore, #tpu.memory_space<semaphore_mem>>)
      %dma_wait3A = tpu.memref_slice %arg3[%run_scoped3A, %run_scoped3A_3, %mul3A_2] : memref<2x2x10240xf32, #tpu.memory_space<hbm>> -> memref<1x1x320xf32, #tpu.memory_space<hbm>>
      %dma_wait3A_25 = tpu.memref_squeeze %dma_wait3A : memref<1x1x320xf32, #tpu.memory_space<hbm>> -> memref<320xf32, #tpu.memory_space<hbm>>
      %dma_wait3A_26 = tpu.memref_slice %arg3[%run_scoped3A, %run_scoped3A_3, %mul3A_2] : memref<2x2x10240xf32, #tpu.memory_space<hbm>> -> memref<1x1x320xf32, #tpu.memory_space<hbm>>
      %dma_wait3A_27 = tpu.memref_squeeze %dma_wait3A_26 : memref<1x1x320xf32, #tpu.memory_space<hbm>> -> memref<320xf32, #tpu.memory_space<hbm>>
      tpu.wait_dma2 semaphore(%run_scoped3A_21 : memref<!tpu.dma_semaphore, #tpu.memory_space<semaphore_mem>>) src(%dma_wait3A_27 : memref<320xf32, #tpu.memory_space<hbm>>) dst(%arg9 : memref<320xf32, #tpu.memory_space<vmem>>)
      tpu.yield
    }) : () -> ()
    %run_scoped3A_4 = arith.constant 0 : i32
    %run_scoped3A_5 = arith.constant 1 : i32
    "tpu.region"() ({
      %run_scoped3A_21 = tpu.sem_alloc : memref<!tpu.dma_semaphore, #tpu.memory_space<semaphore_mem>>
      %dma_start3A = tpu.memref_slice %arg3[%run_scoped3A_4, %run_scoped3A_5, %mul3A_2] : memref<2x2x10240xf32, #tpu.memory_space<hbm>> -> memref<1x1x320xf32, #tpu.memory_space<hbm>>
      %dma_start3A_22 = tpu.memref_squeeze %dma_start3A : memref<1x1x320xf32, #tpu.memory_space<hbm>> -> memref<320xf32, #tpu.memory_space<hbm>>
      %dma_start3A_23 = tpu.memref_slice %arg3[%run_scoped3A_4, %run_scoped3A_5, %mul3A_2] : memref<2x2x10240xf32, #tpu.memory_space<hbm>> -> memref<1x1x320xf32, #tpu.memory_space<hbm>>
      %dma_start3A_24 = tpu.memref_squeeze %dma_start3A_23 : memref<1x1x320xf32, #tpu.memory_space<hbm>> -> memref<320xf32, #tpu.memory_space<hbm>>
      tpu.enqueue_dma source(%dma_start3A_24 : memref<320xf32, #tpu.memory_space<hbm>>) target(%arg10 : memref<320xf32, #tpu.memory_space<vmem>>) target_semaphore(%run_scoped3A_21 : memref<!tpu.dma_semaphore, #tpu.memory_space<semaphore_mem>>)
      %dma_wait3A = tpu.memref_slice %arg3[%run_scoped3A_4, %run_scoped3A_5, %mul3A_2] : memref<2x2x10240xf32, #tpu.memory_space<hbm>> -> memref<1x1x320xf32, #tpu.memory_space<hbm>>
      %dma_wait3A_25 = tpu.memref_squeeze %dma_wait3A : memref<1x1x320xf32, #tpu.memory_space<hbm>> -> memref<320xf32, #tpu.memory_space<hbm>>
      %dma_wait3A_26 = tpu.memref_slice %arg3[%run_scoped3A_4, %run_scoped3A_5, %mul3A_2] : memref<2x2x10240xf32, #tpu.memory_space<hbm>> -> memref<1x1x320xf32, #tpu.memory_space<hbm>>
      %dma_wait3A_27 = tpu.memref_squeeze %dma_wait3A_26 : memref<1x1x320xf32, #tpu.memory_space<hbm>> -> memref<320xf32, #tpu.memory_space<hbm>>
      tpu.wait_dma2 semaphore(%run_scoped3A_21 : memref<!tpu.dma_semaphore, #tpu.memory_space<semaphore_mem>>) src(%dma_wait3A_27 : memref<320xf32, #tpu.memory_space<hbm>>) dst(%arg10 : memref<320xf32, #tpu.memory_space<vmem>>)
      tpu.yield
    }) : () -> ()
    %run_scoped3A_6 = arith.constant 1 : i32
    %run_scoped3A_7 = arith.constant 0 : i32
    "tpu.region"() ({
      %run_scoped3A_21 = tpu.sem_alloc : memref<!tpu.dma_semaphore, #tpu.memory_space<semaphore_mem>>
      %dma_start3A = tpu.memref_slice %arg3[%run_scoped3A_6, %run_scoped3A_7, %mul3A_2] : memref<2x2x10240xf32, #tpu.memory_space<hbm>> -> memref<1x1x320xf32, #tpu.memory_space<hbm>>
      %dma_start3A_22 = tpu.memref_squeeze %dma_start3A : memref<1x1x320xf32, #tpu.memory_space<hbm>> -> memref<320xf32, #tpu.memory_space<hbm>>
      %dma_start3A_23 = tpu.memref_slice %arg3[%run_scoped3A_6, %run_scoped3A_7, %mul3A_2] : memref<2x2x10240xf32, #tpu.memory_space<hbm>> -> memref<1x1x320xf32, #tpu.memory_space<hbm>>
      %dma_start3A_24 = tpu.memref_squeeze %dma_start3A_23 : memref<1x1x320xf32, #tpu.memory_space<hbm>> -> memref<320xf32, #tpu.memory_space<hbm>>
      tpu.enqueue_dma source(%dma_start3A_24 : memref<320xf32, #tpu.memory_space<hbm>>) target(%arg11 : memref<320xf32, #tpu.memory_space<vmem>>) target_semaphore(%run_scoped3A_21 : memref<!tpu.dma_semaphore, #tpu.memory_space<semaphore_mem>>)
      %dma_wait3A = tpu.memref_slice %arg3[%run_scoped3A_6, %run_scoped3A_7, %mul3A_2] : memref<2x2x10240xf32, #tpu.memory_space<hbm>> -> memref<1x1x320xf32, #tpu.memory_space<hbm>>
      %dma_wait3A_25 = tpu.memref_squeeze %dma_wait3A : memref<1x1x320xf32, #tpu.memory_space<hbm>> -> memref<320xf32, #tpu.memory_space<hbm>>
      %dma_wait3A_26 = tpu.memref_slice %arg3[%run_scoped3A_6, %run_scoped3A_7, %mul3A_2] : memref<2x2x10240xf32, #tpu.memory_space<hbm>> -> memref<1x1x320xf32, #tpu.memory_space<hbm>>
      %dma_wait3A_27 = tpu.memref_squeeze %dma_wait3A_26 : memref<1x1x320xf32, #tpu.memory_space<hbm>> -> memref<320xf32, #tpu.memory_space<hbm>>
      tpu.wait_dma2 semaphore(%run_scoped3A_21 : memref<!tpu.dma_semaphore, #tpu.memory_space<semaphore_mem>>) src(%dma_wait3A_27 : memref<320xf32, #tpu.memory_space<hbm>>) dst(%arg11 : memref<320xf32, #tpu.memory_space<vmem>>)
      tpu.yield
    }) : () -> ()
    %run_scoped3A_8 = arith.constant 1 : i32
    %run_scoped3A_9 = arith.constant 1 : i32
    "tpu.region"() ({
      %run_scoped3A_21 = tpu.sem_alloc : memref<!tpu.dma_semaphore, #tpu.memory_space<semaphore_mem>>
      %dma_start3A = tpu.memref_slice %arg3[%run_scoped3A_8, %run_scoped3A_9, %mul3A_2] : memref<2x2x10240xf32, #tpu.memory_space<hbm>> -> memref<1x1x320xf32, #tpu.memory_space<hbm>>
      %dma_start3A_22 = tpu.memref_squeeze %dma_start3A : memref<1x1x320xf32, #tpu.memory_space<hbm>> -> memref<320xf32, #tpu.memory_space<hbm>>
      %dma_start3A_23 = tpu.memref_slice %arg3[%run_scoped3A_8, %run_scoped3A_9, %mul3A_2] : memref<2x2x10240xf32, #tpu.memory_space<hbm>> -> memref<1x1x320xf32, #tpu.memory_space<hbm>>
      %dma_start3A_24 = tpu.memref_squeeze %dma_start3A_23 : memref<1x1x320xf32, #tpu.memory_space<hbm>> -> memref<320xf32, #tpu.memory_space<hbm>>
      tpu.enqueue_dma source(%dma_start3A_24 : memref<320xf32, #tpu.memory_space<hbm>>) target(%arg12 : memref<320xf32, #tpu.memory_space<vmem>>) target_semaphore(%run_scoped3A_21 : memref<!tpu.dma_semaphore, #tpu.memory_space<semaphore_mem>>)
      %dma_wait3A = tpu.memref_slice %arg3[%run_scoped3A_8, %run_scoped3A_9, %mul3A_2] : memref<2x2x10240xf32, #tpu.memory_space<hbm>> -> memref<1x1x320xf32, #tpu.memory_space<hbm>>
      %dma_wait3A_25 = tpu.memref_squeeze %dma_wait3A : memref<1x1x320xf32, #tpu.memory_space<hbm>> -> memref<320xf32, #tpu.memory_space<hbm>>
      %dma_wait3A_26 = tpu.memref_slice %arg3[%run_scoped3A_8, %run_scoped3A_9, %mul3A_2] : memref<2x2x10240xf32, #tpu.memory_space<hbm>> -> memref<1x1x320xf32, #tpu.memory_space<hbm>>
      %dma_wait3A_27 = tpu.memref_squeeze %dma_wait3A_26 : memref<1x1x320xf32, #tpu.memory_space<hbm>> -> memref<320xf32, #tpu.memory_space<hbm>>
      tpu.wait_dma2 semaphore(%run_scoped3A_21 : memref<!tpu.dma_semaphore, #tpu.memory_space<semaphore_mem>>) src(%dma_wait3A_27 : memref<320xf32, #tpu.memory_space<hbm>>) dst(%arg12 : memref<320xf32, #tpu.memory_space<vmem>>)
      tpu.yield
    }) : () -> ()
    %scan3A = arith.constant 0 : i32
    %scan3A_10 = arith.constant 0 : i32
    %scan3A_11 = arith.constant 20 : i32
    %scan3A_12 = arith.addi %scan3A_10, %scan3A_11 : i32
    %scan3A_13 = arith.constant 1 : i32
    scf.for %scan3A_21 = %scan3A_10 to %scan3A_12 step %scan3A_13  : i32 {
      %mul3A_22 = arith.constant 16 : i32
      %mul3A_23 = arith.muli %scan3A_21, %mul3A_22 : i32
      %get3A = arith.index_cast %mul3A_23 : i32 to index
      %get3A_24 = tpu.vector_load %arg9[%get3A] {strides = array<i32>} : memref<320xf32, #tpu.memory_space<vmem>>, vector<16xf32>,
      %get3A_25 = arith.index_cast %mul3A_23 : i32 to index
      %get3A_26 = tpu.vector_load %arg11[%get3A_25] {strides = array<i32>} : memref<320xf32, #tpu.memory_space<vmem>>, vector<16xf32>,
      %add3A_27 = arith.addf %get3A_24, %get3A_26 : vector<16xf32>
      %max3A = arith.constant 1.000000e+00 : f32
      %max3A_28 = vector.broadcast %max3A : f32 to vector<16xf32>
      %max3A_29 = arith.maximumf %add3A_27, %max3A_28 : vector<16xf32>
      %get3A_30 = arith.index_cast %mul3A_23 : i32 to index
      %get3A_31 = tpu.vector_load %arg10[%get3A_30] {strides = array<i32>} : memref<320xf32, #tpu.memory_space<vmem>>, vector<16xf32>,
      %get3A_32 = arith.index_cast %mul3A_23 : i32 to index
      %get3A_33 = tpu.vector_load %arg12[%get3A_32] {strides = array<i32>} : memref<320xf32, #tpu.memory_space<vmem>>, vector<16xf32>,
      %add3A_34 = arith.addf %get3A_31, %get3A_33 : vector<16xf32>
      %max3A_35 = arith.constant 1.000000e+00 : f32
      %max3A_36 = vector.broadcast %max3A_35 : f32 to vector<16xf32>
      %max3A_37 = arith.maximumf %add3A_34, %max3A_36 : vector<16xf32>
      %bitcast3A = vector.bitcast %max3A_29 : vector<16xf32> to vector<16xi32>
      %shift_right_arithmetic3A = arith.constant 1 : i32
      %shift_right_arithmetic3A_38 = vector.broadcast %shift_right_arithmetic3A : i32 to vector<16xi32>
      %shift_right_arithmetic3A_39 = arith.shrsi %bitcast3A, %shift_right_arithmetic3A_38 : vector<16xi32>
      %sub3A = arith.constant 1597463007 : i32
      %sub3A_40 = vector.broadcast %sub3A : i32 to vector<16xi32>
      %sub3A_41 = arith.subi %sub3A_40, %shift_right_arithmetic3A_39 : vector<16xi32>
      %bitcast3A_42 = vector.bitcast %sub3A_41 : vector<16xi32> to vector<16xf32>
      %mul3A_43 = arith.constant 5.000000e-01 : f32
      %mul3A_44 = vector.broadcast %mul3A_43 : f32 to vector<16xf32>
      %mul3A_45 = arith.mulf %max3A_29, %mul3A_44 : vector<16xf32>
      %mul3A_46 = arith.mulf %mul3A_45, %bitcast3A_42 : vector<16xf32>
      %mul3A_47 = arith.mulf %mul3A_46, %bitcast3A_42 : vector<16xf32>
      %sub3A_48 = arith.constant 1.500000e+00 : f32
      %sub3A_49 = vector.broadcast %sub3A_48 : f32 to vector<16xf32>
      %sub3A_50 = arith.subf %sub3A_49, %mul3A_47 : vector<16xf32>
      %mul3A_51 = arith.mulf %bitcast3A_42, %sub3A_50 : vector<16xf32>
      %mul3A_52 = arith.mulf %mul3A_45, %mul3A_51 : vector<16xf32>
      %mul3A_53 = arith.mulf %mul3A_52, %mul3A_51 : vector<16xf32>
      %sub3A_54 = arith.constant 1.500000e+00 : f32
      %sub3A_55 = vector.broadcast %sub3A_54 : f32 to vector<16xf32>
      %sub3A_56 = arith.subf %sub3A_55, %mul3A_53 : vector<16xf32>
      %mul3A_57 = arith.mulf %mul3A_51, %sub3A_56 : vector<16xf32>
      %mul3A_58 = arith.mulf %mul3A_45, %mul3A_57 : vector<16xf32>
      %mul3A_59 = arith.mulf %mul3A_58, %mul3A_57 : vector<16xf32>
      %sub3A_60 = arith.constant 1.500000e+00 : f32
      %sub3A_61 = vector.broadcast %sub3A_60 : f32 to vector<16xf32>
      %sub3A_62 = arith.subf %sub3A_61, %mul3A_59 : vector<16xf32>
      %mul3A_63 = arith.mulf %mul3A_57, %sub3A_62 : vector<16xf32>
      %bitcast3A_64 = vector.bitcast %max3A_37 : vector<16xf32> to vector<16xi32>
      %shift_right_arithmetic3A_65 = arith.constant 1 : i32
      %shift_right_arithmetic3A_66 = vector.broadcast %shift_right_arithmetic3A_65 : i32 to vector<16xi32>
      %shift_right_arithmetic3A_67 = arith.shrsi %bitcast3A_64, %shift_right_arithmetic3A_66 : vector<16xi32>
      %sub3A_68 = arith.constant 1597463007 : i32
      %sub3A_69 = vector.broadcast %sub3A_68 : i32 to vector<16xi32>
      %sub3A_70 = arith.subi %sub3A_69, %shift_right_arithmetic3A_67 : vector<16xi32>
      %bitcast3A_71 = vector.bitcast %sub3A_70 : vector<16xi32> to vector<16xf32>
      %mul3A_72 = arith.constant 5.000000e-01 : f32
      %mul3A_73 = vector.broadcast %mul3A_72 : f32 to vector<16xf32>
      %mul3A_74 = arith.mulf %max3A_37, %mul3A_73 : vector<16xf32>
      %mul3A_75 = arith.mulf %mul3A_74, %bitcast3A_71 : vector<16xf32>
      %mul3A_76 = arith.mulf %mul3A_75, %bitcast3A_71 : vector<16xf32>
      %sub3A_77 = arith.constant 1.500000e+00 : f32
      %sub3A_78 = vector.broadcast %sub3A_77 : f32 to vector<16xf32>
      %sub3A_79 = arith.subf %sub3A_78, %mul3A_76 : vector<16xf32>
      %mul3A_80 = arith.mulf %bitcast3A_71, %sub3A_79 : vector<16xf32>
      %mul3A_81 = arith.mulf %mul3A_74, %mul3A_80 : vector<16xf32>
      %mul3A_82 = arith.mulf %mul3A_81, %mul3A_80 : vector<16xf32>
      %sub3A_83 = arith.constant 1.500000e+00 : f32
      %sub3A_84 = vector.broadcast %sub3A_83 : f32 to vector<16xf32>
      %sub3A_85 = arith.subf %sub3A_84, %mul3A_82 : vector<16xf32>
      %mul3A_86 = arith.mulf %mul3A_80, %sub3A_85 : vector<16xf32>
      %mul3A_87 = arith.mulf %mul3A_74, %mul3A_86 : vector<16xf32>
      %mul3A_88 = arith.mulf %mul3A_87, %mul3A_86 : vector<16xf32>
      %sub3A_89 = arith.constant 1.500000e+00 : f32
      %sub3A_90 = vector.broadcast %sub3A_89 : f32 to vector<16xf32>
      %sub3A_91 = arith.subf %sub3A_90, %mul3A_88 : vector<16xf32>
      %mul3A_92 = arith.mulf %mul3A_86, %sub3A_91 : vector<16xf32>
      %swap3A = arith.index_cast %mul3A_23 : i32 to index
      %swap3A_93 = tpu.vector_load %arg14[%swap3A] {strides = array<i32>} : memref<320xf32, #tpu.memory_space<vmem>>, vector<16xf32>,
      tpu.vector_store %arg14[%swap3A], %mul3A_63 {strides = array<i32>} : memref<320xf32, #tpu.memory_space<vmem>>, vector<16xf32>,
      %swap3A_94 = arith.index_cast %mul3A_23 : i32 to index
      %swap3A_95 = tpu.vector_load %arg15[%swap3A_94] {strides = array<i32>} : memref<320xf32, #tpu.memory_space<vmem>>, vector<16xf32>,
      tpu.vector_store %arg15[%swap3A_94], %mul3A_92 {strides = array<i32>} : memref<320xf32, #tpu.memory_space<vmem>>, vector<16xf32>,
      %mul3A_96 = arith.mulf %mul3A_63, %mul3A_92 : vector<16xf32>
      %swap3A_97 = arith.index_cast %mul3A_23 : i32 to index
      %swap3A_98 = tpu.vector_load %arg13[%swap3A_97] {strides = array<i32>} : memref<320xf32, #tpu.memory_space<vmem>>, vector<16xf32>,
      tpu.vector_store %arg13[%swap3A_97], %mul3A_96 {strides = array<i32>} : memref<320xf32, #tpu.memory_space<vmem>>, vector<16xf32>,
    }
    %scan3A_14 = arith.constant 20 : i32
    %scan3A_15 = arith.constant 0 : i32
    %scan3A_16 = arith.constant 0 : i32
    %scan3A_17 = arith.constant 80 : i32
    %scan3A_18 = arith.addi %scan3A_16, %scan3A_17 : i32
    %scan3A_19 = arith.constant 1 : i32
    scf.for %scan3A_21 = %scan3A_16 to %scan3A_18 step %scan3A_19  : i32 {
      %mul3A_22 = arith.constant 4 : i32
      %mul3A_23 = arith.muli %scan3A_21, %mul3A_22 : i32
      %add3A_24 = arith.constant 0 : i32
      %add3A_25 = arith.addi %mul3A_23, %add3A_24 : i32
      %broadcast_in_dim3A = vector.broadcast %add3A_25 : i32 to vector<16xi32>
      %gather3A = tpu.vector_load_idx %arg14[%broadcast_in_dim3A] : memref<320xf32, #tpu.memory_space<vmem>>[vector<16xi32>], vector<16xf32>,
      %add3A_26 = arith.constant 0 : i32
      %add3A_27 = arith.addi %mul3A_23, %add3A_26 : i32
      %get3A = arith.index_cast %add3A_27 : i32 to index
      %get3A_28 = arith.constant 0 : index
      %get3A_29 = tpu.vector_load %arg8[%get3A, %get3A_28] {strides = array<i32>} : memref<320x16xf32, #tpu.memory_space<vmem>>, vector<16xf32>,
      %mul3A_30 = arith.mulf %get3A_29, %gather3A : vector<16xf32>
      %add3A_31 = arith.constant 0 : i32
      %add3A_32 = arith.addi %mul3A_23, %add3A_31 : i32
      %swap3A = arith.index_cast %add3A_32 : i32 to index
      %swap3A_33 = arith.constant 0 : index
      %swap3A_34 = tpu.vector_load %arg16[%swap3A, %swap3A_33] {strides = array<i32>} : memref<320x16xf32, #tpu.memory_space<vmem>>, vector<16xf32>,
      tpu.vector_store %arg16[%swap3A, %swap3A_33], %mul3A_30 {strides = array<i32>} : memref<320x16xf32, #tpu.memory_space<vmem>>, vector<16xf32>,
      %add3A_35 = arith.constant 1 : i32
      %add3A_36 = arith.addi %mul3A_23, %add3A_35 : i32
      %broadcast_in_dim3A_37 = vector.broadcast %add3A_36 : i32 to vector<16xi32>
      %gather3A_38 = tpu.vector_load_idx %arg14[%broadcast_in_dim3A_37] : memref<320xf32, #tpu.memory_space<vmem>>[vector<16xi32>], vector<16xf32>,
      %add3A_39 = arith.constant 1 : i32
      %add3A_40 = arith.addi %mul3A_23, %add3A_39 : i32
      %get3A_41 = arith.index_cast %add3A_40 : i32 to index
      %get3A_42 = arith.constant 0 : index
      %get3A_43 = tpu.vector_load %arg8[%get3A_41, %get3A_42] {strides = array<i32>} : memref<320x16xf32, #tpu.memory_space<vmem>>, vector<16xf32>,
      %mul3A_44 = arith.mulf %get3A_43, %gather3A_38 : vector<16xf32>
      %add3A_45 = arith.constant 1 : i32
      %add3A_46 = arith.addi %mul3A_23, %add3A_45 : i32
      %swap3A_47 = arith.index_cast %add3A_46 : i32 to index
      %swap3A_48 = arith.constant 0 : index
      %swap3A_49 = tpu.vector_load %arg16[%swap3A_47, %swap3A_48] {strides = array<i32>} : memref<320x16xf32, #tpu.memory_space<vmem>>, vector<16xf32>,
      tpu.vector_store %arg16[%swap3A_47, %swap3A_48], %mul3A_44 {strides = array<i32>} : memref<320x16xf32, #tpu.memory_space<vmem>>, vector<16xf32>,
      %add3A_50 = arith.constant 2 : i32
      %add3A_51 = arith.addi %mul3A_23, %add3A_50 : i32
      %broadcast_in_dim3A_52 = vector.broadcast %add3A_51 : i32 to vector<16xi32>
      %gather3A_53 = tpu.vector_load_idx %arg14[%broadcast_in_dim3A_52] : memref<320xf32, #tpu.memory_space<vmem>>[vector<16xi32>], vector<16xf32>,
      %add3A_54 = arith.constant 2 : i32
      %add3A_55 = arith.addi %mul3A_23, %add3A_54 : i32
      %get3A_56 = arith.index_cast %add3A_55 : i32 to index
      %get3A_57 = arith.constant 0 : index
      %get3A_58 = tpu.vector_load %arg8[%get3A_56, %get3A_57] {strides = array<i32>} : memref<320x16xf32, #tpu.memory_space<vmem>>, vector<16xf32>,
      %mul3A_59 = arith.mulf %get3A_58, %gather3A_53 : vector<16xf32>
      %add3A_60 = arith.constant 2 : i32
      %add3A_61 = arith.addi %mul3A_23, %add3A_60 : i32
      %swap3A_62 = arith.index_cast %add3A_61 : i32 to index
      %swap3A_63 = arith.constant 0 : index
      %swap3A_64 = tpu.vector_load %arg16[%swap3A_62, %swap3A_63] {strides = array<i32>} : memref<320x16xf32, #tpu.memory_space<vmem>>, vector<16xf32>,
      tpu.vector_store %arg16[%swap3A_62, %swap3A_63], %mul3A_59 {strides = array<i32>} : memref<320x16xf32, #tpu.memory_space<vmem>>, vector<16xf32>,
      %add3A_65 = arith.constant 3 : i32
      %add3A_66 = arith.addi %mul3A_23, %add3A_65 : i32
      %broadcast_in_dim3A_67 = vector.broadcast %add3A_66 : i32 to vector<16xi32>
      %gather3A_68 = tpu.vector_load_idx %arg14[%broadcast_in_dim3A_67] : memref<320xf32, #tpu.memory_space<vmem>>[vector<16xi32>], vector<16xf32>,
      %add3A_69 = arith.constant 3 : i32
      %add3A_70 = arith.addi %mul3A_23, %add3A_69 : i32
      %get3A_71 = arith.index_cast %add3A_70 : i32 to index
      %get3A_72 = arith.constant 0 : index
      %get3A_73 = tpu.vector_load %arg8[%get3A_71, %get3A_72] {strides = array<i32>} : memref<320x16xf32, #tpu.memory_space<vmem>>, vector<16xf32>,
      %mul3A_74 = arith.mulf %get3A_73, %gather3A_68 : vector<16xf32>
      %add3A_75 = arith.constant 3 : i32
      %add3A_76 = arith.addi %mul3A_23, %add3A_75 : i32
      %swap3A_77 = arith.index_cast %add3A_76 : i32 to index
      %swap3A_78 = arith.constant 0 : index
      %swap3A_79 = tpu.vector_load %arg16[%swap3A_77, %swap3A_78] {strides = array<i32>} : memref<320x16xf32, #tpu.memory_space<vmem>>, vector<16xf32>,
      tpu.vector_store %arg16[%swap3A_77, %swap3A_78], %mul3A_74 {strides = array<i32>} : memref<320x16xf32, #tpu.memory_space<vmem>>, vector<16xf32>,
    }
    %scan3A_20 = arith.constant 80 : i32
    "tpu.region"() ({
      %run_scoped3A_21 = tpu.sem_alloc : memref<!tpu.dma_semaphore, #tpu.memory_space<semaphore_mem>>
      %dma_start3A = arith.constant 0 : i32
      %dma_start3A_22 = tpu.memref_slice %arg4[%mul3A_2, %dma_start3A] : memref<10240x16xf32, #tpu.memory_space<hbm>> -> memref<320x16xf32, #tpu.memory_space<hbm>>
      %dma_start3A_23 = arith.constant 0 : i32
      %dma_start3A_24 = tpu.memref_slice %arg4[%mul3A_2, %dma_start3A_23] : memref<10240x16xf32, #tpu.memory_space<hbm>> -> memref<320x16xf32, #tpu.memory_space<hbm>>
      tpu.enqueue_dma source(%arg16 : memref<320x16xf32, #tpu.memory_space<vmem>>) target(%dma_start3A_24 : memref<320x16xf32, #tpu.memory_space<hbm>>) target_semaphore(%run_scoped3A_21 : memref<!tpu.dma_semaphore, #tpu.memory_space<semaphore_mem>>)
      %dma_wait3A = arith.constant 0 : i32
      %dma_wait3A_25 = tpu.memref_slice %arg4[%mul3A_2, %dma_wait3A] : memref<10240x16xf32, #tpu.memory_space<hbm>> -> memref<320x16xf32, #tpu.memory_space<hbm>>
      %dma_wait3A_26 = arith.constant 0 : i32
      %dma_wait3A_27 = tpu.memref_slice %arg4[%mul3A_2, %dma_wait3A_26] : memref<10240x16xf32, #tpu.memory_space<hbm>> -> memref<320x16xf32, #tpu.memory_space<hbm>>
      tpu.wait_dma2 semaphore(%run_scoped3A_21 : memref<!tpu.dma_semaphore, #tpu.memory_space<semaphore_mem>>) src(%arg16 : memref<320x16xf32, #tpu.memory_space<vmem>>) dst(%dma_wait3A_27 : memref<320x16xf32, #tpu.memory_space<hbm>>)
      tpu.yield
    }) : () -> ()
    "tpu.region"() ({
      %run_scoped3A_21 = tpu.sem_alloc : memref<!tpu.dma_semaphore, #tpu.memory_space<semaphore_mem>>
      %dma_start3A = tpu.memref_slice %arg5[%mul3A_2] : memref<10240xf32, #tpu.memory_space<hbm>> -> memref<320xf32, #tpu.memory_space<hbm>>
      %dma_start3A_22 = tpu.memref_slice %arg5[%mul3A_2] : memref<10240xf32, #tpu.memory_space<hbm>> -> memref<320xf32, #tpu.memory_space<hbm>>
      tpu.enqueue_dma source(%arg13 : memref<320xf32, #tpu.memory_space<vmem>>) target(%dma_start3A_22 : memref<320xf32, #tpu.memory_space<hbm>>) target_semaphore(%run_scoped3A_21 : memref<!tpu.dma_semaphore, #tpu.memory_space<semaphore_mem>>)
      %dma_wait3A = tpu.memref_slice %arg5[%mul3A_2] : memref<10240xf32, #tpu.memory_space<hbm>> -> memref<320xf32, #tpu.memory_space<hbm>>
      %dma_wait3A_23 = tpu.memref_slice %arg5[%mul3A_2] : memref<10240xf32, #tpu.memory_space<hbm>> -> memref<320xf32, #tpu.memory_space<hbm>>
      tpu.wait_dma2 semaphore(%run_scoped3A_21 : memref<!tpu.dma_semaphore, #tpu.memory_space<semaphore_mem>>) src(%arg13 : memref<320xf32, #tpu.memory_space<vmem>>) dst(%dma_wait3A_23 : memref<320xf32, #tpu.memory_space<hbm>>)
      tpu.yield
    }) : () -> ()
    "tpu.region"() ({
      %run_scoped3A_21 = tpu.sem_alloc : memref<!tpu.dma_semaphore, #tpu.memory_space<semaphore_mem>>
      %dma_start3A = tpu.memref_slice %arg6[%mul3A_2] : memref<10240xf32, #tpu.memory_space<hbm>> -> memref<320xf32, #tpu.memory_space<hbm>>
      %dma_start3A_22 = tpu.memref_slice %arg6[%mul3A_2] : memref<10240xf32, #tpu.memory_space<hbm>> -> memref<320xf32, #tpu.memory_space<hbm>>
      tpu.enqueue_dma source(%arg14 : memref<320xf32, #tpu.memory_space<vmem>>) target(%dma_start3A_22 : memref<320xf32, #tpu.memory_space<hbm>>) target_semaphore(%run_scoped3A_21 : memref<!tpu.dma_semaphore, #tpu.memory_space<semaphore_mem>>)
      %dma_wait3A = tpu.memref_slice %arg6[%mul3A_2] : memref<10240xf32, #tpu.memory_space<hbm>> -> memref<320xf32, #tpu.memory_space<hbm>>
      %dma_wait3A_23 = tpu.memref_slice %arg6[%mul3A_2] : memref<10240xf32, #tpu.memory_space<hbm>> -> memref<320xf32, #tpu.memory_space<hbm>>
      tpu.wait_dma2 semaphore(%run_scoped3A_21 : memref<!tpu.dma_semaphore, #tpu.memory_space<semaphore_mem>>) src(%arg14 : memref<320xf32, #tpu.memory_space<vmem>>) dst(%dma_wait3A_23 : memref<320xf32, #tpu.memory_space<hbm>>)
      tpu.yield
    }) : () -> ()
    "tpu.region"() ({
      %run_scoped3A_21 = tpu.sem_alloc : memref<!tpu.dma_semaphore, #tpu.memory_space<semaphore_mem>>
      %dma_start3A = tpu.memref_slice %arg7[%mul3A_2] : memref<10240xf32, #tpu.memory_space<hbm>> -> memref<320xf32, #tpu.memory_space<hbm>>
      %dma_start3A_22 = tpu.memref_slice %arg7[%mul3A_2] : memref<10240xf32, #tpu.memory_space<hbm>> -> memref<320xf32, #tpu.memory_space<hbm>>
      tpu.enqueue_dma source(%arg15 : memref<320xf32, #tpu.memory_space<vmem>>) target(%dma_start3A_22 : memref<320xf32, #tpu.memory_space<hbm>>) target_semaphore(%run_scoped3A_21 : memref<!tpu.dma_semaphore, #tpu.memory_space<semaphore_mem>>)
      %dma_wait3A = tpu.memref_slice %arg7[%mul3A_2] : memref<10240xf32, #tpu.memory_space<hbm>> -> memref<320xf32, #tpu.memory_space<hbm>>
      %dma_wait3A_23 = tpu.memref_slice %arg7[%mul3A_2] : memref<10240xf32, #tpu.memory_space<hbm>> -> memref<320xf32, #tpu.memory_space<hbm>>
      tpu.wait_dma2 semaphore(%run_scoped3A_21 : memref<!tpu.dma_semaphore, #tpu.memory_space<semaphore_mem>>) src(%arg15 : memref<320xf32, #tpu.memory_space<vmem>>) dst(%dma_wait3A_23 : memref<320xf32, #tpu.memory_space<hbm>>)
      tpu.yield
    }) : () -> ()
    return
  }
}

#map = affine_map<(d0, d1) -> (0, 0)>
#map1 = affine_map<(d0, d1) -> (0, 0, 0)>
module attributes {stable_mosaic.version = 14 : i64} {
  func.func @_agg_kernel(%arg0: i32, %arg1: i32, %arg2: memref<10240x16xf32, #tpu.memory_space<hbm>>, %arg3: memref<32x78x128xi32, #tpu.memory_space<hbm>>, %arg4: memref<32x78x128xi32, #tpu.memory_space<hbm>>, %arg5: memref<32x16xi32, #tpu.memory_space<hbm>>, %arg6: memref<32x16xi32, #tpu.memory_space<hbm>>, %arg7: memref<10240x16xf32, #tpu.memory_space<hbm>>, %arg8: memref<2x10240x16xf32, #tpu.memory_space<hbm>>, %arg9: memref<78x128xi32, #tpu.memory_space<vmem>>, %arg10: memref<78x128xi32, #tpu.memory_space<vmem>>, %arg11: memref<16xi32, #tpu.memory_space<vmem>>, %arg12: memref<16xi32, #tpu.memory_space<vmem>>, %arg13: memref<128x16xf32, #tpu.memory_space<vmem>>, %arg14: memref<128x16xf32, #tpu.memory_space<vmem>>, %arg15: memref<128x16xf32, #tpu.memory_space<vmem>>, %arg16: memref<128x16xf32, #tpu.memory_space<vmem>>, %arg17: memref<128x16xf32, #tpu.memory_space<vmem>>, %arg18: memref<128x16xf32, #tpu.memory_space<vmem>>, %arg19: memref<128x16xf32, #tpu.memory_space<vmem>>, %arg20: memref<128x16xf32, #tpu.memory_space<vmem>>, %arg21: memref<16x16xf32, #tpu.memory_space<vmem>>, %arg22: memref<640x16xf32, #tpu.memory_space<vmem>>, %arg23: memref<10240x16xf32, #tpu.memory_space<vmem_shared>>, %arg24: memref<!tpu.dma_semaphore, #tpu.memory_space<semaphore_mem>>, %arg25: memref<!tpu.dma_semaphore, #tpu.memory_space<semaphore_mem>>, %arg26: memref<!tpu.dma_semaphore, #tpu.memory_space<semaphore_mem>>, %arg27: memref<!tpu.dma_semaphore, #tpu.memory_space<semaphore_mem>>, %arg28: memref<!tpu.dma_semaphore, #tpu.memory_space<semaphore_mem>>, %arg29: memref<!tpu.dma_semaphore, #tpu.memory_space<semaphore_mem>>, %arg30: memref<!tpu.dma_semaphore, #tpu.memory_space<semaphore_mem>>, %arg31: memref<!tpu.dma_semaphore, #tpu.memory_space<semaphore_mem>>, %arg32: memref<!tpu.dma_semaphore, #tpu.memory_space<semaphore_mem>>, %arg33: memref<!tpu.dma_semaphore, #tpu.memory_space<semaphore_mem>>, %arg34: memref<!tpu.dma_semaphore, #tpu.memory_space<semaphore_mem>>, %arg35: memref<!tpu.dma_semaphore, #tpu.memory_space<semaphore_mem>>, %arg36: memref<!tpu.dma_semaphore, #tpu.memory_space<semaphore_mem>>, %arg37: memref<!tpu.dma_semaphore, #tpu.memory_space<semaphore_mem>>, %arg38: memref<!tpu.dma_semaphore, #tpu.memory_space<semaphore_mem>>, %arg39: memref<!tpu.dma_semaphore, #tpu.memory_space<semaphore_mem>>) attributes {dimension_semantics = [#tpu.dimension_semantics<core_parallel>, #tpu.dimension_semantics<subcore_parallel>], iteration_bounds = array<i64: 2, 16>, scalar_prefetch = 0 : i64, scratch_operands = 31 : i64, tpu.core_type = #tpu.core_type<sc_vector_subcore>, window_params = [{transform_indices = #map}, {transform_indices = #map1}, {transform_indices = #map1}, {transform_indices = #map}, {transform_indices = #map}, {transform_indices = #map}, {transform_indices = #map1}]} {
    %mul3A = arith.constant 2 : i32
    %mul3A_0 = arith.muli %arg1, %mul3A : i32
    %add3A = arith.addi %mul3A_0, %arg0 : i32
    %mul3A_1 = arith.constant 640 : i32
    %mul3A_2 = arith.muli %arg1, %mul3A_1 : i32
    "tpu.region"() ({
      %run_scoped3A = tpu.sem_alloc : memref<!tpu.dma_semaphore, #tpu.memory_space<semaphore_mem>>
      %dma_start3A_97 = arith.constant 0 : i32
      %dma_start3A_98 = tpu.memref_slice %arg7[%mul3A_2, %dma_start3A_97] : memref<10240x16xf32, #tpu.memory_space<hbm>> -> memref<640x16xf32, #tpu.memory_space<hbm>>
      %dma_start3A_99 = arith.constant 0 : i32
      %dma_start3A_100 = tpu.memref_slice %arg7[%mul3A_2, %dma_start3A_99] : memref<10240x16xf32, #tpu.memory_space<hbm>> -> memref<640x16xf32, #tpu.memory_space<hbm>>
      tpu.enqueue_dma source(%dma_start3A_100 : memref<640x16xf32, #tpu.memory_space<hbm>>) target(%arg22 : memref<640x16xf32, #tpu.memory_space<vmem>>) target_semaphore(%run_scoped3A : memref<!tpu.dma_semaphore, #tpu.memory_space<semaphore_mem>>)
      %dma_wait3A_101 = arith.constant 0 : i32
      %dma_wait3A_102 = tpu.memref_slice %arg7[%mul3A_2, %dma_wait3A_101] : memref<10240x16xf32, #tpu.memory_space<hbm>> -> memref<640x16xf32, #tpu.memory_space<hbm>>
      %dma_wait3A_103 = arith.constant 0 : i32
      %dma_wait3A_104 = tpu.memref_slice %arg7[%mul3A_2, %dma_wait3A_103] : memref<10240x16xf32, #tpu.memory_space<hbm>> -> memref<640x16xf32, #tpu.memory_space<hbm>>
      tpu.wait_dma2 semaphore(%run_scoped3A : memref<!tpu.dma_semaphore, #tpu.memory_space<semaphore_mem>>) src(%dma_wait3A_104 : memref<640x16xf32, #tpu.memory_space<hbm>>) dst(%arg22 : memref<640x16xf32, #tpu.memory_space<vmem>>)
      tpu.yield
    }) : () -> ()
    "tpu.region"() ({
      %run_scoped3A = tpu.sem_alloc : memref<!tpu.dma_semaphore, #tpu.memory_space<semaphore_mem>>
      %dma_start3A_97 = arith.constant 0 : i32
      %dma_start3A_98 = tpu.memref_slice %arg23[%mul3A_2, %dma_start3A_97] : memref<10240x16xf32, #tpu.memory_space<vmem_shared>> -> memref<640x16xf32, #tpu.memory_space<vmem_shared>>
      %dma_start3A_99 = arith.constant 0 : i32
      %dma_start3A_100 = tpu.memref_slice %arg23[%mul3A_2, %dma_start3A_99] : memref<10240x16xf32, #tpu.memory_space<vmem_shared>> -> memref<640x16xf32, #tpu.memory_space<vmem_shared>>
      tpu.enqueue_dma source(%arg22 : memref<640x16xf32, #tpu.memory_space<vmem>>) target(%dma_start3A_100 : memref<640x16xf32, #tpu.memory_space<vmem_shared>>) target_semaphore(%run_scoped3A : memref<!tpu.dma_semaphore, #tpu.memory_space<semaphore_mem>>)
      %dma_wait3A_101 = arith.constant 0 : i32
      %dma_wait3A_102 = tpu.memref_slice %arg23[%mul3A_2, %dma_wait3A_101] : memref<10240x16xf32, #tpu.memory_space<vmem_shared>> -> memref<640x16xf32, #tpu.memory_space<vmem_shared>>
      %dma_wait3A_103 = arith.constant 0 : i32
      %dma_wait3A_104 = tpu.memref_slice %arg23[%mul3A_2, %dma_wait3A_103] : memref<10240x16xf32, #tpu.memory_space<vmem_shared>> -> memref<640x16xf32, #tpu.memory_space<vmem_shared>>
      tpu.wait_dma2 semaphore(%run_scoped3A : memref<!tpu.dma_semaphore, #tpu.memory_space<semaphore_mem>>) src(%arg22 : memref<640x16xf32, #tpu.memory_space<vmem>>) dst(%dma_wait3A_104 : memref<640x16xf32, #tpu.memory_space<vmem_shared>>)
      tpu.yield
    }) : () -> ()
    %barrier3A = arith.constant 0 : index
    tpu.barrier barrier_id(%barrier3A)
    "tpu.region"() ({
      %run_scoped3A = tpu.sem_alloc : memref<!tpu.dma_semaphore, #tpu.memory_space<semaphore_mem>>
      %dma_start3A_97 = arith.constant 0 : i32
      %dma_start3A_98 = arith.constant 0 : i32
      %dma_start3A_99 = tpu.memref_slice %arg3[%add3A, %dma_start3A_97, %dma_start3A_98] : memref<32x78x128xi32, #tpu.memory_space<hbm>> -> memref<1x78x128xi32, #tpu.memory_space<hbm>>
      %dma_start3A_100 = tpu.memref_squeeze %dma_start3A_99 : memref<1x78x128xi32, #tpu.memory_space<hbm>> -> memref<78x128xi32, #tpu.memory_space<hbm>>
      %dma_start3A_101 = arith.constant 0 : i32
      %dma_start3A_102 = arith.constant 0 : i32
      %dma_start3A_103 = tpu.memref_slice %arg3[%add3A, %dma_start3A_101, %dma_start3A_102] : memref<32x78x128xi32, #tpu.memory_space<hbm>> -> memref<1x78x128xi32, #tpu.memory_space<hbm>>
      %dma_start3A_104 = tpu.memref_squeeze %dma_start3A_103 : memref<1x78x128xi32, #tpu.memory_space<hbm>> -> memref<78x128xi32, #tpu.memory_space<hbm>>
      tpu.enqueue_dma source(%dma_start3A_104 : memref<78x128xi32, #tpu.memory_space<hbm>>) target(%arg9 : memref<78x128xi32, #tpu.memory_space<vmem>>) target_semaphore(%run_scoped3A : memref<!tpu.dma_semaphore, #tpu.memory_space<semaphore_mem>>)
      %dma_wait3A_105 = arith.constant 0 : i32
      %dma_wait3A_106 = arith.constant 0 : i32
      %dma_wait3A_107 = tpu.memref_slice %arg3[%add3A, %dma_wait3A_105, %dma_wait3A_106] : memref<32x78x128xi32, #tpu.memory_space<hbm>> -> memref<1x78x128xi32, #tpu.memory_space<hbm>>
      %dma_wait3A_108 = tpu.memref_squeeze %dma_wait3A_107 : memref<1x78x128xi32, #tpu.memory_space<hbm>> -> memref<78x128xi32, #tpu.memory_space<hbm>>
      %dma_wait3A_109 = arith.constant 0 : i32
      %dma_wait3A_110 = arith.constant 0 : i32
      %dma_wait3A_111 = tpu.memref_slice %arg3[%add3A, %dma_wait3A_109, %dma_wait3A_110] : memref<32x78x128xi32, #tpu.memory_space<hbm>> -> memref<1x78x128xi32, #tpu.memory_space<hbm>>
      %dma_wait3A_112 = tpu.memref_squeeze %dma_wait3A_111 : memref<1x78x128xi32, #tpu.memory_space<hbm>> -> memref<78x128xi32, #tpu.memory_space<hbm>>
      tpu.wait_dma2 semaphore(%run_scoped3A : memref<!tpu.dma_semaphore, #tpu.memory_space<semaphore_mem>>) src(%dma_wait3A_112 : memref<78x128xi32, #tpu.memory_space<hbm>>) dst(%arg9 : memref<78x128xi32, #tpu.memory_space<vmem>>)
      tpu.yield
    }) : () -> ()
    "tpu.region"() ({
      %run_scoped3A = tpu.sem_alloc : memref<!tpu.dma_semaphore, #tpu.memory_space<semaphore_mem>>
      %dma_start3A_97 = arith.constant 0 : i32
      %dma_start3A_98 = arith.constant 0 : i32
      %dma_start3A_99 = tpu.memref_slice %arg4[%add3A, %dma_start3A_97, %dma_start3A_98] : memref<32x78x128xi32, #tpu.memory_space<hbm>> -> memref<1x78x128xi32, #tpu.memory_space<hbm>>
      %dma_start3A_100 = tpu.memref_squeeze %dma_start3A_99 : memref<1x78x128xi32, #tpu.memory_space<hbm>> -> memref<78x128xi32, #tpu.memory_space<hbm>>
      %dma_start3A_101 = arith.constant 0 : i32
      %dma_start3A_102 = arith.constant 0 : i32
      %dma_start3A_103 = tpu.memref_slice %arg4[%add3A, %dma_start3A_101, %dma_start3A_102] : memref<32x78x128xi32, #tpu.memory_space<hbm>> -> memref<1x78x128xi32, #tpu.memory_space<hbm>>
      %dma_start3A_104 = tpu.memref_squeeze %dma_start3A_103 : memref<1x78x128xi32, #tpu.memory_space<hbm>> -> memref<78x128xi32, #tpu.memory_space<hbm>>
      tpu.enqueue_dma source(%dma_start3A_104 : memref<78x128xi32, #tpu.memory_space<hbm>>) target(%arg10 : memref<78x128xi32, #tpu.memory_space<vmem>>) target_semaphore(%run_scoped3A : memref<!tpu.dma_semaphore, #tpu.memory_space<semaphore_mem>>)
      %dma_wait3A_105 = arith.constant 0 : i32
      %dma_wait3A_106 = arith.constant 0 : i32
      %dma_wait3A_107 = tpu.memref_slice %arg4[%add3A, %dma_wait3A_105, %dma_wait3A_106] : memref<32x78x128xi32, #tpu.memory_space<hbm>> -> memref<1x78x128xi32, #tpu.memory_space<hbm>>
      %dma_wait3A_108 = tpu.memref_squeeze %dma_wait3A_107 : memref<1x78x128xi32, #tpu.memory_space<hbm>> -> memref<78x128xi32, #tpu.memory_space<hbm>>
      %dma_wait3A_109 = arith.constant 0 : i32
      %dma_wait3A_110 = arith.constant 0 : i32
      %dma_wait3A_111 = tpu.memref_slice %arg4[%add3A, %dma_wait3A_109, %dma_wait3A_110] : memref<32x78x128xi32, #tpu.memory_space<hbm>> -> memref<1x78x128xi32, #tpu.memory_space<hbm>>
      %dma_wait3A_112 = tpu.memref_squeeze %dma_wait3A_111 : memref<1x78x128xi32, #tpu.memory_space<hbm>> -> memref<78x128xi32, #tpu.memory_space<hbm>>
      tpu.wait_dma2 semaphore(%run_scoped3A : memref<!tpu.dma_semaphore, #tpu.memory_space<semaphore_mem>>) src(%dma_wait3A_112 : memref<78x128xi32, #tpu.memory_space<hbm>>) dst(%arg10 : memref<78x128xi32, #tpu.memory_space<vmem>>)
      tpu.yield
    }) : () -> ()
    "tpu.region"() ({
      %run_scoped3A = tpu.sem_alloc : memref<!tpu.dma_semaphore, #tpu.memory_space<semaphore_mem>>
      %dma_start3A_97 = arith.constant 0 : i32
      %dma_start3A_98 = tpu.memref_slice %arg5[%add3A, %dma_start3A_97] : memref<32x16xi32, #tpu.memory_space<hbm>> -> memref<1x16xi32, #tpu.memory_space<hbm>>
      %dma_start3A_99 = tpu.memref_squeeze %dma_start3A_98 : memref<1x16xi32, #tpu.memory_space<hbm>> -> memref<16xi32, #tpu.memory_space<hbm>>
      %dma_start3A_100 = arith.constant 0 : i32
      %dma_start3A_101 = tpu.memref_slice %arg5[%add3A, %dma_start3A_100] : memref<32x16xi32, #tpu.memory_space<hbm>> -> memref<1x16xi32, #tpu.memory_space<hbm>>
      %dma_start3A_102 = tpu.memref_squeeze %dma_start3A_101 : memref<1x16xi32, #tpu.memory_space<hbm>> -> memref<16xi32, #tpu.memory_space<hbm>>
      tpu.enqueue_dma source(%dma_start3A_102 : memref<16xi32, #tpu.memory_space<hbm>>) target(%arg11 : memref<16xi32, #tpu.memory_space<vmem>>) target_semaphore(%run_scoped3A : memref<!tpu.dma_semaphore, #tpu.memory_space<semaphore_mem>>)
      %dma_wait3A_103 = arith.constant 0 : i32
      %dma_wait3A_104 = tpu.memref_slice %arg5[%add3A, %dma_wait3A_103] : memref<32x16xi32, #tpu.memory_space<hbm>> -> memref<1x16xi32, #tpu.memory_space<hbm>>
      %dma_wait3A_105 = tpu.memref_squeeze %dma_wait3A_104 : memref<1x16xi32, #tpu.memory_space<hbm>> -> memref<16xi32, #tpu.memory_space<hbm>>
      %dma_wait3A_106 = arith.constant 0 : i32
      %dma_wait3A_107 = tpu.memref_slice %arg5[%add3A, %dma_wait3A_106] : memref<32x16xi32, #tpu.memory_space<hbm>> -> memref<1x16xi32, #tpu.memory_space<hbm>>
      %dma_wait3A_108 = tpu.memref_squeeze %dma_wait3A_107 : memref<1x16xi32, #tpu.memory_space<hbm>> -> memref<16xi32, #tpu.memory_space<hbm>>
      tpu.wait_dma2 semaphore(%run_scoped3A : memref<!tpu.dma_semaphore, #tpu.memory_space<semaphore_mem>>) src(%dma_wait3A_108 : memref<16xi32, #tpu.memory_space<hbm>>) dst(%arg11 : memref<16xi32, #tpu.memory_space<vmem>>)
      tpu.yield
    }) : () -> ()
    "tpu.region"() ({
      %run_scoped3A = tpu.sem_alloc : memref<!tpu.dma_semaphore, #tpu.memory_space<semaphore_mem>>
      %dma_start3A_97 = arith.constant 0 : i32
      %dma_start3A_98 = tpu.memref_slice %arg6[%add3A, %dma_start3A_97] : memref<32x16xi32, #tpu.memory_space<hbm>> -> memref<1x16xi32, #tpu.memory_space<hbm>>
      %dma_start3A_99 = tpu.memref_squeeze %dma_start3A_98 : memref<1x16xi32, #tpu.memory_space<hbm>> -> memref<16xi32, #tpu.memory_space<hbm>>
      %dma_start3A_100 = arith.constant 0 : i32
      %dma_start3A_101 = tpu.memref_slice %arg6[%add3A, %dma_start3A_100] : memref<32x16xi32, #tpu.memory_space<hbm>> -> memref<1x16xi32, #tpu.memory_space<hbm>>
      %dma_start3A_102 = tpu.memref_squeeze %dma_start3A_101 : memref<1x16xi32, #tpu.memory_space<hbm>> -> memref<16xi32, #tpu.memory_space<hbm>>
      tpu.enqueue_dma source(%dma_start3A_102 : memref<16xi32, #tpu.memory_space<hbm>>) target(%arg12 : memref<16xi32, #tpu.memory_space<vmem>>) target_semaphore(%run_scoped3A : memref<!tpu.dma_semaphore, #tpu.memory_space<semaphore_mem>>)
      %dma_wait3A_103 = arith.constant 0 : i32
      %dma_wait3A_104 = tpu.memref_slice %arg6[%add3A, %dma_wait3A_103] : memref<32x16xi32, #tpu.memory_space<hbm>> -> memref<1x16xi32, #tpu.memory_space<hbm>>
      %dma_wait3A_105 = tpu.memref_squeeze %dma_wait3A_104 : memref<1x16xi32, #tpu.memory_space<hbm>> -> memref<16xi32, #tpu.memory_space<hbm>>
      %dma_wait3A_106 = arith.constant 0 : i32
      %dma_wait3A_107 = tpu.memref_slice %arg6[%add3A, %dma_wait3A_106] : memref<32x16xi32, #tpu.memory_space<hbm>> -> memref<1x16xi32, #tpu.memory_space<hbm>>
      %dma_wait3A_108 = tpu.memref_squeeze %dma_wait3A_107 : memref<1x16xi32, #tpu.memory_space<hbm>> -> memref<16xi32, #tpu.memory_space<hbm>>
      tpu.wait_dma2 semaphore(%run_scoped3A : memref<!tpu.dma_semaphore, #tpu.memory_space<semaphore_mem>>) src(%dma_wait3A_108 : memref<16xi32, #tpu.memory_space<hbm>>) dst(%arg12 : memref<16xi32, #tpu.memory_space<vmem>>)
      tpu.yield
    }) : () -> ()
    %dma_start3A = arith.constant 0 : i32
    %dma_start3A_3 = arith.constant 0 : i32
    %dma_start3A_4 = tpu.memref_slice %arg9[%dma_start3A, %dma_start3A_3] : memref<78x128xi32, #tpu.memory_space<vmem>> -> memref<1x128xi32, #tpu.memory_space<vmem>>
    %dma_start3A_5 = tpu.memref_squeeze %dma_start3A_4 : memref<1x128xi32, #tpu.memory_space<vmem>> -> memref<128xi32, #tpu.memory_space<vmem>>
    %dma_start3A_6 = arith.constant 0 : i32
    %dma_start3A_7 = arith.constant 0 : i32
    %dma_start3A_8 = tpu.memref_slice %arg2[%dma_start3A_6, %dma_start3A_7] : memref<10240x16xf32, #tpu.memory_space<hbm>> -> memref<10240x16xf32, #tpu.memory_space<hbm>>
    tpu.enqueue_indirect_dma source(%dma_start3A_8 : memref<10240x16xf32, #tpu.memory_space<hbm>>) target(%arg13 : memref<128x16xf32, #tpu.memory_space<vmem>>) offsets(%dma_start3A_5 : memref<128xi32, #tpu.memory_space<vmem>>) semaphore(%arg24 : memref<!tpu.dma_semaphore, #tpu.memory_space<semaphore_mem>>)
    %dma_start3A_9 = arith.constant 1 : i32
    %dma_start3A_10 = arith.constant 0 : i32
    %dma_start3A_11 = tpu.memref_slice %arg9[%dma_start3A_9, %dma_start3A_10] : memref<78x128xi32, #tpu.memory_space<vmem>> -> memref<1x128xi32, #tpu.memory_space<vmem>>
    %dma_start3A_12 = tpu.memref_squeeze %dma_start3A_11 : memref<1x128xi32, #tpu.memory_space<vmem>> -> memref<128xi32, #tpu.memory_space<vmem>>
    %dma_start3A_13 = arith.constant 0 : i32
    %dma_start3A_14 = arith.constant 0 : i32
    %dma_start3A_15 = tpu.memref_slice %arg2[%dma_start3A_13, %dma_start3A_14] : memref<10240x16xf32, #tpu.memory_space<hbm>> -> memref<10240x16xf32, #tpu.memory_space<hbm>>
    tpu.enqueue_indirect_dma source(%dma_start3A_15 : memref<10240x16xf32, #tpu.memory_space<hbm>>) target(%arg14 : memref<128x16xf32, #tpu.memory_space<vmem>>) offsets(%dma_start3A_12 : memref<128xi32, #tpu.memory_space<vmem>>) semaphore(%arg25 : memref<!tpu.dma_semaphore, #tpu.memory_space<semaphore_mem>>)
    %dma_start3A_16 = arith.constant 2 : i32
    %dma_start3A_17 = arith.constant 0 : i32
    %dma_start3A_18 = tpu.memref_slice %arg9[%dma_start3A_16, %dma_start3A_17] : memref<78x128xi32, #tpu.memory_space<vmem>> -> memref<1x128xi32, #tpu.memory_space<vmem>>
    %dma_start3A_19 = tpu.memref_squeeze %dma_start3A_18 : memref<1x128xi32, #tpu.memory_space<vmem>> -> memref<128xi32, #tpu.memory_space<vmem>>
    %dma_start3A_20 = arith.constant 0 : i32
    %dma_start3A_21 = arith.constant 0 : i32
    %dma_start3A_22 = tpu.memref_slice %arg2[%dma_start3A_20, %dma_start3A_21] : memref<10240x16xf32, #tpu.memory_space<hbm>> -> memref<10240x16xf32, #tpu.memory_space<hbm>>
    tpu.enqueue_indirect_dma source(%dma_start3A_22 : memref<10240x16xf32, #tpu.memory_space<hbm>>) target(%arg15 : memref<128x16xf32, #tpu.memory_space<vmem>>) offsets(%dma_start3A_19 : memref<128xi32, #tpu.memory_space<vmem>>) semaphore(%arg26 : memref<!tpu.dma_semaphore, #tpu.memory_space<semaphore_mem>>)
    %dma_start3A_23 = arith.constant 3 : i32
    %dma_start3A_24 = arith.constant 0 : i32
    %dma_start3A_25 = tpu.memref_slice %arg9[%dma_start3A_23, %dma_start3A_24] : memref<78x128xi32, #tpu.memory_space<vmem>> -> memref<1x128xi32, #tpu.memory_space<vmem>>
    %dma_start3A_26 = tpu.memref_squeeze %dma_start3A_25 : memref<1x128xi32, #tpu.memory_space<vmem>> -> memref<128xi32, #tpu.memory_space<vmem>>
    %dma_start3A_27 = arith.constant 0 : i32
    %dma_start3A_28 = arith.constant 0 : i32
    %dma_start3A_29 = tpu.memref_slice %arg2[%dma_start3A_27, %dma_start3A_28] : memref<10240x16xf32, #tpu.memory_space<hbm>> -> memref<10240x16xf32, #tpu.memory_space<hbm>>
    tpu.enqueue_indirect_dma source(%dma_start3A_29 : memref<10240x16xf32, #tpu.memory_space<hbm>>) target(%arg16 : memref<128x16xf32, #tpu.memory_space<vmem>>) offsets(%dma_start3A_26 : memref<128xi32, #tpu.memory_space<vmem>>) semaphore(%arg27 : memref<!tpu.dma_semaphore, #tpu.memory_space<semaphore_mem>>)
    %scan3A = arith.constant 0 : i32
    %scan3A_30 = arith.constant 0 : i32
    %scan3A_31 = arith.constant 78 : i32
    %scan3A_32 = arith.addi %scan3A_30, %scan3A_31 : i32
    %scan3A_33 = arith.constant 1 : i32
    scf.for %scan3A_97 = %scan3A_30 to %scan3A_32 step %scan3A_33  : i32 {
      %jit3A = arith.constant 8 : i32
      %eq3A = arith.constant 0 : i32
      %eq3A_98 = arith.cmpi eq, %jit3A, %eq3A : i32
      %jit3A_99 = arith.constant 1 : i32
      %select_n3A = arith.select %eq3A_98, %jit3A_99, %jit3A : i32
      %rem3A = arith.remsi %scan3A_97, %select_n3A : i32
      %ne3A = arith.constant 0 : i32
      %ne3A_100 = arith.cmpi ne, %rem3A, %ne3A : i32
      %lt3A = arith.constant 0 : i32
      %lt3A_101 = arith.cmpi slt, %rem3A, %lt3A : i32
      %lt3A_102 = arith.constant 0 : i32
      %lt3A_103 = arith.cmpi slt, %select_n3A, %lt3A_102 : i32
      %ne3A_104 = arith.xori %lt3A_101, %lt3A_103 : i1
      %and3A = arith.andi %ne3A_104, %ne3A_100 : i1
      %add3A_105 = arith.addi %rem3A, %select_n3A : i32
      %select_n3A_106 = arith.select %and3A, %add3A_105, %rem3A : i32
      %eq3A_107 = arith.constant 0 : i32
      %eq3A_108 = arith.cmpi eq, %select_n3A_106, %eq3A_107 : i32
      %convert_element_type3A = arith.extui %eq3A_108 : i1 to i32
      %cond3A = arith.constant 0 : i32
      %cond3A_109 = arith.cmpi ne, %convert_element_type3A, %cond3A : i32
      scf.if %cond3A_109 {
        %dma_wait3A_257 = arith.constant 0 : i32
        %dma_wait3A_258 = tpu.memref_slice %arg9[%scan3A_97, %dma_wait3A_257] : memref<78x128xi32, #tpu.memory_space<vmem>> -> memref<1x128xi32, #tpu.memory_space<vmem>>
        %dma_wait3A_259 = tpu.memref_squeeze %dma_wait3A_258 : memref<1x128xi32, #tpu.memory_space<vmem>> -> memref<128xi32, #tpu.memory_space<vmem>>
        %dma_wait3A_260 = arith.constant 0 : i32
        %dma_wait3A_261 = arith.constant 0 : i32
        %dma_wait3A_262 = tpu.memref_slice %arg2[%dma_wait3A_260, %dma_wait3A_261] : memref<10240x16xf32, #tpu.memory_space<hbm>> -> memref<10240x16xf32, #tpu.memory_space<hbm>>
        tpu.wait_indirect_dma semaphore(%arg24 : memref<!tpu.dma_semaphore, #tpu.memory_space<semaphore_mem>>) src(%dma_wait3A_262 : memref<10240x16xf32, #tpu.memory_space<hbm>>) dst(%arg13 : memref<128x16xf32, #tpu.memory_space<vmem>>)
        %dma_start3A_263 = arith.constant 0 : i32
        %dma_start3A_264 = tpu.memref_slice %arg10[%scan3A_97, %dma_start3A_263] : memref<78x128xi32, #tpu.memory_space<vmem>> -> memref<1x128xi32, #tpu.memory_space<vmem>>
        %dma_start3A_265 = tpu.memref_squeeze %dma_start3A_264 : memref<1x128xi32, #tpu.memory_space<vmem>> -> memref<128xi32, #tpu.memory_space<vmem>>
        %dma_start3A_266 = arith.constant 0 : i32
        %dma_start3A_267 = arith.constant 0 : i32
        %dma_start3A_268 = tpu.memref_slice %arg23[%dma_start3A_266, %dma_start3A_267] : memref<10240x16xf32, #tpu.memory_space<vmem_shared>> -> memref<10240x16xf32, #tpu.memory_space<vmem_shared>>
        tpu.enqueue_indirect_dma source(%arg13 : memref<128x16xf32, #tpu.memory_space<vmem>>) target(%dma_start3A_268 : memref<10240x16xf32, #tpu.memory_space<vmem_shared>>) offsets(%dma_start3A_265 : memref<128xi32, #tpu.memory_space<vmem>>) semaphore(%arg32 : memref<!tpu.dma_semaphore, #tpu.memory_space<semaphore_mem>>) {add = true}
        %add3A_269 = arith.constant 4 : i32
        %add3A_270 = arith.addi %scan3A_97, %add3A_269 : i32
        %lt3A_271 = arith.constant 78 : i32
        %lt3A_272 = arith.cmpi slt, %add3A_270, %lt3A_271 : i32
        %convert_element_type3A_273 = arith.extui %lt3A_272 : i1 to i32
        %cond3A_274 = arith.constant 0 : i32
        %cond3A_275 = arith.cmpi ne, %convert_element_type3A_273, %cond3A_274 : i32
        scf.if %cond3A_275 {
          %ge3A = arith.constant 4 : i32
          %ge3A_276 = arith.cmpi sge, %scan3A_97, %ge3A : i32
          %convert_element_type3A_277 = arith.extui %ge3A_276 : i1 to i32
          %cond3A_278 = arith.constant 0 : i32
          %cond3A_279 = arith.cmpi ne, %convert_element_type3A_277, %cond3A_278 : i32
          scf.if %cond3A_279 {
            %sub3A = arith.constant 4 : i32
            %sub3A_288 = arith.subi %scan3A_97, %sub3A : i32
            %dma_wait3A_289 = arith.constant 0 : i32
            %dma_wait3A_290 = tpu.memref_slice %arg10[%sub3A_288, %dma_wait3A_289] : memref<78x128xi32, #tpu.memory_space<vmem>> -> memref<1x128xi32, #tpu.memory_space<vmem>>
            %dma_wait3A_291 = tpu.memref_squeeze %dma_wait3A_290 : memref<1x128xi32, #tpu.memory_space<vmem>> -> memref<128xi32, #tpu.memory_space<vmem>>
            %dma_wait3A_292 = arith.constant 0 : i32
            %dma_wait3A_293 = arith.constant 0 : i32
            %dma_wait3A_294 = tpu.memref_slice %arg23[%dma_wait3A_292, %dma_wait3A_293] : memref<10240x16xf32, #tpu.memory_space<vmem_shared>> -> memref<10240x16xf32, #tpu.memory_space<vmem_shared>>
            tpu.wait_indirect_dma semaphore(%arg36 : memref<!tpu.dma_semaphore, #tpu.memory_space<semaphore_mem>>) src(%arg17 : memref<128x16xf32, #tpu.memory_space<vmem>>) dst(%dma_wait3A_294 : memref<10240x16xf32, #tpu.memory_space<vmem_shared>>)
          } else {
          }
          %add3A_280 = arith.constant 4 : i32
          %add3A_281 = arith.addi %scan3A_97, %add3A_280 : i32
          %dma_start3A_282 = arith.constant 0 : i32
          %dma_start3A_283 = tpu.memref_slice %arg9[%add3A_281, %dma_start3A_282] : memref<78x128xi32, #tpu.memory_space<vmem>> -> memref<1x128xi32, #tpu.memory_space<vmem>>
          %dma_start3A_284 = tpu.memref_squeeze %dma_start3A_283 : memref<1x128xi32, #tpu.memory_space<vmem>> -> memref<128xi32, #tpu.memory_space<vmem>>
          %dma_start3A_285 = arith.constant 0 : i32
          %dma_start3A_286 = arith.constant 0 : i32
          %dma_start3A_287 = tpu.memref_slice %arg2[%dma_start3A_285, %dma_start3A_286] : memref<10240x16xf32, #tpu.memory_space<hbm>> -> memref<10240x16xf32, #tpu.memory_space<hbm>>
          tpu.enqueue_indirect_dma source(%dma_start3A_287 : memref<10240x16xf32, #tpu.memory_space<hbm>>) target(%arg17 : memref<128x16xf32, #tpu.memory_space<vmem>>) offsets(%dma_start3A_284 : memref<128xi32, #tpu.memory_space<vmem>>) semaphore(%arg28 : memref<!tpu.dma_semaphore, #tpu.memory_space<semaphore_mem>>)
        } else {
        }
      } else {
      }
      %jit3A_110 = arith.constant 8 : i32
      %eq3A_111 = arith.constant 0 : i32
      %eq3A_112 = arith.cmpi eq, %jit3A_110, %eq3A_111 : i32
      %jit3A_113 = arith.constant 1 : i32
      %select_n3A_114 = arith.select %eq3A_112, %jit3A_113, %jit3A_110 : i32
      %rem3A_115 = arith.remsi %scan3A_97, %select_n3A_114 : i32
      %ne3A_116 = arith.constant 0 : i32
      %ne3A_117 = arith.cmpi ne, %rem3A_115, %ne3A_116 : i32
      %lt3A_118 = arith.constant 0 : i32
      %lt3A_119 = arith.cmpi slt, %rem3A_115, %lt3A_118 : i32
      %lt3A_120 = arith.constant 0 : i32
      %lt3A_121 = arith.cmpi slt, %select_n3A_114, %lt3A_120 : i32
      %ne3A_122 = arith.xori %lt3A_119, %lt3A_121 : i1
      %and3A_123 = arith.andi %ne3A_122, %ne3A_117 : i1
      %add3A_124 = arith.addi %rem3A_115, %select_n3A_114 : i32
      %select_n3A_125 = arith.select %and3A_123, %add3A_124, %rem3A_115 : i32
      %eq3A_126 = arith.constant 1 : i32
      %eq3A_127 = arith.cmpi eq, %select_n3A_125, %eq3A_126 : i32
      %convert_element_type3A_128 = arith.extui %eq3A_127 : i1 to i32
      %cond3A_129 = arith.constant 0 : i32
      %cond3A_130 = arith.cmpi ne, %convert_element_type3A_128, %cond3A_129 : i32
      scf.if %cond3A_130 {
        %dma_wait3A_257 = arith.constant 0 : i32
        %dma_wait3A_258 = tpu.memref_slice %arg9[%scan3A_97, %dma_wait3A_257] : memref<78x128xi32, #tpu.memory_space<vmem>> -> memref<1x128xi32, #tpu.memory_space<vmem>>
        %dma_wait3A_259 = tpu.memref_squeeze %dma_wait3A_258 : memref<1x128xi32, #tpu.memory_space<vmem>> -> memref<128xi32, #tpu.memory_space<vmem>>
        %dma_wait3A_260 = arith.constant 0 : i32
        %dma_wait3A_261 = arith.constant 0 : i32
        %dma_wait3A_262 = tpu.memref_slice %arg2[%dma_wait3A_260, %dma_wait3A_261] : memref<10240x16xf32, #tpu.memory_space<hbm>> -> memref<10240x16xf32, #tpu.memory_space<hbm>>
        tpu.wait_indirect_dma semaphore(%arg25 : memref<!tpu.dma_semaphore, #tpu.memory_space<semaphore_mem>>) src(%dma_wait3A_262 : memref<10240x16xf32, #tpu.memory_space<hbm>>) dst(%arg14 : memref<128x16xf32, #tpu.memory_space<vmem>>)
        %dma_start3A_263 = arith.constant 0 : i32
        %dma_start3A_264 = tpu.memref_slice %arg10[%scan3A_97, %dma_start3A_263] : memref<78x128xi32, #tpu.memory_space<vmem>> -> memref<1x128xi32, #tpu.memory_space<vmem>>
        %dma_start3A_265 = tpu.memref_squeeze %dma_start3A_264 : memref<1x128xi32, #tpu.memory_space<vmem>> -> memref<128xi32, #tpu.memory_space<vmem>>
        %dma_start3A_266 = arith.constant 0 : i32
        %dma_start3A_267 = arith.constant 0 : i32
        %dma_start3A_268 = tpu.memref_slice %arg23[%dma_start3A_266, %dma_start3A_267] : memref<10240x16xf32, #tpu.memory_space<vmem_shared>> -> memref<10240x16xf32, #tpu.memory_space<vmem_shared>>
        tpu.enqueue_indirect_dma source(%arg14 : memref<128x16xf32, #tpu.memory_space<vmem>>) target(%dma_start3A_268 : memref<10240x16xf32, #tpu.memory_space<vmem_shared>>) offsets(%dma_start3A_265 : memref<128xi32, #tpu.memory_space<vmem>>) semaphore(%arg33 : memref<!tpu.dma_semaphore, #tpu.memory_space<semaphore_mem>>) {add = true}
        %add3A_269 = arith.constant 4 : i32
        %add3A_270 = arith.addi %scan3A_97, %add3A_269 : i32
        %lt3A_271 = arith.constant 78 : i32
        %lt3A_272 = arith.cmpi slt, %add3A_270, %lt3A_271 : i32
        %convert_element_type3A_273 = arith.extui %lt3A_272 : i1 to i32
        %cond3A_274 = arith.constant 0 : i32
        %cond3A_275 = arith.cmpi ne, %convert_element_type3A_273, %cond3A_274 : i32
        scf.if %cond3A_275 {
          %ge3A = arith.constant 4 : i32
          %ge3A_276 = arith.cmpi sge, %scan3A_97, %ge3A : i32
          %convert_element_type3A_277 = arith.extui %ge3A_276 : i1 to i32
          %cond3A_278 = arith.constant 0 : i32
          %cond3A_279 = arith.cmpi ne, %convert_element_type3A_277, %cond3A_278 : i32
          scf.if %cond3A_279 {
            %sub3A = arith.constant 4 : i32
            %sub3A_288 = arith.subi %scan3A_97, %sub3A : i32
            %dma_wait3A_289 = arith.constant 0 : i32
            %dma_wait3A_290 = tpu.memref_slice %arg10[%sub3A_288, %dma_wait3A_289] : memref<78x128xi32, #tpu.memory_space<vmem>> -> memref<1x128xi32, #tpu.memory_space<vmem>>
            %dma_wait3A_291 = tpu.memref_squeeze %dma_wait3A_290 : memref<1x128xi32, #tpu.memory_space<vmem>> -> memref<128xi32, #tpu.memory_space<vmem>>
            %dma_wait3A_292 = arith.constant 0 : i32
            %dma_wait3A_293 = arith.constant 0 : i32
            %dma_wait3A_294 = tpu.memref_slice %arg23[%dma_wait3A_292, %dma_wait3A_293] : memref<10240x16xf32, #tpu.memory_space<vmem_shared>> -> memref<10240x16xf32, #tpu.memory_space<vmem_shared>>
            tpu.wait_indirect_dma semaphore(%arg37 : memref<!tpu.dma_semaphore, #tpu.memory_space<semaphore_mem>>) src(%arg18 : memref<128x16xf32, #tpu.memory_space<vmem>>) dst(%dma_wait3A_294 : memref<10240x16xf32, #tpu.memory_space<vmem_shared>>)
          } else {
          }
          %add3A_280 = arith.constant 4 : i32
          %add3A_281 = arith.addi %scan3A_97, %add3A_280 : i32
          %dma_start3A_282 = arith.constant 0 : i32
          %dma_start3A_283 = tpu.memref_slice %arg9[%add3A_281, %dma_start3A_282] : memref<78x128xi32, #tpu.memory_space<vmem>> -> memref<1x128xi32, #tpu.memory_space<vmem>>
          %dma_start3A_284 = tpu.memref_squeeze %dma_start3A_283 : memref<1x128xi32, #tpu.memory_space<vmem>> -> memref<128xi32, #tpu.memory_space<vmem>>
          %dma_start3A_285 = arith.constant 0 : i32
          %dma_start3A_286 = arith.constant 0 : i32
          %dma_start3A_287 = tpu.memref_slice %arg2[%dma_start3A_285, %dma_start3A_286] : memref<10240x16xf32, #tpu.memory_space<hbm>> -> memref<10240x16xf32, #tpu.memory_space<hbm>>
          tpu.enqueue_indirect_dma source(%dma_start3A_287 : memref<10240x16xf32, #tpu.memory_space<hbm>>) target(%arg18 : memref<128x16xf32, #tpu.memory_space<vmem>>) offsets(%dma_start3A_284 : memref<128xi32, #tpu.memory_space<vmem>>) semaphore(%arg29 : memref<!tpu.dma_semaphore, #tpu.memory_space<semaphore_mem>>)
        } else {
        }
      } else {
      }
      %jit3A_131 = arith.constant 8 : i32
      %eq3A_132 = arith.constant 0 : i32
      %eq3A_133 = arith.cmpi eq, %jit3A_131, %eq3A_132 : i32
      %jit3A_134 = arith.constant 1 : i32
      %select_n3A_135 = arith.select %eq3A_133, %jit3A_134, %jit3A_131 : i32
      %rem3A_136 = arith.remsi %scan3A_97, %select_n3A_135 : i32
      %ne3A_137 = arith.constant 0 : i32
      %ne3A_138 = arith.cmpi ne, %rem3A_136, %ne3A_137 : i32
      %lt3A_139 = arith.constant 0 : i32
      %lt3A_140 = arith.cmpi slt, %rem3A_136, %lt3A_139 : i32
      %lt3A_141 = arith.constant 0 : i32
      %lt3A_142 = arith.cmpi slt, %select_n3A_135, %lt3A_141 : i32
      %ne3A_143 = arith.xori %lt3A_140, %lt3A_142 : i1
      %and3A_144 = arith.andi %ne3A_143, %ne3A_138 : i1
      %add3A_145 = arith.addi %rem3A_136, %select_n3A_135 : i32
      %select_n3A_146 = arith.select %and3A_144, %add3A_145, %rem3A_136 : i32
      %eq3A_147 = arith.constant 2 : i32
      %eq3A_148 = arith.cmpi eq, %select_n3A_146, %eq3A_147 : i32
      %convert_element_type3A_149 = arith.extui %eq3A_148 : i1 to i32
      %cond3A_150 = arith.constant 0 : i32
      %cond3A_151 = arith.cmpi ne, %convert_element_type3A_149, %cond3A_150 : i32
      scf.if %cond3A_151 {
        %dma_wait3A_257 = arith.constant 0 : i32
        %dma_wait3A_258 = tpu.memref_slice %arg9[%scan3A_97, %dma_wait3A_257] : memref<78x128xi32, #tpu.memory_space<vmem>> -> memref<1x128xi32, #tpu.memory_space<vmem>>
        %dma_wait3A_259 = tpu.memref_squeeze %dma_wait3A_258 : memref<1x128xi32, #tpu.memory_space<vmem>> -> memref<128xi32, #tpu.memory_space<vmem>>
        %dma_wait3A_260 = arith.constant 0 : i32
        %dma_wait3A_261 = arith.constant 0 : i32
        %dma_wait3A_262 = tpu.memref_slice %arg2[%dma_wait3A_260, %dma_wait3A_261] : memref<10240x16xf32, #tpu.memory_space<hbm>> -> memref<10240x16xf32, #tpu.memory_space<hbm>>
        tpu.wait_indirect_dma semaphore(%arg26 : memref<!tpu.dma_semaphore, #tpu.memory_space<semaphore_mem>>) src(%dma_wait3A_262 : memref<10240x16xf32, #tpu.memory_space<hbm>>) dst(%arg15 : memref<128x16xf32, #tpu.memory_space<vmem>>)
        %dma_start3A_263 = arith.constant 0 : i32
        %dma_start3A_264 = tpu.memref_slice %arg10[%scan3A_97, %dma_start3A_263] : memref<78x128xi32, #tpu.memory_space<vmem>> -> memref<1x128xi32, #tpu.memory_space<vmem>>
        %dma_start3A_265 = tpu.memref_squeeze %dma_start3A_264 : memref<1x128xi32, #tpu.memory_space<vmem>> -> memref<128xi32, #tpu.memory_space<vmem>>
        %dma_start3A_266 = arith.constant 0 : i32
        %dma_start3A_267 = arith.constant 0 : i32
        %dma_start3A_268 = tpu.memref_slice %arg23[%dma_start3A_266, %dma_start3A_267] : memref<10240x16xf32, #tpu.memory_space<vmem_shared>> -> memref<10240x16xf32, #tpu.memory_space<vmem_shared>>
        tpu.enqueue_indirect_dma source(%arg15 : memref<128x16xf32, #tpu.memory_space<vmem>>) target(%dma_start3A_268 : memref<10240x16xf32, #tpu.memory_space<vmem_shared>>) offsets(%dma_start3A_265 : memref<128xi32, #tpu.memory_space<vmem>>) semaphore(%arg34 : memref<!tpu.dma_semaphore, #tpu.memory_space<semaphore_mem>>) {add = true}
        %add3A_269 = arith.constant 4 : i32
        %add3A_270 = arith.addi %scan3A_97, %add3A_269 : i32
        %lt3A_271 = arith.constant 78 : i32
        %lt3A_272 = arith.cmpi slt, %add3A_270, %lt3A_271 : i32
        %convert_element_type3A_273 = arith.extui %lt3A_272 : i1 to i32
        %cond3A_274 = arith.constant 0 : i32
        %cond3A_275 = arith.cmpi ne, %convert_element_type3A_273, %cond3A_274 : i32
        scf.if %cond3A_275 {
          %ge3A = arith.constant 4 : i32
          %ge3A_276 = arith.cmpi sge, %scan3A_97, %ge3A : i32
          %convert_element_type3A_277 = arith.extui %ge3A_276 : i1 to i32
          %cond3A_278 = arith.constant 0 : i32
          %cond3A_279 = arith.cmpi ne, %convert_element_type3A_277, %cond3A_278 : i32
          scf.if %cond3A_279 {
            %sub3A = arith.constant 4 : i32
            %sub3A_288 = arith.subi %scan3A_97, %sub3A : i32
            %dma_wait3A_289 = arith.constant 0 : i32
            %dma_wait3A_290 = tpu.memref_slice %arg10[%sub3A_288, %dma_wait3A_289] : memref<78x128xi32, #tpu.memory_space<vmem>> -> memref<1x128xi32, #tpu.memory_space<vmem>>
            %dma_wait3A_291 = tpu.memref_squeeze %dma_wait3A_290 : memref<1x128xi32, #tpu.memory_space<vmem>> -> memref<128xi32, #tpu.memory_space<vmem>>
            %dma_wait3A_292 = arith.constant 0 : i32
            %dma_wait3A_293 = arith.constant 0 : i32
            %dma_wait3A_294 = tpu.memref_slice %arg23[%dma_wait3A_292, %dma_wait3A_293] : memref<10240x16xf32, #tpu.memory_space<vmem_shared>> -> memref<10240x16xf32, #tpu.memory_space<vmem_shared>>
            tpu.wait_indirect_dma semaphore(%arg38 : memref<!tpu.dma_semaphore, #tpu.memory_space<semaphore_mem>>) src(%arg19 : memref<128x16xf32, #tpu.memory_space<vmem>>) dst(%dma_wait3A_294 : memref<10240x16xf32, #tpu.memory_space<vmem_shared>>)
          } else {
          }
          %add3A_280 = arith.constant 4 : i32
          %add3A_281 = arith.addi %scan3A_97, %add3A_280 : i32
          %dma_start3A_282 = arith.constant 0 : i32
          %dma_start3A_283 = tpu.memref_slice %arg9[%add3A_281, %dma_start3A_282] : memref<78x128xi32, #tpu.memory_space<vmem>> -> memref<1x128xi32, #tpu.memory_space<vmem>>
          %dma_start3A_284 = tpu.memref_squeeze %dma_start3A_283 : memref<1x128xi32, #tpu.memory_space<vmem>> -> memref<128xi32, #tpu.memory_space<vmem>>
          %dma_start3A_285 = arith.constant 0 : i32
          %dma_start3A_286 = arith.constant 0 : i32
          %dma_start3A_287 = tpu.memref_slice %arg2[%dma_start3A_285, %dma_start3A_286] : memref<10240x16xf32, #tpu.memory_space<hbm>> -> memref<10240x16xf32, #tpu.memory_space<hbm>>
          tpu.enqueue_indirect_dma source(%dma_start3A_287 : memref<10240x16xf32, #tpu.memory_space<hbm>>) target(%arg19 : memref<128x16xf32, #tpu.memory_space<vmem>>) offsets(%dma_start3A_284 : memref<128xi32, #tpu.memory_space<vmem>>) semaphore(%arg30 : memref<!tpu.dma_semaphore, #tpu.memory_space<semaphore_mem>>)
        } else {
        }
      } else {
      }
      %jit3A_152 = arith.constant 8 : i32
      %eq3A_153 = arith.constant 0 : i32
      %eq3A_154 = arith.cmpi eq, %jit3A_152, %eq3A_153 : i32
      %jit3A_155 = arith.constant 1 : i32
      %select_n3A_156 = arith.select %eq3A_154, %jit3A_155, %jit3A_152 : i32
      %rem3A_157 = arith.remsi %scan3A_97, %select_n3A_156 : i32
      %ne3A_158 = arith.constant 0 : i32
      %ne3A_159 = arith.cmpi ne, %rem3A_157, %ne3A_158 : i32
      %lt3A_160 = arith.constant 0 : i32
      %lt3A_161 = arith.cmpi slt, %rem3A_157, %lt3A_160 : i32
      %lt3A_162 = arith.constant 0 : i32
      %lt3A_163 = arith.cmpi slt, %select_n3A_156, %lt3A_162 : i32
      %ne3A_164 = arith.xori %lt3A_161, %lt3A_163 : i1
      %and3A_165 = arith.andi %ne3A_164, %ne3A_159 : i1
      %add3A_166 = arith.addi %rem3A_157, %select_n3A_156 : i32
      %select_n3A_167 = arith.select %and3A_165, %add3A_166, %rem3A_157 : i32
      %eq3A_168 = arith.constant 3 : i32
      %eq3A_169 = arith.cmpi eq, %select_n3A_167, %eq3A_168 : i32
      %convert_element_type3A_170 = arith.extui %eq3A_169 : i1 to i32
      %cond3A_171 = arith.constant 0 : i32
      %cond3A_172 = arith.cmpi ne, %convert_element_type3A_170, %cond3A_171 : i32
      scf.if %cond3A_172 {
        %dma_wait3A_257 = arith.constant 0 : i32
        %dma_wait3A_258 = tpu.memref_slice %arg9[%scan3A_97, %dma_wait3A_257] : memref<78x128xi32, #tpu.memory_space<vmem>> -> memref<1x128xi32, #tpu.memory_space<vmem>>
        %dma_wait3A_259 = tpu.memref_squeeze %dma_wait3A_258 : memref<1x128xi32, #tpu.memory_space<vmem>> -> memref<128xi32, #tpu.memory_space<vmem>>
        %dma_wait3A_260 = arith.constant 0 : i32
        %dma_wait3A_261 = arith.constant 0 : i32
        %dma_wait3A_262 = tpu.memref_slice %arg2[%dma_wait3A_260, %dma_wait3A_261] : memref<10240x16xf32, #tpu.memory_space<hbm>> -> memref<10240x16xf32, #tpu.memory_space<hbm>>
        tpu.wait_indirect_dma semaphore(%arg27 : memref<!tpu.dma_semaphore, #tpu.memory_space<semaphore_mem>>) src(%dma_wait3A_262 : memref<10240x16xf32, #tpu.memory_space<hbm>>) dst(%arg16 : memref<128x16xf32, #tpu.memory_space<vmem>>)
        %dma_start3A_263 = arith.constant 0 : i32
        %dma_start3A_264 = tpu.memref_slice %arg10[%scan3A_97, %dma_start3A_263] : memref<78x128xi32, #tpu.memory_space<vmem>> -> memref<1x128xi32, #tpu.memory_space<vmem>>
        %dma_start3A_265 = tpu.memref_squeeze %dma_start3A_264 : memref<1x128xi32, #tpu.memory_space<vmem>> -> memref<128xi32, #tpu.memory_space<vmem>>
        %dma_start3A_266 = arith.constant 0 : i32
        %dma_start3A_267 = arith.constant 0 : i32
        %dma_start3A_268 = tpu.memref_slice %arg23[%dma_start3A_266, %dma_start3A_267] : memref<10240x16xf32, #tpu.memory_space<vmem_shared>> -> memref<10240x16xf32, #tpu.memory_space<vmem_shared>>
        tpu.enqueue_indirect_dma source(%arg16 : memref<128x16xf32, #tpu.memory_space<vmem>>) target(%dma_start3A_268 : memref<10240x16xf32, #tpu.memory_space<vmem_shared>>) offsets(%dma_start3A_265 : memref<128xi32, #tpu.memory_space<vmem>>) semaphore(%arg35 : memref<!tpu.dma_semaphore, #tpu.memory_space<semaphore_mem>>) {add = true}
        %add3A_269 = arith.constant 4 : i32
        %add3A_270 = arith.addi %scan3A_97, %add3A_269 : i32
        %lt3A_271 = arith.constant 78 : i32
        %lt3A_272 = arith.cmpi slt, %add3A_270, %lt3A_271 : i32
        %convert_element_type3A_273 = arith.extui %lt3A_272 : i1 to i32
        %cond3A_274 = arith.constant 0 : i32
        %cond3A_275 = arith.cmpi ne, %convert_element_type3A_273, %cond3A_274 : i32
        scf.if %cond3A_275 {
          %ge3A = arith.constant 4 : i32
          %ge3A_276 = arith.cmpi sge, %scan3A_97, %ge3A : i32
          %convert_element_type3A_277 = arith.extui %ge3A_276 : i1 to i32
          %cond3A_278 = arith.constant 0 : i32
          %cond3A_279 = arith.cmpi ne, %convert_element_type3A_277, %cond3A_278 : i32
          scf.if %cond3A_279 {
            %sub3A = arith.constant 4 : i32
            %sub3A_288 = arith.subi %scan3A_97, %sub3A : i32
            %dma_wait3A_289 = arith.constant 0 : i32
            %dma_wait3A_290 = tpu.memref_slice %arg10[%sub3A_288, %dma_wait3A_289] : memref<78x128xi32, #tpu.memory_space<vmem>> -> memref<1x128xi32, #tpu.memory_space<vmem>>
            %dma_wait3A_291 = tpu.memref_squeeze %dma_wait3A_290 : memref<1x128xi32, #tpu.memory_space<vmem>> -> memref<128xi32, #tpu.memory_space<vmem>>
            %dma_wait3A_292 = arith.constant 0 : i32
            %dma_wait3A_293 = arith.constant 0 : i32
            %dma_wait3A_294 = tpu.memref_slice %arg23[%dma_wait3A_292, %dma_wait3A_293] : memref<10240x16xf32, #tpu.memory_space<vmem_shared>> -> memref<10240x16xf32, #tpu.memory_space<vmem_shared>>
            tpu.wait_indirect_dma semaphore(%arg39 : memref<!tpu.dma_semaphore, #tpu.memory_space<semaphore_mem>>) src(%arg20 : memref<128x16xf32, #tpu.memory_space<vmem>>) dst(%dma_wait3A_294 : memref<10240x16xf32, #tpu.memory_space<vmem_shared>>)
          } else {
          }
          %add3A_280 = arith.constant 4 : i32
          %add3A_281 = arith.addi %scan3A_97, %add3A_280 : i32
          %dma_start3A_282 = arith.constant 0 : i32
          %dma_start3A_283 = tpu.memref_slice %arg9[%add3A_281, %dma_start3A_282] : memref<78x128xi32, #tpu.memory_space<vmem>> -> memref<1x128xi32, #tpu.memory_space<vmem>>
          %dma_start3A_284 = tpu.memref_squeeze %dma_start3A_283 : memref<1x128xi32, #tpu.memory_space<vmem>> -> memref<128xi32, #tpu.memory_space<vmem>>
          %dma_start3A_285 = arith.constant 0 : i32
          %dma_start3A_286 = arith.constant 0 : i32
          %dma_start3A_287 = tpu.memref_slice %arg2[%dma_start3A_285, %dma_start3A_286] : memref<10240x16xf32, #tpu.memory_space<hbm>> -> memref<10240x16xf32, #tpu.memory_space<hbm>>
          tpu.enqueue_indirect_dma source(%dma_start3A_287 : memref<10240x16xf32, #tpu.memory_space<hbm>>) target(%arg20 : memref<128x16xf32, #tpu.memory_space<vmem>>) offsets(%dma_start3A_284 : memref<128xi32, #tpu.memory_space<vmem>>) semaphore(%arg31 : memref<!tpu.dma_semaphore, #tpu.memory_space<semaphore_mem>>)
        } else {
        }
      } else {
      }
      %jit3A_173 = arith.constant 8 : i32
      %eq3A_174 = arith.constant 0 : i32
      %eq3A_175 = arith.cmpi eq, %jit3A_173, %eq3A_174 : i32
      %jit3A_176 = arith.constant 1 : i32
      %select_n3A_177 = arith.select %eq3A_175, %jit3A_176, %jit3A_173 : i32
      %rem3A_178 = arith.remsi %scan3A_97, %select_n3A_177 : i32
      %ne3A_179 = arith.constant 0 : i32
      %ne3A_180 = arith.cmpi ne, %rem3A_178, %ne3A_179 : i32
      %lt3A_181 = arith.constant 0 : i32
      %lt3A_182 = arith.cmpi slt, %rem3A_178, %lt3A_181 : i32
      %lt3A_183 = arith.constant 0 : i32
      %lt3A_184 = arith.cmpi slt, %select_n3A_177, %lt3A_183 : i32
      %ne3A_185 = arith.xori %lt3A_182, %lt3A_184 : i1
      %and3A_186 = arith.andi %ne3A_185, %ne3A_180 : i1
      %add3A_187 = arith.addi %rem3A_178, %select_n3A_177 : i32
      %select_n3A_188 = arith.select %and3A_186, %add3A_187, %rem3A_178 : i32
      %eq3A_189 = arith.constant 4 : i32
      %eq3A_190 = arith.cmpi eq, %select_n3A_188, %eq3A_189 : i32
      %convert_element_type3A_191 = arith.extui %eq3A_190 : i1 to i32
      %cond3A_192 = arith.constant 0 : i32
      %cond3A_193 = arith.cmpi ne, %convert_element_type3A_191, %cond3A_192 : i32
      scf.if %cond3A_193 {
        %dma_wait3A_257 = arith.constant 0 : i32
        %dma_wait3A_258 = tpu.memref_slice %arg9[%scan3A_97, %dma_wait3A_257] : memref<78x128xi32, #tpu.memory_space<vmem>> -> memref<1x128xi32, #tpu.memory_space<vmem>>
        %dma_wait3A_259 = tpu.memref_squeeze %dma_wait3A_258 : memref<1x128xi32, #tpu.memory_space<vmem>> -> memref<128xi32, #tpu.memory_space<vmem>>
        %dma_wait3A_260 = arith.constant 0 : i32
        %dma_wait3A_261 = arith.constant 0 : i32
        %dma_wait3A_262 = tpu.memref_slice %arg2[%dma_wait3A_260, %dma_wait3A_261] : memref<10240x16xf32, #tpu.memory_space<hbm>> -> memref<10240x16xf32, #tpu.memory_space<hbm>>
        tpu.wait_indirect_dma semaphore(%arg28 : memref<!tpu.dma_semaphore, #tpu.memory_space<semaphore_mem>>) src(%dma_wait3A_262 : memref<10240x16xf32, #tpu.memory_space<hbm>>) dst(%arg17 : memref<128x16xf32, #tpu.memory_space<vmem>>)
        %dma_start3A_263 = arith.constant 0 : i32
        %dma_start3A_264 = tpu.memref_slice %arg10[%scan3A_97, %dma_start3A_263] : memref<78x128xi32, #tpu.memory_space<vmem>> -> memref<1x128xi32, #tpu.memory_space<vmem>>
        %dma_start3A_265 = tpu.memref_squeeze %dma_start3A_264 : memref<1x128xi32, #tpu.memory_space<vmem>> -> memref<128xi32, #tpu.memory_space<vmem>>
        %dma_start3A_266 = arith.constant 0 : i32
        %dma_start3A_267 = arith.constant 0 : i32
        %dma_start3A_268 = tpu.memref_slice %arg23[%dma_start3A_266, %dma_start3A_267] : memref<10240x16xf32, #tpu.memory_space<vmem_shared>> -> memref<10240x16xf32, #tpu.memory_space<vmem_shared>>
        tpu.enqueue_indirect_dma source(%arg17 : memref<128x16xf32, #tpu.memory_space<vmem>>) target(%dma_start3A_268 : memref<10240x16xf32, #tpu.memory_space<vmem_shared>>) offsets(%dma_start3A_265 : memref<128xi32, #tpu.memory_space<vmem>>) semaphore(%arg36 : memref<!tpu.dma_semaphore, #tpu.memory_space<semaphore_mem>>) {add = true}
        %add3A_269 = arith.constant 4 : i32
        %add3A_270 = arith.addi %scan3A_97, %add3A_269 : i32
        %lt3A_271 = arith.constant 78 : i32
        %lt3A_272 = arith.cmpi slt, %add3A_270, %lt3A_271 : i32
        %convert_element_type3A_273 = arith.extui %lt3A_272 : i1 to i32
        %cond3A_274 = arith.constant 0 : i32
        %cond3A_275 = arith.cmpi ne, %convert_element_type3A_273, %cond3A_274 : i32
        scf.if %cond3A_275 {
          %ge3A = arith.constant 4 : i32
          %ge3A_276 = arith.cmpi sge, %scan3A_97, %ge3A : i32
          %convert_element_type3A_277 = arith.extui %ge3A_276 : i1 to i32
          %cond3A_278 = arith.constant 0 : i32
          %cond3A_279 = arith.cmpi ne, %convert_element_type3A_277, %cond3A_278 : i32
          scf.if %cond3A_279 {
            %sub3A = arith.constant 4 : i32
            %sub3A_288 = arith.subi %scan3A_97, %sub3A : i32
            %dma_wait3A_289 = arith.constant 0 : i32
            %dma_wait3A_290 = tpu.memref_slice %arg10[%sub3A_288, %dma_wait3A_289] : memref<78x128xi32, #tpu.memory_space<vmem>> -> memref<1x128xi32, #tpu.memory_space<vmem>>
            %dma_wait3A_291 = tpu.memref_squeeze %dma_wait3A_290 : memref<1x128xi32, #tpu.memory_space<vmem>> -> memref<128xi32, #tpu.memory_space<vmem>>
            %dma_wait3A_292 = arith.constant 0 : i32
            %dma_wait3A_293 = arith.constant 0 : i32
            %dma_wait3A_294 = tpu.memref_slice %arg23[%dma_wait3A_292, %dma_wait3A_293] : memref<10240x16xf32, #tpu.memory_space<vmem_shared>> -> memref<10240x16xf32, #tpu.memory_space<vmem_shared>>
            tpu.wait_indirect_dma semaphore(%arg32 : memref<!tpu.dma_semaphore, #tpu.memory_space<semaphore_mem>>) src(%arg13 : memref<128x16xf32, #tpu.memory_space<vmem>>) dst(%dma_wait3A_294 : memref<10240x16xf32, #tpu.memory_space<vmem_shared>>)
          } else {
          }
          %add3A_280 = arith.constant 4 : i32
          %add3A_281 = arith.addi %scan3A_97, %add3A_280 : i32
          %dma_start3A_282 = arith.constant 0 : i32
          %dma_start3A_283 = tpu.memref_slice %arg9[%add3A_281, %dma_start3A_282] : memref<78x128xi32, #tpu.memory_space<vmem>> -> memref<1x128xi32, #tpu.memory_space<vmem>>
          %dma_start3A_284 = tpu.memref_squeeze %dma_start3A_283 : memref<1x128xi32, #tpu.memory_space<vmem>> -> memref<128xi32, #tpu.memory_space<vmem>>
          %dma_start3A_285 = arith.constant 0 : i32
          %dma_start3A_286 = arith.constant 0 : i32
          %dma_start3A_287 = tpu.memref_slice %arg2[%dma_start3A_285, %dma_start3A_286] : memref<10240x16xf32, #tpu.memory_space<hbm>> -> memref<10240x16xf32, #tpu.memory_space<hbm>>
          tpu.enqueue_indirect_dma source(%dma_start3A_287 : memref<10240x16xf32, #tpu.memory_space<hbm>>) target(%arg13 : memref<128x16xf32, #tpu.memory_space<vmem>>) offsets(%dma_start3A_284 : memref<128xi32, #tpu.memory_space<vmem>>) semaphore(%arg24 : memref<!tpu.dma_semaphore, #tpu.memory_space<semaphore_mem>>)
        } else {
        }
      } else {
      }
      %jit3A_194 = arith.constant 8 : i32
      %eq3A_195 = arith.constant 0 : i32
      %eq3A_196 = arith.cmpi eq, %jit3A_194, %eq3A_195 : i32
      %jit3A_197 = arith.constant 1 : i32
      %select_n3A_198 = arith.select %eq3A_196, %jit3A_197, %jit3A_194 : i32
      %rem3A_199 = arith.remsi %scan3A_97, %select_n3A_198 : i32
      %ne3A_200 = arith.constant 0 : i32
      %ne3A_201 = arith.cmpi ne, %rem3A_199, %ne3A_200 : i32
      %lt3A_202 = arith.constant 0 : i32
      %lt3A_203 = arith.cmpi slt, %rem3A_199, %lt3A_202 : i32
      %lt3A_204 = arith.constant 0 : i32
      %lt3A_205 = arith.cmpi slt, %select_n3A_198, %lt3A_204 : i32
      %ne3A_206 = arith.xori %lt3A_203, %lt3A_205 : i1
      %and3A_207 = arith.andi %ne3A_206, %ne3A_201 : i1
      %add3A_208 = arith.addi %rem3A_199, %select_n3A_198 : i32
      %select_n3A_209 = arith.select %and3A_207, %add3A_208, %rem3A_199 : i32
      %eq3A_210 = arith.constant 5 : i32
      %eq3A_211 = arith.cmpi eq, %select_n3A_209, %eq3A_210 : i32
      %convert_element_type3A_212 = arith.extui %eq3A_211 : i1 to i32
      %cond3A_213 = arith.constant 0 : i32
      %cond3A_214 = arith.cmpi ne, %convert_element_type3A_212, %cond3A_213 : i32
      scf.if %cond3A_214 {
        %dma_wait3A_257 = arith.constant 0 : i32
        %dma_wait3A_258 = tpu.memref_slice %arg9[%scan3A_97, %dma_wait3A_257] : memref<78x128xi32, #tpu.memory_space<vmem>> -> memref<1x128xi32, #tpu.memory_space<vmem>>
        %dma_wait3A_259 = tpu.memref_squeeze %dma_wait3A_258 : memref<1x128xi32, #tpu.memory_space<vmem>> -> memref<128xi32, #tpu.memory_space<vmem>>
        %dma_wait3A_260 = arith.constant 0 : i32
        %dma_wait3A_261 = arith.constant 0 : i32
        %dma_wait3A_262 = tpu.memref_slice %arg2[%dma_wait3A_260, %dma_wait3A_261] : memref<10240x16xf32, #tpu.memory_space<hbm>> -> memref<10240x16xf32, #tpu.memory_space<hbm>>
        tpu.wait_indirect_dma semaphore(%arg29 : memref<!tpu.dma_semaphore, #tpu.memory_space<semaphore_mem>>) src(%dma_wait3A_262 : memref<10240x16xf32, #tpu.memory_space<hbm>>) dst(%arg18 : memref<128x16xf32, #tpu.memory_space<vmem>>)
        %dma_start3A_263 = arith.constant 0 : i32
        %dma_start3A_264 = tpu.memref_slice %arg10[%scan3A_97, %dma_start3A_263] : memref<78x128xi32, #tpu.memory_space<vmem>> -> memref<1x128xi32, #tpu.memory_space<vmem>>
        %dma_start3A_265 = tpu.memref_squeeze %dma_start3A_264 : memref<1x128xi32, #tpu.memory_space<vmem>> -> memref<128xi32, #tpu.memory_space<vmem>>
        %dma_start3A_266 = arith.constant 0 : i32
        %dma_start3A_267 = arith.constant 0 : i32
        %dma_start3A_268 = tpu.memref_slice %arg23[%dma_start3A_266, %dma_start3A_267] : memref<10240x16xf32, #tpu.memory_space<vmem_shared>> -> memref<10240x16xf32, #tpu.memory_space<vmem_shared>>
        tpu.enqueue_indirect_dma source(%arg18 : memref<128x16xf32, #tpu.memory_space<vmem>>) target(%dma_start3A_268 : memref<10240x16xf32, #tpu.memory_space<vmem_shared>>) offsets(%dma_start3A_265 : memref<128xi32, #tpu.memory_space<vmem>>) semaphore(%arg37 : memref<!tpu.dma_semaphore, #tpu.memory_space<semaphore_mem>>) {add = true}
        %add3A_269 = arith.constant 4 : i32
        %add3A_270 = arith.addi %scan3A_97, %add3A_269 : i32
        %lt3A_271 = arith.constant 78 : i32
        %lt3A_272 = arith.cmpi slt, %add3A_270, %lt3A_271 : i32
        %convert_element_type3A_273 = arith.extui %lt3A_272 : i1 to i32
        %cond3A_274 = arith.constant 0 : i32
        %cond3A_275 = arith.cmpi ne, %convert_element_type3A_273, %cond3A_274 : i32
        scf.if %cond3A_275 {
          %ge3A = arith.constant 4 : i32
          %ge3A_276 = arith.cmpi sge, %scan3A_97, %ge3A : i32
          %convert_element_type3A_277 = arith.extui %ge3A_276 : i1 to i32
          %cond3A_278 = arith.constant 0 : i32
          %cond3A_279 = arith.cmpi ne, %convert_element_type3A_277, %cond3A_278 : i32
          scf.if %cond3A_279 {
            %sub3A = arith.constant 4 : i32
            %sub3A_288 = arith.subi %scan3A_97, %sub3A : i32
            %dma_wait3A_289 = arith.constant 0 : i32
            %dma_wait3A_290 = tpu.memref_slice %arg10[%sub3A_288, %dma_wait3A_289] : memref<78x128xi32, #tpu.memory_space<vmem>> -> memref<1x128xi32, #tpu.memory_space<vmem>>
            %dma_wait3A_291 = tpu.memref_squeeze %dma_wait3A_290 : memref<1x128xi32, #tpu.memory_space<vmem>> -> memref<128xi32, #tpu.memory_space<vmem>>
            %dma_wait3A_292 = arith.constant 0 : i32
            %dma_wait3A_293 = arith.constant 0 : i32
            %dma_wait3A_294 = tpu.memref_slice %arg23[%dma_wait3A_292, %dma_wait3A_293] : memref<10240x16xf32, #tpu.memory_space<vmem_shared>> -> memref<10240x16xf32, #tpu.memory_space<vmem_shared>>
            tpu.wait_indirect_dma semaphore(%arg33 : memref<!tpu.dma_semaphore, #tpu.memory_space<semaphore_mem>>) src(%arg14 : memref<128x16xf32, #tpu.memory_space<vmem>>) dst(%dma_wait3A_294 : memref<10240x16xf32, #tpu.memory_space<vmem_shared>>)
          } else {
          }
          %add3A_280 = arith.constant 4 : i32
          %add3A_281 = arith.addi %scan3A_97, %add3A_280 : i32
          %dma_start3A_282 = arith.constant 0 : i32
          %dma_start3A_283 = tpu.memref_slice %arg9[%add3A_281, %dma_start3A_282] : memref<78x128xi32, #tpu.memory_space<vmem>> -> memref<1x128xi32, #tpu.memory_space<vmem>>
          %dma_start3A_284 = tpu.memref_squeeze %dma_start3A_283 : memref<1x128xi32, #tpu.memory_space<vmem>> -> memref<128xi32, #tpu.memory_space<vmem>>
          %dma_start3A_285 = arith.constant 0 : i32
          %dma_start3A_286 = arith.constant 0 : i32
          %dma_start3A_287 = tpu.memref_slice %arg2[%dma_start3A_285, %dma_start3A_286] : memref<10240x16xf32, #tpu.memory_space<hbm>> -> memref<10240x16xf32, #tpu.memory_space<hbm>>
          tpu.enqueue_indirect_dma source(%dma_start3A_287 : memref<10240x16xf32, #tpu.memory_space<hbm>>) target(%arg14 : memref<128x16xf32, #tpu.memory_space<vmem>>) offsets(%dma_start3A_284 : memref<128xi32, #tpu.memory_space<vmem>>) semaphore(%arg25 : memref<!tpu.dma_semaphore, #tpu.memory_space<semaphore_mem>>)
        } else {
        }
      } else {
      }
      %jit3A_215 = arith.constant 8 : i32
      %eq3A_216 = arith.constant 0 : i32
      %eq3A_217 = arith.cmpi eq, %jit3A_215, %eq3A_216 : i32
      %jit3A_218 = arith.constant 1 : i32
      %select_n3A_219 = arith.select %eq3A_217, %jit3A_218, %jit3A_215 : i32
      %rem3A_220 = arith.remsi %scan3A_97, %select_n3A_219 : i32
      %ne3A_221 = arith.constant 0 : i32
      %ne3A_222 = arith.cmpi ne, %rem3A_220, %ne3A_221 : i32
      %lt3A_223 = arith.constant 0 : i32
      %lt3A_224 = arith.cmpi slt, %rem3A_220, %lt3A_223 : i32
      %lt3A_225 = arith.constant 0 : i32
      %lt3A_226 = arith.cmpi slt, %select_n3A_219, %lt3A_225 : i32
      %ne3A_227 = arith.xori %lt3A_224, %lt3A_226 : i1
      %and3A_228 = arith.andi %ne3A_227, %ne3A_222 : i1
      %add3A_229 = arith.addi %rem3A_220, %select_n3A_219 : i32
      %select_n3A_230 = arith.select %and3A_228, %add3A_229, %rem3A_220 : i32
      %eq3A_231 = arith.constant 6 : i32
      %eq3A_232 = arith.cmpi eq, %select_n3A_230, %eq3A_231 : i32
      %convert_element_type3A_233 = arith.extui %eq3A_232 : i1 to i32
      %cond3A_234 = arith.constant 0 : i32
      %cond3A_235 = arith.cmpi ne, %convert_element_type3A_233, %cond3A_234 : i32
      scf.if %cond3A_235 {
        %dma_wait3A_257 = arith.constant 0 : i32
        %dma_wait3A_258 = tpu.memref_slice %arg9[%scan3A_97, %dma_wait3A_257] : memref<78x128xi32, #tpu.memory_space<vmem>> -> memref<1x128xi32, #tpu.memory_space<vmem>>
        %dma_wait3A_259 = tpu.memref_squeeze %dma_wait3A_258 : memref<1x128xi32, #tpu.memory_space<vmem>> -> memref<128xi32, #tpu.memory_space<vmem>>
        %dma_wait3A_260 = arith.constant 0 : i32
        %dma_wait3A_261 = arith.constant 0 : i32
        %dma_wait3A_262 = tpu.memref_slice %arg2[%dma_wait3A_260, %dma_wait3A_261] : memref<10240x16xf32, #tpu.memory_space<hbm>> -> memref<10240x16xf32, #tpu.memory_space<hbm>>
        tpu.wait_indirect_dma semaphore(%arg30 : memref<!tpu.dma_semaphore, #tpu.memory_space<semaphore_mem>>) src(%dma_wait3A_262 : memref<10240x16xf32, #tpu.memory_space<hbm>>) dst(%arg19 : memref<128x16xf32, #tpu.memory_space<vmem>>)
        %dma_start3A_263 = arith.constant 0 : i32
        %dma_start3A_264 = tpu.memref_slice %arg10[%scan3A_97, %dma_start3A_263] : memref<78x128xi32, #tpu.memory_space<vmem>> -> memref<1x128xi32, #tpu.memory_space<vmem>>
        %dma_start3A_265 = tpu.memref_squeeze %dma_start3A_264 : memref<1x128xi32, #tpu.memory_space<vmem>> -> memref<128xi32, #tpu.memory_space<vmem>>
        %dma_start3A_266 = arith.constant 0 : i32
        %dma_start3A_267 = arith.constant 0 : i32
        %dma_start3A_268 = tpu.memref_slice %arg23[%dma_start3A_266, %dma_start3A_267] : memref<10240x16xf32, #tpu.memory_space<vmem_shared>> -> memref<10240x16xf32, #tpu.memory_space<vmem_shared>>
        tpu.enqueue_indirect_dma source(%arg19 : memref<128x16xf32, #tpu.memory_space<vmem>>) target(%dma_start3A_268 : memref<10240x16xf32, #tpu.memory_space<vmem_shared>>) offsets(%dma_start3A_265 : memref<128xi32, #tpu.memory_space<vmem>>) semaphore(%arg38 : memref<!tpu.dma_semaphore, #tpu.memory_space<semaphore_mem>>) {add = true}
        %add3A_269 = arith.constant 4 : i32
        %add3A_270 = arith.addi %scan3A_97, %add3A_269 : i32
        %lt3A_271 = arith.constant 78 : i32
        %lt3A_272 = arith.cmpi slt, %add3A_270, %lt3A_271 : i32
        %convert_element_type3A_273 = arith.extui %lt3A_272 : i1 to i32
        %cond3A_274 = arith.constant 0 : i32
        %cond3A_275 = arith.cmpi ne, %convert_element_type3A_273, %cond3A_274 : i32
        scf.if %cond3A_275 {
          %ge3A = arith.constant 4 : i32
          %ge3A_276 = arith.cmpi sge, %scan3A_97, %ge3A : i32
          %convert_element_type3A_277 = arith.extui %ge3A_276 : i1 to i32
          %cond3A_278 = arith.constant 0 : i32
          %cond3A_279 = arith.cmpi ne, %convert_element_type3A_277, %cond3A_278 : i32
          scf.if %cond3A_279 {
            %sub3A = arith.constant 4 : i32
            %sub3A_288 = arith.subi %scan3A_97, %sub3A : i32
            %dma_wait3A_289 = arith.constant 0 : i32
            %dma_wait3A_290 = tpu.memref_slice %arg10[%sub3A_288, %dma_wait3A_289] : memref<78x128xi32, #tpu.memory_space<vmem>> -> memref<1x128xi32, #tpu.memory_space<vmem>>
            %dma_wait3A_291 = tpu.memref_squeeze %dma_wait3A_290 : memref<1x128xi32, #tpu.memory_space<vmem>> -> memref<128xi32, #tpu.memory_space<vmem>>
            %dma_wait3A_292 = arith.constant 0 : i32
            %dma_wait3A_293 = arith.constant 0 : i32
            %dma_wait3A_294 = tpu.memref_slice %arg23[%dma_wait3A_292, %dma_wait3A_293] : memref<10240x16xf32, #tpu.memory_space<vmem_shared>> -> memref<10240x16xf32, #tpu.memory_space<vmem_shared>>
            tpu.wait_indirect_dma semaphore(%arg34 : memref<!tpu.dma_semaphore, #tpu.memory_space<semaphore_mem>>) src(%arg15 : memref<128x16xf32, #tpu.memory_space<vmem>>) dst(%dma_wait3A_294 : memref<10240x16xf32, #tpu.memory_space<vmem_shared>>)
          } else {
          }
          %add3A_280 = arith.constant 4 : i32
          %add3A_281 = arith.addi %scan3A_97, %add3A_280 : i32
          %dma_start3A_282 = arith.constant 0 : i32
          %dma_start3A_283 = tpu.memref_slice %arg9[%add3A_281, %dma_start3A_282] : memref<78x128xi32, #tpu.memory_space<vmem>> -> memref<1x128xi32, #tpu.memory_space<vmem>>
          %dma_start3A_284 = tpu.memref_squeeze %dma_start3A_283 : memref<1x128xi32, #tpu.memory_space<vmem>> -> memref<128xi32, #tpu.memory_space<vmem>>
          %dma_start3A_285 = arith.constant 0 : i32
          %dma_start3A_286 = arith.constant 0 : i32
          %dma_start3A_287 = tpu.memref_slice %arg2[%dma_start3A_285, %dma_start3A_286] : memref<10240x16xf32, #tpu.memory_space<hbm>> -> memref<10240x16xf32, #tpu.memory_space<hbm>>
          tpu.enqueue_indirect_dma source(%dma_start3A_287 : memref<10240x16xf32, #tpu.memory_space<hbm>>) target(%arg15 : memref<128x16xf32, #tpu.memory_space<vmem>>) offsets(%dma_start3A_284 : memref<128xi32, #tpu.memory_space<vmem>>) semaphore(%arg26 : memref<!tpu.dma_semaphore, #tpu.memory_space<semaphore_mem>>)
        } else {
        }
      } else {
      }
      %jit3A_236 = arith.constant 8 : i32
      %eq3A_237 = arith.constant 0 : i32
      %eq3A_238 = arith.cmpi eq, %jit3A_236, %eq3A_237 : i32
      %jit3A_239 = arith.constant 1 : i32
      %select_n3A_240 = arith.select %eq3A_238, %jit3A_239, %jit3A_236 : i32
      %rem3A_241 = arith.remsi %scan3A_97, %select_n3A_240 : i32
      %ne3A_242 = arith.constant 0 : i32
      %ne3A_243 = arith.cmpi ne, %rem3A_241, %ne3A_242 : i32
      %lt3A_244 = arith.constant 0 : i32
      %lt3A_245 = arith.cmpi slt, %rem3A_241, %lt3A_244 : i32
      %lt3A_246 = arith.constant 0 : i32
      %lt3A_247 = arith.cmpi slt, %select_n3A_240, %lt3A_246 : i32
      %ne3A_248 = arith.xori %lt3A_245, %lt3A_247 : i1
      %and3A_249 = arith.andi %ne3A_248, %ne3A_243 : i1
      %add3A_250 = arith.addi %rem3A_241, %select_n3A_240 : i32
      %select_n3A_251 = arith.select %and3A_249, %add3A_250, %rem3A_241 : i32
      %eq3A_252 = arith.constant 7 : i32
      %eq3A_253 = arith.cmpi eq, %select_n3A_251, %eq3A_252 : i32
      %convert_element_type3A_254 = arith.extui %eq3A_253 : i1 to i32
      %cond3A_255 = arith.constant 0 : i32
      %cond3A_256 = arith.cmpi ne, %convert_element_type3A_254, %cond3A_255 : i32
      scf.if %cond3A_256 {
        %dma_wait3A_257 = arith.constant 0 : i32
        %dma_wait3A_258 = tpu.memref_slice %arg9[%scan3A_97, %dma_wait3A_257] : memref<78x128xi32, #tpu.memory_space<vmem>> -> memref<1x128xi32, #tpu.memory_space<vmem>>
        %dma_wait3A_259 = tpu.memref_squeeze %dma_wait3A_258 : memref<1x128xi32, #tpu.memory_space<vmem>> -> memref<128xi32, #tpu.memory_space<vmem>>
        %dma_wait3A_260 = arith.constant 0 : i32
        %dma_wait3A_261 = arith.constant 0 : i32
        %dma_wait3A_262 = tpu.memref_slice %arg2[%dma_wait3A_260, %dma_wait3A_261] : memref<10240x16xf32, #tpu.memory_space<hbm>> -> memref<10240x16xf32, #tpu.memory_space<hbm>>
        tpu.wait_indirect_dma semaphore(%arg31 : memref<!tpu.dma_semaphore, #tpu.memory_space<semaphore_mem>>) src(%dma_wait3A_262 : memref<10240x16xf32, #tpu.memory_space<hbm>>) dst(%arg20 : memref<128x16xf32, #tpu.memory_space<vmem>>)
        %dma_start3A_263 = arith.constant 0 : i32
        %dma_start3A_264 = tpu.memref_slice %arg10[%scan3A_97, %dma_start3A_263] : memref<78x128xi32, #tpu.memory_space<vmem>> -> memref<1x128xi32, #tpu.memory_space<vmem>>
        %dma_start3A_265 = tpu.memref_squeeze %dma_start3A_264 : memref<1x128xi32, #tpu.memory_space<vmem>> -> memref<128xi32, #tpu.memory_space<vmem>>
        %dma_start3A_266 = arith.constant 0 : i32
        %dma_start3A_267 = arith.constant 0 : i32
        %dma_start3A_268 = tpu.memref_slice %arg23[%dma_start3A_266, %dma_start3A_267] : memref<10240x16xf32, #tpu.memory_space<vmem_shared>> -> memref<10240x16xf32, #tpu.memory_space<vmem_shared>>
        tpu.enqueue_indirect_dma source(%arg20 : memref<128x16xf32, #tpu.memory_space<vmem>>) target(%dma_start3A_268 : memref<10240x16xf32, #tpu.memory_space<vmem_shared>>) offsets(%dma_start3A_265 : memref<128xi32, #tpu.memory_space<vmem>>) semaphore(%arg39 : memref<!tpu.dma_semaphore, #tpu.memory_space<semaphore_mem>>) {add = true}
        %add3A_269 = arith.constant 4 : i32
        %add3A_270 = arith.addi %scan3A_97, %add3A_269 : i32
        %lt3A_271 = arith.constant 78 : i32
        %lt3A_272 = arith.cmpi slt, %add3A_270, %lt3A_271 : i32
        %convert_element_type3A_273 = arith.extui %lt3A_272 : i1 to i32
        %cond3A_274 = arith.constant 0 : i32
        %cond3A_275 = arith.cmpi ne, %convert_element_type3A_273, %cond3A_274 : i32
        scf.if %cond3A_275 {
          %ge3A = arith.constant 4 : i32
          %ge3A_276 = arith.cmpi sge, %scan3A_97, %ge3A : i32
          %convert_element_type3A_277 = arith.extui %ge3A_276 : i1 to i32
          %cond3A_278 = arith.constant 0 : i32
          %cond3A_279 = arith.cmpi ne, %convert_element_type3A_277, %cond3A_278 : i32
          scf.if %cond3A_279 {
            %sub3A = arith.constant 4 : i32
            %sub3A_288 = arith.subi %scan3A_97, %sub3A : i32
            %dma_wait3A_289 = arith.constant 0 : i32
            %dma_wait3A_290 = tpu.memref_slice %arg10[%sub3A_288, %dma_wait3A_289] : memref<78x128xi32, #tpu.memory_space<vmem>> -> memref<1x128xi32, #tpu.memory_space<vmem>>
            %dma_wait3A_291 = tpu.memref_squeeze %dma_wait3A_290 : memref<1x128xi32, #tpu.memory_space<vmem>> -> memref<128xi32, #tpu.memory_space<vmem>>
            %dma_wait3A_292 = arith.constant 0 : i32
            %dma_wait3A_293 = arith.constant 0 : i32
            %dma_wait3A_294 = tpu.memref_slice %arg23[%dma_wait3A_292, %dma_wait3A_293] : memref<10240x16xf32, #tpu.memory_space<vmem_shared>> -> memref<10240x16xf32, #tpu.memory_space<vmem_shared>>
            tpu.wait_indirect_dma semaphore(%arg35 : memref<!tpu.dma_semaphore, #tpu.memory_space<semaphore_mem>>) src(%arg16 : memref<128x16xf32, #tpu.memory_space<vmem>>) dst(%dma_wait3A_294 : memref<10240x16xf32, #tpu.memory_space<vmem_shared>>)
          } else {
          }
          %add3A_280 = arith.constant 4 : i32
          %add3A_281 = arith.addi %scan3A_97, %add3A_280 : i32
          %dma_start3A_282 = arith.constant 0 : i32
          %dma_start3A_283 = tpu.memref_slice %arg9[%add3A_281, %dma_start3A_282] : memref<78x128xi32, #tpu.memory_space<vmem>> -> memref<1x128xi32, #tpu.memory_space<vmem>>
          %dma_start3A_284 = tpu.memref_squeeze %dma_start3A_283 : memref<1x128xi32, #tpu.memory_space<vmem>> -> memref<128xi32, #tpu.memory_space<vmem>>
          %dma_start3A_285 = arith.constant 0 : i32
          %dma_start3A_286 = arith.constant 0 : i32
          %dma_start3A_287 = tpu.memref_slice %arg2[%dma_start3A_285, %dma_start3A_286] : memref<10240x16xf32, #tpu.memory_space<hbm>> -> memref<10240x16xf32, #tpu.memory_space<hbm>>
          tpu.enqueue_indirect_dma source(%dma_start3A_287 : memref<10240x16xf32, #tpu.memory_space<hbm>>) target(%arg16 : memref<128x16xf32, #tpu.memory_space<vmem>>) offsets(%dma_start3A_284 : memref<128xi32, #tpu.memory_space<vmem>>) semaphore(%arg27 : memref<!tpu.dma_semaphore, #tpu.memory_space<semaphore_mem>>)
        } else {
        }
      } else {
      }
    }
    %scan3A_34 = arith.constant 78 : i32
    %dma_wait3A = arith.constant 70 : i32
    %dma_wait3A_35 = arith.constant 0 : i32
    %dma_wait3A_36 = tpu.memref_slice %arg10[%dma_wait3A, %dma_wait3A_35] : memref<78x128xi32, #tpu.memory_space<vmem>> -> memref<1x128xi32, #tpu.memory_space<vmem>>
    %dma_wait3A_37 = tpu.memref_squeeze %dma_wait3A_36 : memref<1x128xi32, #tpu.memory_space<vmem>> -> memref<128xi32, #tpu.memory_space<vmem>>
    %dma_wait3A_38 = arith.constant 0 : i32
    %dma_wait3A_39 = arith.constant 0 : i32
    %dma_wait3A_40 = tpu.memref_slice %arg23[%dma_wait3A_38, %dma_wait3A_39] : memref<10240x16xf32, #tpu.memory_space<vmem_shared>> -> memref<10240x16xf32, #tpu.memory_space<vmem_shared>>
    tpu.wait_indirect_dma semaphore(%arg38 : memref<!tpu.dma_semaphore, #tpu.memory_space<semaphore_mem>>) src(%arg19 : memref<128x16xf32, #tpu.memory_space<vmem>>) dst(%dma_wait3A_40 : memref<10240x16xf32, #tpu.memory_space<vmem_shared>>)
    %dma_wait3A_41 = arith.constant 71 : i32
    %dma_wait3A_42 = arith.constant 0 : i32
    %dma_wait3A_43 = tpu.memref_slice %arg10[%dma_wait3A_41, %dma_wait3A_42] : memref<78x128xi32, #tpu.memory_space<vmem>> -> memref<1x128xi32, #tpu.memory_space<vmem>>
    %dma_wait3A_44 = tpu.memref_squeeze %dma_wait3A_43 : memref<1x128xi32, #tpu.memory_space<vmem>> -> memref<128xi32, #tpu.memory_space<vmem>>
    %dma_wait3A_45 = arith.constant 0 : i32
    %dma_wait3A_46 = arith.constant 0 : i32
    %dma_wait3A_47 = tpu.memref_slice %arg23[%dma_wait3A_45, %dma_wait3A_46] : memref<10240x16xf32, #tpu.memory_space<vmem_shared>> -> memref<10240x16xf32, #tpu.memory_space<vmem_shared>>
    tpu.wait_indirect_dma semaphore(%arg39 : memref<!tpu.dma_semaphore, #tpu.memory_space<semaphore_mem>>) src(%arg20 : memref<128x16xf32, #tpu.memory_space<vmem>>) dst(%dma_wait3A_47 : memref<10240x16xf32, #tpu.memory_space<vmem_shared>>)
    %dma_wait3A_48 = arith.constant 72 : i32
    %dma_wait3A_49 = arith.constant 0 : i32
    %dma_wait3A_50 = tpu.memref_slice %arg10[%dma_wait3A_48, %dma_wait3A_49] : memref<78x128xi32, #tpu.memory_space<vmem>> -> memref<1x128xi32, #tpu.memory_space<vmem>>
    %dma_wait3A_51 = tpu.memref_squeeze %dma_wait3A_50 : memref<1x128xi32, #tpu.memory_space<vmem>> -> memref<128xi32, #tpu.memory_space<vmem>>
    %dma_wait3A_52 = arith.constant 0 : i32
    %dma_wait3A_53 = arith.constant 0 : i32
    %dma_wait3A_54 = tpu.memref_slice %arg23[%dma_wait3A_52, %dma_wait3A_53] : memref<10240x16xf32, #tpu.memory_space<vmem_shared>> -> memref<10240x16xf32, #tpu.memory_space<vmem_shared>>
    tpu.wait_indirect_dma semaphore(%arg32 : memref<!tpu.dma_semaphore, #tpu.memory_space<semaphore_mem>>) src(%arg13 : memref<128x16xf32, #tpu.memory_space<vmem>>) dst(%dma_wait3A_54 : memref<10240x16xf32, #tpu.memory_space<vmem_shared>>)
    %dma_wait3A_55 = arith.constant 73 : i32
    %dma_wait3A_56 = arith.constant 0 : i32
    %dma_wait3A_57 = tpu.memref_slice %arg10[%dma_wait3A_55, %dma_wait3A_56] : memref<78x128xi32, #tpu.memory_space<vmem>> -> memref<1x128xi32, #tpu.memory_space<vmem>>
    %dma_wait3A_58 = tpu.memref_squeeze %dma_wait3A_57 : memref<1x128xi32, #tpu.memory_space<vmem>> -> memref<128xi32, #tpu.memory_space<vmem>>
    %dma_wait3A_59 = arith.constant 0 : i32
    %dma_wait3A_60 = arith.constant 0 : i32
    %dma_wait3A_61 = tpu.memref_slice %arg23[%dma_wait3A_59, %dma_wait3A_60] : memref<10240x16xf32, #tpu.memory_space<vmem_shared>> -> memref<10240x16xf32, #tpu.memory_space<vmem_shared>>
    tpu.wait_indirect_dma semaphore(%arg33 : memref<!tpu.dma_semaphore, #tpu.memory_space<semaphore_mem>>) src(%arg14 : memref<128x16xf32, #tpu.memory_space<vmem>>) dst(%dma_wait3A_61 : memref<10240x16xf32, #tpu.memory_space<vmem_shared>>)
    %dma_wait3A_62 = arith.constant 74 : i32
    %dma_wait3A_63 = arith.constant 0 : i32
    %dma_wait3A_64 = tpu.memref_slice %arg10[%dma_wait3A_62, %dma_wait3A_63] : memref<78x128xi32, #tpu.memory_space<vmem>> -> memref<1x128xi32, #tpu.memory_space<vmem>>
    %dma_wait3A_65 = tpu.memref_squeeze %dma_wait3A_64 : memref<1x128xi32, #tpu.memory_space<vmem>> -> memref<128xi32, #tpu.memory_space<vmem>>
    %dma_wait3A_66 = arith.constant 0 : i32
    %dma_wait3A_67 = arith.constant 0 : i32
    %dma_wait3A_68 = tpu.memref_slice %arg23[%dma_wait3A_66, %dma_wait3A_67] : memref<10240x16xf32, #tpu.memory_space<vmem_shared>> -> memref<10240x16xf32, #tpu.memory_space<vmem_shared>>
    tpu.wait_indirect_dma semaphore(%arg34 : memref<!tpu.dma_semaphore, #tpu.memory_space<semaphore_mem>>) src(%arg15 : memref<128x16xf32, #tpu.memory_space<vmem>>) dst(%dma_wait3A_68 : memref<10240x16xf32, #tpu.memory_space<vmem_shared>>)
    %dma_wait3A_69 = arith.constant 75 : i32
    %dma_wait3A_70 = arith.constant 0 : i32
    %dma_wait3A_71 = tpu.memref_slice %arg10[%dma_wait3A_69, %dma_wait3A_70] : memref<78x128xi32, #tpu.memory_space<vmem>> -> memref<1x128xi32, #tpu.memory_space<vmem>>
    %dma_wait3A_72 = tpu.memref_squeeze %dma_wait3A_71 : memref<1x128xi32, #tpu.memory_space<vmem>> -> memref<128xi32, #tpu.memory_space<vmem>>
    %dma_wait3A_73 = arith.constant 0 : i32
    %dma_wait3A_74 = arith.constant 0 : i32
    %dma_wait3A_75 = tpu.memref_slice %arg23[%dma_wait3A_73, %dma_wait3A_74] : memref<10240x16xf32, #tpu.memory_space<vmem_shared>> -> memref<10240x16xf32, #tpu.memory_space<vmem_shared>>
    tpu.wait_indirect_dma semaphore(%arg35 : memref<!tpu.dma_semaphore, #tpu.memory_space<semaphore_mem>>) src(%arg16 : memref<128x16xf32, #tpu.memory_space<vmem>>) dst(%dma_wait3A_75 : memref<10240x16xf32, #tpu.memory_space<vmem_shared>>)
    %dma_wait3A_76 = arith.constant 76 : i32
    %dma_wait3A_77 = arith.constant 0 : i32
    %dma_wait3A_78 = tpu.memref_slice %arg10[%dma_wait3A_76, %dma_wait3A_77] : memref<78x128xi32, #tpu.memory_space<vmem>> -> memref<1x128xi32, #tpu.memory_space<vmem>>
    %dma_wait3A_79 = tpu.memref_squeeze %dma_wait3A_78 : memref<1x128xi32, #tpu.memory_space<vmem>> -> memref<128xi32, #tpu.memory_space<vmem>>
    %dma_wait3A_80 = arith.constant 0 : i32
    %dma_wait3A_81 = arith.constant 0 : i32
    %dma_wait3A_82 = tpu.memref_slice %arg23[%dma_wait3A_80, %dma_wait3A_81] : memref<10240x16xf32, #tpu.memory_space<vmem_shared>> -> memref<10240x16xf32, #tpu.memory_space<vmem_shared>>
    tpu.wait_indirect_dma semaphore(%arg36 : memref<!tpu.dma_semaphore, #tpu.memory_space<semaphore_mem>>) src(%arg17 : memref<128x16xf32, #tpu.memory_space<vmem>>) dst(%dma_wait3A_82 : memref<10240x16xf32, #tpu.memory_space<vmem_shared>>)
    %dma_wait3A_83 = arith.constant 77 : i32
    %dma_wait3A_84 = arith.constant 0 : i32
    %dma_wait3A_85 = tpu.memref_slice %arg10[%dma_wait3A_83, %dma_wait3A_84] : memref<78x128xi32, #tpu.memory_space<vmem>> -> memref<1x128xi32, #tpu.memory_space<vmem>>
    %dma_wait3A_86 = tpu.memref_squeeze %dma_wait3A_85 : memref<1x128xi32, #tpu.memory_space<vmem>> -> memref<128xi32, #tpu.memory_space<vmem>>
    %dma_wait3A_87 = arith.constant 0 : i32
    %dma_wait3A_88 = arith.constant 0 : i32
    %dma_wait3A_89 = tpu.memref_slice %arg23[%dma_wait3A_87, %dma_wait3A_88] : memref<10240x16xf32, #tpu.memory_space<vmem_shared>> -> memref<10240x16xf32, #tpu.memory_space<vmem_shared>>
    tpu.wait_indirect_dma semaphore(%arg37 : memref<!tpu.dma_semaphore, #tpu.memory_space<semaphore_mem>>) src(%arg18 : memref<128x16xf32, #tpu.memory_space<vmem>>) dst(%dma_wait3A_89 : memref<10240x16xf32, #tpu.memory_space<vmem_shared>>)
    %dma_start3A_90 = arith.constant 0 : i32
    %dma_start3A_91 = arith.constant 0 : i32
    %dma_start3A_92 = tpu.memref_slice %arg2[%dma_start3A_90, %dma_start3A_91] : memref<10240x16xf32, #tpu.memory_space<hbm>> -> memref<10240x16xf32, #tpu.memory_space<hbm>>
    tpu.enqueue_indirect_dma source(%dma_start3A_92 : memref<10240x16xf32, #tpu.memory_space<hbm>>) target(%arg21 : memref<16x16xf32, #tpu.memory_space<vmem>>) offsets(%arg11 : memref<16xi32, #tpu.memory_space<vmem>>) semaphore(%arg24 : memref<!tpu.dma_semaphore, #tpu.memory_space<semaphore_mem>>)
    %dma_wait3A_93 = arith.constant 0 : i32
    %dma_wait3A_94 = arith.constant 0 : i32
    %dma_wait3A_95 = tpu.memref_slice %arg2[%dma_wait3A_93, %dma_wait3A_94] : memref<10240x16xf32, #tpu.memory_space<hbm>> -> memref<10240x16xf32, #tpu.memory_space<hbm>>
    tpu.wait_indirect_dma semaphore(%arg24 : memref<!tpu.dma_semaphore, #tpu.memory_space<semaphore_mem>>) src(%dma_wait3A_95 : memref<10240x16xf32, #tpu.memory_space<hbm>>) dst(%arg21 : memref<16x16xf32, #tpu.memory_space<vmem>>)
    "tpu.region"() ({
      %run_scoped3A = tpu.sem_alloc : memref<!tpu.dma_semaphore, #tpu.memory_space<semaphore_mem>>
      %dma_start3A_97 = arith.constant 0 : i32
      %dma_start3A_98 = arith.constant 0 : i32
      %dma_start3A_99 = tpu.memref_slice %arg23[%dma_start3A_97, %dma_start3A_98] : memref<10240x16xf32, #tpu.memory_space<vmem_shared>> -> memref<10240x16xf32, #tpu.memory_space<vmem_shared>>
      tpu.enqueue_indirect_dma source(%arg21 : memref<16x16xf32, #tpu.memory_space<vmem>>) target(%dma_start3A_99 : memref<10240x16xf32, #tpu.memory_space<vmem_shared>>) offsets(%arg12 : memref<16xi32, #tpu.memory_space<vmem>>) semaphore(%run_scoped3A : memref<!tpu.dma_semaphore, #tpu.memory_space<semaphore_mem>>) {add = true}
      %dma_wait3A_100 = arith.constant 0 : i32
      %dma_wait3A_101 = arith.constant 0 : i32
      %dma_wait3A_102 = tpu.memref_slice %arg23[%dma_wait3A_100, %dma_wait3A_101] : memref<10240x16xf32, #tpu.memory_space<vmem_shared>> -> memref<10240x16xf32, #tpu.memory_space<vmem_shared>>
      tpu.wait_indirect_dma semaphore(%run_scoped3A : memref<!tpu.dma_semaphore, #tpu.memory_space<semaphore_mem>>) src(%arg21 : memref<16x16xf32, #tpu.memory_space<vmem>>) dst(%dma_wait3A_102 : memref<10240x16xf32, #tpu.memory_space<vmem_shared>>)
      tpu.yield
    }) : () -> ()
    %barrier3A_96 = arith.constant 0 : index
    tpu.barrier barrier_id(%barrier3A_96)
    "tpu.region"() ({
      %run_scoped3A = tpu.sem_alloc : memref<!tpu.dma_semaphore, #tpu.memory_space<semaphore_mem>>
      %dma_start3A_97 = arith.constant 0 : i32
      %dma_start3A_98 = tpu.memref_slice %arg23[%mul3A_2, %dma_start3A_97] : memref<10240x16xf32, #tpu.memory_space<vmem_shared>> -> memref<640x16xf32, #tpu.memory_space<vmem_shared>>
      %dma_start3A_99 = arith.constant 0 : i32
      %dma_start3A_100 = tpu.memref_slice %arg23[%mul3A_2, %dma_start3A_99] : memref<10240x16xf32, #tpu.memory_space<vmem_shared>> -> memref<640x16xf32, #tpu.memory_space<vmem_shared>>
      tpu.enqueue_dma source(%dma_start3A_100 : memref<640x16xf32, #tpu.memory_space<vmem_shared>>) target(%arg22 : memref<640x16xf32, #tpu.memory_space<vmem>>) target_semaphore(%run_scoped3A : memref<!tpu.dma_semaphore, #tpu.memory_space<semaphore_mem>>)
      %dma_wait3A_101 = arith.constant 0 : i32
      %dma_wait3A_102 = tpu.memref_slice %arg23[%mul3A_2, %dma_wait3A_101] : memref<10240x16xf32, #tpu.memory_space<vmem_shared>> -> memref<640x16xf32, #tpu.memory_space<vmem_shared>>
      %dma_wait3A_103 = arith.constant 0 : i32
      %dma_wait3A_104 = tpu.memref_slice %arg23[%mul3A_2, %dma_wait3A_103] : memref<10240x16xf32, #tpu.memory_space<vmem_shared>> -> memref<640x16xf32, #tpu.memory_space<vmem_shared>>
      tpu.wait_dma2 semaphore(%run_scoped3A : memref<!tpu.dma_semaphore, #tpu.memory_space<semaphore_mem>>) src(%dma_wait3A_104 : memref<640x16xf32, #tpu.memory_space<vmem_shared>>) dst(%arg22 : memref<640x16xf32, #tpu.memory_space<vmem>>)
      tpu.yield
    }) : () -> ()
    "tpu.region"() ({
      %run_scoped3A = tpu.sem_alloc : memref<!tpu.dma_semaphore, #tpu.memory_space<semaphore_mem>>
      %dma_start3A_97 = arith.constant 0 : i32
      %dma_start3A_98 = tpu.memref_slice %arg8[%arg0, %mul3A_2, %dma_start3A_97] : memref<2x10240x16xf32, #tpu.memory_space<hbm>> -> memref<1x640x16xf32, #tpu.memory_space<hbm>>
      %dma_start3A_99 = tpu.memref_squeeze %dma_start3A_98 : memref<1x640x16xf32, #tpu.memory_space<hbm>> -> memref<640x16xf32, #tpu.memory_space<hbm>>
      %dma_start3A_100 = arith.constant 0 : i32
      %dma_start3A_101 = tpu.memref_slice %arg8[%arg0, %mul3A_2, %dma_start3A_100] : memref<2x10240x16xf32, #tpu.memory_space<hbm>> -> memref<1x640x16xf32, #tpu.memory_space<hbm>>
      %dma_start3A_102 = tpu.memref_squeeze %dma_start3A_101 : memref<1x640x16xf32, #tpu.memory_space<hbm>> -> memref<640x16xf32, #tpu.memory_space<hbm>>
      tpu.enqueue_dma source(%arg22 : memref<640x16xf32, #tpu.memory_space<vmem>>) target(%dma_start3A_102 : memref<640x16xf32, #tpu.memory_space<hbm>>) target_semaphore(%run_scoped3A : memref<!tpu.dma_semaphore, #tpu.memory_space<semaphore_mem>>)
      %dma_wait3A_103 = arith.constant 0 : i32
      %dma_wait3A_104 = tpu.memref_slice %arg8[%arg0, %mul3A_2, %dma_wait3A_103] : memref<2x10240x16xf32, #tpu.memory_space<hbm>> -> memref<1x640x16xf32, #tpu.memory_space<hbm>>
      %dma_wait3A_105 = tpu.memref_squeeze %dma_wait3A_104 : memref<1x640x16xf32, #tpu.memory_space<hbm>> -> memref<640x16xf32, #tpu.memory_space<hbm>>
      %dma_wait3A_106 = arith.constant 0 : i32
      %dma_wait3A_107 = tpu.memref_slice %arg8[%arg0, %mul3A_2, %dma_wait3A_106] : memref<2x10240x16xf32, #tpu.memory_space<hbm>> -> memref<1x640x16xf32, #tpu.memory_space<hbm>>
      %dma_wait3A_108 = tpu.memref_squeeze %dma_wait3A_107 : memref<1x640x16xf32, #tpu.memory_space<hbm>> -> memref<640x16xf32, #tpu.memory_space<hbm>>
      tpu.wait_dma2 semaphore(%run_scoped3A : memref<!tpu.dma_semaphore, #tpu.memory_space<semaphore_mem>>) src(%arg22 : memref<640x16xf32, #tpu.memory_space<vmem>>) dst(%dma_wait3A_108 : memref<640x16xf32, #tpu.memory_space<hbm>>)
      tpu.yield
    }) : () -> ()
    return
  }
}

#map = affine_map<(d0, d1) -> (0, 0, 0)>
#map1 = affine_map<(d0, d1) -> (0, 0)>
#map2 = affine_map<(d0, d1) -> (0)>
module attributes {stable_mosaic.version = 14 : i64} {
  func.func @_deg_kernel(%arg0: i32, %arg1: i32, %arg2: memref<32x78x128xi32, #tpu.memory_space<hbm>>, %arg3: memref<32x78x128xi32, #tpu.memory_space<hbm>>, %arg4: memref<32x16xi32, #tpu.memory_space<hbm>>, %arg5: memref<32x16xi32, #tpu.memory_space<hbm>>, %arg6: memref<128xf32, #tpu.memory_space<hbm>>, %arg7: memref<10240xf32, #tpu.memory_space<hbm>>, %arg8: memref<2x2x10240xf32, #tpu.memory_space<hbm>>, %arg9: memref<78x128xi32, #tpu.memory_space<vmem>>, %arg10: memref<78x128xi32, #tpu.memory_space<vmem>>, %arg11: memref<16xi32, #tpu.memory_space<vmem>>, %arg12: memref<16xi32, #tpu.memory_space<vmem>>, %arg13: memref<128xf32, #tpu.memory_space<vmem>>, %arg14: memref<640xf32, #tpu.memory_space<vmem>>, %arg15: memref<10240xf32, #tpu.memory_space<vmem_shared>>, %arg16: memref<10240xf32, #tpu.memory_space<vmem_shared>>, %arg17: memref<!tpu.dma_semaphore, #tpu.memory_space<semaphore_mem>>, %arg18: memref<!tpu.dma_semaphore, #tpu.memory_space<semaphore_mem>>) attributes {dimension_semantics = [#tpu.dimension_semantics<core_parallel>, #tpu.dimension_semantics<subcore_parallel>], iteration_bounds = array<i64: 2, 16>, scalar_prefetch = 0 : i64, scratch_operands = 10 : i64, tpu.core_type = #tpu.core_type<sc_vector_subcore>, window_params = [{transform_indices = #map}, {transform_indices = #map}, {transform_indices = #map1}, {transform_indices = #map1}, {transform_indices = #map2}, {transform_indices = #map2}, {transform_indices = #map}]} {
    %mul3A = arith.constant 2 : i32
    %mul3A_0 = arith.muli %arg1, %mul3A : i32
    %add3A = arith.addi %mul3A_0, %arg0 : i32
    %mul3A_1 = arith.constant 640 : i32
    %mul3A_2 = arith.muli %arg1, %mul3A_1 : i32
    "tpu.region"() ({
      %run_scoped3A_16 = tpu.sem_alloc : memref<!tpu.dma_semaphore, #tpu.memory_space<semaphore_mem>>
      tpu.enqueue_dma source(%arg6 : memref<128xf32, #tpu.memory_space<hbm>>) target(%arg13 : memref<128xf32, #tpu.memory_space<vmem>>) target_semaphore(%run_scoped3A_16 : memref<!tpu.dma_semaphore, #tpu.memory_space<semaphore_mem>>)
      tpu.wait_dma2 semaphore(%run_scoped3A_16 : memref<!tpu.dma_semaphore, #tpu.memory_space<semaphore_mem>>) src(%arg6 : memref<128xf32, #tpu.memory_space<hbm>>) dst(%arg13 : memref<128xf32, #tpu.memory_space<vmem>>)
      tpu.yield
    }) : () -> ()
    "tpu.region"() ({
      %run_scoped3A_16 = tpu.sem_alloc : memref<!tpu.dma_semaphore, #tpu.memory_space<semaphore_mem>>
      %dma_start3A = tpu.memref_slice %arg7[%mul3A_2] : memref<10240xf32, #tpu.memory_space<hbm>> -> memref<640xf32, #tpu.memory_space<hbm>>
      %dma_start3A_17 = tpu.memref_slice %arg7[%mul3A_2] : memref<10240xf32, #tpu.memory_space<hbm>> -> memref<640xf32, #tpu.memory_space<hbm>>
      tpu.enqueue_dma source(%dma_start3A_17 : memref<640xf32, #tpu.memory_space<hbm>>) target(%arg14 : memref<640xf32, #tpu.memory_space<vmem>>) target_semaphore(%run_scoped3A_16 : memref<!tpu.dma_semaphore, #tpu.memory_space<semaphore_mem>>)
      %dma_wait3A = tpu.memref_slice %arg7[%mul3A_2] : memref<10240xf32, #tpu.memory_space<hbm>> -> memref<640xf32, #tpu.memory_space<hbm>>
      %dma_wait3A_18 = tpu.memref_slice %arg7[%mul3A_2] : memref<10240xf32, #tpu.memory_space<hbm>> -> memref<640xf32, #tpu.memory_space<hbm>>
      tpu.wait_dma2 semaphore(%run_scoped3A_16 : memref<!tpu.dma_semaphore, #tpu.memory_space<semaphore_mem>>) src(%dma_wait3A_18 : memref<640xf32, #tpu.memory_space<hbm>>) dst(%arg14 : memref<640xf32, #tpu.memory_space<vmem>>)
      tpu.yield
    }) : () -> ()
    "tpu.region"() ({
      %run_scoped3A_16 = tpu.sem_alloc : memref<!tpu.dma_semaphore, #tpu.memory_space<semaphore_mem>>
      %dma_start3A = tpu.memref_slice %arg15[%mul3A_2] : memref<10240xf32, #tpu.memory_space<vmem_shared>> -> memref<640xf32, #tpu.memory_space<vmem_shared>>
      %dma_start3A_17 = tpu.memref_slice %arg15[%mul3A_2] : memref<10240xf32, #tpu.memory_space<vmem_shared>> -> memref<640xf32, #tpu.memory_space<vmem_shared>>
      tpu.enqueue_dma source(%arg14 : memref<640xf32, #tpu.memory_space<vmem>>) target(%dma_start3A_17 : memref<640xf32, #tpu.memory_space<vmem_shared>>) target_semaphore(%run_scoped3A_16 : memref<!tpu.dma_semaphore, #tpu.memory_space<semaphore_mem>>)
      %dma_wait3A = tpu.memref_slice %arg15[%mul3A_2] : memref<10240xf32, #tpu.memory_space<vmem_shared>> -> memref<640xf32, #tpu.memory_space<vmem_shared>>
      %dma_wait3A_18 = tpu.memref_slice %arg15[%mul3A_2] : memref<10240xf32, #tpu.memory_space<vmem_shared>> -> memref<640xf32, #tpu.memory_space<vmem_shared>>
      tpu.wait_dma2 semaphore(%run_scoped3A_16 : memref<!tpu.dma_semaphore, #tpu.memory_space<semaphore_mem>>) src(%arg14 : memref<640xf32, #tpu.memory_space<vmem>>) dst(%dma_wait3A_18 : memref<640xf32, #tpu.memory_space<vmem_shared>>)
      tpu.yield
    }) : () -> ()
    "tpu.region"() ({
      %run_scoped3A_16 = tpu.sem_alloc : memref<!tpu.dma_semaphore, #tpu.memory_space<semaphore_mem>>
      %dma_start3A = tpu.memref_slice %arg16[%mul3A_2] : memref<10240xf32, #tpu.memory_space<vmem_shared>> -> memref<640xf32, #tpu.memory_space<vmem_shared>>
      %dma_start3A_17 = tpu.memref_slice %arg16[%mul3A_2] : memref<10240xf32, #tpu.memory_space<vmem_shared>> -> memref<640xf32, #tpu.memory_space<vmem_shared>>
      tpu.enqueue_dma source(%arg14 : memref<640xf32, #tpu.memory_space<vmem>>) target(%dma_start3A_17 : memref<640xf32, #tpu.memory_space<vmem_shared>>) target_semaphore(%run_scoped3A_16 : memref<!tpu.dma_semaphore, #tpu.memory_space<semaphore_mem>>)
      %dma_wait3A = tpu.memref_slice %arg16[%mul3A_2] : memref<10240xf32, #tpu.memory_space<vmem_shared>> -> memref<640xf32, #tpu.memory_space<vmem_shared>>
      %dma_wait3A_18 = tpu.memref_slice %arg16[%mul3A_2] : memref<10240xf32, #tpu.memory_space<vmem_shared>> -> memref<640xf32, #tpu.memory_space<vmem_shared>>
      tpu.wait_dma2 semaphore(%run_scoped3A_16 : memref<!tpu.dma_semaphore, #tpu.memory_space<semaphore_mem>>) src(%arg14 : memref<640xf32, #tpu.memory_space<vmem>>) dst(%dma_wait3A_18 : memref<640xf32, #tpu.memory_space<vmem_shared>>)
      tpu.yield
    }) : () -> ()
    %barrier3A = arith.constant 0 : index
    tpu.barrier barrier_id(%barrier3A)
    "tpu.region"() ({
      %run_scoped3A_16 = tpu.sem_alloc : memref<!tpu.dma_semaphore, #tpu.memory_space<semaphore_mem>>
      %dma_start3A = arith.constant 0 : i32
      %dma_start3A_17 = arith.constant 0 : i32
      %dma_start3A_18 = tpu.memref_slice %arg2[%add3A, %dma_start3A, %dma_start3A_17] : memref<32x78x128xi32, #tpu.memory_space<hbm>> -> memref<1x78x128xi32, #tpu.memory_space<hbm>>
      %dma_start3A_19 = tpu.memref_squeeze %dma_start3A_18 : memref<1x78x128xi32, #tpu.memory_space<hbm>> -> memref<78x128xi32, #tpu.memory_space<hbm>>
      %dma_start3A_20 = arith.constant 0 : i32
      %dma_start3A_21 = arith.constant 0 : i32
      %dma_start3A_22 = tpu.memref_slice %arg2[%add3A, %dma_start3A_20, %dma_start3A_21] : memref<32x78x128xi32, #tpu.memory_space<hbm>> -> memref<1x78x128xi32, #tpu.memory_space<hbm>>
      %dma_start3A_23 = tpu.memref_squeeze %dma_start3A_22 : memref<1x78x128xi32, #tpu.memory_space<hbm>> -> memref<78x128xi32, #tpu.memory_space<hbm>>
      tpu.enqueue_dma source(%dma_start3A_23 : memref<78x128xi32, #tpu.memory_space<hbm>>) target(%arg9 : memref<78x128xi32, #tpu.memory_space<vmem>>) target_semaphore(%run_scoped3A_16 : memref<!tpu.dma_semaphore, #tpu.memory_space<semaphore_mem>>)
      %dma_wait3A = arith.constant 0 : i32
      %dma_wait3A_24 = arith.constant 0 : i32
      %dma_wait3A_25 = tpu.memref_slice %arg2[%add3A, %dma_wait3A, %dma_wait3A_24] : memref<32x78x128xi32, #tpu.memory_space<hbm>> -> memref<1x78x128xi32, #tpu.memory_space<hbm>>
      %dma_wait3A_26 = tpu.memref_squeeze %dma_wait3A_25 : memref<1x78x128xi32, #tpu.memory_space<hbm>> -> memref<78x128xi32, #tpu.memory_space<hbm>>
      %dma_wait3A_27 = arith.constant 0 : i32
      %dma_wait3A_28 = arith.constant 0 : i32
      %dma_wait3A_29 = tpu.memref_slice %arg2[%add3A, %dma_wait3A_27, %dma_wait3A_28] : memref<32x78x128xi32, #tpu.memory_space<hbm>> -> memref<1x78x128xi32, #tpu.memory_space<hbm>>
      %dma_wait3A_30 = tpu.memref_squeeze %dma_wait3A_29 : memref<1x78x128xi32, #tpu.memory_space<hbm>> -> memref<78x128xi32, #tpu.memory_space<hbm>>
      tpu.wait_dma2 semaphore(%run_scoped3A_16 : memref<!tpu.dma_semaphore, #tpu.memory_space<semaphore_mem>>) src(%dma_wait3A_30 : memref<78x128xi32, #tpu.memory_space<hbm>>) dst(%arg9 : memref<78x128xi32, #tpu.memory_space<vmem>>)
      tpu.yield
    }) : () -> ()
    "tpu.region"() ({
      %run_scoped3A_16 = tpu.sem_alloc : memref<!tpu.dma_semaphore, #tpu.memory_space<semaphore_mem>>
      %dma_start3A = arith.constant 0 : i32
      %dma_start3A_17 = arith.constant 0 : i32
      %dma_start3A_18 = tpu.memref_slice %arg3[%add3A, %dma_start3A, %dma_start3A_17] : memref<32x78x128xi32, #tpu.memory_space<hbm>> -> memref<1x78x128xi32, #tpu.memory_space<hbm>>
      %dma_start3A_19 = tpu.memref_squeeze %dma_start3A_18 : memref<1x78x128xi32, #tpu.memory_space<hbm>> -> memref<78x128xi32, #tpu.memory_space<hbm>>
      %dma_start3A_20 = arith.constant 0 : i32
      %dma_start3A_21 = arith.constant 0 : i32
      %dma_start3A_22 = tpu.memref_slice %arg3[%add3A, %dma_start3A_20, %dma_start3A_21] : memref<32x78x128xi32, #tpu.memory_space<hbm>> -> memref<1x78x128xi32, #tpu.memory_space<hbm>>
      %dma_start3A_23 = tpu.memref_squeeze %dma_start3A_22 : memref<1x78x128xi32, #tpu.memory_space<hbm>> -> memref<78x128xi32, #tpu.memory_space<hbm>>
      tpu.enqueue_dma source(%dma_start3A_23 : memref<78x128xi32, #tpu.memory_space<hbm>>) target(%arg10 : memref<78x128xi32, #tpu.memory_space<vmem>>) target_semaphore(%run_scoped3A_16 : memref<!tpu.dma_semaphore, #tpu.memory_space<semaphore_mem>>)
      %dma_wait3A = arith.constant 0 : i32
      %dma_wait3A_24 = arith.constant 0 : i32
      %dma_wait3A_25 = tpu.memref_slice %arg3[%add3A, %dma_wait3A, %dma_wait3A_24] : memref<32x78x128xi32, #tpu.memory_space<hbm>> -> memref<1x78x128xi32, #tpu.memory_space<hbm>>
      %dma_wait3A_26 = tpu.memref_squeeze %dma_wait3A_25 : memref<1x78x128xi32, #tpu.memory_space<hbm>> -> memref<78x128xi32, #tpu.memory_space<hbm>>
      %dma_wait3A_27 = arith.constant 0 : i32
      %dma_wait3A_28 = arith.constant 0 : i32
      %dma_wait3A_29 = tpu.memref_slice %arg3[%add3A, %dma_wait3A_27, %dma_wait3A_28] : memref<32x78x128xi32, #tpu.memory_space<hbm>> -> memref<1x78x128xi32, #tpu.memory_space<hbm>>
      %dma_wait3A_30 = tpu.memref_squeeze %dma_wait3A_29 : memref<1x78x128xi32, #tpu.memory_space<hbm>> -> memref<78x128xi32, #tpu.memory_space<hbm>>
      tpu.wait_dma2 semaphore(%run_scoped3A_16 : memref<!tpu.dma_semaphore, #tpu.memory_space<semaphore_mem>>) src(%dma_wait3A_30 : memref<78x128xi32, #tpu.memory_space<hbm>>) dst(%arg10 : memref<78x128xi32, #tpu.memory_space<vmem>>)
      tpu.yield
    }) : () -> ()
    "tpu.region"() ({
      %run_scoped3A_16 = tpu.sem_alloc : memref<!tpu.dma_semaphore, #tpu.memory_space<semaphore_mem>>
      %dma_start3A = arith.constant 0 : i32
      %dma_start3A_17 = tpu.memref_slice %arg4[%add3A, %dma_start3A] : memref<32x16xi32, #tpu.memory_space<hbm>> -> memref<1x16xi32, #tpu.memory_space<hbm>>
      %dma_start3A_18 = tpu.memref_squeeze %dma_start3A_17 : memref<1x16xi32, #tpu.memory_space<hbm>> -> memref<16xi32, #tpu.memory_space<hbm>>
      %dma_start3A_19 = arith.constant 0 : i32
      %dma_start3A_20 = tpu.memref_slice %arg4[%add3A, %dma_start3A_19] : memref<32x16xi32, #tpu.memory_space<hbm>> -> memref<1x16xi32, #tpu.memory_space<hbm>>
      %dma_start3A_21 = tpu.memref_squeeze %dma_start3A_20 : memref<1x16xi32, #tpu.memory_space<hbm>> -> memref<16xi32, #tpu.memory_space<hbm>>
      tpu.enqueue_dma source(%dma_start3A_21 : memref<16xi32, #tpu.memory_space<hbm>>) target(%arg11 : memref<16xi32, #tpu.memory_space<vmem>>) target_semaphore(%run_scoped3A_16 : memref<!tpu.dma_semaphore, #tpu.memory_space<semaphore_mem>>)
      %dma_wait3A = arith.constant 0 : i32
      %dma_wait3A_22 = tpu.memref_slice %arg4[%add3A, %dma_wait3A] : memref<32x16xi32, #tpu.memory_space<hbm>> -> memref<1x16xi32, #tpu.memory_space<hbm>>
      %dma_wait3A_23 = tpu.memref_squeeze %dma_wait3A_22 : memref<1x16xi32, #tpu.memory_space<hbm>> -> memref<16xi32, #tpu.memory_space<hbm>>
      %dma_wait3A_24 = arith.constant 0 : i32
      %dma_wait3A_25 = tpu.memref_slice %arg4[%add3A, %dma_wait3A_24] : memref<32x16xi32, #tpu.memory_space<hbm>> -> memref<1x16xi32, #tpu.memory_space<hbm>>
      %dma_wait3A_26 = tpu.memref_squeeze %dma_wait3A_25 : memref<1x16xi32, #tpu.memory_space<hbm>> -> memref<16xi32, #tpu.memory_space<hbm>>
      tpu.wait_dma2 semaphore(%run_scoped3A_16 : memref<!tpu.dma_semaphore, #tpu.memory_space<semaphore_mem>>) src(%dma_wait3A_26 : memref<16xi32, #tpu.memory_space<hbm>>) dst(%arg11 : memref<16xi32, #tpu.memory_space<vmem>>)
      tpu.yield
    }) : () -> ()
    "tpu.region"() ({
      %run_scoped3A_16 = tpu.sem_alloc : memref<!tpu.dma_semaphore, #tpu.memory_space<semaphore_mem>>
      %dma_start3A = arith.constant 0 : i32
      %dma_start3A_17 = tpu.memref_slice %arg5[%add3A, %dma_start3A] : memref<32x16xi32, #tpu.memory_space<hbm>> -> memref<1x16xi32, #tpu.memory_space<hbm>>
      %dma_start3A_18 = tpu.memref_squeeze %dma_start3A_17 : memref<1x16xi32, #tpu.memory_space<hbm>> -> memref<16xi32, #tpu.memory_space<hbm>>
      %dma_start3A_19 = arith.constant 0 : i32
      %dma_start3A_20 = tpu.memref_slice %arg5[%add3A, %dma_start3A_19] : memref<32x16xi32, #tpu.memory_space<hbm>> -> memref<1x16xi32, #tpu.memory_space<hbm>>
      %dma_start3A_21 = tpu.memref_squeeze %dma_start3A_20 : memref<1x16xi32, #tpu.memory_space<hbm>> -> memref<16xi32, #tpu.memory_space<hbm>>
      tpu.enqueue_dma source(%dma_start3A_21 : memref<16xi32, #tpu.memory_space<hbm>>) target(%arg12 : memref<16xi32, #tpu.memory_space<vmem>>) target_semaphore(%run_scoped3A_16 : memref<!tpu.dma_semaphore, #tpu.memory_space<semaphore_mem>>)
      %dma_wait3A = arith.constant 0 : i32
      %dma_wait3A_22 = tpu.memref_slice %arg5[%add3A, %dma_wait3A] : memref<32x16xi32, #tpu.memory_space<hbm>> -> memref<1x16xi32, #tpu.memory_space<hbm>>
      %dma_wait3A_23 = tpu.memref_squeeze %dma_wait3A_22 : memref<1x16xi32, #tpu.memory_space<hbm>> -> memref<16xi32, #tpu.memory_space<hbm>>
      %dma_wait3A_24 = arith.constant 0 : i32
      %dma_wait3A_25 = tpu.memref_slice %arg5[%add3A, %dma_wait3A_24] : memref<32x16xi32, #tpu.memory_space<hbm>> -> memref<1x16xi32, #tpu.memory_space<hbm>>
      %dma_wait3A_26 = tpu.memref_squeeze %dma_wait3A_25 : memref<1x16xi32, #tpu.memory_space<hbm>> -> memref<16xi32, #tpu.memory_space<hbm>>
      tpu.wait_dma2 semaphore(%run_scoped3A_16 : memref<!tpu.dma_semaphore, #tpu.memory_space<semaphore_mem>>) src(%dma_wait3A_26 : memref<16xi32, #tpu.memory_space<hbm>>) dst(%arg12 : memref<16xi32, #tpu.memory_space<vmem>>)
      tpu.yield
    }) : () -> ()
    %scan3A = arith.constant 0 : i32
    %scan3A_3 = arith.constant 0 : i32
    %scan3A_4 = arith.constant 78 : i32
    %scan3A_5 = arith.addi %scan3A_3, %scan3A_4 : i32
    %scan3A_6 = arith.constant 1 : i32
    scf.for %scan3A_16 = %scan3A_3 to %scan3A_5 step %scan3A_6  : i32 {
      %dma_start3A = arith.constant 0 : i32
      %dma_start3A_17 = tpu.memref_slice %arg9[%scan3A_16, %dma_start3A] : memref<78x128xi32, #tpu.memory_space<vmem>> -> memref<1x128xi32, #tpu.memory_space<vmem>>
      %dma_start3A_18 = tpu.memref_squeeze %dma_start3A_17 : memref<1x128xi32, #tpu.memory_space<vmem>> -> memref<128xi32, #tpu.memory_space<vmem>>
      %dma_start3A_19 = arith.constant 0 : i32
      %dma_start3A_20 = tpu.memref_slice %arg15[%dma_start3A_19] : memref<10240xf32, #tpu.memory_space<vmem_shared>> -> memref<10240xf32, #tpu.memory_space<vmem_shared>>
      tpu.enqueue_indirect_dma source(%arg13 : memref<128xf32, #tpu.memory_space<vmem>>) target(%dma_start3A_20 : memref<10240xf32, #tpu.memory_space<vmem_shared>>) offsets(%dma_start3A_18 : memref<128xi32, #tpu.memory_space<vmem>>) semaphore(%arg17 : memref<!tpu.dma_semaphore, #tpu.memory_space<semaphore_mem>>) {add = true}
      %dma_start3A_21 = arith.constant 0 : i32
      %dma_start3A_22 = tpu.memref_slice %arg10[%scan3A_16, %dma_start3A_21] : memref<78x128xi32, #tpu.memory_space<vmem>> -> memref<1x128xi32, #tpu.memory_space<vmem>>
      %dma_start3A_23 = tpu.memref_squeeze %dma_start3A_22 : memref<1x128xi32, #tpu.memory_space<vmem>> -> memref<128xi32, #tpu.memory_space<vmem>>
      %dma_start3A_24 = arith.constant 0 : i32
      %dma_start3A_25 = tpu.memref_slice %arg16[%dma_start3A_24] : memref<10240xf32, #tpu.memory_space<vmem_shared>> -> memref<10240xf32, #tpu.memory_space<vmem_shared>>
      tpu.enqueue_indirect_dma source(%arg13 : memref<128xf32, #tpu.memory_space<vmem>>) target(%dma_start3A_25 : memref<10240xf32, #tpu.memory_space<vmem_shared>>) offsets(%dma_start3A_23 : memref<128xi32, #tpu.memory_space<vmem>>) semaphore(%arg18 : memref<!tpu.dma_semaphore, #tpu.memory_space<semaphore_mem>>) {add = true}
      %ge3A = arith.constant 4 : i32
      %ge3A_26 = arith.cmpi sge, %scan3A_16, %ge3A : i32
      %convert_element_type3A = arith.extui %ge3A_26 : i1 to i32
      %cond3A = arith.constant 0 : i32
      %cond3A_27 = arith.cmpi ne, %convert_element_type3A, %cond3A : i32
      scf.if %cond3A_27 {
        %sub3A = arith.constant 4 : i32
        %sub3A_28 = arith.subi %scan3A_16, %sub3A : i32
        %dma_wait3A = arith.constant 0 : i32
        %dma_wait3A_29 = tpu.memref_slice %arg9[%sub3A_28, %dma_wait3A] : memref<78x128xi32, #tpu.memory_space<vmem>> -> memref<1x128xi32, #tpu.memory_space<vmem>>
        %dma_wait3A_30 = tpu.memref_squeeze %dma_wait3A_29 : memref<1x128xi32, #tpu.memory_space<vmem>> -> memref<128xi32, #tpu.memory_space<vmem>>
        %dma_wait3A_31 = arith.constant 0 : i32
        %dma_wait3A_32 = tpu.memref_slice %arg15[%dma_wait3A_31] : memref<10240xf32, #tpu.memory_space<vmem_shared>> -> memref<10240xf32, #tpu.memory_space<vmem_shared>>
        tpu.wait_indirect_dma semaphore(%arg17 : memref<!tpu.dma_semaphore, #tpu.memory_space<semaphore_mem>>) src(%arg13 : memref<128xf32, #tpu.memory_space<vmem>>) dst(%dma_wait3A_32 : memref<10240xf32, #tpu.memory_space<vmem_shared>>)
        %dma_wait3A_33 = arith.constant 0 : i32
        %dma_wait3A_34 = tpu.memref_slice %arg10[%sub3A_28, %dma_wait3A_33] : memref<78x128xi32, #tpu.memory_space<vmem>> -> memref<1x128xi32, #tpu.memory_space<vmem>>
        %dma_wait3A_35 = tpu.memref_squeeze %dma_wait3A_34 : memref<1x128xi32, #tpu.memory_space<vmem>> -> memref<128xi32, #tpu.memory_space<vmem>>
        %dma_wait3A_36 = arith.constant 0 : i32
        %dma_wait3A_37 = tpu.memref_slice %arg16[%dma_wait3A_36] : memref<10240xf32, #tpu.memory_space<vmem_shared>> -> memref<10240xf32, #tpu.memory_space<vmem_shared>>
        tpu.wait_indirect_dma semaphore(%arg18 : memref<!tpu.dma_semaphore, #tpu.memory_space<semaphore_mem>>) src(%arg13 : memref<128xf32, #tpu.memory_space<vmem>>) dst(%dma_wait3A_37 : memref<10240xf32, #tpu.memory_space<vmem_shared>>)
      } else {
      }
    }
    %scan3A_7 = arith.constant 78 : i32
    %scan3A_8 = arith.constant 0 : i32
    %scan3A_9 = arith.constant 74 : i32
    %scan3A_10 = arith.constant 4 : i32
    %scan3A_11 = arith.addi %scan3A_9, %scan3A_10 : i32
    %scan3A_12 = arith.constant 1 : i32
    scf.for %scan3A_16 = %scan3A_9 to %scan3A_11 step %scan3A_12  : i32 {
      %dma_wait3A = arith.constant 0 : i32
      %dma_wait3A_17 = tpu.memref_slice %arg9[%scan3A_16, %dma_wait3A] : memref<78x128xi32, #tpu.memory_space<vmem>> -> memref<1x128xi32, #tpu.memory_space<vmem>>
      %dma_wait3A_18 = tpu.memref_squeeze %dma_wait3A_17 : memref<1x128xi32, #tpu.memory_space<vmem>> -> memref<128xi32, #tpu.memory_space<vmem>>
      %dma_wait3A_19 = arith.constant 0 : i32
      %dma_wait3A_20 = tpu.memref_slice %arg15[%dma_wait3A_19] : memref<10240xf32, #tpu.memory_space<vmem_shared>> -> memref<10240xf32, #tpu.memory_space<vmem_shared>>
      tpu.wait_indirect_dma semaphore(%arg17 : memref<!tpu.dma_semaphore, #tpu.memory_space<semaphore_mem>>) src(%arg13 : memref<128xf32, #tpu.memory_space<vmem>>) dst(%dma_wait3A_20 : memref<10240xf32, #tpu.memory_space<vmem_shared>>)
      %dma_wait3A_21 = arith.constant 0 : i32
      %dma_wait3A_22 = tpu.memref_slice %arg10[%scan3A_16, %dma_wait3A_21] : memref<78x128xi32, #tpu.memory_space<vmem>> -> memref<1x128xi32, #tpu.memory_space<vmem>>
      %dma_wait3A_23 = tpu.memref_squeeze %dma_wait3A_22 : memref<1x128xi32, #tpu.memory_space<vmem>> -> memref<128xi32, #tpu.memory_space<vmem>>
      %dma_wait3A_24 = arith.constant 0 : i32
      %dma_wait3A_25 = tpu.memref_slice %arg16[%dma_wait3A_24] : memref<10240xf32, #tpu.memory_space<vmem_shared>> -> memref<10240xf32, #tpu.memory_space<vmem_shared>>
      tpu.wait_indirect_dma semaphore(%arg18 : memref<!tpu.dma_semaphore, #tpu.memory_space<semaphore_mem>>) src(%arg13 : memref<128xf32, #tpu.memory_space<vmem>>) dst(%dma_wait3A_25 : memref<10240xf32, #tpu.memory_space<vmem_shared>>)
    }
    %scan3A_13 = arith.constant 4 : i32
    "tpu.region"() ({
      %run_scoped3A_16 = tpu.sem_alloc : memref<!tpu.dma_semaphore, #tpu.memory_space<semaphore_mem>>
      %dma_start3A = arith.constant 0 : i32
      %dma_start3A_17 = tpu.memref_slice %arg13[%dma_start3A] : memref<128xf32, #tpu.memory_space<vmem>> -> memref<16xf32, #tpu.memory_space<vmem>>
      %dma_start3A_18 = arith.constant 0 : i32
      %dma_start3A_19 = tpu.memref_slice %arg15[%dma_start3A_18] : memref<10240xf32, #tpu.memory_space<vmem_shared>> -> memref<10240xf32, #tpu.memory_space<vmem_shared>>
      tpu.enqueue_indirect_dma source(%dma_start3A_17 : memref<16xf32, #tpu.memory_space<vmem>>) target(%dma_start3A_19 : memref<10240xf32, #tpu.memory_space<vmem_shared>>) offsets(%arg11 : memref<16xi32, #tpu.memory_space<vmem>>) semaphore(%run_scoped3A_16 : memref<!tpu.dma_semaphore, #tpu.memory_space<semaphore_mem>>) {add = true}
      %dma_wait3A = arith.constant 0 : i32
      %dma_wait3A_20 = tpu.memref_slice %arg13[%dma_wait3A] : memref<128xf32, #tpu.memory_space<vmem>> -> memref<16xf32, #tpu.memory_space<vmem>>
      %dma_wait3A_21 = arith.constant 0 : i32
      %dma_wait3A_22 = tpu.memref_slice %arg15[%dma_wait3A_21] : memref<10240xf32, #tpu.memory_space<vmem_shared>> -> memref<10240xf32, #tpu.memory_space<vmem_shared>>
      tpu.wait_indirect_dma semaphore(%run_scoped3A_16 : memref<!tpu.dma_semaphore, #tpu.memory_space<semaphore_mem>>) src(%dma_wait3A_20 : memref<16xf32, #tpu.memory_space<vmem>>) dst(%dma_wait3A_22 : memref<10240xf32, #tpu.memory_space<vmem_shared>>)
      tpu.yield
    }) : () -> ()
    "tpu.region"() ({
      %run_scoped3A_16 = tpu.sem_alloc : memref<!tpu.dma_semaphore, #tpu.memory_space<semaphore_mem>>
      %dma_start3A = arith.constant 0 : i32
      %dma_start3A_17 = tpu.memref_slice %arg13[%dma_start3A] : memref<128xf32, #tpu.memory_space<vmem>> -> memref<16xf32, #tpu.memory_space<vmem>>
      %dma_start3A_18 = arith.constant 0 : i32
      %dma_start3A_19 = tpu.memref_slice %arg16[%dma_start3A_18] : memref<10240xf32, #tpu.memory_space<vmem_shared>> -> memref<10240xf32, #tpu.memory_space<vmem_shared>>
      tpu.enqueue_indirect_dma source(%dma_start3A_17 : memref<16xf32, #tpu.memory_space<vmem>>) target(%dma_start3A_19 : memref<10240xf32, #tpu.memory_space<vmem_shared>>) offsets(%arg12 : memref<16xi32, #tpu.memory_space<vmem>>) semaphore(%run_scoped3A_16 : memref<!tpu.dma_semaphore, #tpu.memory_space<semaphore_mem>>) {add = true}
      %dma_wait3A = arith.constant 0 : i32
      %dma_wait3A_20 = tpu.memref_slice %arg13[%dma_wait3A] : memref<128xf32, #tpu.memory_space<vmem>> -> memref<16xf32, #tpu.memory_space<vmem>>
      %dma_wait3A_21 = arith.constant 0 : i32
      %dma_wait3A_22 = tpu.memref_slice %arg16[%dma_wait3A_21] : memref<10240xf32, #tpu.memory_space<vmem_shared>> -> memref<10240xf32, #tpu.memory_space<vmem_shared>>
      tpu.wait_indirect_dma semaphore(%run_scoped3A_16 : memref<!tpu.dma_semaphore, #tpu.memory_space<semaphore_mem>>) src(%dma_wait3A_20 : memref<16xf32, #tpu.memory_space<vmem>>) dst(%dma_wait3A_22 : memref<10240xf32, #tpu.memory_space<vmem_shared>>)
      tpu.yield
    }) : () -> ()
    %barrier3A_14 = arith.constant 0 : index
    tpu.barrier barrier_id(%barrier3A_14)
    "tpu.region"() ({
      %run_scoped3A_16 = tpu.sem_alloc : memref<!tpu.dma_semaphore, #tpu.memory_space<semaphore_mem>>
      %dma_start3A = tpu.memref_slice %arg15[%mul3A_2] : memref<10240xf32, #tpu.memory_space<vmem_shared>> -> memref<640xf32, #tpu.memory_space<vmem_shared>>
      %dma_start3A_17 = tpu.memref_slice %arg15[%mul3A_2] : memref<10240xf32, #tpu.memory_space<vmem_shared>> -> memref<640xf32, #tpu.memory_space<vmem_shared>>
      tpu.enqueue_dma source(%dma_start3A_17 : memref<640xf32, #tpu.memory_space<vmem_shared>>) target(%arg14 : memref<640xf32, #tpu.memory_space<vmem>>) target_semaphore(%run_scoped3A_16 : memref<!tpu.dma_semaphore, #tpu.memory_space<semaphore_mem>>)
      %dma_wait3A = tpu.memref_slice %arg15[%mul3A_2] : memref<10240xf32, #tpu.memory_space<vmem_shared>> -> memref<640xf32, #tpu.memory_space<vmem_shared>>
      %dma_wait3A_18 = tpu.memref_slice %arg15[%mul3A_2] : memref<10240xf32, #tpu.memory_space<vmem_shared>> -> memref<640xf32, #tpu.memory_space<vmem_shared>>
      tpu.wait_dma2 semaphore(%run_scoped3A_16 : memref<!tpu.dma_semaphore, #tpu.memory_space<semaphore_mem>>) src(%dma_wait3A_18 : memref<640xf32, #tpu.memory_space<vmem_shared>>) dst(%arg14 : memref<640xf32, #tpu.memory_space<vmem>>)
      tpu.yield
    }) : () -> ()
    %run_scoped3A = arith.constant 0 : i32
    "tpu.region"() ({
      %run_scoped3A_16 = tpu.sem_alloc : memref<!tpu.dma_semaphore, #tpu.memory_space<semaphore_mem>>
      %dma_start3A = tpu.memref_slice %arg8[%arg0, %run_scoped3A, %mul3A_2] : memref<2x2x10240xf32, #tpu.memory_space<hbm>> -> memref<1x1x640xf32, #tpu.memory_space<hbm>>
      %dma_start3A_17 = tpu.memref_squeeze %dma_start3A : memref<1x1x640xf32, #tpu.memory_space<hbm>> -> memref<640xf32, #tpu.memory_space<hbm>>
      %dma_start3A_18 = tpu.memref_slice %arg8[%arg0, %run_scoped3A, %mul3A_2] : memref<2x2x10240xf32, #tpu.memory_space<hbm>> -> memref<1x1x640xf32, #tpu.memory_space<hbm>>
      %dma_start3A_19 = tpu.memref_squeeze %dma_start3A_18 : memref<1x1x640xf32, #tpu.memory_space<hbm>> -> memref<640xf32, #tpu.memory_space<hbm>>
      tpu.enqueue_dma source(%arg14 : memref<640xf32, #tpu.memory_space<vmem>>) target(%dma_start3A_19 : memref<640xf32, #tpu.memory_space<hbm>>) target_semaphore(%run_scoped3A_16 : memref<!tpu.dma_semaphore, #tpu.memory_space<semaphore_mem>>)
      %dma_wait3A = tpu.memref_slice %arg8[%arg0, %run_scoped3A, %mul3A_2] : memref<2x2x10240xf32, #tpu.memory_space<hbm>> -> memref<1x1x640xf32, #tpu.memory_space<hbm>>
      %dma_wait3A_20 = tpu.memref_squeeze %dma_wait3A : memref<1x1x640xf32, #tpu.memory_space<hbm>> -> memref<640xf32, #tpu.memory_space<hbm>>
      %dma_wait3A_21 = tpu.memref_slice %arg8[%arg0, %run_scoped3A, %mul3A_2] : memref<2x2x10240xf32, #tpu.memory_space<hbm>> -> memref<1x1x640xf32, #tpu.memory_space<hbm>>
      %dma_wait3A_22 = tpu.memref_squeeze %dma_wait3A_21 : memref<1x1x640xf32, #tpu.memory_space<hbm>> -> memref<640xf32, #tpu.memory_space<hbm>>
      tpu.wait_dma2 semaphore(%run_scoped3A_16 : memref<!tpu.dma_semaphore, #tpu.memory_space<semaphore_mem>>) src(%arg14 : memref<640xf32, #tpu.memory_space<vmem>>) dst(%dma_wait3A_22 : memref<640xf32, #tpu.memory_space<hbm>>)
      tpu.yield
    }) : () -> ()
    "tpu.region"() ({
      %run_scoped3A_16 = tpu.sem_alloc : memref<!tpu.dma_semaphore, #tpu.memory_space<semaphore_mem>>
      %dma_start3A = tpu.memref_slice %arg16[%mul3A_2] : memref<10240xf32, #tpu.memory_space<vmem_shared>> -> memref<640xf32, #tpu.memory_space<vmem_shared>>
      %dma_start3A_17 = tpu.memref_slice %arg16[%mul3A_2] : memref<10240xf32, #tpu.memory_space<vmem_shared>> -> memref<640xf32, #tpu.memory_space<vmem_shared>>
      tpu.enqueue_dma source(%dma_start3A_17 : memref<640xf32, #tpu.memory_space<vmem_shared>>) target(%arg14 : memref<640xf32, #tpu.memory_space<vmem>>) target_semaphore(%run_scoped3A_16 : memref<!tpu.dma_semaphore, #tpu.memory_space<semaphore_mem>>)
      %dma_wait3A = tpu.memref_slice %arg16[%mul3A_2] : memref<10240xf32, #tpu.memory_space<vmem_shared>> -> memref<640xf32, #tpu.memory_space<vmem_shared>>
      %dma_wait3A_18 = tpu.memref_slice %arg16[%mul3A_2] : memref<10240xf32, #tpu.memory_space<vmem_shared>> -> memref<640xf32, #tpu.memory_space<vmem_shared>>
      tpu.wait_dma2 semaphore(%run_scoped3A_16 : memref<!tpu.dma_semaphore, #tpu.memory_space<semaphore_mem>>) src(%dma_wait3A_18 : memref<640xf32, #tpu.memory_space<vmem_shared>>) dst(%arg14 : memref<640xf32, #tpu.memory_space<vmem>>)
      tpu.yield
    }) : () -> ()
    %run_scoped3A_15 = arith.constant 1 : i32
    "tpu.region"() ({
      %run_scoped3A_16 = tpu.sem_alloc : memref<!tpu.dma_semaphore, #tpu.memory_space<semaphore_mem>>
      %dma_start3A = tpu.memref_slice %arg8[%arg0, %run_scoped3A_15, %mul3A_2] : memref<2x2x10240xf32, #tpu.memory_space<hbm>> -> memref<1x1x640xf32, #tpu.memory_space<hbm>>
      %dma_start3A_17 = tpu.memref_squeeze %dma_start3A : memref<1x1x640xf32, #tpu.memory_space<hbm>> -> memref<640xf32, #tpu.memory_space<hbm>>
      %dma_start3A_18 = tpu.memref_slice %arg8[%arg0, %run_scoped3A_15, %mul3A_2] : memref<2x2x10240xf32, #tpu.memory_space<hbm>> -> memref<1x1x640xf32, #tpu.memory_space<hbm>>
      %dma_start3A_19 = tpu.memref_squeeze %dma_start3A_18 : memref<1x1x640xf32, #tpu.memory_space<hbm>> -> memref<640xf32, #tpu.memory_space<hbm>>
      tpu.enqueue_dma source(%arg14 : memref<640xf32, #tpu.memory_space<vmem>>) target(%dma_start3A_19 : memref<640xf32, #tpu.memory_space<hbm>>) target_semaphore(%run_scoped3A_16 : memref<!tpu.dma_semaphore, #tpu.memory_space<semaphore_mem>>)
      %dma_wait3A = tpu.memref_slice %arg8[%arg0, %run_scoped3A_15, %mul3A_2] : memref<2x2x10240xf32, #tpu.memory_space<hbm>> -> memref<1x1x640xf32, #tpu.memory_space<hbm>>
      %dma_wait3A_20 = tpu.memref_squeeze %dma_wait3A : memref<1x1x640xf32, #tpu.memory_space<hbm>> -> memref<640xf32, #tpu.memory_space<hbm>>
      %dma_wait3A_21 = tpu.memref_slice %arg8[%arg0, %run_scoped3A_15, %mul3A_2] : memref<2x2x10240xf32, #tpu.memory_space<hbm>> -> memref<1x1x640xf32, #tpu.memory_space<hbm>>
      %dma_wait3A_22 = tpu.memref_squeeze %dma_wait3A_21 : memref<1x1x640xf32, #tpu.memory_space<hbm>> -> memref<640xf32, #tpu.memory_space<hbm>>
      tpu.wait_dma2 semaphore(%run_scoped3A_16 : memref<!tpu.dma_semaphore, #tpu.memory_space<semaphore_mem>>) src(%arg14 : memref<640xf32, #tpu.memory_space<vmem>>) dst(%dma_wait3A_22 : memref<640xf32, #tpu.memory_space<hbm>>)
      tpu.yield
    }) : () -> ()
    return
  }
}

#map = affine_map<(d0, d1) -> (0, 0, 0)>
#map1 = affine_map<(d0, d1) -> (0)>
#map2 = affine_map<(d0, d1) -> (0, 0)>
module attributes {stable_mosaic.version = 14 : i64} {
  func.func @_combine_kernel(%arg0: i32, %arg1: i32, %arg2: memref<2x10240x16xf32, #tpu.memory_space<hbm>>, %arg3: memref<10240xf32, #tpu.memory_space<hbm>>, %arg4: memref<10240xf32, #tpu.memory_space<hbm>>, %arg5: memref<16xf32, #tpu.memory_space<hbm>>, %arg6: memref<10240x16xf32, #tpu.memory_space<hbm>>, %arg7: memref<320x16xf32, #tpu.memory_space<vmem>>, %arg8: memref<320x16xf32, #tpu.memory_space<vmem>>, %arg9: memref<320xf32, #tpu.memory_space<vmem>>, %arg10: memref<320xf32, #tpu.memory_space<vmem>>, %arg11: memref<16xf32, #tpu.memory_space<vmem>>, %arg12: memref<320x16xf32, #tpu.memory_space<vmem>>) attributes {dimension_semantics = [#tpu.dimension_semantics<core_parallel>, #tpu.dimension_semantics<subcore_parallel>], iteration_bounds = array<i64: 2, 16>, scalar_prefetch = 0 : i64, scratch_operands = 6 : i64, tpu.core_type = #tpu.core_type<sc_vector_subcore>, window_params = [{transform_indices = #map}, {transform_indices = #map1}, {transform_indices = #map1}, {transform_indices = #map1}, {transform_indices = #map2}]} {
    %mul3A = arith.constant 2 : i32
    %mul3A_0 = arith.muli %arg1, %mul3A : i32
    %add3A = arith.addi %mul3A_0, %arg0 : i32
    %mul3A_1 = arith.constant 320 : i32
    %mul3A_2 = arith.muli %add3A, %mul3A_1 : i32
    %run_scoped3A = arith.constant 0 : i32
    "tpu.region"() ({
      %run_scoped3A_10 = tpu.sem_alloc : memref<!tpu.dma_semaphore, #tpu.memory_space<semaphore_mem>>
      %dma_start3A = arith.constant 0 : i32
      %dma_start3A_11 = tpu.memref_slice %arg2[%run_scoped3A, %mul3A_2, %dma_start3A] : memref<2x10240x16xf32, #tpu.memory_space<hbm>> -> memref<1x320x16xf32, #tpu.memory_space<hbm>>
      %dma_start3A_12 = tpu.memref_squeeze %dma_start3A_11 : memref<1x320x16xf32, #tpu.memory_space<hbm>> -> memref<320x16xf32, #tpu.memory_space<hbm>>
      %dma_start3A_13 = arith.constant 0 : i32
      %dma_start3A_14 = tpu.memref_slice %arg2[%run_scoped3A, %mul3A_2, %dma_start3A_13] : memref<2x10240x16xf32, #tpu.memory_space<hbm>> -> memref<1x320x16xf32, #tpu.memory_space<hbm>>
      %dma_start3A_15 = tpu.memref_squeeze %dma_start3A_14 : memref<1x320x16xf32, #tpu.memory_space<hbm>> -> memref<320x16xf32, #tpu.memory_space<hbm>>
      tpu.enqueue_dma source(%dma_start3A_15 : memref<320x16xf32, #tpu.memory_space<hbm>>) target(%arg7 : memref<320x16xf32, #tpu.memory_space<vmem>>) target_semaphore(%run_scoped3A_10 : memref<!tpu.dma_semaphore, #tpu.memory_space<semaphore_mem>>)
      %dma_wait3A = arith.constant 0 : i32
      %dma_wait3A_16 = tpu.memref_slice %arg2[%run_scoped3A, %mul3A_2, %dma_wait3A] : memref<2x10240x16xf32, #tpu.memory_space<hbm>> -> memref<1x320x16xf32, #tpu.memory_space<hbm>>
      %dma_wait3A_17 = tpu.memref_squeeze %dma_wait3A_16 : memref<1x320x16xf32, #tpu.memory_space<hbm>> -> memref<320x16xf32, #tpu.memory_space<hbm>>
      %dma_wait3A_18 = arith.constant 0 : i32
      %dma_wait3A_19 = tpu.memref_slice %arg2[%run_scoped3A, %mul3A_2, %dma_wait3A_18] : memref<2x10240x16xf32, #tpu.memory_space<hbm>> -> memref<1x320x16xf32, #tpu.memory_space<hbm>>
      %dma_wait3A_20 = tpu.memref_squeeze %dma_wait3A_19 : memref<1x320x16xf32, #tpu.memory_space<hbm>> -> memref<320x16xf32, #tpu.memory_space<hbm>>
      tpu.wait_dma2 semaphore(%run_scoped3A_10 : memref<!tpu.dma_semaphore, #tpu.memory_space<semaphore_mem>>) src(%dma_wait3A_20 : memref<320x16xf32, #tpu.memory_space<hbm>>) dst(%arg7 : memref<320x16xf32, #tpu.memory_space<vmem>>)
      tpu.yield
    }) : () -> ()
    %run_scoped3A_3 = arith.constant 1 : i32
    "tpu.region"() ({
      %run_scoped3A_10 = tpu.sem_alloc : memref<!tpu.dma_semaphore, #tpu.memory_space<semaphore_mem>>
      %dma_start3A = arith.constant 0 : i32
      %dma_start3A_11 = tpu.memref_slice %arg2[%run_scoped3A_3, %mul3A_2, %dma_start3A] : memref<2x10240x16xf32, #tpu.memory_space<hbm>> -> memref<1x320x16xf32, #tpu.memory_space<hbm>>
      %dma_start3A_12 = tpu.memref_squeeze %dma_start3A_11 : memref<1x320x16xf32, #tpu.memory_space<hbm>> -> memref<320x16xf32, #tpu.memory_space<hbm>>
      %dma_start3A_13 = arith.constant 0 : i32
      %dma_start3A_14 = tpu.memref_slice %arg2[%run_scoped3A_3, %mul3A_2, %dma_start3A_13] : memref<2x10240x16xf32, #tpu.memory_space<hbm>> -> memref<1x320x16xf32, #tpu.memory_space<hbm>>
      %dma_start3A_15 = tpu.memref_squeeze %dma_start3A_14 : memref<1x320x16xf32, #tpu.memory_space<hbm>> -> memref<320x16xf32, #tpu.memory_space<hbm>>
      tpu.enqueue_dma source(%dma_start3A_15 : memref<320x16xf32, #tpu.memory_space<hbm>>) target(%arg8 : memref<320x16xf32, #tpu.memory_space<vmem>>) target_semaphore(%run_scoped3A_10 : memref<!tpu.dma_semaphore, #tpu.memory_space<semaphore_mem>>)
      %dma_wait3A = arith.constant 0 : i32
      %dma_wait3A_16 = tpu.memref_slice %arg2[%run_scoped3A_3, %mul3A_2, %dma_wait3A] : memref<2x10240x16xf32, #tpu.memory_space<hbm>> -> memref<1x320x16xf32, #tpu.memory_space<hbm>>
      %dma_wait3A_17 = tpu.memref_squeeze %dma_wait3A_16 : memref<1x320x16xf32, #tpu.memory_space<hbm>> -> memref<320x16xf32, #tpu.memory_space<hbm>>
      %dma_wait3A_18 = arith.constant 0 : i32
      %dma_wait3A_19 = tpu.memref_slice %arg2[%run_scoped3A_3, %mul3A_2, %dma_wait3A_18] : memref<2x10240x16xf32, #tpu.memory_space<hbm>> -> memref<1x320x16xf32, #tpu.memory_space<hbm>>
      %dma_wait3A_20 = tpu.memref_squeeze %dma_wait3A_19 : memref<1x320x16xf32, #tpu.memory_space<hbm>> -> memref<320x16xf32, #tpu.memory_space<hbm>>
      tpu.wait_dma2 semaphore(%run_scoped3A_10 : memref<!tpu.dma_semaphore, #tpu.memory_space<semaphore_mem>>) src(%dma_wait3A_20 : memref<320x16xf32, #tpu.memory_space<hbm>>) dst(%arg8 : memref<320x16xf32, #tpu.memory_space<vmem>>)
      tpu.yield
    }) : () -> ()
    "tpu.region"() ({
      %run_scoped3A_10 = tpu.sem_alloc : memref<!tpu.dma_semaphore, #tpu.memory_space<semaphore_mem>>
      %dma_start3A = tpu.memref_slice %arg3[%mul3A_2] : memref<10240xf32, #tpu.memory_space<hbm>> -> memref<320xf32, #tpu.memory_space<hbm>>
      %dma_start3A_11 = tpu.memref_slice %arg3[%mul3A_2] : memref<10240xf32, #tpu.memory_space<hbm>> -> memref<320xf32, #tpu.memory_space<hbm>>
      tpu.enqueue_dma source(%dma_start3A_11 : memref<320xf32, #tpu.memory_space<hbm>>) target(%arg9 : memref<320xf32, #tpu.memory_space<vmem>>) target_semaphore(%run_scoped3A_10 : memref<!tpu.dma_semaphore, #tpu.memory_space<semaphore_mem>>)
      %dma_wait3A = tpu.memref_slice %arg3[%mul3A_2] : memref<10240xf32, #tpu.memory_space<hbm>> -> memref<320xf32, #tpu.memory_space<hbm>>
      %dma_wait3A_12 = tpu.memref_slice %arg3[%mul3A_2] : memref<10240xf32, #tpu.memory_space<hbm>> -> memref<320xf32, #tpu.memory_space<hbm>>
      tpu.wait_dma2 semaphore(%run_scoped3A_10 : memref<!tpu.dma_semaphore, #tpu.memory_space<semaphore_mem>>) src(%dma_wait3A_12 : memref<320xf32, #tpu.memory_space<hbm>>) dst(%arg9 : memref<320xf32, #tpu.memory_space<vmem>>)
      tpu.yield
    }) : () -> ()
    "tpu.region"() ({
      %run_scoped3A_10 = tpu.sem_alloc : memref<!tpu.dma_semaphore, #tpu.memory_space<semaphore_mem>>
      %dma_start3A = tpu.memref_slice %arg4[%mul3A_2] : memref<10240xf32, #tpu.memory_space<hbm>> -> memref<320xf32, #tpu.memory_space<hbm>>
      %dma_start3A_11 = tpu.memref_slice %arg4[%mul3A_2] : memref<10240xf32, #tpu.memory_space<hbm>> -> memref<320xf32, #tpu.memory_space<hbm>>
      tpu.enqueue_dma source(%dma_start3A_11 : memref<320xf32, #tpu.memory_space<hbm>>) target(%arg10 : memref<320xf32, #tpu.memory_space<vmem>>) target_semaphore(%run_scoped3A_10 : memref<!tpu.dma_semaphore, #tpu.memory_space<semaphore_mem>>)
      %dma_wait3A = tpu.memref_slice %arg4[%mul3A_2] : memref<10240xf32, #tpu.memory_space<hbm>> -> memref<320xf32, #tpu.memory_space<hbm>>
      %dma_wait3A_12 = tpu.memref_slice %arg4[%mul3A_2] : memref<10240xf32, #tpu.memory_space<hbm>> -> memref<320xf32, #tpu.memory_space<hbm>>
      tpu.wait_dma2 semaphore(%run_scoped3A_10 : memref<!tpu.dma_semaphore, #tpu.memory_space<semaphore_mem>>) src(%dma_wait3A_12 : memref<320xf32, #tpu.memory_space<hbm>>) dst(%arg10 : memref<320xf32, #tpu.memory_space<vmem>>)
      tpu.yield
    }) : () -> ()
    "tpu.region"() ({
      %run_scoped3A_10 = tpu.sem_alloc : memref<!tpu.dma_semaphore, #tpu.memory_space<semaphore_mem>>
      tpu.enqueue_dma source(%arg5 : memref<16xf32, #tpu.memory_space<hbm>>) target(%arg11 : memref<16xf32, #tpu.memory_space<vmem>>) target_semaphore(%run_scoped3A_10 : memref<!tpu.dma_semaphore, #tpu.memory_space<semaphore_mem>>)
      tpu.wait_dma2 semaphore(%run_scoped3A_10 : memref<!tpu.dma_semaphore, #tpu.memory_space<semaphore_mem>>) src(%arg5 : memref<16xf32, #tpu.memory_space<hbm>>) dst(%arg11 : memref<16xf32, #tpu.memory_space<vmem>>)
      tpu.yield
    }) : () -> ()
    %get3A = arith.constant 0 : index
    %get3A_4 = tpu.vector_load %arg11[%get3A] {strides = array<i32>} : memref<16xf32, #tpu.memory_space<vmem>>, vector<16xf32>,
    %scan3A = arith.constant 0 : i32
    %scan3A_5 = arith.constant 0 : i32
    %scan3A_6 = arith.constant 160 : i32
    %scan3A_7 = arith.addi %scan3A_5, %scan3A_6 : i32
    %scan3A_8 = arith.constant 1 : i32
    scf.for %scan3A_10 = %scan3A_5 to %scan3A_7 step %scan3A_8  : i32 {
      %mul3A_11 = arith.constant 2 : i32
      %mul3A_12 = arith.muli %scan3A_10, %mul3A_11 : i32
      %broadcast_in_dim3A = vector.broadcast %mul3A_12 : i32 to vector<16xi32>
      %add3A_13 = arith.constant 1 : i32
      %add3A_14 = arith.addi %mul3A_12, %add3A_13 : i32
      %broadcast_in_dim3A_15 = vector.broadcast %add3A_14 : i32 to vector<16xi32>
      %gather3A = tpu.vector_load_idx %arg9[%broadcast_in_dim3A] : memref<320xf32, #tpu.memory_space<vmem>>[vector<16xi32>], vector<16xf32>,
      %gather3A_16 = tpu.vector_load_idx %arg10[%broadcast_in_dim3A] : memref<320xf32, #tpu.memory_space<vmem>>[vector<16xi32>], vector<16xf32>,
      %gather3A_17 = tpu.vector_load_idx %arg9[%broadcast_in_dim3A_15] : memref<320xf32, #tpu.memory_space<vmem>>[vector<16xi32>], vector<16xf32>,
      %gather3A_18 = tpu.vector_load_idx %arg10[%broadcast_in_dim3A_15] : memref<320xf32, #tpu.memory_space<vmem>>[vector<16xi32>], vector<16xf32>,
      %get3A_19 = arith.index_cast %mul3A_12 : i32 to index
      %get3A_20 = arith.constant 0 : index
      %get3A_21 = tpu.vector_load %arg7[%get3A_19, %get3A_20] {strides = array<i32>} : memref<320x16xf32, #tpu.memory_space<vmem>>, vector<16xf32>,
      %get3A_22 = arith.index_cast %mul3A_12 : i32 to index
      %get3A_23 = arith.constant 0 : index
      %get3A_24 = tpu.vector_load %arg8[%get3A_22, %get3A_23] {strides = array<i32>} : memref<320x16xf32, #tpu.memory_space<vmem>>, vector<16xf32>,
      %add3A_25 = arith.addf %get3A_21, %get3A_24 : vector<16xf32>
      %mul3A_26 = arith.mulf %add3A_25, %gather3A : vector<16xf32>
      %mul3A_27 = arith.mulf %get3A_4, %gather3A_16 : vector<16xf32>
      %add3A_28 = arith.addf %mul3A_26, %mul3A_27 : vector<16xf32>
      %swap3A = arith.index_cast %mul3A_12 : i32 to index
      %swap3A_29 = arith.constant 0 : index
      %swap3A_30 = tpu.vector_load %arg12[%swap3A, %swap3A_29] {strides = array<i32>} : memref<320x16xf32, #tpu.memory_space<vmem>>, vector<16xf32>,
      tpu.vector_store %arg12[%swap3A, %swap3A_29], %add3A_28 {strides = array<i32>} : memref<320x16xf32, #tpu.memory_space<vmem>>, vector<16xf32>,
      %add3A_31 = arith.constant 1 : i32
      %add3A_32 = arith.addi %mul3A_12, %add3A_31 : i32
      %get3A_33 = arith.index_cast %add3A_32 : i32 to index
      %get3A_34 = arith.constant 0 : index
      %get3A_35 = tpu.vector_load %arg7[%get3A_33, %get3A_34] {strides = array<i32>} : memref<320x16xf32, #tpu.memory_space<vmem>>, vector<16xf32>,
      %add3A_36 = arith.constant 1 : i32
      %add3A_37 = arith.addi %mul3A_12, %add3A_36 : i32
      %get3A_38 = arith.index_cast %add3A_37 : i32 to index
      %get3A_39 = arith.constant 0 : index
      %get3A_40 = tpu.vector_load %arg8[%get3A_38, %get3A_39] {strides = array<i32>} : memref<320x16xf32, #tpu.memory_space<vmem>>, vector<16xf32>,
      %add3A_41 = arith.addf %get3A_35, %get3A_40 : vector<16xf32>
      %mul3A_42 = arith.mulf %add3A_41, %gather3A_17 : vector<16xf32>
      %mul3A_43 = arith.mulf %get3A_4, %gather3A_18 : vector<16xf32>
      %add3A_44 = arith.addf %mul3A_42, %mul3A_43 : vector<16xf32>
      %add3A_45 = arith.constant 1 : i32
      %add3A_46 = arith.addi %mul3A_12, %add3A_45 : i32
      %swap3A_47 = arith.index_cast %add3A_46 : i32 to index
      %swap3A_48 = arith.constant 0 : index
      %swap3A_49 = tpu.vector_load %arg12[%swap3A_47, %swap3A_48] {strides = array<i32>} : memref<320x16xf32, #tpu.memory_space<vmem>>, vector<16xf32>,
      tpu.vector_store %arg12[%swap3A_47, %swap3A_48], %add3A_44 {strides = array<i32>} : memref<320x16xf32, #tpu.memory_space<vmem>>, vector<16xf32>,
    }
    %scan3A_9 = arith.constant 160 : i32
    "tpu.region"() ({
      %run_scoped3A_10 = tpu.sem_alloc : memref<!tpu.dma_semaphore, #tpu.memory_space<semaphore_mem>>
      %dma_start3A = arith.constant 0 : i32
      %dma_start3A_11 = tpu.memref_slice %arg6[%mul3A_2, %dma_start3A] : memref<10240x16xf32, #tpu.memory_space<hbm>> -> memref<320x16xf32, #tpu.memory_space<hbm>>
      %dma_start3A_12 = arith.constant 0 : i32
      %dma_start3A_13 = tpu.memref_slice %arg6[%mul3A_2, %dma_start3A_12] : memref<10240x16xf32, #tpu.memory_space<hbm>> -> memref<320x16xf32, #tpu.memory_space<hbm>>
      tpu.enqueue_dma source(%arg12 : memref<320x16xf32, #tpu.memory_space<vmem>>) target(%dma_start3A_13 : memref<320x16xf32, #tpu.memory_space<hbm>>) target_semaphore(%run_scoped3A_10 : memref<!tpu.dma_semaphore, #tpu.memory_space<semaphore_mem>>)
      %dma_wait3A = arith.constant 0 : i32
      %dma_wait3A_14 = tpu.memref_slice %arg6[%mul3A_2, %dma_wait3A] : memref<10240x16xf32, #tpu.memory_space<hbm>> -> memref<320x16xf32, #tpu.memory_space<hbm>>
      %dma_wait3A_15 = arith.constant 0 : i32
      %dma_wait3A_16 = tpu.memref_slice %arg6[%mul3A_2, %dma_wait3A_15] : memref<10240x16xf32, #tpu.memory_space<hbm>> -> memref<320x16xf32, #tpu.memory_space<hbm>>
      tpu.wait_dma2 semaphore(%run_scoped3A_10 : memref<!tpu.dma_semaphore, #tpu.memory_space<semaphore_mem>>) src(%arg12 : memref<320x16xf32, #tpu.memory_space<vmem>>) dst(%dma_wait3A_16 : memref<320x16xf32, #tpu.memory_space<hbm>>)
      tpu.yield
    }) : () -> ()
    return
  }
}

#map = affine_map<(d0, d1) -> (0, 0)>
#map1 = affine_map<(d0, d1) -> (0, 0, 0)>
module attributes {stable_mosaic.version = 14 : i64} {
  func.func @_agg_kernel(%arg0: i32, %arg1: i32, %arg2: memref<10240x16xf32, #tpu.memory_space<hbm>>, %arg3: memref<32x78x128xi32, #tpu.memory_space<hbm>>, %arg4: memref<32x78x128xi32, #tpu.memory_space<hbm>>, %arg5: memref<32x16xi32, #tpu.memory_space<hbm>>, %arg6: memref<32x16xi32, #tpu.memory_space<hbm>>, %arg7: memref<10240x16xf32, #tpu.memory_space<hbm>>, %arg8: memref<2x10240x16xf32, #tpu.memory_space<hbm>>, %arg9: memref<78x128xi32, #tpu.memory_space<vmem>>, %arg10: memref<78x128xi32, #tpu.memory_space<vmem>>, %arg11: memref<16xi32, #tpu.memory_space<vmem>>, %arg12: memref<16xi32, #tpu.memory_space<vmem>>, %arg13: memref<128x16xf32, #tpu.memory_space<vmem>>, %arg14: memref<128x16xf32, #tpu.memory_space<vmem>>, %arg15: memref<128x16xf32, #tpu.memory_space<vmem>>, %arg16: memref<128x16xf32, #tpu.memory_space<vmem>>, %arg17: memref<128x16xf32, #tpu.memory_space<vmem>>, %arg18: memref<128x16xf32, #tpu.memory_space<vmem>>, %arg19: memref<128x16xf32, #tpu.memory_space<vmem>>, %arg20: memref<128x16xf32, #tpu.memory_space<vmem>>, %arg21: memref<16x16xf32, #tpu.memory_space<vmem>>, %arg22: memref<640x16xf32, #tpu.memory_space<vmem>>, %arg23: memref<10240x16xf32, #tpu.memory_space<vmem_shared>>, %arg24: memref<!tpu.dma_semaphore, #tpu.memory_space<semaphore_mem>>, %arg25: memref<!tpu.dma_semaphore, #tpu.memory_space<semaphore_mem>>, %arg26: memref<!tpu.dma_semaphore, #tpu.memory_space<semaphore_mem>>, %arg27: memref<!tpu.dma_semaphore, #tpu.memory_space<semaphore_mem>>, %arg28: memref<!tpu.dma_semaphore, #tpu.memory_space<semaphore_mem>>, %arg29: memref<!tpu.dma_semaphore, #tpu.memory_space<semaphore_mem>>, %arg30: memref<!tpu.dma_semaphore, #tpu.memory_space<semaphore_mem>>, %arg31: memref<!tpu.dma_semaphore, #tpu.memory_space<semaphore_mem>>, %arg32: memref<!tpu.dma_semaphore, #tpu.memory_space<semaphore_mem>>, %arg33: memref<!tpu.dma_semaphore, #tpu.memory_space<semaphore_mem>>, %arg34: memref<!tpu.dma_semaphore, #tpu.memory_space<semaphore_mem>>, %arg35: memref<!tpu.dma_semaphore, #tpu.memory_space<semaphore_mem>>, %arg36: memref<!tpu.dma_semaphore, #tpu.memory_space<semaphore_mem>>, %arg37: memref<!tpu.dma_semaphore, #tpu.memory_space<semaphore_mem>>, %arg38: memref<!tpu.dma_semaphore, #tpu.memory_space<semaphore_mem>>, %arg39: memref<!tpu.dma_semaphore, #tpu.memory_space<semaphore_mem>>) attributes {dimension_semantics = [#tpu.dimension_semantics<core_parallel>, #tpu.dimension_semantics<subcore_parallel>], iteration_bounds = array<i64: 2, 16>, scalar_prefetch = 0 : i64, scratch_operands = 31 : i64, tpu.core_type = #tpu.core_type<sc_vector_subcore>, window_params = [{transform_indices = #map}, {transform_indices = #map1}, {transform_indices = #map1}, {transform_indices = #map}, {transform_indices = #map}, {transform_indices = #map}, {transform_indices = #map1}]} {
    %mul3A = arith.constant 2 : i32
    %mul3A_0 = arith.muli %arg1, %mul3A : i32
    %add3A = arith.addi %mul3A_0, %arg0 : i32
    %mul3A_1 = arith.constant 640 : i32
    %mul3A_2 = arith.muli %arg1, %mul3A_1 : i32
    "tpu.region"() ({
      %run_scoped3A = tpu.sem_alloc : memref<!tpu.dma_semaphore, #tpu.memory_space<semaphore_mem>>
      %dma_start3A_97 = arith.constant 0 : i32
      %dma_start3A_98 = tpu.memref_slice %arg7[%mul3A_2, %dma_start3A_97] : memref<10240x16xf32, #tpu.memory_space<hbm>> -> memref<640x16xf32, #tpu.memory_space<hbm>>
      %dma_start3A_99 = arith.constant 0 : i32
      %dma_start3A_100 = tpu.memref_slice %arg7[%mul3A_2, %dma_start3A_99] : memref<10240x16xf32, #tpu.memory_space<hbm>> -> memref<640x16xf32, #tpu.memory_space<hbm>>
      tpu.enqueue_dma source(%dma_start3A_100 : memref<640x16xf32, #tpu.memory_space<hbm>>) target(%arg22 : memref<640x16xf32, #tpu.memory_space<vmem>>) target_semaphore(%run_scoped3A : memref<!tpu.dma_semaphore, #tpu.memory_space<semaphore_mem>>)
      %dma_wait3A_101 = arith.constant 0 : i32
      %dma_wait3A_102 = tpu.memref_slice %arg7[%mul3A_2, %dma_wait3A_101] : memref<10240x16xf32, #tpu.memory_space<hbm>> -> memref<640x16xf32, #tpu.memory_space<hbm>>
      %dma_wait3A_103 = arith.constant 0 : i32
      %dma_wait3A_104 = tpu.memref_slice %arg7[%mul3A_2, %dma_wait3A_103] : memref<10240x16xf32, #tpu.memory_space<hbm>> -> memref<640x16xf32, #tpu.memory_space<hbm>>
      tpu.wait_dma2 semaphore(%run_scoped3A : memref<!tpu.dma_semaphore, #tpu.memory_space<semaphore_mem>>) src(%dma_wait3A_104 : memref<640x16xf32, #tpu.memory_space<hbm>>) dst(%arg22 : memref<640x16xf32, #tpu.memory_space<vmem>>)
      tpu.yield
    }) : () -> ()
    "tpu.region"() ({
      %run_scoped3A = tpu.sem_alloc : memref<!tpu.dma_semaphore, #tpu.memory_space<semaphore_mem>>
      %dma_start3A_97 = arith.constant 0 : i32
      %dma_start3A_98 = tpu.memref_slice %arg23[%mul3A_2, %dma_start3A_97] : memref<10240x16xf32, #tpu.memory_space<vmem_shared>> -> memref<640x16xf32, #tpu.memory_space<vmem_shared>>
      %dma_start3A_99 = arith.constant 0 : i32
      %dma_start3A_100 = tpu.memref_slice %arg23[%mul3A_2, %dma_start3A_99] : memref<10240x16xf32, #tpu.memory_space<vmem_shared>> -> memref<640x16xf32, #tpu.memory_space<vmem_shared>>
      tpu.enqueue_dma source(%arg22 : memref<640x16xf32, #tpu.memory_space<vmem>>) target(%dma_start3A_100 : memref<640x16xf32, #tpu.memory_space<vmem_shared>>) target_semaphore(%run_scoped3A : memref<!tpu.dma_semaphore, #tpu.memory_space<semaphore_mem>>)
      %dma_wait3A_101 = arith.constant 0 : i32
      %dma_wait3A_102 = tpu.memref_slice %arg23[%mul3A_2, %dma_wait3A_101] : memref<10240x16xf32, #tpu.memory_space<vmem_shared>> -> memref<640x16xf32, #tpu.memory_space<vmem_shared>>
      %dma_wait3A_103 = arith.constant 0 : i32
      %dma_wait3A_104 = tpu.memref_slice %arg23[%mul3A_2, %dma_wait3A_103] : memref<10240x16xf32, #tpu.memory_space<vmem_shared>> -> memref<640x16xf32, #tpu.memory_space<vmem_shared>>
      tpu.wait_dma2 semaphore(%run_scoped3A : memref<!tpu.dma_semaphore, #tpu.memory_space<semaphore_mem>>) src(%arg22 : memref<640x16xf32, #tpu.memory_space<vmem>>) dst(%dma_wait3A_104 : memref<640x16xf32, #tpu.memory_space<vmem_shared>>)
      tpu.yield
    }) : () -> ()
    %barrier3A = arith.constant 0 : index
    tpu.barrier barrier_id(%barrier3A)
    "tpu.region"() ({
      %run_scoped3A = tpu.sem_alloc : memref<!tpu.dma_semaphore, #tpu.memory_space<semaphore_mem>>
      %dma_start3A_97 = arith.constant 0 : i32
      %dma_start3A_98 = arith.constant 0 : i32
      %dma_start3A_99 = tpu.memref_slice %arg3[%add3A, %dma_start3A_97, %dma_start3A_98] : memref<32x78x128xi32, #tpu.memory_space<hbm>> -> memref<1x78x128xi32, #tpu.memory_space<hbm>>
      %dma_start3A_100 = tpu.memref_squeeze %dma_start3A_99 : memref<1x78x128xi32, #tpu.memory_space<hbm>> -> memref<78x128xi32, #tpu.memory_space<hbm>>
      %dma_start3A_101 = arith.constant 0 : i32
      %dma_start3A_102 = arith.constant 0 : i32
      %dma_start3A_103 = tpu.memref_slice %arg3[%add3A, %dma_start3A_101, %dma_start3A_102] : memref<32x78x128xi32, #tpu.memory_space<hbm>> -> memref<1x78x128xi32, #tpu.memory_space<hbm>>
      %dma_start3A_104 = tpu.memref_squeeze %dma_start3A_103 : memref<1x78x128xi32, #tpu.memory_space<hbm>> -> memref<78x128xi32, #tpu.memory_space<hbm>>
      tpu.enqueue_dma source(%dma_start3A_104 : memref<78x128xi32, #tpu.memory_space<hbm>>) target(%arg9 : memref<78x128xi32, #tpu.memory_space<vmem>>) target_semaphore(%run_scoped3A : memref<!tpu.dma_semaphore, #tpu.memory_space<semaphore_mem>>)
      %dma_wait3A_105 = arith.constant 0 : i32
      %dma_wait3A_106 = arith.constant 0 : i32
      %dma_wait3A_107 = tpu.memref_slice %arg3[%add3A, %dma_wait3A_105, %dma_wait3A_106] : memref<32x78x128xi32, #tpu.memory_space<hbm>> -> memref<1x78x128xi32, #tpu.memory_space<hbm>>
      %dma_wait3A_108 = tpu.memref_squeeze %dma_wait3A_107 : memref<1x78x128xi32, #tpu.memory_space<hbm>> -> memref<78x128xi32, #tpu.memory_space<hbm>>
      %dma_wait3A_109 = arith.constant 0 : i32
      %dma_wait3A_110 = arith.constant 0 : i32
      %dma_wait3A_111 = tpu.memref_slice %arg3[%add3A, %dma_wait3A_109, %dma_wait3A_110] : memref<32x78x128xi32, #tpu.memory_space<hbm>> -> memref<1x78x128xi32, #tpu.memory_space<hbm>>
      %dma_wait3A_112 = tpu.memref_squeeze %dma_wait3A_111 : memref<1x78x128xi32, #tpu.memory_space<hbm>> -> memref<78x128xi32, #tpu.memory_space<hbm>>
      tpu.wait_dma2 semaphore(%run_scoped3A : memref<!tpu.dma_semaphore, #tpu.memory_space<semaphore_mem>>) src(%dma_wait3A_112 : memref<78x128xi32, #tpu.memory_space<hbm>>) dst(%arg9 : memref<78x128xi32, #tpu.memory_space<vmem>>)
      tpu.yield
    }) : () -> ()
    "tpu.region"() ({
      %run_scoped3A = tpu.sem_alloc : memref<!tpu.dma_semaphore, #tpu.memory_space<semaphore_mem>>
      %dma_start3A_97 = arith.constant 0 : i32
      %dma_start3A_98 = arith.constant 0 : i32
      %dma_start3A_99 = tpu.memref_slice %arg4[%add3A, %dma_start3A_97, %dma_start3A_98] : memref<32x78x128xi32, #tpu.memory_space<hbm>> -> memref<1x78x128xi32, #tpu.memory_space<hbm>>
      %dma_start3A_100 = tpu.memref_squeeze %dma_start3A_99 : memref<1x78x128xi32, #tpu.memory_space<hbm>> -> memref<78x128xi32, #tpu.memory_space<hbm>>
      %dma_start3A_101 = arith.constant 0 : i32
      %dma_start3A_102 = arith.constant 0 : i32
      %dma_start3A_103 = tpu.memref_slice %arg4[%add3A, %dma_start3A_101, %dma_start3A_102] : memref<32x78x128xi32, #tpu.memory_space<hbm>> -> memref<1x78x128xi32, #tpu.memory_space<hbm>>
      %dma_start3A_104 = tpu.memref_squeeze %dma_start3A_103 : memref<1x78x128xi32, #tpu.memory_space<hbm>> -> memref<78x128xi32, #tpu.memory_space<hbm>>
      tpu.enqueue_dma source(%dma_start3A_104 : memref<78x128xi32, #tpu.memory_space<hbm>>) target(%arg10 : memref<78x128xi32, #tpu.memory_space<vmem>>) target_semaphore(%run_scoped3A : memref<!tpu.dma_semaphore, #tpu.memory_space<semaphore_mem>>)
      %dma_wait3A_105 = arith.constant 0 : i32
      %dma_wait3A_106 = arith.constant 0 : i32
      %dma_wait3A_107 = tpu.memref_slice %arg4[%add3A, %dma_wait3A_105, %dma_wait3A_106] : memref<32x78x128xi32, #tpu.memory_space<hbm>> -> memref<1x78x128xi32, #tpu.memory_space<hbm>>
      %dma_wait3A_108 = tpu.memref_squeeze %dma_wait3A_107 : memref<1x78x128xi32, #tpu.memory_space<hbm>> -> memref<78x128xi32, #tpu.memory_space<hbm>>
      %dma_wait3A_109 = arith.constant 0 : i32
      %dma_wait3A_110 = arith.constant 0 : i32
      %dma_wait3A_111 = tpu.memref_slice %arg4[%add3A, %dma_wait3A_109, %dma_wait3A_110] : memref<32x78x128xi32, #tpu.memory_space<hbm>> -> memref<1x78x128xi32, #tpu.memory_space<hbm>>
      %dma_wait3A_112 = tpu.memref_squeeze %dma_wait3A_111 : memref<1x78x128xi32, #tpu.memory_space<hbm>> -> memref<78x128xi32, #tpu.memory_space<hbm>>
      tpu.wait_dma2 semaphore(%run_scoped3A : memref<!tpu.dma_semaphore, #tpu.memory_space<semaphore_mem>>) src(%dma_wait3A_112 : memref<78x128xi32, #tpu.memory_space<hbm>>) dst(%arg10 : memref<78x128xi32, #tpu.memory_space<vmem>>)
      tpu.yield
    }) : () -> ()
    "tpu.region"() ({
      %run_scoped3A = tpu.sem_alloc : memref<!tpu.dma_semaphore, #tpu.memory_space<semaphore_mem>>
      %dma_start3A_97 = arith.constant 0 : i32
      %dma_start3A_98 = tpu.memref_slice %arg5[%add3A, %dma_start3A_97] : memref<32x16xi32, #tpu.memory_space<hbm>> -> memref<1x16xi32, #tpu.memory_space<hbm>>
      %dma_start3A_99 = tpu.memref_squeeze %dma_start3A_98 : memref<1x16xi32, #tpu.memory_space<hbm>> -> memref<16xi32, #tpu.memory_space<hbm>>
      %dma_start3A_100 = arith.constant 0 : i32
      %dma_start3A_101 = tpu.memref_slice %arg5[%add3A, %dma_start3A_100] : memref<32x16xi32, #tpu.memory_space<hbm>> -> memref<1x16xi32, #tpu.memory_space<hbm>>
      %dma_start3A_102 = tpu.memref_squeeze %dma_start3A_101 : memref<1x16xi32, #tpu.memory_space<hbm>> -> memref<16xi32, #tpu.memory_space<hbm>>
      tpu.enqueue_dma source(%dma_start3A_102 : memref<16xi32, #tpu.memory_space<hbm>>) target(%arg11 : memref<16xi32, #tpu.memory_space<vmem>>) target_semaphore(%run_scoped3A : memref<!tpu.dma_semaphore, #tpu.memory_space<semaphore_mem>>)
      %dma_wait3A_103 = arith.constant 0 : i32
      %dma_wait3A_104 = tpu.memref_slice %arg5[%add3A, %dma_wait3A_103] : memref<32x16xi32, #tpu.memory_space<hbm>> -> memref<1x16xi32, #tpu.memory_space<hbm>>
      %dma_wait3A_105 = tpu.memref_squeeze %dma_wait3A_104 : memref<1x16xi32, #tpu.memory_space<hbm>> -> memref<16xi32, #tpu.memory_space<hbm>>
      %dma_wait3A_106 = arith.constant 0 : i32
      %dma_wait3A_107 = tpu.memref_slice %arg5[%add3A, %dma_wait3A_106] : memref<32x16xi32, #tpu.memory_space<hbm>> -> memref<1x16xi32, #tpu.memory_space<hbm>>
      %dma_wait3A_108 = tpu.memref_squeeze %dma_wait3A_107 : memref<1x16xi32, #tpu.memory_space<hbm>> -> memref<16xi32, #tpu.memory_space<hbm>>
      tpu.wait_dma2 semaphore(%run_scoped3A : memref<!tpu.dma_semaphore, #tpu.memory_space<semaphore_mem>>) src(%dma_wait3A_108 : memref<16xi32, #tpu.memory_space<hbm>>) dst(%arg11 : memref<16xi32, #tpu.memory_space<vmem>>)
      tpu.yield
    }) : () -> ()
    "tpu.region"() ({
      %run_scoped3A = tpu.sem_alloc : memref<!tpu.dma_semaphore, #tpu.memory_space<semaphore_mem>>
      %dma_start3A_97 = arith.constant 0 : i32
      %dma_start3A_98 = tpu.memref_slice %arg6[%add3A, %dma_start3A_97] : memref<32x16xi32, #tpu.memory_space<hbm>> -> memref<1x16xi32, #tpu.memory_space<hbm>>
      %dma_start3A_99 = tpu.memref_squeeze %dma_start3A_98 : memref<1x16xi32, #tpu.memory_space<hbm>> -> memref<16xi32, #tpu.memory_space<hbm>>
      %dma_start3A_100 = arith.constant 0 : i32
      %dma_start3A_101 = tpu.memref_slice %arg6[%add3A, %dma_start3A_100] : memref<32x16xi32, #tpu.memory_space<hbm>> -> memref<1x16xi32, #tpu.memory_space<hbm>>
      %dma_start3A_102 = tpu.memref_squeeze %dma_start3A_101 : memref<1x16xi32, #tpu.memory_space<hbm>> -> memref<16xi32, #tpu.memory_space<hbm>>
      tpu.enqueue_dma source(%dma_start3A_102 : memref<16xi32, #tpu.memory_space<hbm>>) target(%arg12 : memref<16xi32, #tpu.memory_space<vmem>>) target_semaphore(%run_scoped3A : memref<!tpu.dma_semaphore, #tpu.memory_space<semaphore_mem>>)
      %dma_wait3A_103 = arith.constant 0 : i32
      %dma_wait3A_104 = tpu.memref_slice %arg6[%add3A, %dma_wait3A_103] : memref<32x16xi32, #tpu.memory_space<hbm>> -> memref<1x16xi32, #tpu.memory_space<hbm>>
      %dma_wait3A_105 = tpu.memref_squeeze %dma_wait3A_104 : memref<1x16xi32, #tpu.memory_space<hbm>> -> memref<16xi32, #tpu.memory_space<hbm>>
      %dma_wait3A_106 = arith.constant 0 : i32
      %dma_wait3A_107 = tpu.memref_slice %arg6[%add3A, %dma_wait3A_106] : memref<32x16xi32, #tpu.memory_space<hbm>> -> memref<1x16xi32, #tpu.memory_space<hbm>>
      %dma_wait3A_108 = tpu.memref_squeeze %dma_wait3A_107 : memref<1x16xi32, #tpu.memory_space<hbm>> -> memref<16xi32, #tpu.memory_space<hbm>>
      tpu.wait_dma2 semaphore(%run_scoped3A : memref<!tpu.dma_semaphore, #tpu.memory_space<semaphore_mem>>) src(%dma_wait3A_108 : memref<16xi32, #tpu.memory_space<hbm>>) dst(%arg12 : memref<16xi32, #tpu.memory_space<vmem>>)
      tpu.yield
    }) : () -> ()
    %dma_start3A = arith.constant 0 : i32
    %dma_start3A_3 = arith.constant 0 : i32
    %dma_start3A_4 = tpu.memref_slice %arg9[%dma_start3A, %dma_start3A_3] : memref<78x128xi32, #tpu.memory_space<vmem>> -> memref<1x128xi32, #tpu.memory_space<vmem>>
    %dma_start3A_5 = tpu.memref_squeeze %dma_start3A_4 : memref<1x128xi32, #tpu.memory_space<vmem>> -> memref<128xi32, #tpu.memory_space<vmem>>
    %dma_start3A_6 = arith.constant 0 : i32
    %dma_start3A_7 = arith.constant 0 : i32
    %dma_start3A_8 = tpu.memref_slice %arg2[%dma_start3A_6, %dma_start3A_7] : memref<10240x16xf32, #tpu.memory_space<hbm>> -> memref<10240x16xf32, #tpu.memory_space<hbm>>
    tpu.enqueue_indirect_dma source(%dma_start3A_8 : memref<10240x16xf32, #tpu.memory_space<hbm>>) target(%arg13 : memref<128x16xf32, #tpu.memory_space<vmem>>) offsets(%dma_start3A_5 : memref<128xi32, #tpu.memory_space<vmem>>) semaphore(%arg24 : memref<!tpu.dma_semaphore, #tpu.memory_space<semaphore_mem>>)
    %dma_start3A_9 = arith.constant 1 : i32
    %dma_start3A_10 = arith.constant 0 : i32
    %dma_start3A_11 = tpu.memref_slice %arg9[%dma_start3A_9, %dma_start3A_10] : memref<78x128xi32, #tpu.memory_space<vmem>> -> memref<1x128xi32, #tpu.memory_space<vmem>>
    %dma_start3A_12 = tpu.memref_squeeze %dma_start3A_11 : memref<1x128xi32, #tpu.memory_space<vmem>> -> memref<128xi32, #tpu.memory_space<vmem>>
    %dma_start3A_13 = arith.constant 0 : i32
    %dma_start3A_14 = arith.constant 0 : i32
    %dma_start3A_15 = tpu.memref_slice %arg2[%dma_start3A_13, %dma_start3A_14] : memref<10240x16xf32, #tpu.memory_space<hbm>> -> memref<10240x16xf32, #tpu.memory_space<hbm>>
    tpu.enqueue_indirect_dma source(%dma_start3A_15 : memref<10240x16xf32, #tpu.memory_space<hbm>>) target(%arg14 : memref<128x16xf32, #tpu.memory_space<vmem>>) offsets(%dma_start3A_12 : memref<128xi32, #tpu.memory_space<vmem>>) semaphore(%arg25 : memref<!tpu.dma_semaphore, #tpu.memory_space<semaphore_mem>>)
    %dma_start3A_16 = arith.constant 2 : i32
    %dma_start3A_17 = arith.constant 0 : i32
    %dma_start3A_18 = tpu.memref_slice %arg9[%dma_start3A_16, %dma_start3A_17] : memref<78x128xi32, #tpu.memory_space<vmem>> -> memref<1x128xi32, #tpu.memory_space<vmem>>
    %dma_start3A_19 = tpu.memref_squeeze %dma_start3A_18 : memref<1x128xi32, #tpu.memory_space<vmem>> -> memref<128xi32, #tpu.memory_space<vmem>>
    %dma_start3A_20 = arith.constant 0 : i32
    %dma_start3A_21 = arith.constant 0 : i32
    %dma_start3A_22 = tpu.memref_slice %arg2[%dma_start3A_20, %dma_start3A_21] : memref<10240x16xf32, #tpu.memory_space<hbm>> -> memref<10240x16xf32, #tpu.memory_space<hbm>>
    tpu.enqueue_indirect_dma source(%dma_start3A_22 : memref<10240x16xf32, #tpu.memory_space<hbm>>) target(%arg15 : memref<128x16xf32, #tpu.memory_space<vmem>>) offsets(%dma_start3A_19 : memref<128xi32, #tpu.memory_space<vmem>>) semaphore(%arg26 : memref<!tpu.dma_semaphore, #tpu.memory_space<semaphore_mem>>)
    %dma_start3A_23 = arith.constant 3 : i32
    %dma_start3A_24 = arith.constant 0 : i32
    %dma_start3A_25 = tpu.memref_slice %arg9[%dma_start3A_23, %dma_start3A_24] : memref<78x128xi32, #tpu.memory_space<vmem>> -> memref<1x128xi32, #tpu.memory_space<vmem>>
    %dma_start3A_26 = tpu.memref_squeeze %dma_start3A_25 : memref<1x128xi32, #tpu.memory_space<vmem>> -> memref<128xi32, #tpu.memory_space<vmem>>
    %dma_start3A_27 = arith.constant 0 : i32
    %dma_start3A_28 = arith.constant 0 : i32
    %dma_start3A_29 = tpu.memref_slice %arg2[%dma_start3A_27, %dma_start3A_28] : memref<10240x16xf32, #tpu.memory_space<hbm>> -> memref<10240x16xf32, #tpu.memory_space<hbm>>
    tpu.enqueue_indirect_dma source(%dma_start3A_29 : memref<10240x16xf32, #tpu.memory_space<hbm>>) target(%arg16 : memref<128x16xf32, #tpu.memory_space<vmem>>) offsets(%dma_start3A_26 : memref<128xi32, #tpu.memory_space<vmem>>) semaphore(%arg27 : memref<!tpu.dma_semaphore, #tpu.memory_space<semaphore_mem>>)
    %scan3A = arith.constant 0 : i32
    %scan3A_30 = arith.constant 0 : i32
    %scan3A_31 = arith.constant 78 : i32
    %scan3A_32 = arith.addi %scan3A_30, %scan3A_31 : i32
    %scan3A_33 = arith.constant 1 : i32
    scf.for %scan3A_97 = %scan3A_30 to %scan3A_32 step %scan3A_33  : i32 {
      %jit3A = arith.constant 8 : i32
      %eq3A = arith.constant 0 : i32
      %eq3A_98 = arith.cmpi eq, %jit3A, %eq3A : i32
      %jit3A_99 = arith.constant 1 : i32
      %select_n3A = arith.select %eq3A_98, %jit3A_99, %jit3A : i32
      %rem3A = arith.remsi %scan3A_97, %select_n3A : i32
      %ne3A = arith.constant 0 : i32
      %ne3A_100 = arith.cmpi ne, %rem3A, %ne3A : i32
      %lt3A = arith.constant 0 : i32
      %lt3A_101 = arith.cmpi slt, %rem3A, %lt3A : i32
      %lt3A_102 = arith.constant 0 : i32
      %lt3A_103 = arith.cmpi slt, %select_n3A, %lt3A_102 : i32
      %ne3A_104 = arith.xori %lt3A_101, %lt3A_103 : i1
      %and3A = arith.andi %ne3A_104, %ne3A_100 : i1
      %add3A_105 = arith.addi %rem3A, %select_n3A : i32
      %select_n3A_106 = arith.select %and3A, %add3A_105, %rem3A : i32
      %eq3A_107 = arith.constant 0 : i32
      %eq3A_108 = arith.cmpi eq, %select_n3A_106, %eq3A_107 : i32
      %convert_element_type3A = arith.extui %eq3A_108 : i1 to i32
      %cond3A = arith.constant 0 : i32
      %cond3A_109 = arith.cmpi ne, %convert_element_type3A, %cond3A : i32
      scf.if %cond3A_109 {
        %dma_wait3A_257 = arith.constant 0 : i32
        %dma_wait3A_258 = tpu.memref_slice %arg9[%scan3A_97, %dma_wait3A_257] : memref<78x128xi32, #tpu.memory_space<vmem>> -> memref<1x128xi32, #tpu.memory_space<vmem>>
        %dma_wait3A_259 = tpu.memref_squeeze %dma_wait3A_258 : memref<1x128xi32, #tpu.memory_space<vmem>> -> memref<128xi32, #tpu.memory_space<vmem>>
        %dma_wait3A_260 = arith.constant 0 : i32
        %dma_wait3A_261 = arith.constant 0 : i32
        %dma_wait3A_262 = tpu.memref_slice %arg2[%dma_wait3A_260, %dma_wait3A_261] : memref<10240x16xf32, #tpu.memory_space<hbm>> -> memref<10240x16xf32, #tpu.memory_space<hbm>>
        tpu.wait_indirect_dma semaphore(%arg24 : memref<!tpu.dma_semaphore, #tpu.memory_space<semaphore_mem>>) src(%dma_wait3A_262 : memref<10240x16xf32, #tpu.memory_space<hbm>>) dst(%arg13 : memref<128x16xf32, #tpu.memory_space<vmem>>)
        %dma_start3A_263 = arith.constant 0 : i32
        %dma_start3A_264 = tpu.memref_slice %arg10[%scan3A_97, %dma_start3A_263] : memref<78x128xi32, #tpu.memory_space<vmem>> -> memref<1x128xi32, #tpu.memory_space<vmem>>
        %dma_start3A_265 = tpu.memref_squeeze %dma_start3A_264 : memref<1x128xi32, #tpu.memory_space<vmem>> -> memref<128xi32, #tpu.memory_space<vmem>>
        %dma_start3A_266 = arith.constant 0 : i32
        %dma_start3A_267 = arith.constant 0 : i32
        %dma_start3A_268 = tpu.memref_slice %arg23[%dma_start3A_266, %dma_start3A_267] : memref<10240x16xf32, #tpu.memory_space<vmem_shared>> -> memref<10240x16xf32, #tpu.memory_space<vmem_shared>>
        tpu.enqueue_indirect_dma source(%arg13 : memref<128x16xf32, #tpu.memory_space<vmem>>) target(%dma_start3A_268 : memref<10240x16xf32, #tpu.memory_space<vmem_shared>>) offsets(%dma_start3A_265 : memref<128xi32, #tpu.memory_space<vmem>>) semaphore(%arg32 : memref<!tpu.dma_semaphore, #tpu.memory_space<semaphore_mem>>) {add = true}
        %add3A_269 = arith.constant 4 : i32
        %add3A_270 = arith.addi %scan3A_97, %add3A_269 : i32
        %lt3A_271 = arith.constant 78 : i32
        %lt3A_272 = arith.cmpi slt, %add3A_270, %lt3A_271 : i32
        %convert_element_type3A_273 = arith.extui %lt3A_272 : i1 to i32
        %cond3A_274 = arith.constant 0 : i32
        %cond3A_275 = arith.cmpi ne, %convert_element_type3A_273, %cond3A_274 : i32
        scf.if %cond3A_275 {
          %ge3A = arith.constant 4 : i32
          %ge3A_276 = arith.cmpi sge, %scan3A_97, %ge3A : i32
          %convert_element_type3A_277 = arith.extui %ge3A_276 : i1 to i32
          %cond3A_278 = arith.constant 0 : i32
          %cond3A_279 = arith.cmpi ne, %convert_element_type3A_277, %cond3A_278 : i32
          scf.if %cond3A_279 {
            %sub3A = arith.constant 4 : i32
            %sub3A_288 = arith.subi %scan3A_97, %sub3A : i32
            %dma_wait3A_289 = arith.constant 0 : i32
            %dma_wait3A_290 = tpu.memref_slice %arg10[%sub3A_288, %dma_wait3A_289] : memref<78x128xi32, #tpu.memory_space<vmem>> -> memref<1x128xi32, #tpu.memory_space<vmem>>
            %dma_wait3A_291 = tpu.memref_squeeze %dma_wait3A_290 : memref<1x128xi32, #tpu.memory_space<vmem>> -> memref<128xi32, #tpu.memory_space<vmem>>
            %dma_wait3A_292 = arith.constant 0 : i32
            %dma_wait3A_293 = arith.constant 0 : i32
            %dma_wait3A_294 = tpu.memref_slice %arg23[%dma_wait3A_292, %dma_wait3A_293] : memref<10240x16xf32, #tpu.memory_space<vmem_shared>> -> memref<10240x16xf32, #tpu.memory_space<vmem_shared>>
            tpu.wait_indirect_dma semaphore(%arg36 : memref<!tpu.dma_semaphore, #tpu.memory_space<semaphore_mem>>) src(%arg17 : memref<128x16xf32, #tpu.memory_space<vmem>>) dst(%dma_wait3A_294 : memref<10240x16xf32, #tpu.memory_space<vmem_shared>>)
          } else {
          }
          %add3A_280 = arith.constant 4 : i32
          %add3A_281 = arith.addi %scan3A_97, %add3A_280 : i32
          %dma_start3A_282 = arith.constant 0 : i32
          %dma_start3A_283 = tpu.memref_slice %arg9[%add3A_281, %dma_start3A_282] : memref<78x128xi32, #tpu.memory_space<vmem>> -> memref<1x128xi32, #tpu.memory_space<vmem>>
          %dma_start3A_284 = tpu.memref_squeeze %dma_start3A_283 : memref<1x128xi32, #tpu.memory_space<vmem>> -> memref<128xi32, #tpu.memory_space<vmem>>
          %dma_start3A_285 = arith.constant 0 : i32
          %dma_start3A_286 = arith.constant 0 : i32
          %dma_start3A_287 = tpu.memref_slice %arg2[%dma_start3A_285, %dma_start3A_286] : memref<10240x16xf32, #tpu.memory_space<hbm>> -> memref<10240x16xf32, #tpu.memory_space<hbm>>
          tpu.enqueue_indirect_dma source(%dma_start3A_287 : memref<10240x16xf32, #tpu.memory_space<hbm>>) target(%arg17 : memref<128x16xf32, #tpu.memory_space<vmem>>) offsets(%dma_start3A_284 : memref<128xi32, #tpu.memory_space<vmem>>) semaphore(%arg28 : memref<!tpu.dma_semaphore, #tpu.memory_space<semaphore_mem>>)
        } else {
        }
      } else {
      }
      %jit3A_110 = arith.constant 8 : i32
      %eq3A_111 = arith.constant 0 : i32
      %eq3A_112 = arith.cmpi eq, %jit3A_110, %eq3A_111 : i32
      %jit3A_113 = arith.constant 1 : i32
      %select_n3A_114 = arith.select %eq3A_112, %jit3A_113, %jit3A_110 : i32
      %rem3A_115 = arith.remsi %scan3A_97, %select_n3A_114 : i32
      %ne3A_116 = arith.constant 0 : i32
      %ne3A_117 = arith.cmpi ne, %rem3A_115, %ne3A_116 : i32
      %lt3A_118 = arith.constant 0 : i32
      %lt3A_119 = arith.cmpi slt, %rem3A_115, %lt3A_118 : i32
      %lt3A_120 = arith.constant 0 : i32
      %lt3A_121 = arith.cmpi slt, %select_n3A_114, %lt3A_120 : i32
      %ne3A_122 = arith.xori %lt3A_119, %lt3A_121 : i1
      %and3A_123 = arith.andi %ne3A_122, %ne3A_117 : i1
      %add3A_124 = arith.addi %rem3A_115, %select_n3A_114 : i32
      %select_n3A_125 = arith.select %and3A_123, %add3A_124, %rem3A_115 : i32
      %eq3A_126 = arith.constant 1 : i32
      %eq3A_127 = arith.cmpi eq, %select_n3A_125, %eq3A_126 : i32
      %convert_element_type3A_128 = arith.extui %eq3A_127 : i1 to i32
      %cond3A_129 = arith.constant 0 : i32
      %cond3A_130 = arith.cmpi ne, %convert_element_type3A_128, %cond3A_129 : i32
      scf.if %cond3A_130 {
        %dma_wait3A_257 = arith.constant 0 : i32
        %dma_wait3A_258 = tpu.memref_slice %arg9[%scan3A_97, %dma_wait3A_257] : memref<78x128xi32, #tpu.memory_space<vmem>> -> memref<1x128xi32, #tpu.memory_space<vmem>>
        %dma_wait3A_259 = tpu.memref_squeeze %dma_wait3A_258 : memref<1x128xi32, #tpu.memory_space<vmem>> -> memref<128xi32, #tpu.memory_space<vmem>>
        %dma_wait3A_260 = arith.constant 0 : i32
        %dma_wait3A_261 = arith.constant 0 : i32
        %dma_wait3A_262 = tpu.memref_slice %arg2[%dma_wait3A_260, %dma_wait3A_261] : memref<10240x16xf32, #tpu.memory_space<hbm>> -> memref<10240x16xf32, #tpu.memory_space<hbm>>
        tpu.wait_indirect_dma semaphore(%arg25 : memref<!tpu.dma_semaphore, #tpu.memory_space<semaphore_mem>>) src(%dma_wait3A_262 : memref<10240x16xf32, #tpu.memory_space<hbm>>) dst(%arg14 : memref<128x16xf32, #tpu.memory_space<vmem>>)
        %dma_start3A_263 = arith.constant 0 : i32
        %dma_start3A_264 = tpu.memref_slice %arg10[%scan3A_97, %dma_start3A_263] : memref<78x128xi32, #tpu.memory_space<vmem>> -> memref<1x128xi32, #tpu.memory_space<vmem>>
        %dma_start3A_265 = tpu.memref_squeeze %dma_start3A_264 : memref<1x128xi32, #tpu.memory_space<vmem>> -> memref<128xi32, #tpu.memory_space<vmem>>
        %dma_start3A_266 = arith.constant 0 : i32
        %dma_start3A_267 = arith.constant 0 : i32
        %dma_start3A_268 = tpu.memref_slice %arg23[%dma_start3A_266, %dma_start3A_267] : memref<10240x16xf32, #tpu.memory_space<vmem_shared>> -> memref<10240x16xf32, #tpu.memory_space<vmem_shared>>
        tpu.enqueue_indirect_dma source(%arg14 : memref<128x16xf32, #tpu.memory_space<vmem>>) target(%dma_start3A_268 : memref<10240x16xf32, #tpu.memory_space<vmem_shared>>) offsets(%dma_start3A_265 : memref<128xi32, #tpu.memory_space<vmem>>) semaphore(%arg33 : memref<!tpu.dma_semaphore, #tpu.memory_space<semaphore_mem>>) {add = true}
        %add3A_269 = arith.constant 4 : i32
        %add3A_270 = arith.addi %scan3A_97, %add3A_269 : i32
        %lt3A_271 = arith.constant 78 : i32
        %lt3A_272 = arith.cmpi slt, %add3A_270, %lt3A_271 : i32
        %convert_element_type3A_273 = arith.extui %lt3A_272 : i1 to i32
        %cond3A_274 = arith.constant 0 : i32
        %cond3A_275 = arith.cmpi ne, %convert_element_type3A_273, %cond3A_274 : i32
        scf.if %cond3A_275 {
          %ge3A = arith.constant 4 : i32
          %ge3A_276 = arith.cmpi sge, %scan3A_97, %ge3A : i32
          %convert_element_type3A_277 = arith.extui %ge3A_276 : i1 to i32
          %cond3A_278 = arith.constant 0 : i32
          %cond3A_279 = arith.cmpi ne, %convert_element_type3A_277, %cond3A_278 : i32
          scf.if %cond3A_279 {
            %sub3A = arith.constant 4 : i32
            %sub3A_288 = arith.subi %scan3A_97, %sub3A : i32
            %dma_wait3A_289 = arith.constant 0 : i32
            %dma_wait3A_290 = tpu.memref_slice %arg10[%sub3A_288, %dma_wait3A_289] : memref<78x128xi32, #tpu.memory_space<vmem>> -> memref<1x128xi32, #tpu.memory_space<vmem>>
            %dma_wait3A_291 = tpu.memref_squeeze %dma_wait3A_290 : memref<1x128xi32, #tpu.memory_space<vmem>> -> memref<128xi32, #tpu.memory_space<vmem>>
            %dma_wait3A_292 = arith.constant 0 : i32
            %dma_wait3A_293 = arith.constant 0 : i32
            %dma_wait3A_294 = tpu.memref_slice %arg23[%dma_wait3A_292, %dma_wait3A_293] : memref<10240x16xf32, #tpu.memory_space<vmem_shared>> -> memref<10240x16xf32, #tpu.memory_space<vmem_shared>>
            tpu.wait_indirect_dma semaphore(%arg37 : memref<!tpu.dma_semaphore, #tpu.memory_space<semaphore_mem>>) src(%arg18 : memref<128x16xf32, #tpu.memory_space<vmem>>) dst(%dma_wait3A_294 : memref<10240x16xf32, #tpu.memory_space<vmem_shared>>)
          } else {
          }
          %add3A_280 = arith.constant 4 : i32
          %add3A_281 = arith.addi %scan3A_97, %add3A_280 : i32
          %dma_start3A_282 = arith.constant 0 : i32
          %dma_start3A_283 = tpu.memref_slice %arg9[%add3A_281, %dma_start3A_282] : memref<78x128xi32, #tpu.memory_space<vmem>> -> memref<1x128xi32, #tpu.memory_space<vmem>>
          %dma_start3A_284 = tpu.memref_squeeze %dma_start3A_283 : memref<1x128xi32, #tpu.memory_space<vmem>> -> memref<128xi32, #tpu.memory_space<vmem>>
          %dma_start3A_285 = arith.constant 0 : i32
          %dma_start3A_286 = arith.constant 0 : i32
          %dma_start3A_287 = tpu.memref_slice %arg2[%dma_start3A_285, %dma_start3A_286] : memref<10240x16xf32, #tpu.memory_space<hbm>> -> memref<10240x16xf32, #tpu.memory_space<hbm>>
          tpu.enqueue_indirect_dma source(%dma_start3A_287 : memref<10240x16xf32, #tpu.memory_space<hbm>>) target(%arg18 : memref<128x16xf32, #tpu.memory_space<vmem>>) offsets(%dma_start3A_284 : memref<128xi32, #tpu.memory_space<vmem>>) semaphore(%arg29 : memref<!tpu.dma_semaphore, #tpu.memory_space<semaphore_mem>>)
        } else {
        }
      } else {
      }
      %jit3A_131 = arith.constant 8 : i32
      %eq3A_132 = arith.constant 0 : i32
      %eq3A_133 = arith.cmpi eq, %jit3A_131, %eq3A_132 : i32
      %jit3A_134 = arith.constant 1 : i32
      %select_n3A_135 = arith.select %eq3A_133, %jit3A_134, %jit3A_131 : i32
      %rem3A_136 = arith.remsi %scan3A_97, %select_n3A_135 : i32
      %ne3A_137 = arith.constant 0 : i32
      %ne3A_138 = arith.cmpi ne, %rem3A_136, %ne3A_137 : i32
      %lt3A_139 = arith.constant 0 : i32
      %lt3A_140 = arith.cmpi slt, %rem3A_136, %lt3A_139 : i32
      %lt3A_141 = arith.constant 0 : i32
      %lt3A_142 = arith.cmpi slt, %select_n3A_135, %lt3A_141 : i32
      %ne3A_143 = arith.xori %lt3A_140, %lt3A_142 : i1
      %and3A_144 = arith.andi %ne3A_143, %ne3A_138 : i1
      %add3A_145 = arith.addi %rem3A_136, %select_n3A_135 : i32
      %select_n3A_146 = arith.select %and3A_144, %add3A_145, %rem3A_136 : i32
      %eq3A_147 = arith.constant 2 : i32
      %eq3A_148 = arith.cmpi eq, %select_n3A_146, %eq3A_147 : i32
      %convert_element_type3A_149 = arith.extui %eq3A_148 : i1 to i32
      %cond3A_150 = arith.constant 0 : i32
      %cond3A_151 = arith.cmpi ne, %convert_element_type3A_149, %cond3A_150 : i32
      scf.if %cond3A_151 {
        %dma_wait3A_257 = arith.constant 0 : i32
        %dma_wait3A_258 = tpu.memref_slice %arg9[%scan3A_97, %dma_wait3A_257] : memref<78x128xi32, #tpu.memory_space<vmem>> -> memref<1x128xi32, #tpu.memory_space<vmem>>
        %dma_wait3A_259 = tpu.memref_squeeze %dma_wait3A_258 : memref<1x128xi32, #tpu.memory_space<vmem>> -> memref<128xi32, #tpu.memory_space<vmem>>
        %dma_wait3A_260 = arith.constant 0 : i32
        %dma_wait3A_261 = arith.constant 0 : i32
        %dma_wait3A_262 = tpu.memref_slice %arg2[%dma_wait3A_260, %dma_wait3A_261] : memref<10240x16xf32, #tpu.memory_space<hbm>> -> memref<10240x16xf32, #tpu.memory_space<hbm>>
        tpu.wait_indirect_dma semaphore(%arg26 : memref<!tpu.dma_semaphore, #tpu.memory_space<semaphore_mem>>) src(%dma_wait3A_262 : memref<10240x16xf32, #tpu.memory_space<hbm>>) dst(%arg15 : memref<128x16xf32, #tpu.memory_space<vmem>>)
        %dma_start3A_263 = arith.constant 0 : i32
        %dma_start3A_264 = tpu.memref_slice %arg10[%scan3A_97, %dma_start3A_263] : memref<78x128xi32, #tpu.memory_space<vmem>> -> memref<1x128xi32, #tpu.memory_space<vmem>>
        %dma_start3A_265 = tpu.memref_squeeze %dma_start3A_264 : memref<1x128xi32, #tpu.memory_space<vmem>> -> memref<128xi32, #tpu.memory_space<vmem>>
        %dma_start3A_266 = arith.constant 0 : i32
        %dma_start3A_267 = arith.constant 0 : i32
        %dma_start3A_268 = tpu.memref_slice %arg23[%dma_start3A_266, %dma_start3A_267] : memref<10240x16xf32, #tpu.memory_space<vmem_shared>> -> memref<10240x16xf32, #tpu.memory_space<vmem_shared>>
        tpu.enqueue_indirect_dma source(%arg15 : memref<128x16xf32, #tpu.memory_space<vmem>>) target(%dma_start3A_268 : memref<10240x16xf32, #tpu.memory_space<vmem_shared>>) offsets(%dma_start3A_265 : memref<128xi32, #tpu.memory_space<vmem>>) semaphore(%arg34 : memref<!tpu.dma_semaphore, #tpu.memory_space<semaphore_mem>>) {add = true}
        %add3A_269 = arith.constant 4 : i32
        %add3A_270 = arith.addi %scan3A_97, %add3A_269 : i32
        %lt3A_271 = arith.constant 78 : i32
        %lt3A_272 = arith.cmpi slt, %add3A_270, %lt3A_271 : i32
        %convert_element_type3A_273 = arith.extui %lt3A_272 : i1 to i32
        %cond3A_274 = arith.constant 0 : i32
        %cond3A_275 = arith.cmpi ne, %convert_element_type3A_273, %cond3A_274 : i32
        scf.if %cond3A_275 {
          %ge3A = arith.constant 4 : i32
          %ge3A_276 = arith.cmpi sge, %scan3A_97, %ge3A : i32
          %convert_element_type3A_277 = arith.extui %ge3A_276 : i1 to i32
          %cond3A_278 = arith.constant 0 : i32
          %cond3A_279 = arith.cmpi ne, %convert_element_type3A_277, %cond3A_278 : i32
          scf.if %cond3A_279 {
            %sub3A = arith.constant 4 : i32
            %sub3A_288 = arith.subi %scan3A_97, %sub3A : i32
            %dma_wait3A_289 = arith.constant 0 : i32
            %dma_wait3A_290 = tpu.memref_slice %arg10[%sub3A_288, %dma_wait3A_289] : memref<78x128xi32, #tpu.memory_space<vmem>> -> memref<1x128xi32, #tpu.memory_space<vmem>>
            %dma_wait3A_291 = tpu.memref_squeeze %dma_wait3A_290 : memref<1x128xi32, #tpu.memory_space<vmem>> -> memref<128xi32, #tpu.memory_space<vmem>>
            %dma_wait3A_292 = arith.constant 0 : i32
            %dma_wait3A_293 = arith.constant 0 : i32
            %dma_wait3A_294 = tpu.memref_slice %arg23[%dma_wait3A_292, %dma_wait3A_293] : memref<10240x16xf32, #tpu.memory_space<vmem_shared>> -> memref<10240x16xf32, #tpu.memory_space<vmem_shared>>
            tpu.wait_indirect_dma semaphore(%arg38 : memref<!tpu.dma_semaphore, #tpu.memory_space<semaphore_mem>>) src(%arg19 : memref<128x16xf32, #tpu.memory_space<vmem>>) dst(%dma_wait3A_294 : memref<10240x16xf32, #tpu.memory_space<vmem_shared>>)
          } else {
          }
          %add3A_280 = arith.constant 4 : i32
          %add3A_281 = arith.addi %scan3A_97, %add3A_280 : i32
          %dma_start3A_282 = arith.constant 0 : i32
          %dma_start3A_283 = tpu.memref_slice %arg9[%add3A_281, %dma_start3A_282] : memref<78x128xi32, #tpu.memory_space<vmem>> -> memref<1x128xi32, #tpu.memory_space<vmem>>
          %dma_start3A_284 = tpu.memref_squeeze %dma_start3A_283 : memref<1x128xi32, #tpu.memory_space<vmem>> -> memref<128xi32, #tpu.memory_space<vmem>>
          %dma_start3A_285 = arith.constant 0 : i32
          %dma_start3A_286 = arith.constant 0 : i32
          %dma_start3A_287 = tpu.memref_slice %arg2[%dma_start3A_285, %dma_start3A_286] : memref<10240x16xf32, #tpu.memory_space<hbm>> -> memref<10240x16xf32, #tpu.memory_space<hbm>>
          tpu.enqueue_indirect_dma source(%dma_start3A_287 : memref<10240x16xf32, #tpu.memory_space<hbm>>) target(%arg19 : memref<128x16xf32, #tpu.memory_space<vmem>>) offsets(%dma_start3A_284 : memref<128xi32, #tpu.memory_space<vmem>>) semaphore(%arg30 : memref<!tpu.dma_semaphore, #tpu.memory_space<semaphore_mem>>)
        } else {
        }
      } else {
      }
      %jit3A_152 = arith.constant 8 : i32
      %eq3A_153 = arith.constant 0 : i32
      %eq3A_154 = arith.cmpi eq, %jit3A_152, %eq3A_153 : i32
      %jit3A_155 = arith.constant 1 : i32
      %select_n3A_156 = arith.select %eq3A_154, %jit3A_155, %jit3A_152 : i32
      %rem3A_157 = arith.remsi %scan3A_97, %select_n3A_156 : i32
      %ne3A_158 = arith.constant 0 : i32
      %ne3A_159 = arith.cmpi ne, %rem3A_157, %ne3A_158 : i32
      %lt3A_160 = arith.constant 0 : i32
      %lt3A_161 = arith.cmpi slt, %rem3A_157, %lt3A_160 : i32
      %lt3A_162 = arith.constant 0 : i32
      %lt3A_163 = arith.cmpi slt, %select_n3A_156, %lt3A_162 : i32
      %ne3A_164 = arith.xori %lt3A_161, %lt3A_163 : i1
      %and3A_165 = arith.andi %ne3A_164, %ne3A_159 : i1
      %add3A_166 = arith.addi %rem3A_157, %select_n3A_156 : i32
      %select_n3A_167 = arith.select %and3A_165, %add3A_166, %rem3A_157 : i32
      %eq3A_168 = arith.constant 3 : i32
      %eq3A_169 = arith.cmpi eq, %select_n3A_167, %eq3A_168 : i32
      %convert_element_type3A_170 = arith.extui %eq3A_169 : i1 to i32
      %cond3A_171 = arith.constant 0 : i32
      %cond3A_172 = arith.cmpi ne, %convert_element_type3A_170, %cond3A_171 : i32
      scf.if %cond3A_172 {
        %dma_wait3A_257 = arith.constant 0 : i32
        %dma_wait3A_258 = tpu.memref_slice %arg9[%scan3A_97, %dma_wait3A_257] : memref<78x128xi32, #tpu.memory_space<vmem>> -> memref<1x128xi32, #tpu.memory_space<vmem>>
        %dma_wait3A_259 = tpu.memref_squeeze %dma_wait3A_258 : memref<1x128xi32, #tpu.memory_space<vmem>> -> memref<128xi32, #tpu.memory_space<vmem>>
        %dma_wait3A_260 = arith.constant 0 : i32
        %dma_wait3A_261 = arith.constant 0 : i32
        %dma_wait3A_262 = tpu.memref_slice %arg2[%dma_wait3A_260, %dma_wait3A_261] : memref<10240x16xf32, #tpu.memory_space<hbm>> -> memref<10240x16xf32, #tpu.memory_space<hbm>>
        tpu.wait_indirect_dma semaphore(%arg27 : memref<!tpu.dma_semaphore, #tpu.memory_space<semaphore_mem>>) src(%dma_wait3A_262 : memref<10240x16xf32, #tpu.memory_space<hbm>>) dst(%arg16 : memref<128x16xf32, #tpu.memory_space<vmem>>)
        %dma_start3A_263 = arith.constant 0 : i32
        %dma_start3A_264 = tpu.memref_slice %arg10[%scan3A_97, %dma_start3A_263] : memref<78x128xi32, #tpu.memory_space<vmem>> -> memref<1x128xi32, #tpu.memory_space<vmem>>
        %dma_start3A_265 = tpu.memref_squeeze %dma_start3A_264 : memref<1x128xi32, #tpu.memory_space<vmem>> -> memref<128xi32, #tpu.memory_space<vmem>>
        %dma_start3A_266 = arith.constant 0 : i32
        %dma_start3A_267 = arith.constant 0 : i32
        %dma_start3A_268 = tpu.memref_slice %arg23[%dma_start3A_266, %dma_start3A_267] : memref<10240x16xf32, #tpu.memory_space<vmem_shared>> -> memref<10240x16xf32, #tpu.memory_space<vmem_shared>>
        tpu.enqueue_indirect_dma source(%arg16 : memref<128x16xf32, #tpu.memory_space<vmem>>) target(%dma_start3A_268 : memref<10240x16xf32, #tpu.memory_space<vmem_shared>>) offsets(%dma_start3A_265 : memref<128xi32, #tpu.memory_space<vmem>>) semaphore(%arg35 : memref<!tpu.dma_semaphore, #tpu.memory_space<semaphore_mem>>) {add = true}
        %add3A_269 = arith.constant 4 : i32
        %add3A_270 = arith.addi %scan3A_97, %add3A_269 : i32
        %lt3A_271 = arith.constant 78 : i32
        %lt3A_272 = arith.cmpi slt, %add3A_270, %lt3A_271 : i32
        %convert_element_type3A_273 = arith.extui %lt3A_272 : i1 to i32
        %cond3A_274 = arith.constant 0 : i32
        %cond3A_275 = arith.cmpi ne, %convert_element_type3A_273, %cond3A_274 : i32
        scf.if %cond3A_275 {
          %ge3A = arith.constant 4 : i32
          %ge3A_276 = arith.cmpi sge, %scan3A_97, %ge3A : i32
          %convert_element_type3A_277 = arith.extui %ge3A_276 : i1 to i32
          %cond3A_278 = arith.constant 0 : i32
          %cond3A_279 = arith.cmpi ne, %convert_element_type3A_277, %cond3A_278 : i32
          scf.if %cond3A_279 {
            %sub3A = arith.constant 4 : i32
            %sub3A_288 = arith.subi %scan3A_97, %sub3A : i32
            %dma_wait3A_289 = arith.constant 0 : i32
            %dma_wait3A_290 = tpu.memref_slice %arg10[%sub3A_288, %dma_wait3A_289] : memref<78x128xi32, #tpu.memory_space<vmem>> -> memref<1x128xi32, #tpu.memory_space<vmem>>
            %dma_wait3A_291 = tpu.memref_squeeze %dma_wait3A_290 : memref<1x128xi32, #tpu.memory_space<vmem>> -> memref<128xi32, #tpu.memory_space<vmem>>
            %dma_wait3A_292 = arith.constant 0 : i32
            %dma_wait3A_293 = arith.constant 0 : i32
            %dma_wait3A_294 = tpu.memref_slice %arg23[%dma_wait3A_292, %dma_wait3A_293] : memref<10240x16xf32, #tpu.memory_space<vmem_shared>> -> memref<10240x16xf32, #tpu.memory_space<vmem_shared>>
            tpu.wait_indirect_dma semaphore(%arg39 : memref<!tpu.dma_semaphore, #tpu.memory_space<semaphore_mem>>) src(%arg20 : memref<128x16xf32, #tpu.memory_space<vmem>>) dst(%dma_wait3A_294 : memref<10240x16xf32, #tpu.memory_space<vmem_shared>>)
          } else {
          }
          %add3A_280 = arith.constant 4 : i32
          %add3A_281 = arith.addi %scan3A_97, %add3A_280 : i32
          %dma_start3A_282 = arith.constant 0 : i32
          %dma_start3A_283 = tpu.memref_slice %arg9[%add3A_281, %dma_start3A_282] : memref<78x128xi32, #tpu.memory_space<vmem>> -> memref<1x128xi32, #tpu.memory_space<vmem>>
          %dma_start3A_284 = tpu.memref_squeeze %dma_start3A_283 : memref<1x128xi32, #tpu.memory_space<vmem>> -> memref<128xi32, #tpu.memory_space<vmem>>
          %dma_start3A_285 = arith.constant 0 : i32
          %dma_start3A_286 = arith.constant 0 : i32
          %dma_start3A_287 = tpu.memref_slice %arg2[%dma_start3A_285, %dma_start3A_286] : memref<10240x16xf32, #tpu.memory_space<hbm>> -> memref<10240x16xf32, #tpu.memory_space<hbm>>
          tpu.enqueue_indirect_dma source(%dma_start3A_287 : memref<10240x16xf32, #tpu.memory_space<hbm>>) target(%arg20 : memref<128x16xf32, #tpu.memory_space<vmem>>) offsets(%dma_start3A_284 : memref<128xi32, #tpu.memory_space<vmem>>) semaphore(%arg31 : memref<!tpu.dma_semaphore, #tpu.memory_space<semaphore_mem>>)
        } else {
        }
      } else {
      }
      %jit3A_173 = arith.constant 8 : i32
      %eq3A_174 = arith.constant 0 : i32
      %eq3A_175 = arith.cmpi eq, %jit3A_173, %eq3A_174 : i32
      %jit3A_176 = arith.constant 1 : i32
      %select_n3A_177 = arith.select %eq3A_175, %jit3A_176, %jit3A_173 : i32
      %rem3A_178 = arith.remsi %scan3A_97, %select_n3A_177 : i32
      %ne3A_179 = arith.constant 0 : i32
      %ne3A_180 = arith.cmpi ne, %rem3A_178, %ne3A_179 : i32
      %lt3A_181 = arith.constant 0 : i32
      %lt3A_182 = arith.cmpi slt, %rem3A_178, %lt3A_181 : i32
      %lt3A_183 = arith.constant 0 : i32
      %lt3A_184 = arith.cmpi slt, %select_n3A_177, %lt3A_183 : i32
      %ne3A_185 = arith.xori %lt3A_182, %lt3A_184 : i1
      %and3A_186 = arith.andi %ne3A_185, %ne3A_180 : i1
      %add3A_187 = arith.addi %rem3A_178, %select_n3A_177 : i32
      %select_n3A_188 = arith.select %and3A_186, %add3A_187, %rem3A_178 : i32
      %eq3A_189 = arith.constant 4 : i32
      %eq3A_190 = arith.cmpi eq, %select_n3A_188, %eq3A_189 : i32
      %convert_element_type3A_191 = arith.extui %eq3A_190 : i1 to i32
      %cond3A_192 = arith.constant 0 : i32
      %cond3A_193 = arith.cmpi ne, %convert_element_type3A_191, %cond3A_192 : i32
      scf.if %cond3A_193 {
        %dma_wait3A_257 = arith.constant 0 : i32
        %dma_wait3A_258 = tpu.memref_slice %arg9[%scan3A_97, %dma_wait3A_257] : memref<78x128xi32, #tpu.memory_space<vmem>> -> memref<1x128xi32, #tpu.memory_space<vmem>>
        %dma_wait3A_259 = tpu.memref_squeeze %dma_wait3A_258 : memref<1x128xi32, #tpu.memory_space<vmem>> -> memref<128xi32, #tpu.memory_space<vmem>>
        %dma_wait3A_260 = arith.constant 0 : i32
        %dma_wait3A_261 = arith.constant 0 : i32
        %dma_wait3A_262 = tpu.memref_slice %arg2[%dma_wait3A_260, %dma_wait3A_261] : memref<10240x16xf32, #tpu.memory_space<hbm>> -> memref<10240x16xf32, #tpu.memory_space<hbm>>
        tpu.wait_indirect_dma semaphore(%arg28 : memref<!tpu.dma_semaphore, #tpu.memory_space<semaphore_mem>>) src(%dma_wait3A_262 : memref<10240x16xf32, #tpu.memory_space<hbm>>) dst(%arg17 : memref<128x16xf32, #tpu.memory_space<vmem>>)
        %dma_start3A_263 = arith.constant 0 : i32
        %dma_start3A_264 = tpu.memref_slice %arg10[%scan3A_97, %dma_start3A_263] : memref<78x128xi32, #tpu.memory_space<vmem>> -> memref<1x128xi32, #tpu.memory_space<vmem>>
        %dma_start3A_265 = tpu.memref_squeeze %dma_start3A_264 : memref<1x128xi32, #tpu.memory_space<vmem>> -> memref<128xi32, #tpu.memory_space<vmem>>
        %dma_start3A_266 = arith.constant 0 : i32
        %dma_start3A_267 = arith.constant 0 : i32
        %dma_start3A_268 = tpu.memref_slice %arg23[%dma_start3A_266, %dma_start3A_267] : memref<10240x16xf32, #tpu.memory_space<vmem_shared>> -> memref<10240x16xf32, #tpu.memory_space<vmem_shared>>
        tpu.enqueue_indirect_dma source(%arg17 : memref<128x16xf32, #tpu.memory_space<vmem>>) target(%dma_start3A_268 : memref<10240x16xf32, #tpu.memory_space<vmem_shared>>) offsets(%dma_start3A_265 : memref<128xi32, #tpu.memory_space<vmem>>) semaphore(%arg36 : memref<!tpu.dma_semaphore, #tpu.memory_space<semaphore_mem>>) {add = true}
        %add3A_269 = arith.constant 4 : i32
        %add3A_270 = arith.addi %scan3A_97, %add3A_269 : i32
        %lt3A_271 = arith.constant 78 : i32
        %lt3A_272 = arith.cmpi slt, %add3A_270, %lt3A_271 : i32
        %convert_element_type3A_273 = arith.extui %lt3A_272 : i1 to i32
        %cond3A_274 = arith.constant 0 : i32
        %cond3A_275 = arith.cmpi ne, %convert_element_type3A_273, %cond3A_274 : i32
        scf.if %cond3A_275 {
          %ge3A = arith.constant 4 : i32
          %ge3A_276 = arith.cmpi sge, %scan3A_97, %ge3A : i32
          %convert_element_type3A_277 = arith.extui %ge3A_276 : i1 to i32
          %cond3A_278 = arith.constant 0 : i32
          %cond3A_279 = arith.cmpi ne, %convert_element_type3A_277, %cond3A_278 : i32
          scf.if %cond3A_279 {
            %sub3A = arith.constant 4 : i32
            %sub3A_288 = arith.subi %scan3A_97, %sub3A : i32
            %dma_wait3A_289 = arith.constant 0 : i32
            %dma_wait3A_290 = tpu.memref_slice %arg10[%sub3A_288, %dma_wait3A_289] : memref<78x128xi32, #tpu.memory_space<vmem>> -> memref<1x128xi32, #tpu.memory_space<vmem>>
            %dma_wait3A_291 = tpu.memref_squeeze %dma_wait3A_290 : memref<1x128xi32, #tpu.memory_space<vmem>> -> memref<128xi32, #tpu.memory_space<vmem>>
            %dma_wait3A_292 = arith.constant 0 : i32
            %dma_wait3A_293 = arith.constant 0 : i32
            %dma_wait3A_294 = tpu.memref_slice %arg23[%dma_wait3A_292, %dma_wait3A_293] : memref<10240x16xf32, #tpu.memory_space<vmem_shared>> -> memref<10240x16xf32, #tpu.memory_space<vmem_shared>>
            tpu.wait_indirect_dma semaphore(%arg32 : memref<!tpu.dma_semaphore, #tpu.memory_space<semaphore_mem>>) src(%arg13 : memref<128x16xf32, #tpu.memory_space<vmem>>) dst(%dma_wait3A_294 : memref<10240x16xf32, #tpu.memory_space<vmem_shared>>)
          } else {
          }
          %add3A_280 = arith.constant 4 : i32
          %add3A_281 = arith.addi %scan3A_97, %add3A_280 : i32
          %dma_start3A_282 = arith.constant 0 : i32
          %dma_start3A_283 = tpu.memref_slice %arg9[%add3A_281, %dma_start3A_282] : memref<78x128xi32, #tpu.memory_space<vmem>> -> memref<1x128xi32, #tpu.memory_space<vmem>>
          %dma_start3A_284 = tpu.memref_squeeze %dma_start3A_283 : memref<1x128xi32, #tpu.memory_space<vmem>> -> memref<128xi32, #tpu.memory_space<vmem>>
          %dma_start3A_285 = arith.constant 0 : i32
          %dma_start3A_286 = arith.constant 0 : i32
          %dma_start3A_287 = tpu.memref_slice %arg2[%dma_start3A_285, %dma_start3A_286] : memref<10240x16xf32, #tpu.memory_space<hbm>> -> memref<10240x16xf32, #tpu.memory_space<hbm>>
          tpu.enqueue_indirect_dma source(%dma_start3A_287 : memref<10240x16xf32, #tpu.memory_space<hbm>>) target(%arg13 : memref<128x16xf32, #tpu.memory_space<vmem>>) offsets(%dma_start3A_284 : memref<128xi32, #tpu.memory_space<vmem>>) semaphore(%arg24 : memref<!tpu.dma_semaphore, #tpu.memory_space<semaphore_mem>>)
        } else {
        }
      } else {
      }
      %jit3A_194 = arith.constant 8 : i32
      %eq3A_195 = arith.constant 0 : i32
      %eq3A_196 = arith.cmpi eq, %jit3A_194, %eq3A_195 : i32
      %jit3A_197 = arith.constant 1 : i32
      %select_n3A_198 = arith.select %eq3A_196, %jit3A_197, %jit3A_194 : i32
      %rem3A_199 = arith.remsi %scan3A_97, %select_n3A_198 : i32
      %ne3A_200 = arith.constant 0 : i32
      %ne3A_201 = arith.cmpi ne, %rem3A_199, %ne3A_200 : i32
      %lt3A_202 = arith.constant 0 : i32
      %lt3A_203 = arith.cmpi slt, %rem3A_199, %lt3A_202 : i32
      %lt3A_204 = arith.constant 0 : i32
      %lt3A_205 = arith.cmpi slt, %select_n3A_198, %lt3A_204 : i32
      %ne3A_206 = arith.xori %lt3A_203, %lt3A_205 : i1
      %and3A_207 = arith.andi %ne3A_206, %ne3A_201 : i1
      %add3A_208 = arith.addi %rem3A_199, %select_n3A_198 : i32
      %select_n3A_209 = arith.select %and3A_207, %add3A_208, %rem3A_199 : i32
      %eq3A_210 = arith.constant 5 : i32
      %eq3A_211 = arith.cmpi eq, %select_n3A_209, %eq3A_210 : i32
      %convert_element_type3A_212 = arith.extui %eq3A_211 : i1 to i32
      %cond3A_213 = arith.constant 0 : i32
      %cond3A_214 = arith.cmpi ne, %convert_element_type3A_212, %cond3A_213 : i32
      scf.if %cond3A_214 {
        %dma_wait3A_257 = arith.constant 0 : i32
        %dma_wait3A_258 = tpu.memref_slice %arg9[%scan3A_97, %dma_wait3A_257] : memref<78x128xi32, #tpu.memory_space<vmem>> -> memref<1x128xi32, #tpu.memory_space<vmem>>
        %dma_wait3A_259 = tpu.memref_squeeze %dma_wait3A_258 : memref<1x128xi32, #tpu.memory_space<vmem>> -> memref<128xi32, #tpu.memory_space<vmem>>
        %dma_wait3A_260 = arith.constant 0 : i32
        %dma_wait3A_261 = arith.constant 0 : i32
        %dma_wait3A_262 = tpu.memref_slice %arg2[%dma_wait3A_260, %dma_wait3A_261] : memref<10240x16xf32, #tpu.memory_space<hbm>> -> memref<10240x16xf32, #tpu.memory_space<hbm>>
        tpu.wait_indirect_dma semaphore(%arg29 : memref<!tpu.dma_semaphore, #tpu.memory_space<semaphore_mem>>) src(%dma_wait3A_262 : memref<10240x16xf32, #tpu.memory_space<hbm>>) dst(%arg18 : memref<128x16xf32, #tpu.memory_space<vmem>>)
        %dma_start3A_263 = arith.constant 0 : i32
        %dma_start3A_264 = tpu.memref_slice %arg10[%scan3A_97, %dma_start3A_263] : memref<78x128xi32, #tpu.memory_space<vmem>> -> memref<1x128xi32, #tpu.memory_space<vmem>>
        %dma_start3A_265 = tpu.memref_squeeze %dma_start3A_264 : memref<1x128xi32, #tpu.memory_space<vmem>> -> memref<128xi32, #tpu.memory_space<vmem>>
        %dma_start3A_266 = arith.constant 0 : i32
        %dma_start3A_267 = arith.constant 0 : i32
        %dma_start3A_268 = tpu.memref_slice %arg23[%dma_start3A_266, %dma_start3A_267] : memref<10240x16xf32, #tpu.memory_space<vmem_shared>> -> memref<10240x16xf32, #tpu.memory_space<vmem_shared>>
        tpu.enqueue_indirect_dma source(%arg18 : memref<128x16xf32, #tpu.memory_space<vmem>>) target(%dma_start3A_268 : memref<10240x16xf32, #tpu.memory_space<vmem_shared>>) offsets(%dma_start3A_265 : memref<128xi32, #tpu.memory_space<vmem>>) semaphore(%arg37 : memref<!tpu.dma_semaphore, #tpu.memory_space<semaphore_mem>>) {add = true}
        %add3A_269 = arith.constant 4 : i32
        %add3A_270 = arith.addi %scan3A_97, %add3A_269 : i32
        %lt3A_271 = arith.constant 78 : i32
        %lt3A_272 = arith.cmpi slt, %add3A_270, %lt3A_271 : i32
        %convert_element_type3A_273 = arith.extui %lt3A_272 : i1 to i32
        %cond3A_274 = arith.constant 0 : i32
        %cond3A_275 = arith.cmpi ne, %convert_element_type3A_273, %cond3A_274 : i32
        scf.if %cond3A_275 {
          %ge3A = arith.constant 4 : i32
          %ge3A_276 = arith.cmpi sge, %scan3A_97, %ge3A : i32
          %convert_element_type3A_277 = arith.extui %ge3A_276 : i1 to i32
          %cond3A_278 = arith.constant 0 : i32
          %cond3A_279 = arith.cmpi ne, %convert_element_type3A_277, %cond3A_278 : i32
          scf.if %cond3A_279 {
            %sub3A = arith.constant 4 : i32
            %sub3A_288 = arith.subi %scan3A_97, %sub3A : i32
            %dma_wait3A_289 = arith.constant 0 : i32
            %dma_wait3A_290 = tpu.memref_slice %arg10[%sub3A_288, %dma_wait3A_289] : memref<78x128xi32, #tpu.memory_space<vmem>> -> memref<1x128xi32, #tpu.memory_space<vmem>>
            %dma_wait3A_291 = tpu.memref_squeeze %dma_wait3A_290 : memref<1x128xi32, #tpu.memory_space<vmem>> -> memref<128xi32, #tpu.memory_space<vmem>>
            %dma_wait3A_292 = arith.constant 0 : i32
            %dma_wait3A_293 = arith.constant 0 : i32
            %dma_wait3A_294 = tpu.memref_slice %arg23[%dma_wait3A_292, %dma_wait3A_293] : memref<10240x16xf32, #tpu.memory_space<vmem_shared>> -> memref<10240x16xf32, #tpu.memory_space<vmem_shared>>
            tpu.wait_indirect_dma semaphore(%arg33 : memref<!tpu.dma_semaphore, #tpu.memory_space<semaphore_mem>>) src(%arg14 : memref<128x16xf32, #tpu.memory_space<vmem>>) dst(%dma_wait3A_294 : memref<10240x16xf32, #tpu.memory_space<vmem_shared>>)
          } else {
          }
          %add3A_280 = arith.constant 4 : i32
          %add3A_281 = arith.addi %scan3A_97, %add3A_280 : i32
          %dma_start3A_282 = arith.constant 0 : i32
          %dma_start3A_283 = tpu.memref_slice %arg9[%add3A_281, %dma_start3A_282] : memref<78x128xi32, #tpu.memory_space<vmem>> -> memref<1x128xi32, #tpu.memory_space<vmem>>
          %dma_start3A_284 = tpu.memref_squeeze %dma_start3A_283 : memref<1x128xi32, #tpu.memory_space<vmem>> -> memref<128xi32, #tpu.memory_space<vmem>>
          %dma_start3A_285 = arith.constant 0 : i32
          %dma_start3A_286 = arith.constant 0 : i32
          %dma_start3A_287 = tpu.memref_slice %arg2[%dma_start3A_285, %dma_start3A_286] : memref<10240x16xf32, #tpu.memory_space<hbm>> -> memref<10240x16xf32, #tpu.memory_space<hbm>>
          tpu.enqueue_indirect_dma source(%dma_start3A_287 : memref<10240x16xf32, #tpu.memory_space<hbm>>) target(%arg14 : memref<128x16xf32, #tpu.memory_space<vmem>>) offsets(%dma_start3A_284 : memref<128xi32, #tpu.memory_space<vmem>>) semaphore(%arg25 : memref<!tpu.dma_semaphore, #tpu.memory_space<semaphore_mem>>)
        } else {
        }
      } else {
      }
      %jit3A_215 = arith.constant 8 : i32
      %eq3A_216 = arith.constant 0 : i32
      %eq3A_217 = arith.cmpi eq, %jit3A_215, %eq3A_216 : i32
      %jit3A_218 = arith.constant 1 : i32
      %select_n3A_219 = arith.select %eq3A_217, %jit3A_218, %jit3A_215 : i32
      %rem3A_220 = arith.remsi %scan3A_97, %select_n3A_219 : i32
      %ne3A_221 = arith.constant 0 : i32
      %ne3A_222 = arith.cmpi ne, %rem3A_220, %ne3A_221 : i32
      %lt3A_223 = arith.constant 0 : i32
      %lt3A_224 = arith.cmpi slt, %rem3A_220, %lt3A_223 : i32
      %lt3A_225 = arith.constant 0 : i32
      %lt3A_226 = arith.cmpi slt, %select_n3A_219, %lt3A_225 : i32
      %ne3A_227 = arith.xori %lt3A_224, %lt3A_226 : i1
      %and3A_228 = arith.andi %ne3A_227, %ne3A_222 : i1
      %add3A_229 = arith.addi %rem3A_220, %select_n3A_219 : i32
      %select_n3A_230 = arith.select %and3A_228, %add3A_229, %rem3A_220 : i32
      %eq3A_231 = arith.constant 6 : i32
      %eq3A_232 = arith.cmpi eq, %select_n3A_230, %eq3A_231 : i32
      %convert_element_type3A_233 = arith.extui %eq3A_232 : i1 to i32
      %cond3A_234 = arith.constant 0 : i32
      %cond3A_235 = arith.cmpi ne, %convert_element_type3A_233, %cond3A_234 : i32
      scf.if %cond3A_235 {
        %dma_wait3A_257 = arith.constant 0 : i32
        %dma_wait3A_258 = tpu.memref_slice %arg9[%scan3A_97, %dma_wait3A_257] : memref<78x128xi32, #tpu.memory_space<vmem>> -> memref<1x128xi32, #tpu.memory_space<vmem>>
        %dma_wait3A_259 = tpu.memref_squeeze %dma_wait3A_258 : memref<1x128xi32, #tpu.memory_space<vmem>> -> memref<128xi32, #tpu.memory_space<vmem>>
        %dma_wait3A_260 = arith.constant 0 : i32
        %dma_wait3A_261 = arith.constant 0 : i32
        %dma_wait3A_262 = tpu.memref_slice %arg2[%dma_wait3A_260, %dma_wait3A_261] : memref<10240x16xf32, #tpu.memory_space<hbm>> -> memref<10240x16xf32, #tpu.memory_space<hbm>>
        tpu.wait_indirect_dma semaphore(%arg30 : memref<!tpu.dma_semaphore, #tpu.memory_space<semaphore_mem>>) src(%dma_wait3A_262 : memref<10240x16xf32, #tpu.memory_space<hbm>>) dst(%arg19 : memref<128x16xf32, #tpu.memory_space<vmem>>)
        %dma_start3A_263 = arith.constant 0 : i32
        %dma_start3A_264 = tpu.memref_slice %arg10[%scan3A_97, %dma_start3A_263] : memref<78x128xi32, #tpu.memory_space<vmem>> -> memref<1x128xi32, #tpu.memory_space<vmem>>
        %dma_start3A_265 = tpu.memref_squeeze %dma_start3A_264 : memref<1x128xi32, #tpu.memory_space<vmem>> -> memref<128xi32, #tpu.memory_space<vmem>>
        %dma_start3A_266 = arith.constant 0 : i32
        %dma_start3A_267 = arith.constant 0 : i32
        %dma_start3A_268 = tpu.memref_slice %arg23[%dma_start3A_266, %dma_start3A_267] : memref<10240x16xf32, #tpu.memory_space<vmem_shared>> -> memref<10240x16xf32, #tpu.memory_space<vmem_shared>>
        tpu.enqueue_indirect_dma source(%arg19 : memref<128x16xf32, #tpu.memory_space<vmem>>) target(%dma_start3A_268 : memref<10240x16xf32, #tpu.memory_space<vmem_shared>>) offsets(%dma_start3A_265 : memref<128xi32, #tpu.memory_space<vmem>>) semaphore(%arg38 : memref<!tpu.dma_semaphore, #tpu.memory_space<semaphore_mem>>) {add = true}
        %add3A_269 = arith.constant 4 : i32
        %add3A_270 = arith.addi %scan3A_97, %add3A_269 : i32
        %lt3A_271 = arith.constant 78 : i32
        %lt3A_272 = arith.cmpi slt, %add3A_270, %lt3A_271 : i32
        %convert_element_type3A_273 = arith.extui %lt3A_272 : i1 to i32
        %cond3A_274 = arith.constant 0 : i32
        %cond3A_275 = arith.cmpi ne, %convert_element_type3A_273, %cond3A_274 : i32
        scf.if %cond3A_275 {
          %ge3A = arith.constant 4 : i32
          %ge3A_276 = arith.cmpi sge, %scan3A_97, %ge3A : i32
          %convert_element_type3A_277 = arith.extui %ge3A_276 : i1 to i32
          %cond3A_278 = arith.constant 0 : i32
          %cond3A_279 = arith.cmpi ne, %convert_element_type3A_277, %cond3A_278 : i32
          scf.if %cond3A_279 {
            %sub3A = arith.constant 4 : i32
            %sub3A_288 = arith.subi %scan3A_97, %sub3A : i32
            %dma_wait3A_289 = arith.constant 0 : i32
            %dma_wait3A_290 = tpu.memref_slice %arg10[%sub3A_288, %dma_wait3A_289] : memref<78x128xi32, #tpu.memory_space<vmem>> -> memref<1x128xi32, #tpu.memory_space<vmem>>
            %dma_wait3A_291 = tpu.memref_squeeze %dma_wait3A_290 : memref<1x128xi32, #tpu.memory_space<vmem>> -> memref<128xi32, #tpu.memory_space<vmem>>
            %dma_wait3A_292 = arith.constant 0 : i32
            %dma_wait3A_293 = arith.constant 0 : i32
            %dma_wait3A_294 = tpu.memref_slice %arg23[%dma_wait3A_292, %dma_wait3A_293] : memref<10240x16xf32, #tpu.memory_space<vmem_shared>> -> memref<10240x16xf32, #tpu.memory_space<vmem_shared>>
            tpu.wait_indirect_dma semaphore(%arg34 : memref<!tpu.dma_semaphore, #tpu.memory_space<semaphore_mem>>) src(%arg15 : memref<128x16xf32, #tpu.memory_space<vmem>>) dst(%dma_wait3A_294 : memref<10240x16xf32, #tpu.memory_space<vmem_shared>>)
          } else {
          }
          %add3A_280 = arith.constant 4 : i32
          %add3A_281 = arith.addi %scan3A_97, %add3A_280 : i32
          %dma_start3A_282 = arith.constant 0 : i32
          %dma_start3A_283 = tpu.memref_slice %arg9[%add3A_281, %dma_start3A_282] : memref<78x128xi32, #tpu.memory_space<vmem>> -> memref<1x128xi32, #tpu.memory_space<vmem>>
          %dma_start3A_284 = tpu.memref_squeeze %dma_start3A_283 : memref<1x128xi32, #tpu.memory_space<vmem>> -> memref<128xi32, #tpu.memory_space<vmem>>
          %dma_start3A_285 = arith.constant 0 : i32
          %dma_start3A_286 = arith.constant 0 : i32
          %dma_start3A_287 = tpu.memref_slice %arg2[%dma_start3A_285, %dma_start3A_286] : memref<10240x16xf32, #tpu.memory_space<hbm>> -> memref<10240x16xf32, #tpu.memory_space<hbm>>
          tpu.enqueue_indirect_dma source(%dma_start3A_287 : memref<10240x16xf32, #tpu.memory_space<hbm>>) target(%arg15 : memref<128x16xf32, #tpu.memory_space<vmem>>) offsets(%dma_start3A_284 : memref<128xi32, #tpu.memory_space<vmem>>) semaphore(%arg26 : memref<!tpu.dma_semaphore, #tpu.memory_space<semaphore_mem>>)
        } else {
        }
      } else {
      }
      %jit3A_236 = arith.constant 8 : i32
      %eq3A_237 = arith.constant 0 : i32
      %eq3A_238 = arith.cmpi eq, %jit3A_236, %eq3A_237 : i32
      %jit3A_239 = arith.constant 1 : i32
      %select_n3A_240 = arith.select %eq3A_238, %jit3A_239, %jit3A_236 : i32
      %rem3A_241 = arith.remsi %scan3A_97, %select_n3A_240 : i32
      %ne3A_242 = arith.constant 0 : i32
      %ne3A_243 = arith.cmpi ne, %rem3A_241, %ne3A_242 : i32
      %lt3A_244 = arith.constant 0 : i32
      %lt3A_245 = arith.cmpi slt, %rem3A_241, %lt3A_244 : i32
      %lt3A_246 = arith.constant 0 : i32
      %lt3A_247 = arith.cmpi slt, %select_n3A_240, %lt3A_246 : i32
      %ne3A_248 = arith.xori %lt3A_245, %lt3A_247 : i1
      %and3A_249 = arith.andi %ne3A_248, %ne3A_243 : i1
      %add3A_250 = arith.addi %rem3A_241, %select_n3A_240 : i32
      %select_n3A_251 = arith.select %and3A_249, %add3A_250, %rem3A_241 : i32
      %eq3A_252 = arith.constant 7 : i32
      %eq3A_253 = arith.cmpi eq, %select_n3A_251, %eq3A_252 : i32
      %convert_element_type3A_254 = arith.extui %eq3A_253 : i1 to i32
      %cond3A_255 = arith.constant 0 : i32
      %cond3A_256 = arith.cmpi ne, %convert_element_type3A_254, %cond3A_255 : i32
      scf.if %cond3A_256 {
        %dma_wait3A_257 = arith.constant 0 : i32
        %dma_wait3A_258 = tpu.memref_slice %arg9[%scan3A_97, %dma_wait3A_257] : memref<78x128xi32, #tpu.memory_space<vmem>> -> memref<1x128xi32, #tpu.memory_space<vmem>>
        %dma_wait3A_259 = tpu.memref_squeeze %dma_wait3A_258 : memref<1x128xi32, #tpu.memory_space<vmem>> -> memref<128xi32, #tpu.memory_space<vmem>>
        %dma_wait3A_260 = arith.constant 0 : i32
        %dma_wait3A_261 = arith.constant 0 : i32
        %dma_wait3A_262 = tpu.memref_slice %arg2[%dma_wait3A_260, %dma_wait3A_261] : memref<10240x16xf32, #tpu.memory_space<hbm>> -> memref<10240x16xf32, #tpu.memory_space<hbm>>
        tpu.wait_indirect_dma semaphore(%arg31 : memref<!tpu.dma_semaphore, #tpu.memory_space<semaphore_mem>>) src(%dma_wait3A_262 : memref<10240x16xf32, #tpu.memory_space<hbm>>) dst(%arg20 : memref<128x16xf32, #tpu.memory_space<vmem>>)
        %dma_start3A_263 = arith.constant 0 : i32
        %dma_start3A_264 = tpu.memref_slice %arg10[%scan3A_97, %dma_start3A_263] : memref<78x128xi32, #tpu.memory_space<vmem>> -> memref<1x128xi32, #tpu.memory_space<vmem>>
        %dma_start3A_265 = tpu.memref_squeeze %dma_start3A_264 : memref<1x128xi32, #tpu.memory_space<vmem>> -> memref<128xi32, #tpu.memory_space<vmem>>
        %dma_start3A_266 = arith.constant 0 : i32
        %dma_start3A_267 = arith.constant 0 : i32
        %dma_start3A_268 = tpu.memref_slice %arg23[%dma_start3A_266, %dma_start3A_267] : memref<10240x16xf32, #tpu.memory_space<vmem_shared>> -> memref<10240x16xf32, #tpu.memory_space<vmem_shared>>
        tpu.enqueue_indirect_dma source(%arg20 : memref<128x16xf32, #tpu.memory_space<vmem>>) target(%dma_start3A_268 : memref<10240x16xf32, #tpu.memory_space<vmem_shared>>) offsets(%dma_start3A_265 : memref<128xi32, #tpu.memory_space<vmem>>) semaphore(%arg39 : memref<!tpu.dma_semaphore, #tpu.memory_space<semaphore_mem>>) {add = true}
        %add3A_269 = arith.constant 4 : i32
        %add3A_270 = arith.addi %scan3A_97, %add3A_269 : i32
        %lt3A_271 = arith.constant 78 : i32
        %lt3A_272 = arith.cmpi slt, %add3A_270, %lt3A_271 : i32
        %convert_element_type3A_273 = arith.extui %lt3A_272 : i1 to i32
        %cond3A_274 = arith.constant 0 : i32
        %cond3A_275 = arith.cmpi ne, %convert_element_type3A_273, %cond3A_274 : i32
        scf.if %cond3A_275 {
          %ge3A = arith.constant 4 : i32
          %ge3A_276 = arith.cmpi sge, %scan3A_97, %ge3A : i32
          %convert_element_type3A_277 = arith.extui %ge3A_276 : i1 to i32
          %cond3A_278 = arith.constant 0 : i32
          %cond3A_279 = arith.cmpi ne, %convert_element_type3A_277, %cond3A_278 : i32
          scf.if %cond3A_279 {
            %sub3A = arith.constant 4 : i32
            %sub3A_288 = arith.subi %scan3A_97, %sub3A : i32
            %dma_wait3A_289 = arith.constant 0 : i32
            %dma_wait3A_290 = tpu.memref_slice %arg10[%sub3A_288, %dma_wait3A_289] : memref<78x128xi32, #tpu.memory_space<vmem>> -> memref<1x128xi32, #tpu.memory_space<vmem>>
            %dma_wait3A_291 = tpu.memref_squeeze %dma_wait3A_290 : memref<1x128xi32, #tpu.memory_space<vmem>> -> memref<128xi32, #tpu.memory_space<vmem>>
            %dma_wait3A_292 = arith.constant 0 : i32
            %dma_wait3A_293 = arith.constant 0 : i32
            %dma_wait3A_294 = tpu.memref_slice %arg23[%dma_wait3A_292, %dma_wait3A_293] : memref<10240x16xf32, #tpu.memory_space<vmem_shared>> -> memref<10240x16xf32, #tpu.memory_space<vmem_shared>>
            tpu.wait_indirect_dma semaphore(%arg35 : memref<!tpu.dma_semaphore, #tpu.memory_space<semaphore_mem>>) src(%arg16 : memref<128x16xf32, #tpu.memory_space<vmem>>) dst(%dma_wait3A_294 : memref<10240x16xf32, #tpu.memory_space<vmem_shared>>)
          } else {
          }
          %add3A_280 = arith.constant 4 : i32
          %add3A_281 = arith.addi %scan3A_97, %add3A_280 : i32
          %dma_start3A_282 = arith.constant 0 : i32
          %dma_start3A_283 = tpu.memref_slice %arg9[%add3A_281, %dma_start3A_282] : memref<78x128xi32, #tpu.memory_space<vmem>> -> memref<1x128xi32, #tpu.memory_space<vmem>>
          %dma_start3A_284 = tpu.memref_squeeze %dma_start3A_283 : memref<1x128xi32, #tpu.memory_space<vmem>> -> memref<128xi32, #tpu.memory_space<vmem>>
          %dma_start3A_285 = arith.constant 0 : i32
          %dma_start3A_286 = arith.constant 0 : i32
          %dma_start3A_287 = tpu.memref_slice %arg2[%dma_start3A_285, %dma_start3A_286] : memref<10240x16xf32, #tpu.memory_space<hbm>> -> memref<10240x16xf32, #tpu.memory_space<hbm>>
          tpu.enqueue_indirect_dma source(%dma_start3A_287 : memref<10240x16xf32, #tpu.memory_space<hbm>>) target(%arg16 : memref<128x16xf32, #tpu.memory_space<vmem>>) offsets(%dma_start3A_284 : memref<128xi32, #tpu.memory_space<vmem>>) semaphore(%arg27 : memref<!tpu.dma_semaphore, #tpu.memory_space<semaphore_mem>>)
        } else {
        }
      } else {
      }
    }
    %scan3A_34 = arith.constant 78 : i32
    %dma_wait3A = arith.constant 70 : i32
    %dma_wait3A_35 = arith.constant 0 : i32
    %dma_wait3A_36 = tpu.memref_slice %arg10[%dma_wait3A, %dma_wait3A_35] : memref<78x128xi32, #tpu.memory_space<vmem>> -> memref<1x128xi32, #tpu.memory_space<vmem>>
    %dma_wait3A_37 = tpu.memref_squeeze %dma_wait3A_36 : memref<1x128xi32, #tpu.memory_space<vmem>> -> memref<128xi32, #tpu.memory_space<vmem>>
    %dma_wait3A_38 = arith.constant 0 : i32
    %dma_wait3A_39 = arith.constant 0 : i32
    %dma_wait3A_40 = tpu.memref_slice %arg23[%dma_wait3A_38, %dma_wait3A_39] : memref<10240x16xf32, #tpu.memory_space<vmem_shared>> -> memref<10240x16xf32, #tpu.memory_space<vmem_shared>>
    tpu.wait_indirect_dma semaphore(%arg38 : memref<!tpu.dma_semaphore, #tpu.memory_space<semaphore_mem>>) src(%arg19 : memref<128x16xf32, #tpu.memory_space<vmem>>) dst(%dma_wait3A_40 : memref<10240x16xf32, #tpu.memory_space<vmem_shared>>)
    %dma_wait3A_41 = arith.constant 71 : i32
    %dma_wait3A_42 = arith.constant 0 : i32
    %dma_wait3A_43 = tpu.memref_slice %arg10[%dma_wait3A_41, %dma_wait3A_42] : memref<78x128xi32, #tpu.memory_space<vmem>> -> memref<1x128xi32, #tpu.memory_space<vmem>>
    %dma_wait3A_44 = tpu.memref_squeeze %dma_wait3A_43 : memref<1x128xi32, #tpu.memory_space<vmem>> -> memref<128xi32, #tpu.memory_space<vmem>>
    %dma_wait3A_45 = arith.constant 0 : i32
    %dma_wait3A_46 = arith.constant 0 : i32
    %dma_wait3A_47 = tpu.memref_slice %arg23[%dma_wait3A_45, %dma_wait3A_46] : memref<10240x16xf32, #tpu.memory_space<vmem_shared>> -> memref<10240x16xf32, #tpu.memory_space<vmem_shared>>
    tpu.wait_indirect_dma semaphore(%arg39 : memref<!tpu.dma_semaphore, #tpu.memory_space<semaphore_mem>>) src(%arg20 : memref<128x16xf32, #tpu.memory_space<vmem>>) dst(%dma_wait3A_47 : memref<10240x16xf32, #tpu.memory_space<vmem_shared>>)
    %dma_wait3A_48 = arith.constant 72 : i32
    %dma_wait3A_49 = arith.constant 0 : i32
    %dma_wait3A_50 = tpu.memref_slice %arg10[%dma_wait3A_48, %dma_wait3A_49] : memref<78x128xi32, #tpu.memory_space<vmem>> -> memref<1x128xi32, #tpu.memory_space<vmem>>
    %dma_wait3A_51 = tpu.memref_squeeze %dma_wait3A_50 : memref<1x128xi32, #tpu.memory_space<vmem>> -> memref<128xi32, #tpu.memory_space<vmem>>
    %dma_wait3A_52 = arith.constant 0 : i32
    %dma_wait3A_53 = arith.constant 0 : i32
    %dma_wait3A_54 = tpu.memref_slice %arg23[%dma_wait3A_52, %dma_wait3A_53] : memref<10240x16xf32, #tpu.memory_space<vmem_shared>> -> memref<10240x16xf32, #tpu.memory_space<vmem_shared>>
    tpu.wait_indirect_dma semaphore(%arg32 : memref<!tpu.dma_semaphore, #tpu.memory_space<semaphore_mem>>) src(%arg13 : memref<128x16xf32, #tpu.memory_space<vmem>>) dst(%dma_wait3A_54 : memref<10240x16xf32, #tpu.memory_space<vmem_shared>>)
    %dma_wait3A_55 = arith.constant 73 : i32
    %dma_wait3A_56 = arith.constant 0 : i32
    %dma_wait3A_57 = tpu.memref_slice %arg10[%dma_wait3A_55, %dma_wait3A_56] : memref<78x128xi32, #tpu.memory_space<vmem>> -> memref<1x128xi32, #tpu.memory_space<vmem>>
    %dma_wait3A_58 = tpu.memref_squeeze %dma_wait3A_57 : memref<1x128xi32, #tpu.memory_space<vmem>> -> memref<128xi32, #tpu.memory_space<vmem>>
    %dma_wait3A_59 = arith.constant 0 : i32
    %dma_wait3A_60 = arith.constant 0 : i32
    %dma_wait3A_61 = tpu.memref_slice %arg23[%dma_wait3A_59, %dma_wait3A_60] : memref<10240x16xf32, #tpu.memory_space<vmem_shared>> -> memref<10240x16xf32, #tpu.memory_space<vmem_shared>>
    tpu.wait_indirect_dma semaphore(%arg33 : memref<!tpu.dma_semaphore, #tpu.memory_space<semaphore_mem>>) src(%arg14 : memref<128x16xf32, #tpu.memory_space<vmem>>) dst(%dma_wait3A_61 : memref<10240x16xf32, #tpu.memory_space<vmem_shared>>)
    %dma_wait3A_62 = arith.constant 74 : i32
    %dma_wait3A_63 = arith.constant 0 : i32
    %dma_wait3A_64 = tpu.memref_slice %arg10[%dma_wait3A_62, %dma_wait3A_63] : memref<78x128xi32, #tpu.memory_space<vmem>> -> memref<1x128xi32, #tpu.memory_space<vmem>>
    %dma_wait3A_65 = tpu.memref_squeeze %dma_wait3A_64 : memref<1x128xi32, #tpu.memory_space<vmem>> -> memref<128xi32, #tpu.memory_space<vmem>>
    %dma_wait3A_66 = arith.constant 0 : i32
    %dma_wait3A_67 = arith.constant 0 : i32
    %dma_wait3A_68 = tpu.memref_slice %arg23[%dma_wait3A_66, %dma_wait3A_67] : memref<10240x16xf32, #tpu.memory_space<vmem_shared>> -> memref<10240x16xf32, #tpu.memory_space<vmem_shared>>
    tpu.wait_indirect_dma semaphore(%arg34 : memref<!tpu.dma_semaphore, #tpu.memory_space<semaphore_mem>>) src(%arg15 : memref<128x16xf32, #tpu.memory_space<vmem>>) dst(%dma_wait3A_68 : memref<10240x16xf32, #tpu.memory_space<vmem_shared>>)
    %dma_wait3A_69 = arith.constant 75 : i32
    %dma_wait3A_70 = arith.constant 0 : i32
    %dma_wait3A_71 = tpu.memref_slice %arg10[%dma_wait3A_69, %dma_wait3A_70] : memref<78x128xi32, #tpu.memory_space<vmem>> -> memref<1x128xi32, #tpu.memory_space<vmem>>
    %dma_wait3A_72 = tpu.memref_squeeze %dma_wait3A_71 : memref<1x128xi32, #tpu.memory_space<vmem>> -> memref<128xi32, #tpu.memory_space<vmem>>
    %dma_wait3A_73 = arith.constant 0 : i32
    %dma_wait3A_74 = arith.constant 0 : i32
    %dma_wait3A_75 = tpu.memref_slice %arg23[%dma_wait3A_73, %dma_wait3A_74] : memref<10240x16xf32, #tpu.memory_space<vmem_shared>> -> memref<10240x16xf32, #tpu.memory_space<vmem_shared>>
    tpu.wait_indirect_dma semaphore(%arg35 : memref<!tpu.dma_semaphore, #tpu.memory_space<semaphore_mem>>) src(%arg16 : memref<128x16xf32, #tpu.memory_space<vmem>>) dst(%dma_wait3A_75 : memref<10240x16xf32, #tpu.memory_space<vmem_shared>>)
    %dma_wait3A_76 = arith.constant 76 : i32
    %dma_wait3A_77 = arith.constant 0 : i32
    %dma_wait3A_78 = tpu.memref_slice %arg10[%dma_wait3A_76, %dma_wait3A_77] : memref<78x128xi32, #tpu.memory_space<vmem>> -> memref<1x128xi32, #tpu.memory_space<vmem>>
    %dma_wait3A_79 = tpu.memref_squeeze %dma_wait3A_78 : memref<1x128xi32, #tpu.memory_space<vmem>> -> memref<128xi32, #tpu.memory_space<vmem>>
    %dma_wait3A_80 = arith.constant 0 : i32
    %dma_wait3A_81 = arith.constant 0 : i32
    %dma_wait3A_82 = tpu.memref_slice %arg23[%dma_wait3A_80, %dma_wait3A_81] : memref<10240x16xf32, #tpu.memory_space<vmem_shared>> -> memref<10240x16xf32, #tpu.memory_space<vmem_shared>>
    tpu.wait_indirect_dma semaphore(%arg36 : memref<!tpu.dma_semaphore, #tpu.memory_space<semaphore_mem>>) src(%arg17 : memref<128x16xf32, #tpu.memory_space<vmem>>) dst(%dma_wait3A_82 : memref<10240x16xf32, #tpu.memory_space<vmem_shared>>)
    %dma_wait3A_83 = arith.constant 77 : i32
    %dma_wait3A_84 = arith.constant 0 : i32
    %dma_wait3A_85 = tpu.memref_slice %arg10[%dma_wait3A_83, %dma_wait3A_84] : memref<78x128xi32, #tpu.memory_space<vmem>> -> memref<1x128xi32, #tpu.memory_space<vmem>>
    %dma_wait3A_86 = tpu.memref_squeeze %dma_wait3A_85 : memref<1x128xi32, #tpu.memory_space<vmem>> -> memref<128xi32, #tpu.memory_space<vmem>>
    %dma_wait3A_87 = arith.constant 0 : i32
    %dma_wait3A_88 = arith.constant 0 : i32
    %dma_wait3A_89 = tpu.memref_slice %arg23[%dma_wait3A_87, %dma_wait3A_88] : memref<10240x16xf32, #tpu.memory_space<vmem_shared>> -> memref<10240x16xf32, #tpu.memory_space<vmem_shared>>
    tpu.wait_indirect_dma semaphore(%arg37 : memref<!tpu.dma_semaphore, #tpu.memory_space<semaphore_mem>>) src(%arg18 : memref<128x16xf32, #tpu.memory_space<vmem>>) dst(%dma_wait3A_89 : memref<10240x16xf32, #tpu.memory_space<vmem_shared>>)
    %dma_start3A_90 = arith.constant 0 : i32
    %dma_start3A_91 = arith.constant 0 : i32
    %dma_start3A_92 = tpu.memref_slice %arg2[%dma_start3A_90, %dma_start3A_91] : memref<10240x16xf32, #tpu.memory_space<hbm>> -> memref<10240x16xf32, #tpu.memory_space<hbm>>
    tpu.enqueue_indirect_dma source(%dma_start3A_92 : memref<10240x16xf32, #tpu.memory_space<hbm>>) target(%arg21 : memref<16x16xf32, #tpu.memory_space<vmem>>) offsets(%arg11 : memref<16xi32, #tpu.memory_space<vmem>>) semaphore(%arg24 : memref<!tpu.dma_semaphore, #tpu.memory_space<semaphore_mem>>)
    %dma_wait3A_93 = arith.constant 0 : i32
    %dma_wait3A_94 = arith.constant 0 : i32
    %dma_wait3A_95 = tpu.memref_slice %arg2[%dma_wait3A_93, %dma_wait3A_94] : memref<10240x16xf32, #tpu.memory_space<hbm>> -> memref<10240x16xf32, #tpu.memory_space<hbm>>
    tpu.wait_indirect_dma semaphore(%arg24 : memref<!tpu.dma_semaphore, #tpu.memory_space<semaphore_mem>>) src(%dma_wait3A_95 : memref<10240x16xf32, #tpu.memory_space<hbm>>) dst(%arg21 : memref<16x16xf32, #tpu.memory_space<vmem>>)
    "tpu.region"() ({
      %run_scoped3A = tpu.sem_alloc : memref<!tpu.dma_semaphore, #tpu.memory_space<semaphore_mem>>
      %dma_start3A_97 = arith.constant 0 : i32
      %dma_start3A_98 = arith.constant 0 : i32
      %dma_start3A_99 = tpu.memref_slice %arg23[%dma_start3A_97, %dma_start3A_98] : memref<10240x16xf32, #tpu.memory_space<vmem_shared>> -> memref<10240x16xf32, #tpu.memory_space<vmem_shared>>
      tpu.enqueue_indirect_dma source(%arg21 : memref<16x16xf32, #tpu.memory_space<vmem>>) target(%dma_start3A_99 : memref<10240x16xf32, #tpu.memory_space<vmem_shared>>) offsets(%arg12 : memref<16xi32, #tpu.memory_space<vmem>>) semaphore(%run_scoped3A : memref<!tpu.dma_semaphore, #tpu.memory_space<semaphore_mem>>) {add = true}
      %dma_wait3A_100 = arith.constant 0 : i32
      %dma_wait3A_101 = arith.constant 0 : i32
      %dma_wait3A_102 = tpu.memref_slice %arg23[%dma_wait3A_100, %dma_wait3A_101] : memref<10240x16xf32, #tpu.memory_space<vmem_shared>> -> memref<10240x16xf32, #tpu.memory_space<vmem_shared>>
      tpu.wait_indirect_dma semaphore(%run_scoped3A : memref<!tpu.dma_semaphore, #tpu.memory_space<semaphore_mem>>) src(%arg21 : memref<16x16xf32, #tpu.memory_space<vmem>>) dst(%dma_wait3A_102 : memref<10240x16xf32, #tpu.memory_space<vmem_shared>>)
      tpu.yield
    }) : () -> ()
    %barrier3A_96 = arith.constant 0 : index
    tpu.barrier barrier_id(%barrier3A_96)
    "tpu.region"() ({
      %run_scoped3A = tpu.sem_alloc : memref<!tpu.dma_semaphore, #tpu.memory_space<semaphore_mem>>
      %dma_start3A_97 = arith.constant 0 : i32
      %dma_start3A_98 = tpu.memref_slice %arg23[%mul3A_2, %dma_start3A_97] : memref<10240x16xf32, #tpu.memory_space<vmem_shared>> -> memref<640x16xf32, #tpu.memory_space<vmem_shared>>
      %dma_start3A_99 = arith.constant 0 : i32
      %dma_start3A_100 = tpu.memref_slice %arg23[%mul3A_2, %dma_start3A_99] : memref<10240x16xf32, #tpu.memory_space<vmem_shared>> -> memref<640x16xf32, #tpu.memory_space<vmem_shared>>
      tpu.enqueue_dma source(%dma_start3A_100 : memref<640x16xf32, #tpu.memory_space<vmem_shared>>) target(%arg22 : memref<640x16xf32, #tpu.memory_space<vmem>>) target_semaphore(%run_scoped3A : memref<!tpu.dma_semaphore, #tpu.memory_space<semaphore_mem>>)
      %dma_wait3A_101 = arith.constant 0 : i32
      %dma_wait3A_102 = tpu.memref_slice %arg23[%mul3A_2, %dma_wait3A_101] : memref<10240x16xf32, #tpu.memory_space<vmem_shared>> -> memref<640x16xf32, #tpu.memory_space<vmem_shared>>
      %dma_wait3A_103 = arith.constant 0 : i32
      %dma_wait3A_104 = tpu.memref_slice %arg23[%mul3A_2, %dma_wait3A_103] : memref<10240x16xf32, #tpu.memory_space<vmem_shared>> -> memref<640x16xf32, #tpu.memory_space<vmem_shared>>
      tpu.wait_dma2 semaphore(%run_scoped3A : memref<!tpu.dma_semaphore, #tpu.memory_space<semaphore_mem>>) src(%dma_wait3A_104 : memref<640x16xf32, #tpu.memory_space<vmem_shared>>) dst(%arg22 : memref<640x16xf32, #tpu.memory_space<vmem>>)
      tpu.yield
    }) : () -> ()
    "tpu.region"() ({
      %run_scoped3A = tpu.sem_alloc : memref<!tpu.dma_semaphore, #tpu.memory_space<semaphore_mem>>
      %dma_start3A_97 = arith.constant 0 : i32
      %dma_start3A_98 = tpu.memref_slice %arg8[%arg0, %mul3A_2, %dma_start3A_97] : memref<2x10240x16xf32, #tpu.memory_space<hbm>> -> memref<1x640x16xf32, #tpu.memory_space<hbm>>
      %dma_start3A_99 = tpu.memref_squeeze %dma_start3A_98 : memref<1x640x16xf32, #tpu.memory_space<hbm>> -> memref<640x16xf32, #tpu.memory_space<hbm>>
      %dma_start3A_100 = arith.constant 0 : i32
      %dma_start3A_101 = tpu.memref_slice %arg8[%arg0, %mul3A_2, %dma_start3A_100] : memref<2x10240x16xf32, #tpu.memory_space<hbm>> -> memref<1x640x16xf32, #tpu.memory_space<hbm>>
      %dma_start3A_102 = tpu.memref_squeeze %dma_start3A_101 : memref<1x640x16xf32, #tpu.memory_space<hbm>> -> memref<640x16xf32, #tpu.memory_space<hbm>>
      tpu.enqueue_dma source(%arg22 : memref<640x16xf32, #tpu.memory_space<vmem>>) target(%dma_start3A_102 : memref<640x16xf32, #tpu.memory_space<hbm>>) target_semaphore(%run_scoped3A : memref<!tpu.dma_semaphore, #tpu.memory_space<semaphore_mem>>)
      %dma_wait3A_103 = arith.constant 0 : i32
      %dma_wait3A_104 = tpu.memref_slice %arg8[%arg0, %mul3A_2, %dma_wait3A_103] : memref<2x10240x16xf32, #tpu.memory_space<hbm>> -> memref<1x640x16xf32, #tpu.memory_space<hbm>>
      %dma_wait3A_105 = tpu.memref_squeeze %dma_wait3A_104 : memref<1x640x16xf32, #tpu.memory_space<hbm>> -> memref<640x16xf32, #tpu.memory_space<hbm>>
      %dma_wait3A_106 = arith.constant 0 : i32
      %dma_wait3A_107 = tpu.memref_slice %arg8[%arg0, %mul3A_2, %dma_wait3A_106] : memref<2x10240x16xf32, #tpu.memory_space<hbm>> -> memref<1x640x16xf32, #tpu.memory_space<hbm>>
      %dma_wait3A_108 = tpu.memref_squeeze %dma_wait3A_107 : memref<1x640x16xf32, #tpu.memory_space<hbm>> -> memref<640x16xf32, #tpu.memory_space<hbm>>
      tpu.wait_dma2 semaphore(%run_scoped3A : memref<!tpu.dma_semaphore, #tpu.memory_space<semaphore_mem>>) src(%arg22 : memref<640x16xf32, #tpu.memory_space<vmem>>) dst(%dma_wait3A_108 : memref<640x16xf32, #tpu.memory_space<hbm>>)
      tpu.yield
    }) : () -> ()
    return
  }
}

module attributes {stable_mosaic.version = 14 : i64} {
  func.func @_k1a_body(%arg0: i32, %arg1: memref<10240x128xf32, #tpu.memory_space<vmem>>, %arg2: memref<128x16xf32, #tpu.memory_space<vmem>>, %arg3: memref<10240x16xf32, #tpu.memory_space<vmem>>) attributes {dimension_semantics = [#tpu.dimension_semantics<arbitrary>], iteration_bounds = array<i64: 1>, scalar_prefetch = 0 : i64, scratch_operands = 0 : i64, tpu.core_type = #tpu.core_type<tc>, window_params = [{transform_indices = @transform_0, window_bounds = array<i64: 10240, 128>}, {pipeline_mode = #tpu.pipeline_mode<synchronous>, transform_indices = @transform_1, window_bounds = array<i64: 128, 16>}, {transform_indices = @transform_2, window_bounds = array<i64: 10240, 16>}]} {
    %get3A = arith.constant 0 : index
    %get3A_0 = arith.constant 0 : index
    %get3A_1 = vector.load %arg1[%get3A, %get3A_0] : memref<10240x128xf32, #tpu.memory_space<vmem>>, vector<10240x128xf32>
    %get3A_2 = arith.constant 0 : index
    %get3A_3 = arith.constant 0 : index
    %get3A_4 = vector.load %arg2[%get3A_2, %get3A_3] : memref<128x16xf32, #tpu.memory_space<vmem>>, vector<128x16xf32>
    %dot_general3A = arith.constant dense<0.000000e+00> : vector<10240x16xf32>
    %dot_general3A_5 = tpu.matmul %get3A_1, %get3A_4, %dot_general3A {dimension_numbers = #tpu.dot_dimension_numbers<[1], [0], [0], [1], [0, 0, 1, 1], [], []>, transpose_lhs_hint = false} : vector<10240x128xf32>, vector<128x16xf32>, vector<10240x16xf32> -> vector<10240x16xf32>
    %swap3A = arith.constant 0 : index
    %swap3A_6 = arith.constant 0 : index
    %swap3A_7 = vector.load %arg3[%swap3A, %swap3A_6] : memref<10240x16xf32, #tpu.memory_space<vmem>>, vector<10240x16xf32>
    tpu.vector_store %arg3[%swap3A, %swap3A_6], %dot_general3A_5 {strides = array<i32>} : memref<10240x16xf32, #tpu.memory_space<vmem>>, vector<10240x16xf32>,
    return
  }
  func.func @transform_0(%arg0: i32) -> (i32, i32) {
    %c0_i32 = arith.constant 0 : i32
    %c0_i32_0 = arith.constant 0 : i32
    return %arg0, %c0_i32 : i32, i32
  }
  func.func @transform_1(%arg0: i32) -> (i32, i32) {
    %c0_i32 = arith.constant 0 : i32
    %c0_i32_0 = arith.constant 0 : i32
    %c0_i32_1 = arith.constant 0 : i32
    return %c0_i32, %c0_i32_0 : i32, i32
  }
  func.func @transform_2(%arg0: i32) -> (i32, i32) {
    %c0_i32 = arith.constant 0 : i32
    %c0_i32_0 = arith.constant 0 : i32
    return %arg0, %c0_i32 : i32, i32
  }
}

module attributes {stable_mosaic.version = 14 : i64} {
  func.func @_k5_body(%arg0: i32, %arg1: memref<2x10240x16xf32, #tpu.memory_space<vmem>>, %arg2: memref<10240xf32, #tpu.memory_space<vmem>>, %arg3: memref<16x16xf32, #tpu.memory_space<vmem>>, %arg4: memref<1x16xf32, #tpu.memory_space<vmem>>, %arg5: memref<16x2xf32, #tpu.memory_space<vmem>>, %arg6: memref<1x2xf32, #tpu.memory_space<vmem>>, %arg7: memref<10240x16xf32, #tpu.memory_space<vmem>>, %arg8: memref<10240x2xf32, #tpu.memory_space<vmem>>) attributes {dimension_semantics = [#tpu.dimension_semantics<arbitrary>], iteration_bounds = array<i64: 1>, scalar_prefetch = 0 : i64, scratch_operands = 0 : i64, tpu.core_type = #tpu.core_type<tc>, window_params = [{transform_indices = @transform_0, window_bounds = array<i64: 2, 10240, 16>}, {transform_indices = @transform_1, window_bounds = array<i64: 10240>}, {pipeline_mode = #tpu.pipeline_mode<synchronous>, transform_indices = @transform_2, window_bounds = array<i64: 16, 16>}, {pipeline_mode = #tpu.pipeline_mode<synchronous>, transform_indices = @transform_3, window_bounds = array<i64: 1, 16>}, {pipeline_mode = #tpu.pipeline_mode<synchronous>, transform_indices = @transform_4, window_bounds = array<i64: 16, 2>}, {pipeline_mode = #tpu.pipeline_mode<synchronous>, transform_indices = @transform_5, window_bounds = array<i64: 1, 2>}, {transform_indices = @transform_6, window_bounds = array<i64: 10240, 16>}, {transform_indices = @transform_7, window_bounds = array<i64: 10240, 2>}]} {
    %get3A = arith.constant 0 : index
    %get3A_0 = arith.constant 0 : index
    %get3A_1 = arith.constant 0 : index
    %get3A_2 = vector.load %arg1[%get3A, %get3A_0, %get3A_1] : memref<2x10240x16xf32, #tpu.memory_space<vmem>>, vector<2x10240x16xf32>
    %get3A_3 = arith.constant 0 : index
    %get3A_4 = vector.load %arg2[%get3A_3] : memref<10240xf32, #tpu.memory_space<vmem>>, vector<10240xf32>
    %broadcast_in_dim3A = vector.shape_cast %get3A_4 : vector<10240xf32> to vector<10240x1xf32>
    %slice3A = vector.extract_strided_slice %get3A_2 {offsets = [0, 0, 0], sizes = [1, 10240, 16], strides = [1, 1, 1]} : vector<2x10240x16xf32> to vector<1x10240x16xf32>
    %squeeze3A = vector.shape_cast %slice3A : vector<1x10240x16xf32> to vector<10240x16xf32>
    %slice3A_5 = vector.extract_strided_slice %get3A_2 {offsets = [1, 0, 0], sizes = [1, 10240, 16], strides = [1, 1, 1]} : vector<2x10240x16xf32> to vector<1x10240x16xf32>
    %squeeze3A_6 = vector.shape_cast %slice3A_5 : vector<1x10240x16xf32> to vector<10240x16xf32>
    %add3A = arith.addf %squeeze3A, %squeeze3A_6 : vector<10240x16xf32>
    %get3A_7 = arith.constant 0 : index
    %get3A_8 = arith.constant 0 : index
    %get3A_9 = vector.load %arg3[%get3A_7, %get3A_8] : memref<16x16xf32, #tpu.memory_space<vmem>>, vector<16x16xf32>
    %dot_general3A = arith.constant dense<0.000000e+00> : vector<10240x16xf32>
    %dot_general3A_10 = tpu.matmul %add3A, %get3A_9, %dot_general3A {dimension_numbers = #tpu.dot_dimension_numbers<[1], [0], [0], [1], [0, 0, 1, 1], [], []>, transpose_lhs_hint = false} : vector<10240x16xf32>, vector<16x16xf32>, vector<10240x16xf32> -> vector<10240x16xf32>
    %mul3A = vector.broadcast %broadcast_in_dim3A : vector<10240x1xf32> to vector<10240x16xf32>
    %mul3A_11 = arith.mulf %dot_general3A_10, %mul3A : vector<10240x16xf32>
    %get3A_12 = arith.constant 0 : index
    %get3A_13 = arith.constant 0 : index
    %get3A_14 = vector.load %arg4[%get3A_12, %get3A_13] : memref<1x16xf32, #tpu.memory_space<vmem>>, vector<1x16xf32>
    %add3A_15 = vector.broadcast %get3A_14 : vector<1x16xf32> to vector<10240x16xf32>
    %add3A_16 = arith.addf %mul3A_11, %add3A_15 : vector<10240x16xf32>
    %swap3A = arith.constant 0 : index
    %swap3A_17 = arith.constant 0 : index
    %swap3A_18 = vector.load %arg7[%swap3A, %swap3A_17] : memref<10240x16xf32, #tpu.memory_space<vmem>>, vector<10240x16xf32>
    tpu.vector_store %arg7[%swap3A, %swap3A_17], %add3A_16 {strides = array<i32>} : memref<10240x16xf32, #tpu.memory_space<vmem>>, vector<10240x16xf32>,
    %get3A_19 = arith.constant 0 : index
    %get3A_20 = arith.constant 0 : index
    %get3A_21 = vector.load %arg5[%get3A_19, %get3A_20] : memref<16x2xf32, #tpu.memory_space<vmem>>, vector<16x2xf32>
    %dot_general3A_22 = arith.constant dense<0.000000e+00> : vector<10240x2xf32>
    %dot_general3A_23 = tpu.matmul %add3A_16, %get3A_21, %dot_general3A_22 {dimension_numbers = #tpu.dot_dimension_numbers<[1], [0], [0], [1], [0, 0, 1, 1], [], []>, transpose_lhs_hint = false} : vector<10240x16xf32>, vector<16x2xf32>, vector<10240x2xf32> -> vector<10240x2xf32>
    %get3A_24 = arith.constant 0 : index
    %get3A_25 = arith.constant 0 : index
    %get3A_26 = vector.load %arg6[%get3A_24, %get3A_25] : memref<1x2xf32, #tpu.memory_space<vmem>>, vector<1x2xf32>
    %add3A_27 = vector.broadcast %get3A_26 : vector<1x2xf32> to vector<10240x2xf32>
    %add3A_28 = arith.addf %dot_general3A_23, %add3A_27 : vector<10240x2xf32>
    %swap3A_29 = arith.constant 0 : index
    %swap3A_30 = arith.constant 0 : index
    %swap3A_31 = vector.load %arg8[%swap3A_29, %swap3A_30] : memref<10240x2xf32, #tpu.memory_space<vmem>>, vector<10240x2xf32>
    tpu.vector_store %arg8[%swap3A_29, %swap3A_30], %add3A_28 {strides = array<i32>} : memref<10240x2xf32, #tpu.memory_space<vmem>>, vector<10240x2xf32>,
    return
  }
  func.func @transform_0(%arg0: i32) -> (i32, i32, i32) {
    %c0_i32 = arith.constant 0 : i32
    %c0_i32_0 = arith.constant 0 : i32
    %c0_i32_1 = arith.constant 0 : i32
    return %c0_i32, %arg0, %c0_i32_0 : i32, i32, i32
  }
  func.func @transform_1(%arg0: i32) -> i32 {
    %c0_i32 = arith.constant 0 : i32
    return %arg0 : i32
  }
  func.func @transform_2(%arg0: i32) -> (i32, i32) {
    %c0_i32 = arith.constant 0 : i32
    %c0_i32_0 = arith.constant 0 : i32
    %c0_i32_1 = arith.constant 0 : i32
    return %c0_i32, %c0_i32_0 : i32, i32
  }
  func.func @transform_3(%arg0: i32) -> (i32, i32) {
    %c0_i32 = arith.constant 0 : i32
    %c0_i32_0 = arith.constant 0 : i32
    %c0_i32_1 = arith.constant 0 : i32
    return %c0_i32, %c0_i32_0 : i32, i32
  }
  func.func @transform_4(%arg0: i32) -> (i32, i32) {
    %c0_i32 = arith.constant 0 : i32
    %c0_i32_0 = arith.constant 0 : i32
    %c0_i32_1 = arith.constant 0 : i32
    return %c0_i32, %c0_i32_0 : i32, i32
  }
  func.func @transform_5(%arg0: i32) -> (i32, i32) {
    %c0_i32 = arith.constant 0 : i32
    %c0_i32_0 = arith.constant 0 : i32
    %c0_i32_1 = arith.constant 0 : i32
    return %c0_i32, %c0_i32_0 : i32, i32
  }
  func.func @transform_6(%arg0: i32) -> (i32, i32) {
    %c0_i32 = arith.constant 0 : i32
    %c0_i32_0 = arith.constant 0 : i32
    return %arg0, %c0_i32 : i32, i32
  }
  func.func @transform_7(%arg0: i32) -> (i32, i32) {
    %c0_i32 = arith.constant 0 : i32
    %c0_i32_0 = arith.constant 0 : i32
    return %arg0, %c0_i32 : i32, i32
  }
}

</mosaic_0001>

<sc_bundles>
// kernel: kernel.12.cloned.1.call-start
scs
__scs_entry_jumppad:
0x0: {  	(pc) =	sbr.rel $0x88, $3  }
0x1: {  	(tag) =	ssettag $0x0;
	lr =	simm.s32 $0x1  }
0x2: {  	[smem:$0x3F99] =	sst lr;
	_ =	strace $0xD0000000  }
0x3: {  	_ = 	snop  }
0x4: {  	_ = 	snop  }
0x5: {  	_ = 	snop  }
0x6: {  	_ = 	snop  }
0x7: {  	_ = 	snop  }
__scs_overlays_trampoline_lowered:
0x8: {  	[smem:$0x3FA8] =	sst s0  }
0x9: {  	[smem:$0x3FA9] =	sst s1  }
0xa: {  	[smem:$0x3FAA] =	sst s2  }
0xb: {  	[smem:$0x3FAB] =	sst s3  }
0xc: {  	[smem:$0x3FAC] =	sst s4  }
0xd: {  	[smem:$0x3FAD] =	sst s5  }
0xe: {  	[smem:$0x3FAE] =	sst s6  }
0xf: {  	[smem:$0x3FAF] =	sst s7  }
0x10: {  	[smem:$0x3FB0] =	sst s8  }
0x11: {  	[smem:$0x3FB1] =	sst s9;
	s0 =	simm.s32 @!p0 $0x0  }
0x12: {  	s1 =	sld [smem:$0x3F97];
	s0 =	simm.s32 @p0 $0x1  }
0x13: {  	[smem:$0x3FB2] =	sst s0;
	s0 =	simm.s32 @!p1 $0x0  }
0x14: {  	s2 =	sld [smem:$0x3F96];
	s0 =	simm.s32 @p1 $0x1  }
0x15: {  	[smem:$0x3FB3] =	sst s0;
	s0 =	simm.s32 @!p2 $0x0  }
0x16: {  	s3 =	sld [smem:$0x3FDB];
	s0 =	simm.s32 @p2 $0x1  }
0x17: {  	s4 =	simm.s32 $0x1BF5;
	[smem:$0x3FB5] =	sst s0  }
0x18: {  	s0 =	sld [smem:$0x3F98];
	_ =	swait.ge [sflag:s4], $0x0  }
0x19: {  	s7 =	sld [smem:$0x3F99]  }
0x1a: {  	s8 =	sadd.s32 $0xFFFFE003, lr  }
0x1b: {  	s9 =	sadd.s32 $0xFFFFFEF7, lr;
	s5 =	simm.s32 $0xFFFFFFFF;
	p2 =	slt.u32 s8, $0xFFFFF086  }
0x1c: {  	p1 =	slt.u32 s9, $0xF7A;
	s5 =	simm.s32 @!p2 $0x0  }
0x1d: {  	s5 =	simm.s32 @p1 $0x1;
	p0 =	seq.s32 s7, s2  }
0x1e: {  	s7 =	smul.u32 @!p0 $0xF7A, s2;
	p2 =	seq.s32 @!p0 s5, $0x0  }
0x1f: {  	s9 =	smul.u32 $0xF7A, s1;
	s8 =	simm.s32 @!p0 $0x1BF5;
	p2 =	por !p2, p0  }
0x20: {  	[sflag:s8] =	ssyncset.s32 @!p0 $0xFFFFF086;
	s6 =	sadd.s32 @!p0 s3, s7;
	s7 =	simm.s32 @!p0 $0x108  }
0x21: {  	s3 =	sadd.s32 s3, s9;
	s6 =	sadd.s32 @!p0 $0x88, s6;
	s7 =	simm.s32 @p2 $0x1082  }
0x22: {  	[simem:s7], [sflag:s8] =	dma.local @!p0 [hbm:s6], $0xF7A  }
0x23: {  	s9 =	sor.u32 $0xD0000000, s2;
	s6 =	simm.s32 $0x108;
	_ =	swait.ge @!p0 [sflag:s8], $0x0  }
0x24: {  	s3 =	sadd.s32 $0x88, s3;
	s6 =	simm.s32 @!p1 $0x1082;
	[sflag:s4] =	ssyncset.s32 $0xFFFFF086  }
0x25: {  	[simem:s6], [sflag:s4] =	dma.local [hbm:s3], $0xF7A  }
0x26: {  	[smem:$0x3F99] =	sst s1;
	(tag) =	ssettag s2;
	_ =	strace s9  }
0x27: {  	s1 =	sld [smem:$0x3FA9]  }
0x28: {  	s2 =	sld [smem:$0x3FAA]  }
0x29: {  	s4 =	sld [smem:$0x3FAC]  }
0x2a: {  	p0 =	seq.s32 s5, $0x0;
	s5 =	sld [smem:$0x3FAD]  }
0x2b: {  	s6 =	sld [smem:$0x3FAE]  }
0x2c: {  	s7 =	sld [smem:$0x3FAF]  }
0x2d: {  	s3 =	simm.s32 $0x108;
	s8 =	sld [smem:$0x3FB0]  }
0x2e: {  	s3 =	simm.s32 @!p0 $0x1082;
	s9 =	sld [smem:$0x3FB1]  }
0x2f: {  	lr =	sadd.s32 s0, s3;
	s0 =	sld [smem:$0x3FA8]  }
0x30: {  	s3 =	sld [smem:$0x3FAB]  }
0x31: {  	[smem:$0x3FB4] =	sst s10  }
0x32: {  	s10 =	sld [smem:$0x3FB2];
	_ =	sdelay $0x3  }
0x33: {  	p0 =	seq.s32 s10, $0x1;
	s10 =	sld [smem:$0x3FB4];
	_ =	sdelay $0x3  }
0x34: {  	[smem:$0x3FB4] =	sst s10  }
0x35: {  	s10 =	sld [smem:$0x3FB3];
	_ =	sdelay $0x3  }
0x36: {  	p1 =	seq.s32 s10, $0x1;
	s10 =	sld [smem:$0x3FB4];
	_ =	sdelay $0x3  }
0x37: {  	[smem:$0x3FB4] =	sst s10  }
0x38: {  	s10 =	sld [smem:$0x3FB5]  }
0x39: {  	_ = 	snop;
	(pc) =	sbr.ind lr, $3  }
0x3a: {  	_ = 	snop  }
0x3b: {  	_ = 	snop  }
0x3c: {  	p2 =	seq.s32 s10, $0x1;
	s10 =	sld [smem:$0x3FB4]  }
0x3d: {  	_ =	shalt  }
0x3e: {  	_ =	shalt  }
0x3f: {  	_ =	shalt  }
0x40: {  	_ =	shalt  }
0x41: {  	_ =	shalt  }
0x42: {  	_ =	shalt  }
0x43: {  	_ =	shalt  }
0x44: {  	_ =	shalt  }
0x45: {  	_ =	shalt  }
0x46: {  	_ =	shalt  }
0x47: {  	_ =	shalt  }
0x48: {  	_ =	shalt  }
0x49: {  	_ =	shalt  }
0x4a: {  	_ =	shalt  }
0x4b: {  	_ =	shalt  }
0x4c: {  	_ =	shalt  }
0x4d: {  	_ =	shalt  }
0x4e: {  	_ =	shalt  }
0x4f: {  	_ =	shalt  }
0x50: {  	_ =	shalt  }
0x51: {  	_ =	shalt  }
0x52: {  	_ =	shalt  }
0x53: {  	_ =	shalt  }
0x54: {  	_ =	shalt  }
0x55: {  	_ =	shalt  }
0x56: {  	_ =	shalt  }
0x57: {  	_ =	shalt  }
0x58: {  	_ =	shalt  }
0x59: {  	_ =	shalt  }
0x5a: {  	_ =	shalt  }
0x5b: {  	_ =	shalt  }
0x5c: {  	_ =	shalt  }
0x5d: {  	_ =	shalt  }
0x5e: {  	_ =	shalt  }
0x5f: {  	_ =	shalt  }
0x60: {  	_ =	shalt  }
0x61: {  	_ =	shalt  }
0x62: {  	_ =	shalt  }
0x63: {  	_ =	shalt  }
0x64: {  	_ =	shalt  }
0x65: {  	_ =	shalt  }
0x66: {  	_ =	shalt  }
0x67: {  	_ =	shalt  }
0x68: {  	_ =	shalt  }
0x69: {  	_ =	shalt  }
0x6a: {  	_ =	shalt  }
0x6b: {  	_ =	shalt  }
0x6c: {  	_ =	shalt  }
0x6d: {  	_ =	shalt  }
0x6e: {  	_ =	shalt  }
0x6f: {  	_ =	shalt  }
0x70: {  	_ =	shalt  }
0x71: {  	_ =	shalt  }
0x72: {  	_ =	shalt  }
0x73: {  	_ =	shalt  }
0x74: {  	_ =	shalt  }
0x75: {  	_ =	shalt  }
0x76: {  	_ =	shalt  }
0x77: {  	_ =	shalt  }
0x78: {  	_ =	shalt  }
0x79: {  	_ =	shalt  }
0x7a: {  	_ =	shalt  }
0x7b: {  	_ =	shalt  }
0x7c: {  	_ =	shalt  }
0x7d: {  	_ =	shalt  }
0x7e: {  	_ =	shalt  }
0x7f: {  	_ =	shalt  }
0x80: {  	_ =	shalt  }
0x81: {  	_ =	shalt  }
0x82: {  	_ =	shalt  }
0x83: {  	_ =	shalt  }
0x84: {  	_ =	shalt  }
0x85: {  	_ =	shalt  }
0x86: {  	_ =	shalt  }
0x87: {  	_ =	shalt  }
.Lfunc_end0:
.L_simem_size_0:
called_computation.1_lowered:
.L_overlay_start_0:
0x88: {  	s2 =	sld [smem:$0x3FD9]  }
0x89: {  	s3 =	sld [smem:$0x3FFE];
	_ =	sdelay $0x1  }
0x8a: {  	s1 =	srdreg.scid  }
0x8b: {  	s0 =	sand.u32 $0x1, s1  }
0x8c: {  	s14 =	sshll.u32 s0, $0xA;
	s2 =	sadd.s32 s3, s2  }
0x8d: {  	s2 =	sadd.s32 s2, s14  }
0x8e: {  	[smem:$0x3FC0] =	sst s2  }
0x8f: {  	_ = 	snop  }
0x90: {  	s2 =	sld [smem:$0x3FD0];
	_ =	sdelay $0x2  }
0x91: {  	s15 =	simm.s32 $0xA;
	s4 =	simm.s32 $0x10  }
0x92: {  	[smem:s4], [sflag:s15] =	dma.local [hbm:s2], $0x1  }
0x93: {  	_ =	swait.eq [sflag:s15], $0x1  }
0x94: {  	[sflag:s15] =	ssyncset.done $0x0  }
0x95: {  	s16 =	sld [smem:$0x10];
	[sflag:s15] =	ssyncadd.s32 $0xFFFFFFFF  }
0x96: {  	s17 =	sld [smem:$0x11];
	(tm) =	ssettm $0x1  }
0x97: {  	s18 =	sld [smem:$0x3FFB];
	_ =	sdelay $0x3  }
0x98: {  	_ =	strace s18  }
0x99: {  	s4 =	sld [smem:$0x3FFC];
	_ =	sdelay $0x3  }
0x9a: {  	_ =	strace s4  }
0x9b: {  	s4 =	sld [smem:$0x3FFD];
	_ =	sdelay $0x3  }
0x9c: {  	_ =	strace s4  }
0x9d: {  	_ =	strace $0x8FFFFFFF  }
0x9e: {  	s19 =	sld [smem:$0x3FDB];
	_ =	sdelay $0x1  }
0x9f: {  	s5 =	simm.s32 $_scs_section_size  }
0xa0: {  	s6 =	simm.s32 $_size__tile_overlayer_lowered;
	s7 =	simm.s32 $_tile_overlayer_lowered  }
0xa1: {  	s22 =	simm.s32 $0x1BFF;
	s21 =	sshll.u32 s7, $0x1;
	s4 =	sadd.s32 s5, s19  }
0xa2: {  	s8 =	simm.s32 $0x0;
	s20 =	sshll.u32 s6, $0x1;
	s6 =	sadd.s32 s21, s4  }
0xa3: {  	[timem:s8], [sflag:s22] =	dma.local [hbm:s6], s20  }
0xa4: {  	_ =	swait.ge [sflag:s22], s20  }
0xa5: {  	s5 =	ssub.s32 $0x0, s20;
	[sflag:s22] =	ssyncset.done $0x0  }
0xa6: {  	[sflag:s22] =	ssyncadd.s32 s5;
	_ =	sdelay $0x1  }
0xa7: {  	s23 =	simm.s32 $0x1B8B  }
0xa8: {  	_ =	swait.ge [sflag:s23], $0x1  }
0xa9: {  	[sflag:s23] =	ssyncset.done $0x0  }
0xaa: {  	s25 =	simm.s32 $0x1B8E;
	s24 =	sld [smem:$0x3FFE];
	[sflag:s23] =	ssyncadd.s32 $0xFFFFFFFF  }
0xab: {  	s26 =	simm.s32 $execute0_lowered;
	[smem:$0x3FD2] =	sst s25  }
0xac: {  	s6 =	sshll.u32 s26, $0x1;
	_ =	strace $0x80000049;
	[dreg:$0x1] =	wrdreg $0xFFFFFFFF  }
0xad: {  	s28 =	simm.s32 $_size_execute0_lowered;
	s4 =	sadd.s32 s4, s6;
	[dreg:$0x0] =	wrdreg $0x0  }
0xae: {  	s6 =	sshll.u32 s28, $0x1;
	[dreg:$0x2] =	wrdreg s4  }
0xaf: {  	[dreg:$0x3] =	wrdreg s6  }
0xb0: {  	[dreg:$0x4] =	wrdreg $0xC0  }
0xb1: {  	_ =	task [dreg:s8], $0x5FFFF  }
0xb2: {  	[dreg:$0x1] =	wrdreg $0xFFFFFFFF  }
0xb3: {  	[dreg:$0x0] =	wrdreg $0x60  }
0xb4: {  	[dreg:$0x2] =	wrdreg s24  }
0xb5: {  	[dreg:$0x3] =	wrdreg s16  }
0xb6: {  	[dreg:$0x4] =	wrdreg s17  }
0xb7: {  	[dreg:$0x5] =	wrdreg $0x9  }
0xb8: {  	_ =	task.clear_ibuf [dreg:s8], $0x6FFFF;
	_ =	strace $0x90000049  }
0xb9: {  	s29 =	simm.s32 $0x9;
	_ =	strace $0x8000004B  }
0xba: {  	_ =	swait.ge [sflag:s29], $0x1  }
0xbb: {  	[sflag:s29] =	ssyncadd.s32 $0xFFFFFFFF  }
0xbc: {  	_ =	strace $0x9000004B  }
0xbd: {  	_ =	sfence  }
0xbe: {  	s30 =	sld [smem:$0x0];
	_ =	sdelay $0x2  }
0xbf: {  	s31 =	sshll.u32 s1, $0xD;
	s1 =	sshrl.u32 s1, $0x2  }
0xc0: {  	s3 =	sand.u32 $0x4000, s31;
	s1 =	sadd.s32 s1, s30  }
0xc1: {  	s0 =	sor.u32 s3, s0;
	s1 =	sshll.u32 s1, $0x11  }
0xc2: {  	s0 =	sor.u32 s1, s0  }
0xc3: {  	s0 =	sadd.s32 $0x8F2B, s0  }
0xc4: {  	[sflag:s0] =	ssyncadd.remote.s32 $0x1  }
0xc5: {  	_ =	sfence.sel $0xFFFF  }
0xc6: {  	[dreg:$0x0] =	wrdreg $0xFFFFFFFF;
	(pc) =	sbr.abs _section_cstart, $3  }
0xc7: {  	[dreg:$0x1] =	wrdreg $0xFFFFFFFF  }
0xc8: {  	_ =	task.clear_ibuf [dreg:s8], $0x2FFFF;
	_ =	strace $0x9FFFFFFF  }
0xc9: {  	(tm) =	ssettm $0x7FFFFFFF  }
tec
execute0_lowered:
.L_overlay_start_1:
0x0: {  	(tag) =	ssettag $0x1  }
0x1: {  	s3 =	rddreg [dreg:$0x0];
	s1 =	srdreg.scid  }
0x2: {  	s0 =	stileid.u32;
	s4 =	rddreg [dreg:$0x1]  }
0x3: {  	s9 =	rddreg [dreg:$0x2];
	s2 =	simm.s32 $0x0;
	s13 =	simm.s32 $0x1  }
0x4: {  	s14 =	simm.s32 $0x1400;
	s15 =	simm.s32 $0x1540;
	s16 =	simm.s32 $0x1680  }
0x5: {  	s17 =	simm.s32 $0x17C0;
	s18 =	simm.s32 $0x1A40;
	s19 =	simm.s32 $0x1CC0  }
0x6: {  	s20 =	simm.s32 $0x1900;
	s5 =	sand.u32 $0x1, s1;
	s30 =	sshll.u32 s0, $0x1  }
0x7: {  	s21 =	simm.s32 $0x1B80;
	s22 =	simm.s32 $0x0;
	s6 =	sor.u32 s5, s30  }
0x8: {  	s1 =	rddreg [dreg:$0x3];
	s5 =	ssub.s32 $0x2, s5;
	s7 =	smul.u32 $0x140, s6  }
0x9: {  	[smem:$0x7FF] =	sst s2;
	s6 =	smul.u32 $0x280, s6;
	s31 =	sshrl.u32 s5, $0x1  }
0xa: {  	_ =	strace $0x8000004A;
	s12 =	ssub.s32 s5, s31;
	s10 =	sshrl.u32 s7, $0x3  }
0xb: {  	s8 =	sadd.s32 s6, s3;
	s12 =	smax.u32 s12, $0x1;
	s11 =	sadd.s32 s10, s3  }
0xc: {  	s3 =	sadd.s32 $0x17000, s8;
	s4 =	sadd.s32 s4, s10;
	s8 =	sadd.s32 $0x1C000, s8  }
0xd: {  	s9 =	sadd.s32 s9, s10;
	s5 =	sadd.s32 $0x500, s4;
	s6 =	sadd.s32 $0xA00, s4  }
0xe: {  	s7 =	sadd.s32 $0xF00, s4;
	s10 =	sadd.s32 $0x21000, s11;
	s11 =	sadd.s32 $0x21600, s11  }
.LBB2_1:
0xf: {  	[tilespmem:s2], [sflag:$0x1] =	stream.linear.gather [hbm4b:s3+s2], $0x1400, $0x38;
	[tilespmem:$0x30C0] =	vst v63  }
0x10: {  	_ =	swait.ge [sflag:s13], $0x1400  }
0x11: {  	[sflag:s13] =	ssyncset.done $0x0  }
0x12: {  	[sflag:s13] =	ssyncadd.s32 $0xFFFFEC00  }
0x13: {  	[tilespmem:s14], [sflag:$0x1] =	stream.linear.gather [hbm4b:s4+s2], $0x140, $0x38;
	[tilespmem:$0x30C0] =	vst v63  }
0x14: {  	_ =	swait.ge [sflag:s13], $0x140  }
0x15: {  	[sflag:s13] =	ssyncset.done $0x0  }
0x16: {  	[sflag:s13] =	ssyncadd.s32 $0xFFFFFEC0  }
0x17: {  	[tilespmem:s15], [sflag:$0x1] =	stream.linear.gather [hbm4b:s5+s2], $0x140, $0x38;
	[tilespmem:$0x30C0] =	vst v63  }
0x18: {  	_ =	swait.ge [sflag:s13], $0x140  }
0x19: {  	[sflag:s13] =	ssyncset.done $0x0  }
0x1a: {  	[sflag:s13] =	ssyncadd.s32 $0xFFFFFEC0  }
0x1b: {  	[tilespmem:s16], [sflag:$0x1] =	stream.linear.gather [hbm4b:s6+s2], $0x140, $0x38;
	[tilespmem:$0x30C0] =	vst v63  }
0x1c: {  	_ =	swait.ge [sflag:s13], $0x140  }
0x1d: {  	[sflag:s13] =	ssyncset.done $0x0  }
0x1e: {  	[sflag:s13] =	ssyncadd.s32 $0xFFFFFEC0  }
0x1f: {  	[tilespmem:s17], [sflag:$0x1] =	stream.linear.gather [hbm4b:s7+s2], $0x140, $0x38;
	[tilespmem:$0x30C0] =	vst v63  }
0x20: {  	_ =	swait.ge [sflag:s13], $0x140  }
0x21: {  	[sflag:s13] =	ssyncset.done $0x0  }
0x22: {  	s24 =	simm.s32 $0x0;
	[sflag:s13] =	ssyncadd.s32 $0xFFFFFEC0  }
0x23: {  	v0 =	vld [tilespmem:s24+$0x1400]  }
0x24: {  	v1 =	vld [tilespmem:s24+$0x1680]  }
0x25: {  	v2 =	vld [tilespmem:s24+$0x1540]  }
0x26: {  	v3 =	vld [tilespmem:s24+$0x17C0];
	_ =	sdelay $0x3  }
0x27: {  	v0 =	vadd.f32 v1, v0  }
0x28: {  	v1 =	vadd.f32 v3, v2  }
0x29: {  	s23 =	simm.s32 $0x10;
	v0 =	vmax.f32 v0, $1.000000000e+00  }
0x2a: {  	v4 =	vld [tilespmem:s23+$0x1680];
	v1 =	vmax.f32 v1, $1.000000000e+00;
	v3 =	vmul.f32 $5.000000000e-01, v0  }
0x2b: {  	v2 =	vld [tilespmem:s23+$0x1400];
	v0 =	vshra.s32 v0, $0x1;
	v5 =	vshra.s32 v1, $0x1;
	v6 =	vmul.f32 $5.000000000e-01, v1  }
0x2c: {  	v0 =	vsub.s32 $0x5F3759DF, v0;
	v5 =	vsub.s32 $0x5F3759DF, v5  }
0x2d: {  	v7 =	vld [tilespmem:s23+$0x17C0];
	v8 =	vmul.f32 v0, v3;
	v9 =	vmul.f32 v5, v6  }
0x2e: {  	v1 =	vld [tilespmem:s23+$0x1540]  }
0x2f: {  	v8 =	vmul.f32 v0, v8;
	v9 =	vmul.f32 v5, v9  }
0x30: {  	v2 =	vadd.f32 v4, v2  }
0x31: {  	s25 =	simm.s32 $0x20;
	v4 =	vsub.f32 $1.500000000e+00, v8;
	v8 =	vsub.f32 $1.500000000e+00, v9  }
0x32: {  	v2 =	vmax.f32 v2, $1.000000000e+00;
	v9 =	vld [tilespmem:s25+$0x1400]  }
0x33: {  	v7 =	vadd.f32 v7, v1;
	v0 =	vmul.f32 v0, v4;
	v4 =	vmul.f32 v5, v8;
	v5 =	vld [tilespmem:s25+$0x1680]  }
0x34: {  	v13 =	vld [tilespmem:s25+$0x17C0];
	v1 =	vmul.f32 $5.000000000e-01, v2;
	v10 =	vshra.s32 v2, $0x1  }
0x35: {  	v7 =	vmax.f32 v7, $1.000000000e+00;
	v8 =	vld [tilespmem:s25+$0x1540];
	v11 =	vmul.f32 v0, v3;
	v12 =	vmul.f32 v4, v6  }
0x36: {  	v14 =	vshra.s32 v7, $0x1;
	v2 =	vmul.f32 $5.000000000e-01, v7;
	v7 =	vsub.s32 $0x5F3759DF, v10  }
0x37: {  	v10 =	vmul.f32 v11, v0;
	v11 =	vmul.f32 v12, v4;
	v12 =	vsub.s32 $0x5F3759DF, v14  }
0x38: {  	v5 =	vadd.f32 v5, v9;
	v9 =	vmul.f32 v7, v1;
	v14 =	vmul.f32 v12, v2  }
0x39: {  	v10 =	vsub.f32 $1.500000000e+00, v10;
	v11 =	vsub.f32 $1.500000000e+00, v11  }
0x3a: {  	v8 =	vadd.f32 v13, v8;
	v9 =	vmul.f32 v7, v9;
	v13 =	vmul.f32 v12, v14  }
0x3b: {  	v14 =	vmax.f32 v5, $1.000000000e+00;
	v10 =	vmul.f32 v10, v0;
	v11 =	vmul.f32 v11, v4  }
0x3c: {  	v0 =	vmul.f32 $5.000000000e-01, v14;
	v4 =	vsub.f32 $1.500000000e+00, v9;
	v9 =	vsub.f32 $1.500000000e+00, v13  }
0x3d: {  	s26 =	simm.s32 $0x30;
	v3 =	vmul.f32 v10, v3;
	v13 =	vmul.f32 v11, v6  }
0x3e: {  	v15 =	vld [tilespmem:s26+$0x1400];
	v8 =	vmax.f32 v8, $1.000000000e+00;
	v5 =	vmul.f32 v7, v4;
	v6 =	vmul.f32 v12, v9  }
0x3f: {  	v9 =	vld [tilespmem:s26+$0x1680];
	v4 =	vshra.s32 v14, $0x1;
	v7 =	vmul.f32 v3, v10;
	v12 =	vmul.f32 v13, v11  }
0x40: {  	v18 =	vld [tilespmem:s26+$0x17C0];
	v13 =	vshra.s32 v8, $0x1;
	v16 =	vmul.f32 v5, v1;
	v17 =	vmul.f32 v6, v2  }
0x41: {  	v14 =	vld [tilespmem:s26+$0x1540];
	v3 =	vmul.f32 $5.000000000e-01, v8;
	v8 =	vsub.f32 $1.500000000e+00, v7;
	v12 =	vsub.f32 $1.500000000e+00, v12  }
0x42: {  	v4 =	vsub.s32 $0x5F3759DF, v4;
	v16 =	vmul.f32 v16, v5;
	v17 =	vmul.f32 v17, v6  }
0x43: {  	v7 =	vsub.s32 $0x5F3759DF, v13;
	v8 =	vmul.f32 v8, v10;
	v19 =	vmul.f32 v12, v11  }
0x44: {  	v11 =	vadd.f32 v9, v15;
	v10 =	vmul.f32 v4, v0;
	v15 =	vmul.f32 v7, v3  }
0x45: {  	v12 =	vsub.f32 $1.500000000e+00, v16;
	v13 =	vsub.f32 $1.500000000e+00, v17;
	[tilespmem:s24+$0x1A40] =	vst v8;
	v8 =	vmul.f32 v19, v8  }
0x46: {  	s28 =	simm.s32 $0x100;
	v9 =	vadd.f32 v18, v14;
	v14 =	vmul.f32 v4, v10;
	v10 =	vmul.f32 v7, v15;
	[tilespmem:s24+$0x1B80] =	vst v19  }
.LBB2_2:
0x47: {  	p0 =	sne.s32 s28, $0x4C0;
	v11 =	vmax.f32 v11, $1.000000000e+00;
	v12 =	vmul.f32 v12, v5;
	v13 =	vmul.f32 v13, v6;
	[tilespmem:s24+$0x1900] =	vst v8;
	s24 =	smov.u32 s23;
	s23 =	smov.u32 s25  }
0x48: {  	s25 =	smov.u32 s26;
	v8 =	vmul.f32 $5.000000000e-01, v11;
	v5 =	vsub.f32 $1.500000000e+00, v14;
	v6 =	vsub.f32 $1.500000000e+00, v10  }
0x49: {  	s26 =	sshra.s32 s28, $0x2;
	v10 =	vmul.f32 v12, v1;
	v14 =	vmul.f32 v13, v2;
	v1 =	vmovc v0;
	v2 =	vmov v3  }
0x4a: {  	v3 =	vmax.f32 v9, $1.000000000e+00;
	v15 =	vld [tilespmem:s26+$0x1400];
	v5 =	vmul.f32 v4, v5;
	v6 =	vmul.f32 v7, v6;
	v0 =	vmovc v8  }
0x4b: {  	v4 =	vshra.s32 v11, $0x1;
	v8 =	vld [tilespmem:s26+$0x1680];
	v7 =	vmul.f32 v10, v12;
	v9 =	vmul.f32 v14, v13  }
0x4c: {  	v11 =	vshra.s32 v3, $0x1;
	v10 =	vld [tilespmem:s26+$0x1540];
	v14 =	vmul.f32 v5, v1;
	v16 =	vmul.f32 v6, v2  }
0x4d: {  	v3 =	vmul.f32 $5.000000000e-01, v3;
	v17 =	vld [tilespmem:s26+$0x17C0];
	v18 =	vsub.f32 $1.500000000e+00, v7;
	v9 =	vsub.f32 $1.500000000e+00, v9  }
.Ltmp0:
0x4e: {  	v4 =	vsub.s32 $0x5F3759DF, v4;
	v14 =	vmul.f32 v14, v5;
	v16 =	vmul.f32 v16, v6;
	(pc) =	sbr.rel @p0 .LBB2_2-.Ltmp0, $4  }
0x4f: {  	v7 =	vsub.s32 $0x5F3759DF, v11;
	v18 =	vmul.f32 v18, v12;
	v19 =	vmul.f32 v9, v13  }
0x50: {  	v20 =	vmul.f32 v7, v3;
	v11 =	vadd.f32 v8, v15;
	v15 =	vmul.f32 v4, v0  }
0x51: {  	v12 =	vsub.f32 $1.500000000e+00, v14;
	v13 =	vsub.f32 $1.500000000e+00, v16;
	[tilespmem:s24+$0x1A40] =	vst v18;
	v8 =	vmul.f32 v19, v18  }
0x52: {  	s28 =	sadd.s32 $0x40, s28;
	v9 =	vadd.f32 v17, v10;
	v14 =	vmul.f32 v4, v15;
	v10 =	vmul.f32 v7, v20;
	[tilespmem:s24+$0x1B80] =	vst v19  }
0x53: {  	v11 =	vmax.f32 v11, $1.000000000e+00;
	v5 =	vmul.f32 v12, v5;
	v6 =	vmul.f32 v13, v6  }
0x54: {  	v41 =	vmul.f32 $5.000000000e-01, v11;
	v42 =	vsub.f32 $1.500000000e+00, v14;
	v9 =	vmax.f32 v9, $1.000000000e+00  }
0x55: {  	v11 =	vshra.s32 v11, $0x1;
	v43 =	vshra.s32 v9, $0x1;
	v9 =	vmul.f32 $5.000000000e-01, v9  }
0x56: {  	v1 =	vmul.f32 v5, v1;
	v11 =	vsub.s32 $0x5F3759DF, v11;
	v14 =	vsub.s32 $0x5F3759DF, v43  }
0x57: {  	v15 =	vmul.f32 v11, v41;
	v16 =	vmul.f32 v14, v9  }
0x58: {  	v10 =	vsub.f32 $1.500000000e+00, v10;
	v2 =	vmul.f32 v6, v2;
	v4 =	vmul.f32 v4, v42  }
0x59: {  	v44 =	vmul.f32 v11, v15;
	v45 =	vmul.f32 v14, v16  }
0x5a: {  	v7 =	vmul.f32 v7, v10;
	v1 =	vmul.f32 v1, v5  }
0x5b: {  	v2 =	vmul.f32 v2, v6;
	v46 =	vsub.f32 $1.500000000e+00, v44;
	v47 =	vsub.f32 $1.500000000e+00, v45  }
0x5c: {  	v48 =	vmul.f32 v4, v0;
	v49 =	vmul.f32 v7, v3  }
0x5d: {  	v10 =	vmul.f32 v11, v46;
	v50 =	vmul.f32 v14, v47  }
0x5e: {  	v1 =	vsub.f32 $1.500000000e+00, v1;
	v51 =	vmul.f32 v48, v4;
	v52 =	vmul.f32 v49, v7  }
0x5f: {  	v53 =	vmul.f32 v10, v41;
	v54 =	vmul.f32 v50, v9  }
0x60: {  	v1 =	vmul.f32 v1, v5;
	v55 =	vsub.f32 $1.500000000e+00, v51;
	v56 =	vsub.f32 $1.500000000e+00, v52  }
0x61: {  	v2 =	vsub.f32 $1.500000000e+00, v2;
	v57 =	vmul.f32 v53, v10;
	v58 =	vmul.f32 v54, v50  }
0x62: {  	v4 =	vmul.f32 v55, v4;
	v59 =	vmul.f32 v56, v7  }
0x63: {  	v2 =	vmul.f32 v2, v6;
	v60 =	vsub.f32 $1.500000000e+00, v57;
	v61 =	vsub.f32 $1.500000000e+00, v58  }
0x64: {  	v0 =	vmul.f32 v4, v0;
	v3 =	vmul.f32 v59, v3  }
0x65: {  	v6 =	vmul.f32 v60, v10;
	v7 =	vmul.f32 v61, v50  }
0x66: {  	v0 =	vmul.f32 v0, v4;
	v3 =	vmul.f32 v3, v59  }
0x67: {  	v10 =	vmul.f32 v6, v41;
	v9 =	vmul.f32 v7, v9  }
0x68: {  	[tilespmem:s24+$0x1900] =	vst v8;
	v62 =	vmul.f32 v2, v1;
	v0 =	vsub.f32 $1.500000000e+00, v0;
	v3 =	vsub.f32 $1.500000000e+00, v3  }
0x69: {  	s31 =	simm.s32 $0x0;
	[tilespmem:s23+$0x1A40] =	vst v1;
	v1 =	vmul.f32 v10, v6;
	v9 =	vmul.f32 v9, v7  }
0x6a: {  	[tilespmem:s23+$0x1B80] =	vst v2;
	v0 =	vmul.f32 v0, v4;
	v2 =	vmul.f32 v3, v59;
	v3 =	vmov s31  }
0x6b: {  	[tilespmem:s23+$0x1900] =	vst v62;
	v3 =	vand.u32 $0xFFFFFFFC, v3;
	v1 =	vsub.f32 $1.500000000e+00, v1;
	v63 =	vsub.f32 $1.500000000e+00, v9  }
0x6c: {  	[tilespmem:s25+$0x1A40] =	vst v0;
	v0 =	vmul.f32 v2, v0;
	v3 =	vbroadcast v3, $0x0  }
0x6d: {  	[tilespmem:s25+$0x1B80] =	vst v2;
	v1 =	vmul.f32 v1, v6;
	v2 =	vmul.f32 v63, v7  }
0x6e: {  	[tilespmem:s25+$0x1900] =	vst v0  }
0x6f: {  	[tilespmem:s26+$0x1A40] =	vst v1;
	v0 =	vmul.f32 v2, v1  }
0x70: {  	[tilespmem:s26+$0x1B80] =	vst v2  }
0x71: {  	[tilespmem:s26+$0x1900] =	vst v0  }
0x72: {  	s29 =	simm.s32 $0x1;
	s23 =	simm.s32 $0x20;
	v0 =	vld.idx.msk [tilespmem:v3+s18+$0x0], $0xffff  }
0x73: {  	v2 =	vmov s29;
	v1 =	vld [tilespmem:s23+$0xFFFFFFE0]  }
0x74: {  	v2 =	vand.u32 $0xFFFFFFFD, v2  }
0x75: {  	v2 =	vbroadcast v2, $0x0;
	_ =	sdelay $0x2  }
0x76: {  	v0 =	vmul.f32 v1, v0  }
0x77: {  	s24 =	simm.s32 $0x1CE0  }
0x78: {  	[tilespmem:s24+$0xFFFFFFE0] =	vst v0  }
0x79: {  	s30 =	simm.s32 $0x2;
	v0 =	vld.idx.msk [tilespmem:v2+s18+$0x0], $0xffff  }
0x7a: {  	v1 =	vld [tilespmem:s23+$0xFFFFFFF0];
	v2 =	vmov s30  }
0x7b: {  	v2 =	vand.u32 $0xFFFFFFFE, v2  }
0x7c: {  	v2 =	vbroadcast v2, $0x0;
	_ =	sdelay $0x2  }
0x7d: {  	v0 =	vmul.f32 v1, v0;
	_ =	sdelay $0x1  }
0x7e: {  	[tilespmem:s24+$0xFFFFFFF0] =	vst v0  }
0x7f: {  	v0 =	vld.idx.msk [tilespmem:v2+s18+$0x0], $0xffff  }
0x80: {  	v1 =	vld [tilespmem:s23+$0x0];
	_ =	sdelay $0x1  }
0x81: {  	s31 =	simm.s32 $0x3  }
0x82: {  	v2 =	vmov s31;
	_ =	sdelay $0x1  }
0x83: {  	v0 =	vmul.f32 v1, v0;
	_ =	sdelay $0x1  }
0x84: {  	[tilespmem:s24+$0x0] =	vst v0  }
0x85: {  	s28 =	simm.s32 $0x4;
	s25 =	simm.s32 $0x7;
	s26 =	simm.s32 $0xB;
	v0 =	vld.idx.msk [tilespmem:v2+s18+$0x0], $0xffff  }
.LBB2_4:
0x86: {  	p0 =	sne.s32 s26, $0x13F;
	v1 =	vmov s28;
	v2 =	vld [tilespmem:s23+$0x10]  }
0x87: {  	v1 =	vand.u32 $0xFFFFFFFC, v1  }
0x88: {  	v1 =	vbroadcast v1, $0x0;
	_ =	sdelay $0x2  }
0x89: {  	v0 =	vmul.f32 v2, v0;
	_ =	sdelay $0x1  }
0x8a: {  	[tilespmem:s24+$0x10] =	vst v0  }
0x8b: {  	s28 =	sadd.s32 $0xFFFFFFFE, s25;
	s23 =	sadd.s32 $0x40, s23;
	v0 =	vld.idx.msk [tilespmem:v1+s18+$0x0], $0xffff  }
0x8c: {  	v2 =	vmov s28;
	v1 =	vld [tilespmem:s23+$0xFFFFFFE0]  }
0x8d: {  	v2 =	vand.u32 $0xFFFFFFFD, v2  }
0x8e: {  	v2 =	vbroadcast v2, $0x0;
	_ =	sdelay $0x2  }
0x8f: {  	v0 =	vmul.f32 v1, v0  }
0x90: {  	s24 =	sadd.s32 $0x40, s24  }
0x91: {  	[tilespmem:s24+$0xFFFFFFE0] =	vst v0  }
0x92: {  	s28 =	sadd.s32 $0xFFFFFFFF, s25;
	v0 =	vld.idx.msk [tilespmem:v2+s18+$0x0], $0xffff  }
0x93: {  	v2 =	vmov s28;
	v1 =	vld [tilespmem:s23+$0xFFFFFFF0]  }
0x94: {  	v2 =	vand.u32 $0xFFFFFFFE, v2  }
0x95: {  	v2 =	vbroadcast v2, $0x0;
	_ =	sdelay $0x2  }
0x96: {  	v0 =	vmul.f32 v1, v0;
	_ =	sdelay $0x1  }
0x97: {  	[tilespmem:s24+$0xFFFFFFF0] =	vst v0  }
0x98: {  	v0 =	vld.idx.msk [tilespmem:v2+s18+$0x0], $0xffff  }
0x99: {  	v1 =	vld [tilespmem:s23+$0x0];
	_ =	sdelay $0x2  }
0x9a: {  	v2 =	vmov s25;
	s25 =	smov.u32 s26  }
.Ltmp1:
0x9b: {  	(pc) =	sbr.rel @p0 .LBB2_4-.Ltmp1, $3  }
0x9c: {  	v0 =	vmul.f32 v1, v0;
	_ =	sdelay $0x1  }
0x9d: {  	[tilespmem:s24+$0x0] =	vst v0  }
0x9e: {  	s26 =	sadd.s32 $0x4, s26;
	s28 =	sadd.s32 $0xFFFFFFFD, s25;
	v0 =	vld.idx.msk [tilespmem:v2+s18+$0x0], $0xffff  }
0x9f: {  	v1 =	vmov s28;
	v2 =	vld [tilespmem:s23+$0x10]  }
0xa0: {  	v1 =	vand.u32 $0xFFFFFFFC, v1  }
0xa1: {  	v1 =	vbroadcast v1, $0x0;
	_ =	sdelay $0x2  }
0xa2: {  	v0 =	vmul.f32 v2, v0;
	_ =	sdelay $0x1  }
0xa3: {  	[tilespmem:s24+$0x10] =	vst v0  }
0xa4: {  	s26 =	sadd.s32 $0xFFFFFFFE, s25;
	s29 =	sadd.s32 $0x40, s23;
	v0 =	vld.idx.msk [tilespmem:v1+s18+$0x0], $0xffff  }
0xa5: {  	v58 =	vmov s26;
	v57 =	vld [tilespmem:s29+$0xFFFFFFE0]  }
0xa6: {  	v2 =	vand.u32 $0xFFFFFFFD, v58  }
0xa7: {  	v2 =	vbroadcast v2, $0x0;
	_ =	sdelay $0x2  }
0xa8: {  	v0 =	vmul.f32 v57, v0  }
0xa9: {  	s30 =	sadd.s32 $0x40, s24  }
0xaa: {  	[tilespmem:s30+$0xFFFFFFE0] =	vst v0  }
0xab: {  	s31 =	sadd.s32 $0xFFFFFFFF, s25;
	v0 =	vld.idx.msk [tilespmem:v2+s18+$0x0], $0xffff  }
0xac: {  	v60 =	vmov s31;
	v59 =	vld [tilespmem:s29+$0xFFFFFFF0]  }
0xad: {  	v2 =	vand.u32 $0xFFFFFFFE, v60  }
0xae: {  	v2 =	vbroadcast v2, $0x0;
	_ =	sdelay $0x2  }
0xaf: {  	v0 =	vmul.f32 v59, v0;
	_ =	sdelay $0x1  }
0xb0: {  	[tilespmem:s30+$0xFFFFFFF0] =	vst v0  }
0xb1: {  	v0 =	vld.idx.msk [tilespmem:v2+s18+$0x0], $0xffff  }
0xb2: {  	v61 =	vld [tilespmem:s29+$0x0];
	_ =	sdelay $0x2  }
0xb3: {  	v62 =	vmov s25;
	_ =	sdelay $0x1  }
0xb4: {  	v0 =	vmul.f32 v61, v0;
	_ =	sdelay $0x1  }
0xb5: {  	[tilespmem:s30+$0x0] =	vst v0  }
0xb6: {  	v0 =	vld.idx.msk [tilespmem:v62+s18+$0x0], $0xffff  }
0xb7: {  	v63 =	vld [tilespmem:s29+$0x10];
	_ =	sdelay $0x4  }
0xb8: {  	v0 =	vmul.f32 v63, v0;
	_ =	sdelay $0x1  }
0xb9: {  	[tilespmem:s30+$0x10] =	vst v0  }
0xba: {  	[hbm4b:s8+s2] =	stream.linear.scatter [tilespmem:s19], [sflag:$0x1], $0x1400, $0x38;
	[tilespmem:$0x30C0] =	vst v63  }
0xbb: {  	_ =	swait.ge [sflag:s13], $0x1400  }
0xbc: {  	[sflag:s13] =	ssyncset.done $0x0  }
0xbd: {  	[sflag:s13] =	ssyncadd.s32 $0xFFFFEC00  }
0xbe: {  	[hbm4b:s9+s2] =	stream.linear.scatter [tilespmem:s20], [sflag:$0x1], $0x140, $0x38;
	[tilespmem:$0x30C0] =	vst v63  }
0xbf: {  	_ =	swait.ge [sflag:s13], $0x140  }
0xc0: {  	[sflag:s13] =	ssyncset.done $0x0  }
0xc1: {  	[sflag:s13] =	ssyncadd.s32 $0xFFFFFEC0  }
0xc2: {  	[hbm4b:s10+s2] =	stream.linear.scatter [tilespmem:s18], [sflag:$0x1], $0x140, $0x38;
	[tilespmem:$0x30C0] =	vst v63  }
0xc3: {  	s22 =	sadd.s32 $0x1, s22;
	_ =	swait.ge [sflag:s13], $0x140  }
0xc4: {  	p0 =	sne.s32 s22, s12;
	[sflag:s13] =	ssyncset.done $0x0  }
.Ltmp2:
0xc5: {  	[sflag:s13] =	ssyncadd.s32 $0xFFFFFEC0;
	(pc) =	sbr.rel @p0 .LBB2_1-.Ltmp2, $4  }
0xc6: {  	[hbm4b:s11+s2] =	stream.linear.scatter [tilespmem:s21], [sflag:$0x1], $0x140, $0x38;
	[tilespmem:$0x30C0] =	vst v63  }
0xc7: {  	_ =	swait.ge [sflag:s13], $0x140  }
0xc8: {  	[sflag:s13] =	ssyncset.done $0x0  }
0xc9: {  	[sflag:s13] =	ssyncadd.s32 $0xFFFFFEC0  }
0xca: {  	_ =	sfence.sel $0x180000  }
0xcb: {  	[bflag:$0x0] =	sbarrier.arrive $0xFFFF  }
0xcc: {  	p0 =	sne.s32 s0, $0x0;
	_ =	strace $0x9000004A  }
0xcd: {  	s0 =	sadd.s32 @!p0 $0x100000, s1;
	[bflag:$0x2] =	sbarrier.arrive $0xFFFF  }
0xce: {  	[sflag:s0] =	ssyncadd.tile.s32 @!p0 $0x1;
	_ =	shalt  }
.Lfunc_end2:
_tile_overlayer_lowered:
.L_overlay_start_2:
0xcf: {  	(tag) =	ssettag $0x2  }
0xd0: {  	s0 =	rddreg [dreg:$0x0];
	s2 =	stileid.u32  }
0xd1: {  	s1 =	rddreg [dreg:$0x1];
	p0 =	sne.s32 s2, $0x0  }
0xd2: {  	s3 =	rddreg [dreg:$0x2];
	[bflag:$0x3] =	sbarrier.arrive $0xFFFF;
	s2 =	simm.s32 @!p0 $0x1C01  }
0xd3: {  	[timem:s3], [sflag:s2] =	dma.local @!p0 [hbm:s0], s1  }
0xd4: {  	s0 =	simm.s32 @!p0 $0x1  }
0xd5: {  	_ =	swait.ge @!p0 [sflag:s0], s1  }
0xd6: {  	s1 =	ssub.s32 @!p0 $0x0, s1;
	[sflag:s0] =	ssyncset.done @!p0 $0x0  }
0xd7: {  	[sflag:s0] =	ssyncadd.s32 @!p0 s1  }
0xd8: {  	[bflag:$0x3] =	sbarrier.arrive $0xFFFF  }
0xd9: {  	_ =	shalt  }

// kernel: kernel.15.cloned.1.call-start
scs
__scs_entry_jumppad:
0x0: {  	(pc) =	sbr.rel $0x88, $3  }
0x1: {  	(tag) =	ssettag $0x0;
	lr =	simm.s32 $0x1  }
0x2: {  	[smem:$0x3F99] =	sst lr;
	_ =	strace $0xD0000000  }
0x3: {  	_ = 	snop  }
0x4: {  	_ = 	snop  }
0x5: {  	_ = 	snop  }
0x6: {  	_ = 	snop  }
0x7: {  	_ = 	snop  }
__scs_overlays_trampoline_lowered:
0x8: {  	[smem:$0x3FA8] =	sst s0  }
0x9: {  	[smem:$0x3FA9] =	sst s1  }
0xa: {  	[smem:$0x3FAA] =	sst s2  }
0xb: {  	[smem:$0x3FAB] =	sst s3  }
0xc: {  	[smem:$0x3FAC] =	sst s4  }
0xd: {  	[smem:$0x3FAD] =	sst s5  }
0xe: {  	[smem:$0x3FAE] =	sst s6  }
0xf: {  	[smem:$0x3FAF] =	sst s7  }
0x10: {  	[smem:$0x3FB0] =	sst s8  }
0x11: {  	[smem:$0x3FB1] =	sst s9;
	s0 =	simm.s32 @!p0 $0x0  }
0x12: {  	s1 =	sld [smem:$0x3F97];
	s0 =	simm.s32 @p0 $0x1  }
0x13: {  	[smem:$0x3FB2] =	sst s0;
	s0 =	simm.s32 @!p1 $0x0  }
0x14: {  	s2 =	sld [smem:$0x3F96];
	s0 =	simm.s32 @p1 $0x1  }
0x15: {  	[smem:$0x3FB3] =	sst s0;
	s0 =	simm.s32 @!p2 $0x0  }
0x16: {  	s3 =	sld [smem:$0x3FDB];
	s0 =	simm.s32 @p2 $0x1  }
0x17: {  	s4 =	simm.s32 $0x1BF5;
	[smem:$0x3FB5] =	sst s0  }
0x18: {  	s0 =	sld [smem:$0x3F98];
	_ =	swait.ge [sflag:s4], $0x0  }
0x19: {  	s7 =	sld [smem:$0x3F99]  }
0x1a: {  	s8 =	sadd.s32 $0xFFFFE003, lr  }
0x1b: {  	s9 =	sadd.s32 $0xFFFFFEF7, lr;
	s5 =	simm.s32 $0xFFFFFFFF;
	p2 =	slt.u32 s8, $0xFFFFF086  }
0x1c: {  	p1 =	slt.u32 s9, $0xF7A;
	s5 =	simm.s32 @!p2 $0x0  }
0x1d: {  	s5 =	simm.s32 @p1 $0x1;
	p0 =	seq.s32 s7, s2  }
0x1e: {  	s7 =	smul.u32 @!p0 $0xF7A, s2;
	p2 =	seq.s32 @!p0 s5, $0x0  }
0x1f: {  	s9 =	smul.u32 $0xF7A, s1;
	s8 =	simm.s32 @!p0 $0x1BF5;
	p2 =	por !p2, p0  }
0x20: {  	[sflag:s8] =	ssyncset.s32 @!p0 $0xFFFFF086;
	s6 =	sadd.s32 @!p0 s3, s7;
	s7 =	simm.s32 @!p0 $0x108  }
0x21: {  	s3 =	sadd.s32 s3, s9;
	s6 =	sadd.s32 @!p0 $0x88, s6;
	s7 =	simm.s32 @p2 $0x1082  }
0x22: {  	[simem:s7], [sflag:s8] =	dma.local @!p0 [hbm:s6], $0xF7A  }
0x23: {  	s9 =	sor.u32 $0xD0000000, s2;
	s6 =	simm.s32 $0x108;
	_ =	swait.ge @!p0 [sflag:s8], $0x0  }
0x24: {  	s3 =	sadd.s32 $0x88, s3;
	s6 =	simm.s32 @!p1 $0x1082;
	[sflag:s4] =	ssyncset.s32 $0xFFFFF086  }
0x25: {  	[simem:s6], [sflag:s4] =	dma.local [hbm:s3], $0xF7A  }
0x26: {  	[smem:$0x3F99] =	sst s1;
	(tag) =	ssettag s2;
	_ =	strace s9  }
0x27: {  	s1 =	sld [smem:$0x3FA9]  }
0x28: {  	s2 =	sld [smem:$0x3FAA]  }
0x29: {  	s4 =	sld [smem:$0x3FAC]  }
0x2a: {  	p0 =	seq.s32 s5, $0x0;
	s5 =	sld [smem:$0x3FAD]  }
0x2b: {  	s6 =	sld [smem:$0x3FAE]  }
0x2c: {  	s7 =	sld [smem:$0x3FAF]  }
0x2d: {  	s3 =	simm.s32 $0x108;
	s8 =	sld [smem:$0x3FB0]  }
0x2e: {  	s3 =	simm.s32 @!p0 $0x1082;
	s9 =	sld [smem:$0x3FB1]  }
0x2f: {  	lr =	sadd.s32 s0, s3;
	s0 =	sld [smem:$0x3FA8]  }
0x30: {  	s3 =	sld [smem:$0x3FAB]  }
0x31: {  	[smem:$0x3FB4] =	sst s10  }
0x32: {  	s10 =	sld [smem:$0x3FB2];
	_ =	sdelay $0x3  }
0x33: {  	p0 =	seq.s32 s10, $0x1;
	s10 =	sld [smem:$0x3FB4];
	_ =	sdelay $0x3  }
0x34: {  	[smem:$0x3FB4] =	sst s10  }
0x35: {  	s10 =	sld [smem:$0x3FB3];
	_ =	sdelay $0x3  }
0x36: {  	p1 =	seq.s32 s10, $0x1;
	s10 =	sld [smem:$0x3FB4];
	_ =	sdelay $0x3  }
0x37: {  	[smem:$0x3FB4] =	sst s10  }
0x38: {  	s10 =	sld [smem:$0x3FB5]  }
0x39: {  	_ = 	snop;
	(pc) =	sbr.ind lr, $3  }
0x3a: {  	_ = 	snop  }
0x3b: {  	_ = 	snop  }
0x3c: {  	p2 =	seq.s32 s10, $0x1;
	s10 =	sld [smem:$0x3FB4]  }
0x3d: {  	_ =	shalt  }
0x3e: {  	_ =	shalt  }
0x3f: {  	_ =	shalt  }
0x40: {  	_ =	shalt  }
0x41: {  	_ =	shalt  }
0x42: {  	_ =	shalt  }
0x43: {  	_ =	shalt  }
0x44: {  	_ =	shalt  }
0x45: {  	_ =	shalt  }
0x46: {  	_ =	shalt  }
0x47: {  	_ =	shalt  }
0x48: {  	_ =	shalt  }
0x49: {  	_ =	shalt  }
0x4a: {  	_ =	shalt  }
0x4b: {  	_ =	shalt  }
0x4c: {  	_ =	shalt  }
0x4d: {  	_ =	shalt  }
0x4e: {  	_ =	shalt  }
0x4f: {  	_ =	shalt  }
0x50: {  	_ =	shalt  }
0x51: {  	_ =	shalt  }
0x52: {  	_ =	shalt  }
0x53: {  	_ =	shalt  }
0x54: {  	_ =	shalt  }
0x55: {  	_ =	shalt  }
0x56: {  	_ =	shalt  }
0x57: {  	_ =	shalt  }
0x58: {  	_ =	shalt  }
0x59: {  	_ =	shalt  }
0x5a: {  	_ =	shalt  }
0x5b: {  	_ =	shalt  }
0x5c: {  	_ =	shalt  }
0x5d: {  	_ =	shalt  }
0x5e: {  	_ =	shalt  }
0x5f: {  	_ =	shalt  }
0x60: {  	_ =	shalt  }
0x61: {  	_ =	shalt  }
0x62: {  	_ =	shalt  }
0x63: {  	_ =	shalt  }
0x64: {  	_ =	shalt  }
0x65: {  	_ =	shalt  }
0x66: {  	_ =	shalt  }
0x67: {  	_ =	shalt  }
0x68: {  	_ =	shalt  }
0x69: {  	_ =	shalt  }
0x6a: {  	_ =	shalt  }
0x6b: {  	_ =	shalt  }
0x6c: {  	_ =	shalt  }
0x6d: {  	_ =	shalt  }
0x6e: {  	_ =	shalt  }
0x6f: {  	_ =	shalt  }
0x70: {  	_ =	shalt  }
0x71: {  	_ =	shalt  }
0x72: {  	_ =	shalt  }
0x73: {  	_ =	shalt  }
0x74: {  	_ =	shalt  }
0x75: {  	_ =	shalt  }
0x76: {  	_ =	shalt  }
0x77: {  	_ =	shalt  }
0x78: {  	_ =	shalt  }
0x79: {  	_ =	shalt  }
0x7a: {  	_ =	shalt  }
0x7b: {  	_ =	shalt  }
0x7c: {  	_ =	shalt  }
0x7d: {  	_ =	shalt  }
0x7e: {  	_ =	shalt  }
0x7f: {  	_ =	shalt  }
0x80: {  	_ =	shalt  }
0x81: {  	_ =	shalt  }
0x82: {  	_ =	shalt  }
0x83: {  	_ =	shalt  }
0x84: {  	_ =	shalt  }
0x85: {  	_ =	shalt  }
0x86: {  	_ =	shalt  }
0x87: {  	_ =	shalt  }
.Lfunc_end0:
.L_simem_size_0:
called_computation.2_lowered:
.L_overlay_start_0:
0x88: {  	s2 =	sld [smem:$0x3FD9]  }
0x89: {  	s3 =	sld [smem:$0x3FFE];
	_ =	sdelay $0x1  }
0x8a: {  	s1 =	srdreg.scid  }
0x8b: {  	s0 =	sand.u32 $0x1, s1  }
0x8c: {  	s16 =	sshll.u32 s0, $0xA;
	s2 =	sadd.s32 s3, s2  }
0x8d: {  	s2 =	sadd.s32 s2, s16  }
0x8e: {  	[smem:$0x3FC0] =	sst s2  }
0x8f: {  	_ = 	snop  }
0x90: {  	(tm) =	ssettm $0x1  }
0x91: {  	s17 =	sld [smem:$0x3FFB];
	_ =	sdelay $0x3  }
0x92: {  	_ =	strace s17  }
0x93: {  	s2 =	sld [smem:$0x3FFC];
	_ =	sdelay $0x3  }
0x94: {  	_ =	strace s2  }
0x95: {  	s2 =	sld [smem:$0x3FFD];
	_ =	sdelay $0x3  }
0x96: {  	_ =	strace s2  }
0x97: {  	_ =	strace $0x8FFFFFFF  }
0x98: {  	s18 =	sld [smem:$0x3FDB];
	_ =	sdelay $0x1  }
0x99: {  	s19 =	simm.s32 $_scs_section_size  }
0x9a: {  	s4 =	simm.s32 $_size__tile_overlayer_lowered;
	s5 =	simm.s32 $_tile_overlayer_lowered  }
0x9b: {  	s22 =	simm.s32 $0x1BFF;
	s21 =	sshll.u32 s5, $0x1;
	s2 =	sadd.s32 s19, s18  }
0x9c: {  	s6 =	simm.s32 $0x0;
	s20 =	sshll.u32 s4, $0x1;
	s4 =	sadd.s32 s21, s2  }
0x9d: {  	[timem:s6], [sflag:s22] =	dma.local [hbm:s4], s20  }
0x9e: {  	_ =	swait.ge [sflag:s22], s20  }
0x9f: {  	s3 =	ssub.s32 $0x0, s20;
	[sflag:s22] =	ssyncset.done $0x0  }
0xa0: {  	[sflag:s22] =	ssyncadd.s32 s3;
	_ =	sdelay $0x1  }
0xa1: {  	s23 =	simm.s32 $0x1B8B  }
0xa2: {  	_ =	swait.ge [sflag:s23], $0x1  }
0xa3: {  	[sflag:s23] =	ssyncset.done $0x0  }
0xa4: {  	s25 =	simm.s32 $0x1B8E;
	s24 =	sld [smem:$0x3FFE];
	[sflag:s23] =	ssyncadd.s32 $0xFFFFFFFF  }
0xa5: {  	s26 =	simm.s32 $execute0_lowered;
	[smem:$0x3FD2] =	sst s25  }
0xa6: {  	s4 =	sshll.u32 s26, $0x1;
	_ =	strace $0x8000004C;
	[dreg:$0x1] =	wrdreg $0xFFFFFFFF  }
0xa7: {  	s28 =	simm.s32 $_size_execute0_lowered;
	s2 =	sadd.s32 s2, s4;
	[dreg:$0x0] =	wrdreg $0x0  }
0xa8: {  	s4 =	sshll.u32 s28, $0x1;
	[dreg:$0x2] =	wrdreg s2  }
0xa9: {  	[dreg:$0x3] =	wrdreg s4  }
0xaa: {  	[dreg:$0x4] =	wrdreg $0xC0  }
0xab: {  	_ =	task [dreg:s6], $0x5FFFF  }
0xac: {  	[dreg:$0x1] =	wrdreg $0xFFFFFFFF  }
0xad: {  	[dreg:$0x0] =	wrdreg $0x60  }
0xae: {  	[dreg:$0x2] =	wrdreg s24  }
0xaf: {  	[dreg:$0x3] =	wrdreg $0xB7200  }
0xb0: {  	[dreg:$0x4] =	wrdreg $0x9  }
0xb1: {  	_ =	task.clear_ibuf [dreg:s6], $0x5FFFF;
	_ =	strace $0x9000004C  }
0xb2: {  	s29 =	simm.s32 $0x9;
	_ =	strace $0x8000004E  }
0xb3: {  	_ =	swait.ge [sflag:s29], $0x1  }
0xb4: {  	[sflag:s29] =	ssyncadd.s32 $0xFFFFFFFF  }
0xb5: {  	_ =	strace $0x9000004E  }
0xb6: {  	_ =	sfence  }
0xb7: {  	s30 =	sld [smem:$0x0];
	_ =	sdelay $0x2  }
0xb8: {  	s31 =	sshll.u32 s1, $0xD;
	s1 =	sshrl.u32 s1, $0x2  }
0xb9: {  	s3 =	sand.u32 $0x4000, s31;
	s1 =	sadd.s32 s1, s30  }
0xba: {  	s0 =	sor.u32 s3, s0;
	s1 =	sshll.u32 s1, $0x11  }
0xbb: {  	s0 =	sor.u32 s1, s0  }
0xbc: {  	s0 =	sadd.s32 $0x8F2B, s0  }
0xbd: {  	[sflag:s0] =	ssyncadd.remote.s32 $0x1  }
0xbe: {  	_ =	sfence.sel $0xFFFF  }
0xbf: {  	[dreg:$0x0] =	wrdreg $0xFFFFFFFF;
	(pc) =	sbr.abs _section_cstart, $3  }
0xc0: {  	[dreg:$0x1] =	wrdreg $0xFFFFFFFF  }
0xc1: {  	_ =	task.clear_ibuf [dreg:s6], $0x2FFFF;
	_ =	strace $0x9FFFFFFF  }
0xc2: {  	(tm) =	ssettm $0x7FFFFFFF  }
0xc3: {  	_ =	shalt  }
tec
execute0_lowered:
.L_overlay_start_1:
0x0: {  	(tag) =	ssettag $0x1  }
0x1: {  	s0 =	srdreg.scid;
	s1 =	rddreg [dreg:$0x0]  }
0x2: {  	s4 =	stileid.u32;
	s2 =	rddreg [dreg:$0x1]  }
0x3: {  	s13 =	simm.s32 $0x8F20;
	s14 =	simm.s32 $0x11;
	s15 =	simm.s32 $0x4E00  }
0x4: {  	s16 =	simm.s32 $0x4E10;
	s17 =	simm.s32 $0x80;
	s28 =	simm.s32 $0xA  }
0x5: {  	s29 =	simm.s32 $0xB;
	s30 =	simm.s32 $0xC;
	s31 =	simm.s32 $0xD  }
0x6: {  	s18 =	simm.s32 $0x1;
	s19 =	simm.s32 $0x0;
	s0 =	sand.u32 $0x1, s0  }
0x7: {  	s3 =	sshll.u32 s4, $0x1;
	s7 =	smul.u32 $0x2800, s4;
	s4 =	sadd.s32 $0x1C000, s1  }
0x8: {  	s5 =	sor.u32 s0, s3;
	s3 =	simm.s32 $0x0;
	s8 =	smul.u32 $0x28000, s0  }
0x9: {  	s0 =	ssub.s32 $0x2, s0;
	s6 =	smul.u32 $0x4E0, s5;
	[smem:$0x7FF] =	sst s3  }
0xa: {  	s5 =	sshll.u32 s5, $0x1;
	s23 =	sshrl.u32 s7, $0x3;
	s24 =	sshrl.u32 s0, $0x1  }
0xb: {  	_ =	strace $0x8000004D;
	s10 =	sadd.s32 s5, s1;
	s22 =	sadd.s32 s7, s8  }
0xc: {  	s0 =	ssub.s32 s0, s24;
	s24 =	simm.s32 $0xF;
	s9 =	sadd.s32 s6, s1  }
0xd: {  	s5 =	sshrl.u32 s22, $0x3;
	s6 =	sadd.s32 s23, s1;
	s12 =	smax.u32 s0, $0x1  }
.Ltmp0:
0xe: {  	s0 =	simm.s32 $0x8E20;
	s1 =	sadd.s32 s5, s1;
	(pc) =	sbr.rel .LBB2_1-.Ltmp0, $4  }
0xf: {  	s25 =	sadd.s32 $0x16E00, s6;
	s6 =	sadd.s32 s7, s2;
	s26 =	sadd.s32 $0xD200, s9  }
0x10: {  	s8 =	sadd.s32 $0x3600, s9;
	s9 =	sadd.s32 $0x3400, s10;
	[dreg:$0x3] =	wrdreg s25  }
0x11: {  	s10 =	sadd.s32 $0x3200, s10;
	[dreg:$0x4] =	wrdreg s26;
	s11 =	sadd.s32 $0x21C00, s1  }
0x12: {  	s25 =	simm.s32 $0x10;
	s26 =	simm.s32 $0x9;
	s1 =	simm.s32 $0xE  }
.LBB2_6:
0x13: {  	_ =	swait.ge [sflag:s24], $0x800  }
0x14: {  	[sflag:s24] =	ssyncset.done $0x0  }
0x15: {  	[sflag:s24] =	ssyncadd.s32 $0xFFFFF800  }
0x16: {  	_ =	swait.ge [sflag:s25], $0x800  }
0x17: {  	[sflag:s25] =	ssyncset.done $0x0  }
0x18: {  	[sflag:s25] =	ssyncadd.s32 $0xFFFFF800  }
0x19: {  	_ =	swait.ge [sflag:s26], $0x800  }
0x1a: {  	[sflag:s26] =	ssyncset.done $0x0  }
0x1b: {  	[sflag:s26] =	ssyncadd.s32 $0xFFFFF800  }
0x1c: {  	_ =	swait.ge [sflag:s28], $0x800  }
0x1d: {  	[sflag:s28] =	ssyncset.done $0x0  }
0x1e: {  	[sflag:s28] =	ssyncadd.s32 $0xFFFFF800  }
0x1f: {  	_ =	swait.ge [sflag:s29], $0x800  }
0x20: {  	[sflag:s29] =	ssyncset.done $0x0  }
0x21: {  	[sflag:s29] =	ssyncadd.s32 $0xFFFFF800  }
0x22: {  	_ =	swait.ge [sflag:s30], $0x800  }
0x23: {  	[sflag:s30] =	ssyncset.done $0x0  }
0x24: {  	[sflag:s30] =	ssyncadd.s32 $0xFFFFF800  }
0x25: {  	_ =	swait.ge [sflag:s31], $0x800  }
0x26: {  	[sflag:s31] =	ssyncset.done $0x0  }
0x27: {  	[sflag:s31] =	ssyncadd.s32 $0xFFFFF800  }
0x28: {  	_ =	swait.ge [sflag:s1], $0x800  }
0x29: {  	[sflag:s1] =	ssyncset.done $0x0  }
0x2a: {  	[sflag:s1] =	ssyncadd.s32 $0xFFFFF800  }
0x2b: {  	[tilespmem:s0], [sflag:$0x1] =	stream.indirect.gather [hbm4b:s4+s25], $0x10, s15, s25, $0xb8;
	[tilespmem:$0xDF20] =	vst v63  }
0x2c: {  	_ =	swait.ge [sflag:s18], $0x100  }
0x2d: {  	[sflag:s18] =	ssyncset.done $0x0  }
0x2e: {  	[sflag:s18] =	ssyncadd.s32 $0xFFFFFF00  }
0x2f: {  	[spmem:s2] =	stream.indirect.scatter.add.f32 [tilespmem:s0], [sflag:$0x11], $0x10, s16, s25, $0xb8;
	[tilespmem:$0xDF20] =	vst v63  }
0x30: {  	_ =	swait.ge [sflag:s14], $0x100  }
0x31: {  	[sflag:s14] =	ssyncset.done $0x0  }
0x32: {  	[sflag:s14] =	ssyncadd.s32 $0xFFFFFF00  }
0x33: {  	[bflag:$0x0] =	sbarrier.arrive $0xFFFF  }
0x34: {  	[tilespmem:s13], [sflag:$0x11] =	stream.linear.gather [spmem:s6], $0x2800, $0x38;
	[tilespmem:$0xDF20] =	vst v63  }
0x35: {  	s19 =	sadd.s32 $0x1, s19;
	_ =	swait.ge [sflag:s14], $0x2800  }
0x36: {  	p0 =	sne.s32 s19, s12;
	[sflag:s14] =	ssyncset.done $0x0  }
.Ltmp1:
0x37: {  	[sflag:s14] =	ssyncadd.s32 $0xFFFFD800;
	(pc) =	sbr.rel @!p0 .LBB2_7-.Ltmp1, $4  }
0x38: {  	[hbm4b:s11+s3] =	stream.linear.scatter [tilespmem:s13], [sflag:$0x11], $0x2800, $0x38;
	[tilespmem:$0xDF20] =	vst v63  }
0x39: {  	_ =	swait.ge [sflag:s14], $0x2800  }
0x3a: {  	[sflag:s14] =	ssyncset.done $0x0  }
0x3b: {  	[sflag:s14] =	ssyncadd.s32 $0xFFFFD800  }
.LBB2_1:
0x3c: {  	s5 =	rddreg [dreg:$0x3]  }
0x3d: {  	[tilespmem:s13], [sflag:$0x11] =	stream.linear.gather [hbm4b:s5+s3], $0x2800, $0x38;
	[tilespmem:$0xDF20] =	vst v63  }
0x3e: {  	_ =	swait.ge [sflag:s14], $0x2800  }
0x3f: {  	[sflag:s14] =	ssyncset.done $0x0  }
0x40: {  	[sflag:s14] =	ssyncadd.s32 $0xFFFFD800  }
0x41: {  	[spmem:s6] =	stream.linear.scatter [tilespmem:s13], [sflag:$0x11], $0x2800, $0x38;
	[tilespmem:$0xDF20] =	vst v63  }
0x42: {  	_ =	swait.ge [sflag:s14], $0x2800  }
0x43: {  	[sflag:s14] =	ssyncset.done $0x0  }
0x44: {  	[sflag:s14] =	ssyncadd.s32 $0xFFFFD800  }
0x45: {  	[bflag:$0x0] =	sbarrier.arrive $0xFFFF  }
0x46: {  	s22 =	rddreg [dreg:$0x4]  }
0x47: {  	[tilespmem:s3], [sflag:$0x11] =	stream.linear.gather [hbm4b:s22+s3], $0x2700, $0x38;
	[tilespmem:$0xDF20] =	vst v63  }
0x48: {  	_ =	swait.ge [sflag:s14], $0x2700  }
0x49: {  	[sflag:s14] =	ssyncset.done $0x0  }
0x4a: {  	s20 =	simm.s32 $0x2700;
	[sflag:s14] =	ssyncadd.s32 $0xFFFFD900  }
0x4b: {  	[tilespmem:s20], [sflag:$0x11] =	stream.linear.gather [hbm4b:s8+s3], $0x2700, $0x38;
	[tilespmem:$0xDF20] =	vst v63  }
0x4c: {  	_ =	swait.ge [sflag:s14], $0x2700  }
0x4d: {  	[sflag:s14] =	ssyncset.done $0x0  }
0x4e: {  	[sflag:s14] =	ssyncadd.s32 $0xFFFFD900  }
0x4f: {  	[tilespmem:s15], [sflag:$0x11] =	stream.linear.gather [hbm4b:s9+s3], $0x10, $0x38;
	[tilespmem:$0xDF20] =	vst v63  }
0x50: {  	_ =	swait.ge [sflag:s14], $0x10  }
0x51: {  	[sflag:s14] =	ssyncset.done $0x0  }
0x52: {  	[sflag:s14] =	ssyncadd.s32 $0xFFFFFFF0  }
0x53: {  	[tilespmem:s16], [sflag:$0x11] =	stream.linear.gather [hbm4b:s10+s3], $0x10, $0x38;
	[tilespmem:$0xDF20] =	vst v63  }
0x54: {  	_ =	swait.ge [sflag:s14], $0x10  }
0x55: {  	[sflag:s14] =	ssyncset.done $0x0  }
0x56: {  	s23 =	simm.s32 $0x4E20;
	[sflag:s14] =	ssyncadd.s32 $0xFFFFFFF0  }
0x57: {  	[tilespmem:s23], [sflag:$0x1] =	stream.indirect.gather [hbm4b:s4+s17], $0x10, s3, s17, $0xb8;
	[tilespmem:$0xDF20] =	vst v63  }
0x58: {  	s7 =	simm.s32 $0x5620  }
0x59: {  	[tilespmem:s7], [sflag:$0x2] =	stream.indirect.gather [hbm4b:s4+s17], $0x10, s17, s17, $0xb8;
	[tilespmem:$0xDF20] =	vst v63  }
.Ltmp2:
0x5a: {  	s21 =	simm.s32 $0x100;
	s7 =	simm.s32 $0x5E20;
	(pc) =	sbr.rel .LBB2_2-.Ltmp2, $4  }
0x5b: {  	[tilespmem:s7], [sflag:$0x3] =	stream.indirect.gather [hbm4b:s4+s17], $0x10, s21, s17, $0xb8;
	[tilespmem:$0xDF20] =	vst v63  }
0x5c: {  	s22 =	simm.s32 $0x180;
	s23 =	simm.s32 $0x6620  }
0x5d: {  	[tilespmem:s23], [sflag:$0x4] =	stream.indirect.gather [hbm4b:s4+s17], $0x10, s22, s17, $0xb8;
	[tilespmem:$0xDF20] =	vst v63  }
0x5e: {  	s21 =	simm.s32 $0x200;
	s22 =	simm.s32 $0x0  }
.LBB2_4:
0x5f: {  	p0 =	sgt.s32 s23, $0x5  }
0x60: {  	p1 =	seq.s32 @p0 s23, $0x6  }
0x61: {  	p2 =	por !p1, !p0  }
0x62: {  	s5 =	simm.s32 @!p2 $0x7;
	p3 =	sgt.u32 @!p2 s22, $0x49  }
0x63: {  	_ =	swait.ge @!p2 [sflag:s5], $0x800;
	p4 =	por @p0 p3, !p1  }
0x64: {  	s7 =	simm.s32 @!p2 $0x7E20;
	[sflag:s5] =	ssyncset.done @!p2 $0x0;
	p4 =	por p4, !p0  }
0x65: {  	[sflag:s5] =	ssyncadd.s32 @!p2 $0xFFFFF800;
	s5 =	simm.s32 @!p2 $0x80;
	p5 =	slt.u32 @!p4 s22, $0x4  }
0x66: {  	[spmem:s2] =	stream.indirect.scatter.add.f32 @!p2 [tilespmem:s7], [sflag:$0xF], $0x10, s20, s5, $0xb8;
	[tilespmem:$0xDF20] =	vst v63  }
0x67: {  	p2 =	por @!p2 p5, p3  }
0x68: {  	p2 =	por @p0 p2, !p1  }
0x69: {  	p2 =	por p2, !p0  }
0x6a: {  	s5 =	simm.s32 @!p2 $0xB  }
0x6b: {  	_ =	swait.ge @!p2 [sflag:s5], $0x800  }
0x6c: {  	s7 =	simm.s32 @!p4 $0x5E20;
	[sflag:s5] =	ssyncset.done @!p2 $0x0  }
0x6d: {  	[sflag:s5] =	ssyncadd.s32 @!p2 $0xFFFFF800;
	s5 =	simm.s32 @!p4 $0x80;
	p2 =	por p1, !p0  }
0x6e: {  	[tilespmem:s7], [sflag:$0x3] =	stream.indirect.gather @!p4 [hbm4b:s4+s5], $0x10, s21, s5, $0xb8;
	[tilespmem:$0xDF20] =	vst v63  }
0x6f: {  	s5 =	simm.s32 @!p2 $0x8;
	p3 =	sgt.u32 @!p2 s22, $0x49  }
0x70: {  	_ =	swait.ge @!p2 [sflag:s5], $0x800;
	p4 =	por @p0 p3, p1  }
0x71: {  	s7 =	simm.s32 @!p2 $0x8620;
	[sflag:s5] =	ssyncset.done @!p2 $0x0;
	p4 =	por p4, !p0  }
0x72: {  	[sflag:s5] =	ssyncadd.s32 @!p2 $0xFFFFF800;
	s5 =	simm.s32 @!p2 $0x80;
	p5 =	slt.u32 @!p4 s22, $0x4  }
0x73: {  	[spmem:s2] =	stream.indirect.scatter.add.f32 @!p2 [tilespmem:s7], [sflag:$0x10], $0x10, s20, s5, $0xb8;
	[tilespmem:$0xDF20] =	vst v63  }
0x74: {  	p2 =	por @!p2 p5, p3  }
0x75: {  	p1 =	por @p0 p2, p1  }
0x76: {  	p1 =	por p1, !p0  }
0x77: {  	s5 =	simm.s32 @!p1 $0xC  }
0x78: {  	_ =	swait.ge @!p1 [sflag:s5], $0x800  }
0x79: {  	s7 =	simm.s32 @!p4 $0x6620;
	[sflag:s5] =	ssyncset.done @!p1 $0x0  }
0x7a: {  	[sflag:s5] =	ssyncadd.s32 @!p1 $0xFFFFF800;
	s5 =	simm.s32 @!p4 $0x80;
	p1 =	seq.s32 @!p0 s23, $0x4  }
0x7b: {  	[tilespmem:s7], [sflag:$0x4] =	stream.indirect.gather @!p4 [hbm4b:s4+s5], $0x10, s21, s5, $0xb8;
	[tilespmem:$0xDF20] =	vst v63  }
0x7c: {  	p2 =	por !p1, p0  }
0x7d: {  	s5 =	simm.s32 @!p2 $0x5;
	p3 =	sgt.u32 @!p2 s22, $0x49  }
0x7e: {  	_ =	swait.ge @!p2 [sflag:s5], $0x800;
	p4 =	por @!p0 p3, !p1  }
0x7f: {  	s7 =	simm.s32 @!p2 $0x6E20;
	[sflag:s5] =	ssyncset.done @!p2 $0x0;
	p4 =	por p4, p0  }
0x80: {  	[sflag:s5] =	ssyncadd.s32 @!p2 $0xFFFFF800;
	s5 =	simm.s32 @!p2 $0x80;
	p5 =	slt.u32 @!p4 s22, $0x4  }
0x81: {  	[spmem:s2] =	stream.indirect.scatter.add.f32 @!p2 [tilespmem:s7], [sflag:$0xD], $0x10, s20, s5, $0xb8;
	[tilespmem:$0xDF20] =	vst v63  }
0x82: {  	p2 =	por @!p2 p5, p3  }
0x83: {  	p2 =	por @!p0 p2, !p1  }
0x84: {  	p2 =	por p2, p0  }
0x85: {  	s5 =	simm.s32 @!p2 $0x9  }
0x86: {  	_ =	swait.ge @!p2 [sflag:s5], $0x800  }
0x87: {  	s7 =	simm.s32 @!p4 $0x4E20;
	[sflag:s5] =	ssyncset.done @!p2 $0x0  }
0x88: {  	[sflag:s5] =	ssyncadd.s32 @!p2 $0xFFFFF800;
	s5 =	simm.s32 @!p4 $0x80;
	p2 =	por p1, p0  }
0x89: {  	[tilespmem:s7], [sflag:$0x1] =	stream.indirect.gather @!p4 [hbm4b:s4+s5], $0x10, s21, s5, $0xb8;
	[tilespmem:$0xDF20] =	vst v63  }
0x8a: {  	s5 =	simm.s32 @!p2 $0x6;
	p3 =	sgt.u32 @!p2 s22, $0x49  }
0x8b: {  	_ =	swait.ge @!p2 [sflag:s5], $0x800;
	p4 =	por @!p0 p3, p1  }
0x8c: {  	s7 =	simm.s32 @!p2 $0x7620;
	[sflag:s5] =	ssyncset.done @!p2 $0x0;
	p4 =	por p4, p0  }
0x8d: {  	[sflag:s5] =	ssyncadd.s32 @!p2 $0xFFFFF800;
	s5 =	simm.s32 @!p2 $0x80;
	p5 =	slt.u32 @!p4 s22, $0x4  }
0x8e: {  	[spmem:s2] =	stream.indirect.scatter.add.f32 @!p2 [tilespmem:s7], [sflag:$0xE], $0x10, s20, s5, $0xb8;
	[tilespmem:$0xDF20] =	vst v63  }
0x8f: {  	p2 =	por @!p2 p5, p3  }
0x90: {  	p1 =	por @!p0 p2, p1  }
0x91: {  	p0 =	por p1, p0  }
0x92: {  	s5 =	simm.s32 @!p0 $0xA  }
0x93: {  	_ =	swait.ge @!p0 [sflag:s5], $0x800  }
0x94: {  	[sflag:s5] =	ssyncset.done @!p0 $0x0  }
0x95: {  	s7 =	simm.s32 @!p4 $0x5620;
	[sflag:s5] =	ssyncadd.s32 @!p0 $0xFFFFF800;
	s5 =	simm.s32 @!p4 $0x80  }
0x96: {  	[tilespmem:s7], [sflag:$0x2] =	stream.indirect.gather @!p4 [hbm4b:s4+s5], $0x10, s21, s5, $0xb8;
	[tilespmem:$0xDF20] =	vst v63  }
.LBB2_5:
0x97: {  	s22 =	sadd.s32 $0x1, s22  }
0x98: {  	p0 =	sne.s32 s22, $0x4E  }
.Ltmp3:
0x99: {  	_ = 	snop;
	(pc) =	sbr.rel @!p0 .LBB2_6-.Ltmp3, $2  }
0x9a: {  	_ =	sdelay $0x2  }
0x9b: {  	s21 =	sadd.s32 $0x80, s21;
	s20 =	sadd.s32 $0x80, s20  }
.LBB2_2:
0x9c: {  	s23 =	sand.u32 $0x7, s22  }
0x9d: {  	p0 =	sgt.s32 s23, $0x3  }
.Ltmp4:
0x9e: {  	_ = 	snop;
	(pc) =	sbr.rel @p0 .LBB2_4-.Ltmp4, $1  }
0x9f: {  	_ =	sdelay $0x3  }
0xa0: {  	p0 =	sgt.s32 s23, $0x1  }
0xa1: {  	p1 =	seq.s32 @p0 s23, $0x2  }
0xa2: {  	p2 =	por !p1, !p0  }
0xa3: {  	s5 =	simm.s32 @!p2 $0x3;
	p3 =	sgt.u32 @!p2 s22, $0x49  }
0xa4: {  	_ =	swait.ge @!p2 [sflag:s5], $0x800;
	p4 =	por @p0 p3, !p1  }
0xa5: {  	s7 =	simm.s32 @!p2 $0x5E20;
	[sflag:s5] =	ssyncset.done @!p2 $0x0;
	p4 =	por p4, !p0  }
0xa6: {  	[sflag:s5] =	ssyncadd.s32 @!p2 $0xFFFFF800;
	s5 =	simm.s32 @!p2 $0x80;
	p5 =	slt.u32 @!p4 s22, $0x4  }
0xa7: {  	[spmem:s2] =	stream.indirect.scatter.add.f32 @!p2 [tilespmem:s7], [sflag:$0xB], $0x10, s20, s5, $0xb8;
	[tilespmem:$0xDF20] =	vst v63  }
0xa8: {  	p2 =	por @!p2 p5, p3  }
0xa9: {  	p2 =	por @p0 p2, !p1  }
0xaa: {  	p2 =	por p2, !p0  }
0xab: {  	s5 =	simm.s32 @!p2 $0xF  }
0xac: {  	_ =	swait.ge @!p2 [sflag:s5], $0x800  }
0xad: {  	s7 =	simm.s32 @!p4 $0x7E20;
	[sflag:s5] =	ssyncset.done @!p2 $0x0  }
0xae: {  	[sflag:s5] =	ssyncadd.s32 @!p2 $0xFFFFF800;
	s5 =	simm.s32 @!p4 $0x80;
	p2 =	por p1, !p0  }
0xaf: {  	[tilespmem:s7], [sflag:$0x7] =	stream.indirect.gather @!p4 [hbm4b:s4+s5], $0x10, s21, s5, $0xb8;
	[tilespmem:$0xDF20] =	vst v63  }
0xb0: {  	s5 =	simm.s32 @!p2 $0x4;
	p3 =	sgt.u32 @!p2 s22, $0x49  }
0xb1: {  	_ =	swait.ge @!p2 [sflag:s5], $0x800;
	p4 =	por @p0 p3, p1  }
0xb2: {  	s7 =	simm.s32 @!p2 $0x6620;
	[sflag:s5] =	ssyncset.done @!p2 $0x0;
	p4 =	por p4, !p0  }
0xb3: {  	[sflag:s5] =	ssyncadd.s32 @!p2 $0xFFFFF800;
	s5 =	simm.s32 @!p2 $0x80;
	p5 =	slt.u32 @!p4 s22, $0x4  }
0xb4: {  	[spmem:s2] =	stream.indirect.scatter.add.f32 @!p2 [tilespmem:s7], [sflag:$0xC], $0x10, s20, s5, $0xb8;
	[tilespmem:$0xDF20] =	vst v63  }
0xb5: {  	p2 =	por @!p2 p5, p3  }
0xb6: {  	p1 =	por @p0 p2, p1  }
0xb7: {  	p1 =	por p1, !p0  }
0xb8: {  	s5 =	simm.s32 @!p1 $0x10  }
0xb9: {  	_ =	swait.ge @!p1 [sflag:s5], $0x800  }
0xba: {  	s7 =	simm.s32 @!p4 $0x8620;
	[sflag:s5] =	ssyncset.done @!p1 $0x0  }
0xbb: {  	[sflag:s5] =	ssyncadd.s32 @!p1 $0xFFFFF800;
	s5 =	simm.s32 @!p4 $0x80;
	p1 =	seq.s32 @!p0 s23, $0x0  }
0xbc: {  	[tilespmem:s7], [sflag:$0x8] =	stream.indirect.gather @!p4 [hbm4b:s4+s5], $0x10, s21, s5, $0xb8;
	[tilespmem:$0xDF20] =	vst v63  }
0xbd: {  	p2 =	por !p1, p0  }
0xbe: {  	s5 =	simm.s32 @!p2 $0x1;
	p3 =	sgt.u32 @!p2 s22, $0x49  }
0xbf: {  	_ =	swait.ge @!p2 [sflag:s5], $0x800;
	p4 =	por @!p0 p3, !p1  }
0xc0: {  	s7 =	simm.s32 @!p2 $0x4E20;
	[sflag:s5] =	ssyncset.done @!p2 $0x0;
	p4 =	por p4, p0  }
0xc1: {  	[sflag:s5] =	ssyncadd.s32 @!p2 $0xFFFFF800;
	s5 =	simm.s32 @!p2 $0x80;
	p5 =	slt.u32 @!p4 s22, $0x4  }
0xc2: {  	[spmem:s2] =	stream.indirect.scatter.add.f32 @!p2 [tilespmem:s7], [sflag:$0x9], $0x10, s20, s5, $0xb8;
	[tilespmem:$0xDF20] =	vst v63  }
0xc3: {  	p2 =	por @!p2 p5, p3  }
0xc4: {  	p2 =	por @!p0 p2, !p1  }
0xc5: {  	p2 =	por p2, p0  }
0xc6: {  	s5 =	simm.s32 @!p2 $0xD  }
0xc7: {  	_ =	swait.ge @!p2 [sflag:s5], $0x800  }
0xc8: {  	s7 =	simm.s32 @!p4 $0x6E20;
	[sflag:s5] =	ssyncset.done @!p2 $0x0  }
0xc9: {  	[sflag:s5] =	ssyncadd.s32 @!p2 $0xFFFFF800;
	s5 =	simm.s32 @!p4 $0x80;
	p2 =	por p1, p0  }
0xca: {  	[tilespmem:s7], [sflag:$0x5] =	stream.indirect.gather @!p4 [hbm4b:s4+s5], $0x10, s21, s5, $0xb8;
	[tilespmem:$0xDF20] =	vst v63  }
0xcb: {  	s5 =	simm.s32 @!p2 $0x2;
	p3 =	sgt.u32 @!p2 s22, $0x49  }
0xcc: {  	_ =	swait.ge @!p2 [sflag:s5], $0x800;
	p4 =	por @!p0 p3, p1  }
0xcd: {  	s7 =	simm.s32 @!p2 $0x5620;
	[sflag:s5] =	ssyncset.done @!p2 $0x0;
	p4 =	por p4, p0  }
0xce: {  	[sflag:s5] =	ssyncadd.s32 @!p2 $0xFFFFF800;
	s5 =	simm.s32 @!p2 $0x80;
	p5 =	slt.u32 @!p4 s22, $0x4  }
0xcf: {  	[spmem:s2] =	stream.indirect.scatter.add.f32 @!p2 [tilespmem:s7], [sflag:$0xA], $0x10, s20, s5, $0xb8;
	[tilespmem:$0xDF20] =	vst v63  }
0xd0: {  	p2 =	por @!p2 p5, p3  }
0xd1: {  	p1 =	por @!p0 p2, p1  }
0xd2: {  	p0 =	por p1, p0  }
.Ltmp5:
0xd3: {  	s5 =	simm.s32 @!p0 $0xE;
	(pc) =	sbr.rel .LBB2_5-.Ltmp5, $4  }
0xd4: {  	_ =	swait.ge @!p0 [sflag:s5], $0x800  }
0xd5: {  	[sflag:s5] =	ssyncset.done @!p0 $0x0  }
0xd6: {  	s7 =	simm.s32 @!p4 $0x7620;
	[sflag:s5] =	ssyncadd.s32 @!p0 $0xFFFFF800;
	s5 =	simm.s32 @!p4 $0x80  }
0xd7: {  	[tilespmem:s7], [sflag:$0x6] =	stream.indirect.gather @!p4 [hbm4b:s4+s5], $0x10, s21, s5, $0xb8;
	[tilespmem:$0xDF20] =	vst v63  }
.LBB2_7:
0xd8: {  	_ =	sfence.sel $0x180000  }
0xd9: {  	[bflag:$0x0] =	sbarrier.arrive $0xFFFF  }
0xda: {  	_ =	strace $0x9000004D  }
0xdb: {  	s0 =	stileid.u32;
	[bflag:$0x2] =	sbarrier.arrive $0xFFFF  }
0xdc: {  	p0 =	sne.s32 s0, $0x0;
	s0 =	rddreg [dreg:$0x2]  }
0xdd: {  	s0 =	sadd.s32 @!p0 $0x100000, s0  }
0xde: {  	[sflag:s0] =	ssyncadd.tile.s32 @!p0 $0x1;
	_ =	shalt  }
.Lfunc_end2:
_tile_overlayer_lowered:
.L_overlay_start_2:
0xdf: {  	(tag) =	ssettag $0x2  }
0xe0: {  	s0 =	rddreg [dreg:$0x0];
	s2 =	stileid.u32  }
0xe1: {  	s1 =	rddreg [dreg:$0x1];
	p0 =	sne.s32 s2, $0x0  }
0xe2: {  	s3 =	rddreg [dreg:$0x2];
	[bflag:$0x3] =	sbarrier.arrive $0xFFFF;
	s2 =	simm.s32 @!p0 $0x1C11  }
0xe3: {  	[timem:s3], [sflag:s2] =	dma.local @!p0 [hbm:s0], s1  }
0xe4: {  	s0 =	simm.s32 @!p0 $0x11  }
0xe5: {  	_ =	swait.ge @!p0 [sflag:s0], s1  }
0xe6: {  	s1 =	ssub.s32 @!p0 $0x0, s1;
	[sflag:s0] =	ssyncset.done @!p0 $0x0  }
0xe7: {  	[sflag:s0] =	ssyncadd.s32 @!p0 s1  }
0xe8: {  	[bflag:$0x3] =	sbarrier.arrive $0xFFFF  }
0xe9: {  	_ =	shalt  }

// kernel: kernel.18.cloned.1.call-start
scs
__scs_entry_jumppad:
0x0: {  	(pc) =	sbr.rel $0x88, $3  }
0x1: {  	(tag) =	ssettag $0x0;
	lr =	simm.s32 $0x1  }
0x2: {  	[smem:$0x3F99] =	sst lr;
	_ =	strace $0xD0000000  }
0x3: {  	_ = 	snop  }
0x4: {  	_ = 	snop  }
0x5: {  	_ = 	snop  }
0x6: {  	_ = 	snop  }
0x7: {  	_ = 	snop  }
__scs_overlays_trampoline_lowered:
0x8: {  	[smem:$0x3FA8] =	sst s0  }
0x9: {  	[smem:$0x3FA9] =	sst s1  }
0xa: {  	[smem:$0x3FAA] =	sst s2  }
0xb: {  	[smem:$0x3FAB] =	sst s3  }
0xc: {  	[smem:$0x3FAC] =	sst s4  }
0xd: {  	[smem:$0x3FAD] =	sst s5  }
0xe: {  	[smem:$0x3FAE] =	sst s6  }
0xf: {  	[smem:$0x3FAF] =	sst s7  }
0x10: {  	[smem:$0x3FB0] =	sst s8  }
0x11: {  	[smem:$0x3FB1] =	sst s9;
	s0 =	simm.s32 @!p0 $0x0  }
0x12: {  	s1 =	sld [smem:$0x3F97];
	s0 =	simm.s32 @p0 $0x1  }
0x13: {  	[smem:$0x3FB2] =	sst s0;
	s0 =	simm.s32 @!p1 $0x0  }
0x14: {  	s2 =	sld [smem:$0x3F96];
	s0 =	simm.s32 @p1 $0x1  }
0x15: {  	[smem:$0x3FB3] =	sst s0;
	s0 =	simm.s32 @!p2 $0x0  }
0x16: {  	s3 =	sld [smem:$0x3FDB];
	s0 =	simm.s32 @p2 $0x1  }
0x17: {  	s4 =	simm.s32 $0x1BF5;
	[smem:$0x3FB5] =	sst s0  }
0x18: {  	s0 =	sld [smem:$0x3F98];
	_ =	swait.ge [sflag:s4], $0x0  }
0x19: {  	s7 =	sld [smem:$0x3F99]  }
0x1a: {  	s8 =	sadd.s32 $0xFFFFE003, lr  }
0x1b: {  	s9 =	sadd.s32 $0xFFFFFEF7, lr;
	s5 =	simm.s32 $0xFFFFFFFF;
	p2 =	slt.u32 s8, $0xFFFFF086  }
0x1c: {  	p1 =	slt.u32 s9, $0xF7A;
	s5 =	simm.s32 @!p2 $0x0  }
0x1d: {  	s5 =	simm.s32 @p1 $0x1;
	p0 =	seq.s32 s7, s2  }
0x1e: {  	s7 =	smul.u32 @!p0 $0xF7A, s2;
	p2 =	seq.s32 @!p0 s5, $0x0  }
0x1f: {  	s9 =	smul.u32 $0xF7A, s1;
	s8 =	simm.s32 @!p0 $0x1BF5;
	p2 =	por !p2, p0  }
0x20: {  	[sflag:s8] =	ssyncset.s32 @!p0 $0xFFFFF086;
	s6 =	sadd.s32 @!p0 s3, s7;
	s7 =	simm.s32 @!p0 $0x108  }
0x21: {  	s3 =	sadd.s32 s3, s9;
	s6 =	sadd.s32 @!p0 $0x88, s6;
	s7 =	simm.s32 @p2 $0x1082  }
0x22: {  	[simem:s7], [sflag:s8] =	dma.local @!p0 [hbm:s6], $0xF7A  }
0x23: {  	s9 =	sor.u32 $0xD0000000, s2;
	s6 =	simm.s32 $0x108;
	_ =	swait.ge @!p0 [sflag:s8], $0x0  }
0x24: {  	s3 =	sadd.s32 $0x88, s3;
	s6 =	simm.s32 @!p1 $0x1082;
	[sflag:s4] =	ssyncset.s32 $0xFFFFF086  }
0x25: {  	[simem:s6], [sflag:s4] =	dma.local [hbm:s3], $0xF7A  }
0x26: {  	[smem:$0x3F99] =	sst s1;
	(tag) =	ssettag s2;
	_ =	strace s9  }
0x27: {  	s1 =	sld [smem:$0x3FA9]  }
0x28: {  	s2 =	sld [smem:$0x3FAA]  }
0x29: {  	s4 =	sld [smem:$0x3FAC]  }
0x2a: {  	p0 =	seq.s32 s5, $0x0;
	s5 =	sld [smem:$0x3FAD]  }
0x2b: {  	s6 =	sld [smem:$0x3FAE]  }
0x2c: {  	s7 =	sld [smem:$0x3FAF]  }
0x2d: {  	s3 =	simm.s32 $0x108;
	s8 =	sld [smem:$0x3FB0]  }
0x2e: {  	s3 =	simm.s32 @!p0 $0x1082;
	s9 =	sld [smem:$0x3FB1]  }
0x2f: {  	lr =	sadd.s32 s0, s3;
	s0 =	sld [smem:$0x3FA8]  }
0x30: {  	s3 =	sld [smem:$0x3FAB]  }
0x31: {  	[smem:$0x3FB4] =	sst s10  }
0x32: {  	s10 =	sld [smem:$0x3FB2];
	_ =	sdelay $0x3  }
0x33: {  	p0 =	seq.s32 s10, $0x1;
	s10 =	sld [smem:$0x3FB4];
	_ =	sdelay $0x3  }
0x34: {  	[smem:$0x3FB4] =	sst s10  }
0x35: {  	s10 =	sld [smem:$0x3FB3];
	_ =	sdelay $0x3  }
0x36: {  	p1 =	seq.s32 s10, $0x1;
	s10 =	sld [smem:$0x3FB4];
	_ =	sdelay $0x3  }
0x37: {  	[smem:$0x3FB4] =	sst s10  }
0x38: {  	s10 =	sld [smem:$0x3FB5]  }
0x39: {  	_ = 	snop;
	(pc) =	sbr.ind lr, $3  }
0x3a: {  	_ = 	snop  }
0x3b: {  	_ = 	snop  }
0x3c: {  	p2 =	seq.s32 s10, $0x1;
	s10 =	sld [smem:$0x3FB4]  }
0x3d: {  	_ =	shalt  }
0x3e: {  	_ =	shalt  }
0x3f: {  	_ =	shalt  }
0x40: {  	_ =	shalt  }
0x41: {  	_ =	shalt  }
0x42: {  	_ =	shalt  }
0x43: {  	_ =	shalt  }
0x44: {  	_ =	shalt  }
0x45: {  	_ =	shalt  }
0x46: {  	_ =	shalt  }
0x47: {  	_ =	shalt  }
0x48: {  	_ =	shalt  }
0x49: {  	_ =	shalt  }
0x4a: {  	_ =	shalt  }
0x4b: {  	_ =	shalt  }
0x4c: {  	_ =	shalt  }
0x4d: {  	_ =	shalt  }
0x4e: {  	_ =	shalt  }
0x4f: {  	_ =	shalt  }
0x50: {  	_ =	shalt  }
0x51: {  	_ =	shalt  }
0x52: {  	_ =	shalt  }
0x53: {  	_ =	shalt  }
0x54: {  	_ =	shalt  }
0x55: {  	_ =	shalt  }
0x56: {  	_ =	shalt  }
0x57: {  	_ =	shalt  }
0x58: {  	_ =	shalt  }
0x59: {  	_ =	shalt  }
0x5a: {  	_ =	shalt  }
0x5b: {  	_ =	shalt  }
0x5c: {  	_ =	shalt  }
0x5d: {  	_ =	shalt  }
0x5e: {  	_ =	shalt  }
0x5f: {  	_ =	shalt  }
0x60: {  	_ =	shalt  }
0x61: {  	_ =	shalt  }
0x62: {  	_ =	shalt  }
0x63: {  	_ =	shalt  }
0x64: {  	_ =	shalt  }
0x65: {  	_ =	shalt  }
0x66: {  	_ =	shalt  }
0x67: {  	_ =	shalt  }
0x68: {  	_ =	shalt  }
0x69: {  	_ =	shalt  }
0x6a: {  	_ =	shalt  }
0x6b: {  	_ =	shalt  }
0x6c: {  	_ =	shalt  }
0x6d: {  	_ =	shalt  }
0x6e: {  	_ =	shalt  }
0x6f: {  	_ =	shalt  }
0x70: {  	_ =	shalt  }
0x71: {  	_ =	shalt  }
0x72: {  	_ =	shalt  }
0x73: {  	_ =	shalt  }
0x74: {  	_ =	shalt  }
0x75: {  	_ =	shalt  }
0x76: {  	_ =	shalt  }
0x77: {  	_ =	shalt  }
0x78: {  	_ =	shalt  }
0x79: {  	_ =	shalt  }
0x7a: {  	_ =	shalt  }
0x7b: {  	_ =	shalt  }
0x7c: {  	_ =	shalt  }
0x7d: {  	_ =	shalt  }
0x7e: {  	_ =	shalt  }
0x7f: {  	_ =	shalt  }
0x80: {  	_ =	shalt  }
0x81: {  	_ =	shalt  }
0x82: {  	_ =	shalt  }
0x83: {  	_ =	shalt  }
0x84: {  	_ =	shalt  }
0x85: {  	_ =	shalt  }
0x86: {  	_ =	shalt  }
0x87: {  	_ =	shalt  }
.Lfunc_end0:
.L_simem_size_0:
called_computation.3_lowered:
.L_overlay_start_0:
0x88: {  	s2 =	sld [smem:$0x3FD9]  }
0x89: {  	s3 =	sld [smem:$0x3FFE];
	_ =	sdelay $0x1  }
0x8a: {  	s1 =	srdreg.scid  }
0x8b: {  	s0 =	sand.u32 $0x1, s1  }
0x8c: {  	s14 =	sshll.u32 s0, $0xA;
	s2 =	sadd.s32 s3, s2  }
0x8d: {  	s2 =	sadd.s32 s2, s14  }
0x8e: {  	[smem:$0x3FC0] =	sst s2  }
0x8f: {  	_ = 	snop  }
0x90: {  	s2 =	sld [smem:$0x3FD0];
	_ =	sdelay $0x2  }
0x91: {  	s4 =	simm.s32 $0xA;
	s5 =	simm.s32 $0x10;
	s15 =	sld [smem:$0x3FC6]  }
0x92: {  	[smem:s5], [sflag:s4] =	dma.local [hbm:s2], $0x1  }
0x93: {  	_ =	swait.eq [sflag:s4], $0x1  }
0x94: {  	[sflag:s4] =	ssyncset.done $0x0  }
0x95: {  	[sflag:s4] =	ssyncadd.s32 $0xFFFFFFFF  }
0x96: {  	s16 =	sld [smem:$0x11];
	(tm) =	ssettm $0x1  }
0x97: {  	s17 =	sld [smem:$0x3FFB];
	_ =	sdelay $0x3  }
0x98: {  	_ =	strace s17  }
0x99: {  	s4 =	sld [smem:$0x3FFC];
	_ =	sdelay $0x3  }
0x9a: {  	_ =	strace s4  }
0x9b: {  	s4 =	sld [smem:$0x3FFD];
	_ =	sdelay $0x3  }
0x9c: {  	_ =	strace s4  }
0x9d: {  	_ =	strace $0x8FFFFFFF  }
0x9e: {  	s18 =	sld [smem:$0x3FDB];
	_ =	sdelay $0x1  }
0x9f: {  	s19 =	simm.s32 $_scs_section_size  }
0xa0: {  	s6 =	simm.s32 $_size__tile_overlayer_lowered;
	s7 =	simm.s32 $_tile_overlayer_lowered  }
0xa1: {  	s22 =	simm.s32 $0x1BFF;
	s21 =	sshll.u32 s7, $0x1;
	s4 =	sadd.s32 s19, s18  }
0xa2: {  	s8 =	simm.s32 $0x0;
	s20 =	sshll.u32 s6, $0x1;
	s6 =	sadd.s32 s21, s4  }
0xa3: {  	[timem:s8], [sflag:s22] =	dma.local [hbm:s6], s20  }
0xa4: {  	_ =	swait.ge [sflag:s22], s20  }
0xa5: {  	s5 =	ssub.s32 $0x0, s20;
	[sflag:s22] =	ssyncset.done $0x0  }
0xa6: {  	[sflag:s22] =	ssyncadd.s32 s5;
	_ =	sdelay $0x1  }
0xa7: {  	s23 =	simm.s32 $0x1B8B  }
0xa8: {  	_ =	swait.ge [sflag:s23], $0x1  }
0xa9: {  	[sflag:s23] =	ssyncset.done $0x0  }
0xaa: {  	s25 =	simm.s32 $0x1B8E;
	s24 =	sld [smem:$0x3FFE];
	[sflag:s23] =	ssyncadd.s32 $0xFFFFFFFF  }
0xab: {  	s26 =	simm.s32 $execute0_lowered;
	[smem:$0x3FD2] =	sst s25  }
0xac: {  	s6 =	sshll.u32 s26, $0x1;
	_ =	strace $0x8000004F;
	[dreg:$0x1] =	wrdreg $0xFFFFFFFF  }
0xad: {  	s28 =	simm.s32 $_size_execute0_lowered;
	s4 =	sadd.s32 s4, s6;
	[dreg:$0x0] =	wrdreg $0x0  }
0xae: {  	s6 =	sshll.u32 s28, $0x1;
	[dreg:$0x2] =	wrdreg s4  }
0xaf: {  	[dreg:$0x3] =	wrdreg s6  }
0xb0: {  	[dreg:$0x4] =	wrdreg $0xC0  }
0xb1: {  	_ =	task [dreg:s8], $0x5FFFF  }
0xb2: {  	[dreg:$0x1] =	wrdreg $0xFFFFFFFF  }
0xb3: {  	[dreg:$0x0] =	wrdreg $0x60  }
0xb4: {  	[dreg:$0x2] =	wrdreg s24  }
0xb5: {  	[dreg:$0x3] =	wrdreg s16  }
0xb6: {  	[dreg:$0x4] =	wrdreg s15  }
0xb7: {  	[dreg:$0x5] =	wrdreg $0x9  }
0xb8: {  	_ =	task.clear_ibuf [dreg:s8], $0x6FFFF;
	_ =	strace $0x9000004F  }
0xb9: {  	s29 =	simm.s32 $0x9;
	_ =	strace $0x80000051  }
0xba: {  	_ =	swait.ge [sflag:s29], $0x1  }
0xbb: {  	[sflag:s29] =	ssyncadd.s32 $0xFFFFFFFF  }
0xbc: {  	_ =	strace $0x90000051  }
0xbd: {  	_ =	sfence  }
0xbe: {  	s30 =	sld [smem:$0x0];
	_ =	sdelay $0x2  }
0xbf: {  	s31 =	sshll.u32 s1, $0xD;
	s1 =	sshrl.u32 s1, $0x2  }
0xc0: {  	s3 =	sand.u32 $0x4000, s31;
	s1 =	sadd.s32 s1, s30  }
0xc1: {  	s0 =	sor.u32 s3, s0;
	s1 =	sshll.u32 s1, $0x11  }
0xc2: {  	s0 =	sor.u32 s1, s0  }
0xc3: {  	s0 =	sadd.s32 $0x8F2B, s0  }
0xc4: {  	[sflag:s0] =	ssyncadd.remote.s32 $0x1  }
0xc5: {  	_ =	sfence.sel $0xFFFF  }
0xc6: {  	[dreg:$0x0] =	wrdreg $0xFFFFFFFF;
	(pc) =	sbr.abs _section_cstart, $3  }
0xc7: {  	[dreg:$0x1] =	wrdreg $0xFFFFFFFF  }
0xc8: {  	_ =	task.clear_ibuf [dreg:s8], $0x2FFFF;
	_ =	strace $0x9FFFFFFF  }
0xc9: {  	(tm) =	ssettm $0x7FFFFFFF  }
tec
execute0_lowered:
.L_overlay_start_1:
0x0: {  	(tag) =	ssettag $0x1  }
0x1: {  	s4 =	rddreg [dreg:$0x0]  }
0x2: {  	s1 =	srdreg.scid;
	s6 =	rddreg [dreg:$0x1]  }
0x3: {  	s0 =	stileid.u32;
	s2 =	rddreg [dreg:$0x2];
	s3 =	simm.s32 $0x0  }
0x4: {  	s11 =	simm.s32 $0x2800;
	s12 =	simm.s32 $0x2940;
	s13 =	simm.s32 $0x2A80  }
0x5: {  	s14 =	simm.s32 $0x2A90;
	s5 =	sand.u32 $0x1, s1;
	s31 =	sshll.u32 s0, $0x1  }
0x6: {  	s15 =	simm.s32 $0x1;
	s16 =	simm.s32 $0x0;
	s7 =	sor.u32 s5, s31  }
0x7: {  	s1 =	rddreg [dreg:$0x3];
	s5 =	ssub.s32 $0x2, s5;
	s8 =	smul.u32 $0x1400, s7  }
0x8: {  	[smem:$0x7FF] =	sst s3;
	s7 =	smul.u32 $0x28, s7;
	s9 =	sshrl.u32 s5, $0x1  }
0x9: {  	_ =	strace $0x80000050;
	s9 =	ssub.s32 s5, s9;
	s8 =	sshrl.u32 s8, $0x3  }
0xa: {  	s10 =	sadd.s32 s7, s4;
	s6 =	sadd.s32 s6, s7;
	s9 =	smax.u32 s9, $0x1  }
0xb: {  	s8 =	sadd.s32 s8, s4;
	s7 =	sadd.s32 $0x21000, s10;
	s10 =	simm.s32 $0x1400  }
0xc: {  	s4 =	sadd.s32 $0x21C00, s8;
	s5 =	sadd.s32 $0x26C00, s8;
	s8 =	sadd.s32 $0x1BE00, s8  }
.LBB2_1:
0xd: {  	[tilespmem:s3], [sflag:$0x1] =	stream.linear.gather [hbm4b:s4+s3], $0x1400, $0x38;
	[tilespmem:$0x3E90] =	vst v63  }
0xe: {  	_ =	swait.ge [sflag:s15], $0x1400  }
0xf: {  	[sflag:s15] =	ssyncset.done $0x0  }
0x10: {  	[sflag:s15] =	ssyncadd.s32 $0xFFFFEC00  }
0x11: {  	[tilespmem:s10], [sflag:$0x1] =	stream.linear.gather [hbm4b:s5+s3], $0x1400, $0x38;
	[tilespmem:$0x3E90] =	vst v63  }
0x12: {  	_ =	swait.ge [sflag:s15], $0x1400  }
0x13: {  	[sflag:s15] =	ssyncset.done $0x0  }
0x14: {  	[sflag:s15] =	ssyncadd.s32 $0xFFFFEC00  }
0x15: {  	[tilespmem:s11], [sflag:$0x1] =	stream.linear.gather [hbm4b:s6+s3], $0x140, $0x38;
	[tilespmem:$0x3E90] =	vst v63  }
0x16: {  	_ =	swait.ge [sflag:s15], $0x140  }
0x17: {  	[sflag:s15] =	ssyncset.done $0x0  }
0x18: {  	[sflag:s15] =	ssyncadd.s32 $0xFFFFFEC0  }
0x19: {  	[tilespmem:s12], [sflag:$0x1] =	stream.linear.gather [hbm4b:s7+s3], $0x140, $0x38;
	[tilespmem:$0x3E90] =	vst v63  }
0x1a: {  	_ =	swait.ge [sflag:s15], $0x140  }
0x1b: {  	s17 =	simm.s32 $0x0;
	[sflag:s15] =	ssyncset.done $0x0  }
0x1c: {  	v0 =	vmov s17;
	[sflag:s15] =	ssyncadd.s32 $0xFFFFFEC0  }
0x1d: {  	v0 =	vand.u32 $0xFFFFFFFE, v0;
	[tilespmem:s13], [sflag:$0x1] =	stream.linear.gather [hbm4b:s2+s3], $0x10, $0x38;
	[tilespmem:$0x3E90] =	vst v63  }
0x1e: {  	v1 =	vbroadcast v0, $0x0;
	_ =	swait.ge [sflag:s15], $0x10  }
0x1f: {  	[sflag:s15] =	ssyncset.done $0x0  }
0x20: {  	[sflag:s15] =	ssyncadd.s32 $0xFFFFFFF0  }
0x21: {  	s19 =	simm.s32 $0x1410;
	v0 =	vld [tilespmem:$0x2A80]  }
0x22: {  	s18 =	simm.s32 $0x10;
	v2 =	vld [tilespmem:s19+$0xFFFFFFF0]  }
0x23: {  	v3 =	vld [tilespmem:s18+$0xFFFFFFF0]  }
0x24: {  	v4 =	vld.idx.msk [tilespmem:v1+s11+$0x0], $0xffff  }
0x25: {  	v1 =	vld.idx.msk [tilespmem:v1+s12+$0x0], $0xffff;
	_ =	sdelay $0x2  }
0x26: {  	v5 =	vmov s15;
	v2 =	vadd.f32 v2, v3;
	_ =	sdelay $0x1  }
0x27: {  	v1 =	vmul.f32 v1, v0;
	v2 =	vmul.f32 v2, v4;
	_ =	sdelay $0x1  }
0x28: {  	v1 =	vadd.f32 v2, v1  }
0x29: {  	s17 =	simm.s32 $0x2AA0;
	v3 =	vld.idx.msk [tilespmem:v5+s12+$0x0], $0xffff  }
0x2a: {  	v4 =	vld.idx.msk [tilespmem:v5+s11+$0x0], $0xffff;
	[tilespmem:s17+$0xFFFFFFF0] =	vst v1  }
0x2b: {  	v1 =	vld [tilespmem:s18+$0x0]  }
0x2c: {  	v2 =	vld [tilespmem:s19+$0x0];
	_ =	sdelay $0x3  }
0x2d: {  	s31 =	simm.s32 $0x2  }
0x2e: {  	v5 =	vmov s31;
	v1 =	vadd.f32 v2, v1  }
0x2f: {  	s20 =	simm.s32 $0x3;
	v5 =	vand.u32 $0xFFFFFFFE, v5;
	v2 =	vmul.f32 v3, v0  }
0x30: {  	s22 =	simm.s32 $0x5;
	s21 =	simm.s32 $0x2AA0;
	s19 =	simm.s32 $0x1430;
	v3 =	vmul.f32 v1, v4;
	v1 =	vbroadcast v5, $0x0  }
.LBB2_2:
0x31: {  	s17 =	sadd.s32 $0x20, s17  }
0x32: {  	v2 =	vadd.f32 v3, v2;
	s18 =	sadd.s32 $0x20, s18;
	s23 =	smov.u32 s22;
	s24 =	sadd.s32 $0x2, s22  }
0x33: {  	p0 =	sne.s32 s22, $0x13F  }
0x34: {  	[tilespmem:s21+$0x0] =	vst v2;
	s21 =	smov.u32 s17  }
0x35: {  	v2 =	vld [tilespmem:s19+$0xFFFFFFF0]  }
0x36: {  	v3 =	vld [tilespmem:s18+$0xFFFFFFF0]  }
0x37: {  	v4 =	vld.idx.msk [tilespmem:v1+s11+$0x0], $0xffff  }
0x38: {  	v1 =	vld.idx.msk [tilespmem:v1+s12+$0x0], $0xffff;
	_ =	sdelay $0x1  }
0x39: {  	v5 =	vmov s20;
	s20 =	smov.u32 s23  }
0x3a: {  	v2 =	vadd.f32 v2, v3;
	_ =	sdelay $0x1  }
0x3b: {  	v2 =	vmul.f32 v2, v4  }
0x3c: {  	v1 =	vmul.f32 v1, v0  }
0x3d: {  	v3 =	vld.idx.msk [tilespmem:v5+s12+$0x0], $0xffff  }
0x3e: {  	v1 =	vadd.f32 v2, v1;
	v4 =	vld.idx.msk [tilespmem:v5+s11+$0x0], $0xffff;
	_ =	sdelay $0x1  }
0x3f: {  	[tilespmem:s17+$0xFFFFFFF0] =	vst v1  }
0x40: {  	v1 =	vld [tilespmem:s18+$0x0]  }
0x41: {  	v2 =	vld [tilespmem:s19+$0x0];
	_ =	sdelay $0x3  }
.Ltmp0:
0x42: {  	(pc) =	sbr.rel @p0 .LBB2_2-.Ltmp0, $4  }
0x43: {  	s22 =	sadd.s32 $0xFFFFFFFF, s20;
	v1 =	vadd.f32 v2, v1;
	v2 =	vmul.f32 v3, v0  }
0x44: {  	v3 =	vmov s22  }
0x45: {  	v5 =	vand.u32 $0xFFFFFFFE, v3;
	v3 =	vmul.f32 v1, v4  }
0x46: {  	s19 =	sadd.s32 $0x20, s19;
	s22 =	smov.u32 s24;
	v1 =	vbroadcast v5, $0x0  }
0x47: {  	v2 =	vadd.f32 v3, v2;
	_ =	sdelay $0x1  }
0x48: {  	[tilespmem:s21+$0x0] =	vst v2  }
0x49: {  	s18 =	sadd.s32 $0x20, s18;
	v2 =	vld [tilespmem:s19+$0xFFFFFFF0]  }
0x4a: {  	v58 =	vld [tilespmem:s18+$0xFFFFFFF0]  }
0x4b: {  	v4 =	vld.idx.msk [tilespmem:v1+s11+$0x0], $0xffff  }
0x4c: {  	v59 =	vld.idx.msk [tilespmem:v1+s12+$0x0], $0xffff;
	_ =	sdelay $0x2  }
0x4d: {  	v5 =	vmov s20;
	v2 =	vadd.f32 v2, v58;
	_ =	sdelay $0x1  }
0x4e: {  	v1 =	vmul.f32 v59, v0;
	v2 =	vmul.f32 v2, v4;
	_ =	sdelay $0x1  }
0x4f: {  	v1 =	vadd.f32 v2, v1  }
0x50: {  	s17 =	sadd.s32 $0x20, s17;
	v60 =	vld.idx.msk [tilespmem:v5+s12+$0x0], $0xffff  }
0x51: {  	v61 =	vld.idx.msk [tilespmem:v5+s11+$0x0], $0xffff;
	[tilespmem:s17+$0xFFFFFFF0] =	vst v1  }
0x52: {  	v1 =	vld [tilespmem:s18+$0x0]  }
0x53: {  	v62 =	vld [tilespmem:s19+$0x0];
	_ =	sdelay $0x4  }
0x54: {  	v1 =	vadd.f32 v62, v1;
	_ =	sdelay $0x1  }
0x55: {  	v63 =	vmul.f32 v60, v0;
	v1 =	vmul.f32 v1, v61;
	_ =	sdelay $0x1  }
0x56: {  	s16 =	sadd.s32 $0x1, s16;
	v0 =	vadd.f32 v1, v63  }
0x57: {  	p0 =	sne.s32 s16, s9  }
.Ltmp1:
0x58: {  	[tilespmem:s17+$0x0] =	vst v0;
	(pc) =	sbr.rel @p0 .LBB2_1-.Ltmp1, $4  }
0x59: {  	[hbm4b:s8+s3] =	stream.linear.scatter [tilespmem:s14], [sflag:$0x1], $0x1400, $0x38;
	[tilespmem:$0x3E90] =	vst v63  }
0x5a: {  	_ =	swait.ge [sflag:s15], $0x1400  }
0x5b: {  	[sflag:s15] =	ssyncset.done $0x0  }
0x5c: {  	[sflag:s15] =	ssyncadd.s32 $0xFFFFEC00  }
0x5d: {  	_ =	sfence.sel $0x180000  }
0x5e: {  	[bflag:$0x0] =	sbarrier.arrive $0xFFFF  }
0x5f: {  	p0 =	sne.s32 s0, $0x0;
	_ =	strace $0x90000050  }
0x60: {  	s0 =	sadd.s32 @!p0 $0x100000, s1;
	[bflag:$0x2] =	sbarrier.arrive $0xFFFF  }
0x61: {  	[sflag:s0] =	ssyncadd.tile.s32 @!p0 $0x1;
	_ =	shalt  }
.Lfunc_end2:
_tile_overlayer_lowered:
.L_overlay_start_2:
0x62: {  	(tag) =	ssettag $0x2  }
0x63: {  	s0 =	rddreg [dreg:$0x0];
	s2 =	stileid.u32  }
0x64: {  	s1 =	rddreg [dreg:$0x1];
	p0 =	sne.s32 s2, $0x0  }
0x65: {  	s3 =	rddreg [dreg:$0x2];
	[bflag:$0x3] =	sbarrier.arrive $0xFFFF;
	s2 =	simm.s32 @!p0 $0x1C01  }
0x66: {  	[timem:s3], [sflag:s2] =	dma.local @!p0 [hbm:s0], s1  }
0x67: {  	s0 =	simm.s32 @!p0 $0x1  }
0x68: {  	_ =	swait.ge @!p0 [sflag:s0], s1  }
0x69: {  	s1 =	ssub.s32 @!p0 $0x0, s1;
	[sflag:s0] =	ssyncset.done @!p0 $0x0  }
0x6a: {  	[sflag:s0] =	ssyncadd.s32 @!p0 s1  }
0x6b: {  	[bflag:$0x3] =	sbarrier.arrive $0xFFFF  }
0x6c: {  	_ =	shalt  }

// kernel: kernel.21.cloned.1.call-start
scs
__scs_entry_jumppad:
0x0: {  	(pc) =	sbr.rel $0x88, $3  }
0x1: {  	(tag) =	ssettag $0x0;
	lr =	simm.s32 $0x1  }
0x2: {  	[smem:$0x3F99] =	sst lr;
	_ =	strace $0xD0000000  }
0x3: {  	_ = 	snop  }
0x4: {  	_ = 	snop  }
0x5: {  	_ = 	snop  }
0x6: {  	_ = 	snop  }
0x7: {  	_ = 	snop  }
__scs_overlays_trampoline_lowered:
0x8: {  	[smem:$0x3FA8] =	sst s0  }
0x9: {  	[smem:$0x3FA9] =	sst s1  }
0xa: {  	[smem:$0x3FAA] =	sst s2  }
0xb: {  	[smem:$0x3FAB] =	sst s3  }
0xc: {  	[smem:$0x3FAC] =	sst s4  }
0xd: {  	[smem:$0x3FAD] =	sst s5  }
0xe: {  	[smem:$0x3FAE] =	sst s6  }
0xf: {  	[smem:$0x3FAF] =	sst s7  }
0x10: {  	[smem:$0x3FB0] =	sst s8  }
0x11: {  	[smem:$0x3FB1] =	sst s9;
	s0 =	simm.s32 @!p0 $0x0  }
0x12: {  	s1 =	sld [smem:$0x3F97];
	s0 =	simm.s32 @p0 $0x1  }
0x13: {  	[smem:$0x3FB2] =	sst s0;
	s0 =	simm.s32 @!p1 $0x0  }
0x14: {  	s2 =	sld [smem:$0x3F96];
	s0 =	simm.s32 @p1 $0x1  }
0x15: {  	[smem:$0x3FB3] =	sst s0;
	s0 =	simm.s32 @!p2 $0x0  }
0x16: {  	s3 =	sld [smem:$0x3FDB];
	s0 =	simm.s32 @p2 $0x1  }
0x17: {  	s4 =	simm.s32 $0x1BF5;
	[smem:$0x3FB5] =	sst s0  }
0x18: {  	s0 =	sld [smem:$0x3F98];
	_ =	swait.ge [sflag:s4], $0x0  }
0x19: {  	s7 =	sld [smem:$0x3F99]  }
0x1a: {  	s8 =	sadd.s32 $0xFFFFE003, lr  }
0x1b: {  	s9 =	sadd.s32 $0xFFFFFEF7, lr;
	s5 =	simm.s32 $0xFFFFFFFF;
	p2 =	slt.u32 s8, $0xFFFFF086  }
0x1c: {  	p1 =	slt.u32 s9, $0xF7A;
	s5 =	simm.s32 @!p2 $0x0  }
0x1d: {  	s5 =	simm.s32 @p1 $0x1;
	p0 =	seq.s32 s7, s2  }
0x1e: {  	s7 =	smul.u32 @!p0 $0xF7A, s2;
	p2 =	seq.s32 @!p0 s5, $0x0  }
0x1f: {  	s9 =	smul.u32 $0xF7A, s1;
	s8 =	simm.s32 @!p0 $0x1BF5;
	p2 =	por !p2, p0  }
0x20: {  	[sflag:s8] =	ssyncset.s32 @!p0 $0xFFFFF086;
	s6 =	sadd.s32 @!p0 s3, s7;
	s7 =	simm.s32 @!p0 $0x108  }
0x21: {  	s3 =	sadd.s32 s3, s9;
	s6 =	sadd.s32 @!p0 $0x88, s6;
	s7 =	simm.s32 @p2 $0x1082  }
0x22: {  	[simem:s7], [sflag:s8] =	dma.local @!p0 [hbm:s6], $0xF7A  }
0x23: {  	s9 =	sor.u32 $0xD0000000, s2;
	s6 =	simm.s32 $0x108;
	_ =	swait.ge @!p0 [sflag:s8], $0x0  }
0x24: {  	s3 =	sadd.s32 $0x88, s3;
	s6 =	simm.s32 @!p1 $0x1082;
	[sflag:s4] =	ssyncset.s32 $0xFFFFF086  }
0x25: {  	[simem:s6], [sflag:s4] =	dma.local [hbm:s3], $0xF7A  }
0x26: {  	[smem:$0x3F99] =	sst s1;
	(tag) =	ssettag s2;
	_ =	strace s9  }
0x27: {  	s1 =	sld [smem:$0x3FA9]  }
0x28: {  	s2 =	sld [smem:$0x3FAA]  }
0x29: {  	s4 =	sld [smem:$0x3FAC]  }
0x2a: {  	p0 =	seq.s32 s5, $0x0;
	s5 =	sld [smem:$0x3FAD]  }
0x2b: {  	s6 =	sld [smem:$0x3FAE]  }
0x2c: {  	s7 =	sld [smem:$0x3FAF]  }
0x2d: {  	s3 =	simm.s32 $0x108;
	s8 =	sld [smem:$0x3FB0]  }
0x2e: {  	s3 =	simm.s32 @!p0 $0x1082;
	s9 =	sld [smem:$0x3FB1]  }
0x2f: {  	lr =	sadd.s32 s0, s3;
	s0 =	sld [smem:$0x3FA8]  }
0x30: {  	s3 =	sld [smem:$0x3FAB]  }
0x31: {  	[smem:$0x3FB4] =	sst s10  }
0x32: {  	s10 =	sld [smem:$0x3FB2];
	_ =	sdelay $0x3  }
0x33: {  	p0 =	seq.s32 s10, $0x1;
	s10 =	sld [smem:$0x3FB4];
	_ =	sdelay $0x3  }
0x34: {  	[smem:$0x3FB4] =	sst s10  }
0x35: {  	s10 =	sld [smem:$0x3FB3];
	_ =	sdelay $0x3  }
0x36: {  	p1 =	seq.s32 s10, $0x1;
	s10 =	sld [smem:$0x3FB4];
	_ =	sdelay $0x3  }
0x37: {  	[smem:$0x3FB4] =	sst s10  }
0x38: {  	s10 =	sld [smem:$0x3FB5]  }
0x39: {  	_ = 	snop;
	(pc) =	sbr.ind lr, $3  }
0x3a: {  	_ = 	snop  }
0x3b: {  	_ = 	snop  }
0x3c: {  	p2 =	seq.s32 s10, $0x1;
	s10 =	sld [smem:$0x3FB4]  }
0x3d: {  	_ =	shalt  }
0x3e: {  	_ =	shalt  }
0x3f: {  	_ =	shalt  }
0x40: {  	_ =	shalt  }
0x41: {  	_ =	shalt  }
0x42: {  	_ =	shalt  }
0x43: {  	_ =	shalt  }
0x44: {  	_ =	shalt  }
0x45: {  	_ =	shalt  }
0x46: {  	_ =	shalt  }
0x47: {  	_ =	shalt  }
0x48: {  	_ =	shalt  }
0x49: {  	_ =	shalt  }
0x4a: {  	_ =	shalt  }
0x4b: {  	_ =	shalt  }
0x4c: {  	_ =	shalt  }
0x4d: {  	_ =	shalt  }
0x4e: {  	_ =	shalt  }
0x4f: {  	_ =	shalt  }
0x50: {  	_ =	shalt  }
0x51: {  	_ =	shalt  }
0x52: {  	_ =	shalt  }
0x53: {  	_ =	shalt  }
0x54: {  	_ =	shalt  }
0x55: {  	_ =	shalt  }
0x56: {  	_ =	shalt  }
0x57: {  	_ =	shalt  }
0x58: {  	_ =	shalt  }
0x59: {  	_ =	shalt  }
0x5a: {  	_ =	shalt  }
0x5b: {  	_ =	shalt  }
0x5c: {  	_ =	shalt  }
0x5d: {  	_ =	shalt  }
0x5e: {  	_ =	shalt  }
0x5f: {  	_ =	shalt  }
0x60: {  	_ =	shalt  }
0x61: {  	_ =	shalt  }
0x62: {  	_ =	shalt  }
0x63: {  	_ =	shalt  }
0x64: {  	_ =	shalt  }
0x65: {  	_ =	shalt  }
0x66: {  	_ =	shalt  }
0x67: {  	_ =	shalt  }
0x68: {  	_ =	shalt  }
0x69: {  	_ =	shalt  }
0x6a: {  	_ =	shalt  }
0x6b: {  	_ =	shalt  }
0x6c: {  	_ =	shalt  }
0x6d: {  	_ =	shalt  }
0x6e: {  	_ =	shalt  }
0x6f: {  	_ =	shalt  }
0x70: {  	_ =	shalt  }
0x71: {  	_ =	shalt  }
0x72: {  	_ =	shalt  }
0x73: {  	_ =	shalt  }
0x74: {  	_ =	shalt  }
0x75: {  	_ =	shalt  }
0x76: {  	_ =	shalt  }
0x77: {  	_ =	shalt  }
0x78: {  	_ =	shalt  }
0x79: {  	_ =	shalt  }
0x7a: {  	_ =	shalt  }
0x7b: {  	_ =	shalt  }
0x7c: {  	_ =	shalt  }
0x7d: {  	_ =	shalt  }
0x7e: {  	_ =	shalt  }
0x7f: {  	_ =	shalt  }
0x80: {  	_ =	shalt  }
0x81: {  	_ =	shalt  }
0x82: {  	_ =	shalt  }
0x83: {  	_ =	shalt  }
0x84: {  	_ =	shalt  }
0x85: {  	_ =	shalt  }
0x86: {  	_ =	shalt  }
0x87: {  	_ =	shalt  }
.Lfunc_end0:
.L_simem_size_0:
called_computation.4_lowered:
.L_overlay_start_0:
0x88: {  	s2 =	sld [smem:$0x3FD9]  }
0x89: {  	s3 =	sld [smem:$0x3FFE];
	_ =	sdelay $0x1  }
0x8a: {  	s1 =	srdreg.scid  }
0x8b: {  	s0 =	sand.u32 $0x1, s1  }
0x8c: {  	s16 =	sshll.u32 s0, $0xA;
	s2 =	sadd.s32 s3, s2  }
0x8d: {  	s2 =	sadd.s32 s2, s16  }
0x8e: {  	[smem:$0x3FC0] =	sst s2  }
0x8f: {  	_ = 	snop  }
0x90: {  	(tm) =	ssettm $0x1  }
0x91: {  	s17 =	sld [smem:$0x3FFB];
	_ =	sdelay $0x3  }
0x92: {  	_ =	strace s17  }
0x93: {  	s2 =	sld [smem:$0x3FFC];
	_ =	sdelay $0x3  }
0x94: {  	_ =	strace s2  }
0x95: {  	s2 =	sld [smem:$0x3FFD];
	_ =	sdelay $0x3  }
0x96: {  	_ =	strace s2  }
0x97: {  	_ =	strace $0x8FFFFFFF  }
0x98: {  	s18 =	sld [smem:$0x3FDB];
	_ =	sdelay $0x1  }
0x99: {  	s19 =	simm.s32 $_scs_section_size  }
0x9a: {  	s4 =	simm.s32 $_size__tile_overlayer_lowered;
	s5 =	simm.s32 $_tile_overlayer_lowered  }
0x9b: {  	s22 =	simm.s32 $0x1BFF;
	s21 =	sshll.u32 s5, $0x1;
	s2 =	sadd.s32 s19, s18  }
0x9c: {  	s6 =	simm.s32 $0x0;
	s20 =	sshll.u32 s4, $0x1;
	s4 =	sadd.s32 s21, s2  }
0x9d: {  	[timem:s6], [sflag:s22] =	dma.local [hbm:s4], s20  }
0x9e: {  	_ =	swait.ge [sflag:s22], s20  }
0x9f: {  	s3 =	ssub.s32 $0x0, s20;
	[sflag:s22] =	ssyncset.done $0x0  }
0xa0: {  	[sflag:s22] =	ssyncadd.s32 s3;
	_ =	sdelay $0x1  }
0xa1: {  	s23 =	simm.s32 $0x1B8B  }
0xa2: {  	_ =	swait.ge [sflag:s23], $0x1  }
0xa3: {  	[sflag:s23] =	ssyncset.done $0x0  }
0xa4: {  	s25 =	simm.s32 $0x1B8E;
	s24 =	sld [smem:$0x3FFE];
	[sflag:s23] =	ssyncadd.s32 $0xFFFFFFFF  }
0xa5: {  	s26 =	simm.s32 $execute0_lowered;
	[smem:$0x3FD2] =	sst s25  }
0xa6: {  	s4 =	sshll.u32 s26, $0x1;
	_ =	strace $0x80000052;
	[dreg:$0x1] =	wrdreg $0xFFFFFFFF  }
0xa7: {  	s28 =	simm.s32 $_size_execute0_lowered;
	s2 =	sadd.s32 s2, s4;
	[dreg:$0x0] =	wrdreg $0x0  }
0xa8: {  	s4 =	sshll.u32 s28, $0x1;
	[dreg:$0x2] =	wrdreg s2  }
0xa9: {  	[dreg:$0x3] =	wrdreg s4  }
0xaa: {  	[dreg:$0x4] =	wrdreg $0xC0  }
0xab: {  	_ =	task [dreg:s6], $0x5FFFF  }
0xac: {  	[dreg:$0x1] =	wrdreg $0xFFFFFFFF  }
0xad: {  	[dreg:$0x0] =	wrdreg $0x60  }
0xae: {  	[dreg:$0x2] =	wrdreg s24  }
0xaf: {  	[dreg:$0x3] =	wrdreg $0xB7200  }
0xb0: {  	[dreg:$0x4] =	wrdreg $0x9  }
0xb1: {  	_ =	task.clear_ibuf [dreg:s6], $0x5FFFF;
	_ =	strace $0x90000052  }
0xb2: {  	s29 =	simm.s32 $0x9;
	_ =	strace $0x80000054  }
0xb3: {  	_ =	swait.ge [sflag:s29], $0x1  }
0xb4: {  	[sflag:s29] =	ssyncadd.s32 $0xFFFFFFFF  }
0xb5: {  	_ =	strace $0x90000054  }
0xb6: {  	_ =	sfence  }
0xb7: {  	s30 =	sld [smem:$0x0];
	_ =	sdelay $0x2  }
0xb8: {  	s31 =	sshll.u32 s1, $0xD;
	s1 =	sshrl.u32 s1, $0x2  }
0xb9: {  	s3 =	sand.u32 $0x4000, s31;
	s1 =	sadd.s32 s1, s30  }
0xba: {  	s0 =	sor.u32 s3, s0;
	s1 =	sshll.u32 s1, $0x11  }
0xbb: {  	s0 =	sor.u32 s1, s0  }
0xbc: {  	s0 =	sadd.s32 $0x8F2B, s0  }
0xbd: {  	[sflag:s0] =	ssyncadd.remote.s32 $0x1  }
0xbe: {  	_ =	sfence.sel $0xFFFF  }
0xbf: {  	[dreg:$0x0] =	wrdreg $0xFFFFFFFF;
	(pc) =	sbr.abs _section_cstart, $3  }
0xc0: {  	[dreg:$0x1] =	wrdreg $0xFFFFFFFF  }
0xc1: {  	_ =	task.clear_ibuf [dreg:s6], $0x2FFFF;
	_ =	strace $0x9FFFFFFF  }
0xc2: {  	(tm) =	ssettm $0x7FFFFFFF  }
0xc3: {  	_ =	shalt  }
tec
execute0_lowered:
.L_overlay_start_1:
0x0: {  	(tag) =	ssettag $0x1  }
0x1: {  	s0 =	srdreg.scid;
	s1 =	rddreg [dreg:$0x0]  }
0x2: {  	s4 =	stileid.u32;
	s2 =	rddreg [dreg:$0x1]  }
0x3: {  	s13 =	simm.s32 $0x8F20;
	s14 =	simm.s32 $0x11;
	s15 =	simm.s32 $0x4E00  }
0x4: {  	s16 =	simm.s32 $0x4E10;
	s17 =	simm.s32 $0x80;
	s28 =	simm.s32 $0xA  }
0x5: {  	s29 =	simm.s32 $0xB;
	s30 =	simm.s32 $0xC;
	s31 =	simm.s32 $0xD  }
0x6: {  	s18 =	simm.s32 $0x1;
	s19 =	simm.s32 $0x0;
	s0 =	sand.u32 $0x1, s0  }
0x7: {  	s3 =	sshll.u32 s4, $0x1;
	s7 =	smul.u32 $0x2800, s4;
	s4 =	sadd.s32 $0x1BE00, s1  }
0x8: {  	s5 =	sor.u32 s0, s3;
	s3 =	simm.s32 $0x0;
	s8 =	smul.u32 $0x28000, s0  }
0x9: {  	s0 =	ssub.s32 $0x2, s0;
	s6 =	smul.u32 $0x4E0, s5;
	[smem:$0x7FF] =	sst s3  }
0xa: {  	s5 =	sshll.u32 s5, $0x1;
	s23 =	sshrl.u32 s7, $0x3;
	s24 =	sshrl.u32 s0, $0x1  }
0xb: {  	_ =	strace $0x80000053;
	s10 =	sadd.s32 s5, s1;
	s22 =	sadd.s32 s7, s8  }
0xc: {  	s0 =	ssub.s32 s0, s24;
	s24 =	simm.s32 $0xF;
	s9 =	sadd.s32 s6, s1  }
0xd: {  	s5 =	sshrl.u32 s22, $0x3;
	s6 =	sadd.s32 s23, s1;
	s12 =	smax.u32 s0, $0x1  }
.Ltmp0:
0xe: {  	s0 =	simm.s32 $0x8E20;
	s1 =	sadd.s32 s5, s1;
	(pc) =	sbr.rel .LBB2_1-.Ltmp0, $4  }
0xf: {  	s25 =	sadd.s32 $0x16E00, s6;
	s6 =	sadd.s32 s7, s2;
	s26 =	sadd.s32 $0xD200, s9  }
0x10: {  	s8 =	sadd.s32 $0x3600, s9;
	s9 =	sadd.s32 $0x3400, s10;
	[dreg:$0x3] =	wrdreg s25  }
0x11: {  	s10 =	sadd.s32 $0x3200, s10;
	[dreg:$0x4] =	wrdreg s26;
	s11 =	sadd.s32 $0x21C00, s1  }
0x12: {  	s25 =	simm.s32 $0x10;
	s26 =	simm.s32 $0x9;
	s1 =	simm.s32 $0xE  }
.LBB2_6:
0x13: {  	_ =	swait.ge [sflag:s24], $0x800  }
0x14: {  	[sflag:s24] =	ssyncset.done $0x0  }
0x15: {  	[sflag:s24] =	ssyncadd.s32 $0xFFFFF800  }
0x16: {  	_ =	swait.ge [sflag:s25], $0x800  }
0x17: {  	[sflag:s25] =	ssyncset.done $0x0  }
0x18: {  	[sflag:s25] =	ssyncadd.s32 $0xFFFFF800  }
0x19: {  	_ =	swait.ge [sflag:s26], $0x800  }
0x1a: {  	[sflag:s26] =	ssyncset.done $0x0  }
0x1b: {  	[sflag:s26] =	ssyncadd.s32 $0xFFFFF800  }
0x1c: {  	_ =	swait.ge [sflag:s28], $0x800  }
0x1d: {  	[sflag:s28] =	ssyncset.done $0x0  }
0x1e: {  	[sflag:s28] =	ssyncadd.s32 $0xFFFFF800  }
0x1f: {  	_ =	swait.ge [sflag:s29], $0x800  }
0x20: {  	[sflag:s29] =	ssyncset.done $0x0  }
0x21: {  	[sflag:s29] =	ssyncadd.s32 $0xFFFFF800  }
0x22: {  	_ =	swait.ge [sflag:s30], $0x800  }
0x23: {  	[sflag:s30] =	ssyncset.done $0x0  }
0x24: {  	[sflag:s30] =	ssyncadd.s32 $0xFFFFF800  }
0x25: {  	_ =	swait.ge [sflag:s31], $0x800  }
0x26: {  	[sflag:s31] =	ssyncset.done $0x0  }
0x27: {  	[sflag:s31] =	ssyncadd.s32 $0xFFFFF800  }
0x28: {  	_ =	swait.ge [sflag:s1], $0x800  }
0x29: {  	[sflag:s1] =	ssyncset.done $0x0  }
0x2a: {  	[sflag:s1] =	ssyncadd.s32 $0xFFFFF800  }
0x2b: {  	[tilespmem:s0], [sflag:$0x1] =	stream.indirect.gather [hbm4b:s4+s25], $0x10, s15, s25, $0xb8;
	[tilespmem:$0xDF20] =	vst v63  }
0x2c: {  	_ =	swait.ge [sflag:s18], $0x100  }
0x2d: {  	[sflag:s18] =	ssyncset.done $0x0  }
0x2e: {  	[sflag:s18] =	ssyncadd.s32 $0xFFFFFF00  }
0x2f: {  	[spmem:s2] =	stream.indirect.scatter.add.f32 [tilespmem:s0], [sflag:$0x11], $0x10, s16, s25, $0xb8;
	[tilespmem:$0xDF20] =	vst v63  }
0x30: {  	_ =	swait.ge [sflag:s14], $0x100  }
0x31: {  	[sflag:s14] =	ssyncset.done $0x0  }
0x32: {  	[sflag:s14] =	ssyncadd.s32 $0xFFFFFF00  }
0x33: {  	[bflag:$0x0] =	sbarrier.arrive $0xFFFF  }
0x34: {  	[tilespmem:s13], [sflag:$0x11] =	stream.linear.gather [spmem:s6], $0x2800, $0x38;
	[tilespmem:$0xDF20] =	vst v63  }
0x35: {  	s19 =	sadd.s32 $0x1, s19;
	_ =	swait.ge [sflag:s14], $0x2800  }
0x36: {  	p0 =	sne.s32 s19, s12;
	[sflag:s14] =	ssyncset.done $0x0  }
.Ltmp1:
0x37: {  	[sflag:s14] =	ssyncadd.s32 $0xFFFFD800;
	(pc) =	sbr.rel @!p0 .LBB2_7-.Ltmp1, $4  }
0x38: {  	[hbm4b:s11+s3] =	stream.linear.scatter [tilespmem:s13], [sflag:$0x11], $0x2800, $0x38;
	[tilespmem:$0xDF20] =	vst v63  }
0x39: {  	_ =	swait.ge [sflag:s14], $0x2800  }
0x3a: {  	[sflag:s14] =	ssyncset.done $0x0  }
0x3b: {  	[sflag:s14] =	ssyncadd.s32 $0xFFFFD800  }
.LBB2_1:
0x3c: {  	s5 =	rddreg [dreg:$0x3]  }
0x3d: {  	[tilespmem:s13], [sflag:$0x11] =	stream.linear.gather [hbm4b:s5+s3], $0x2800, $0x38;
	[tilespmem:$0xDF20] =	vst v63  }
0x3e: {  	_ =	swait.ge [sflag:s14], $0x2800  }
0x3f: {  	[sflag:s14] =	ssyncset.done $0x0  }
0x40: {  	[sflag:s14] =	ssyncadd.s32 $0xFFFFD800  }
0x41: {  	[spmem:s6] =	stream.linear.scatter [tilespmem:s13], [sflag:$0x11], $0x2800, $0x38;
	[tilespmem:$0xDF20] =	vst v63  }
0x42: {  	_ =	swait.ge [sflag:s14], $0x2800  }
0x43: {  	[sflag:s14] =	ssyncset.done $0x0  }
0x44: {  	[sflag:s14] =	ssyncadd.s32 $0xFFFFD800  }
0x45: {  	[bflag:$0x0] =	sbarrier.arrive $0xFFFF  }
0x46: {  	s22 =	rddreg [dreg:$0x4]  }
0x47: {  	[tilespmem:s3], [sflag:$0x11] =	stream.linear.gather [hbm4b:s22+s3], $0x2700, $0x38;
	[tilespmem:$0xDF20] =	vst v63  }
0x48: {  	_ =	swait.ge [sflag:s14], $0x2700  }
0x49: {  	[sflag:s14] =	ssyncset.done $0x0  }
0x4a: {  	s20 =	simm.s32 $0x2700;
	[sflag:s14] =	ssyncadd.s32 $0xFFFFD900  }
0x4b: {  	[tilespmem:s20], [sflag:$0x11] =	stream.linear.gather [hbm4b:s8+s3], $0x2700, $0x38;
	[tilespmem:$0xDF20] =	vst v63  }
0x4c: {  	_ =	swait.ge [sflag:s14], $0x2700  }
0x4d: {  	[sflag:s14] =	ssyncset.done $0x0  }
0x4e: {  	[sflag:s14] =	ssyncadd.s32 $0xFFFFD900  }
0x4f: {  	[tilespmem:s15], [sflag:$0x11] =	stream.linear.gather [hbm4b:s9+s3], $0x10, $0x38;
	[tilespmem:$0xDF20] =	vst v63  }
0x50: {  	_ =	swait.ge [sflag:s14], $0x10  }
0x51: {  	[sflag:s14] =	ssyncset.done $0x0  }
0x52: {  	[sflag:s14] =	ssyncadd.s32 $0xFFFFFFF0  }
0x53: {  	[tilespmem:s16], [sflag:$0x11] =	stream.linear.gather [hbm4b:s10+s3], $0x10, $0x38;
	[tilespmem:$0xDF20] =	vst v63  }
0x54: {  	_ =	swait.ge [sflag:s14], $0x10  }
0x55: {  	[sflag:s14] =	ssyncset.done $0x0  }
0x56: {  	s23 =	simm.s32 $0x4E20;
	[sflag:s14] =	ssyncadd.s32 $0xFFFFFFF0  }
0x57: {  	[tilespmem:s23], [sflag:$0x1] =	stream.indirect.gather [hbm4b:s4+s17], $0x10, s3, s17, $0xb8;
	[tilespmem:$0xDF20] =	vst v63  }
0x58: {  	s7 =	simm.s32 $0x5620  }
0x59: {  	[tilespmem:s7], [sflag:$0x2] =	stream.indirect.gather [hbm4b:s4+s17], $0x10, s17, s17, $0xb8;
	[tilespmem:$0xDF20] =	vst v63  }
.Ltmp2:
0x5a: {  	s21 =	simm.s32 $0x100;
	s7 =	simm.s32 $0x5E20;
	(pc) =	sbr.rel .LBB2_2-.Ltmp2, $4  }
0x5b: {  	[tilespmem:s7], [sflag:$0x3] =	stream.indirect.gather [hbm4b:s4+s17], $0x10, s21, s17, $0xb8;
	[tilespmem:$0xDF20] =	vst v63  }
0x5c: {  	s22 =	simm.s32 $0x180;
	s23 =	simm.s32 $0x6620  }
0x5d: {  	[tilespmem:s23], [sflag:$0x4] =	stream.indirect.gather [hbm4b:s4+s17], $0x10, s22, s17, $0xb8;
	[tilespmem:$0xDF20] =	vst v63  }
0x5e: {  	s21 =	simm.s32 $0x200;
	s22 =	simm.s32 $0x0  }
.LBB2_4:
0x5f: {  	p0 =	sgt.s32 s23, $0x5  }
0x60: {  	p1 =	seq.s32 @p0 s23, $0x6  }
0x61: {  	p2 =	por !p1, !p0  }
0x62: {  	s5 =	simm.s32 @!p2 $0x7;
	p3 =	sgt.u32 @!p2 s22, $0x49  }
0x63: {  	_ =	swait.ge @!p2 [sflag:s5], $0x800;
	p4 =	por @p0 p3, !p1  }
0x64: {  	s7 =	simm.s32 @!p2 $0x7E20;
	[sflag:s5] =	ssyncset.done @!p2 $0x0;
	p4 =	por p4, !p0  }
0x65: {  	[sflag:s5] =	ssyncadd.s32 @!p2 $0xFFFFF800;
	s5 =	simm.s32 @!p2 $0x80;
	p5 =	slt.u32 @!p4 s22, $0x4  }
0x66: {  	[spmem:s2] =	stream.indirect.scatter.add.f32 @!p2 [tilespmem:s7], [sflag:$0xF], $0x10, s20, s5, $0xb8;
	[tilespmem:$0xDF20] =	vst v63  }
0x67: {  	p2 =	por @!p2 p5, p3  }
0x68: {  	p2 =	por @p0 p2, !p1  }
0x69: {  	p2 =	por p2, !p0  }
0x6a: {  	s5 =	simm.s32 @!p2 $0xB  }
0x6b: {  	_ =	swait.ge @!p2 [sflag:s5], $0x800  }
0x6c: {  	s7 =	simm.s32 @!p4 $0x5E20;
	[sflag:s5] =	ssyncset.done @!p2 $0x0  }
0x6d: {  	[sflag:s5] =	ssyncadd.s32 @!p2 $0xFFFFF800;
	s5 =	simm.s32 @!p4 $0x80;
	p2 =	por p1, !p0  }
0x6e: {  	[tilespmem:s7], [sflag:$0x3] =	stream.indirect.gather @!p4 [hbm4b:s4+s5], $0x10, s21, s5, $0xb8;
	[tilespmem:$0xDF20] =	vst v63  }
0x6f: {  	s5 =	simm.s32 @!p2 $0x8;
	p3 =	sgt.u32 @!p2 s22, $0x49  }
0x70: {  	_ =	swait.ge @!p2 [sflag:s5], $0x800;
	p4 =	por @p0 p3, p1  }
0x71: {  	s7 =	simm.s32 @!p2 $0x8620;
	[sflag:s5] =	ssyncset.done @!p2 $0x0;
	p4 =	por p4, !p0  }
0x72: {  	[sflag:s5] =	ssyncadd.s32 @!p2 $0xFFFFF800;
	s5 =	simm.s32 @!p2 $0x80;
	p5 =	slt.u32 @!p4 s22, $0x4  }
0x73: {  	[spmem:s2] =	stream.indirect.scatter.add.f32 @!p2 [tilespmem:s7], [sflag:$0x10], $0x10, s20, s5, $0xb8;
	[tilespmem:$0xDF20] =	vst v63  }
0x74: {  	p2 =	por @!p2 p5, p3  }
0x75: {  	p1 =	por @p0 p2, p1  }
0x76: {  	p1 =	por p1, !p0  }
0x77: {  	s5 =	simm.s32 @!p1 $0xC  }
0x78: {  	_ =	swait.ge @!p1 [sflag:s5], $0x800  }
0x79: {  	s7 =	simm.s32 @!p4 $0x6620;
	[sflag:s5] =	ssyncset.done @!p1 $0x0  }
0x7a: {  	[sflag:s5] =	ssyncadd.s32 @!p1 $0xFFFFF800;
	s5 =	simm.s32 @!p4 $0x80;
	p1 =	seq.s32 @!p0 s23, $0x4  }
0x7b: {  	[tilespmem:s7], [sflag:$0x4] =	stream.indirect.gather @!p4 [hbm4b:s4+s5], $0x10, s21, s5, $0xb8;
	[tilespmem:$0xDF20] =	vst v63  }
0x7c: {  	p2 =	por !p1, p0  }
0x7d: {  	s5 =	simm.s32 @!p2 $0x5;
	p3 =	sgt.u32 @!p2 s22, $0x49  }
0x7e: {  	_ =	swait.ge @!p2 [sflag:s5], $0x800;
	p4 =	por @!p0 p3, !p1  }
0x7f: {  	s7 =	simm.s32 @!p2 $0x6E20;
	[sflag:s5] =	ssyncset.done @!p2 $0x0;
	p4 =	por p4, p0  }
0x80: {  	[sflag:s5] =	ssyncadd.s32 @!p2 $0xFFFFF800;
	s5 =	simm.s32 @!p2 $0x80;
	p5 =	slt.u32 @!p4 s22, $0x4  }
0x81: {  	[spmem:s2] =	stream.indirect.scatter.add.f32 @!p2 [tilespmem:s7], [sflag:$0xD], $0x10, s20, s5, $0xb8;
	[tilespmem:$0xDF20] =	vst v63  }
0x82: {  	p2 =	por @!p2 p5, p3  }
0x83: {  	p2 =	por @!p0 p2, !p1  }
0x84: {  	p2 =	por p2, p0  }
0x85: {  	s5 =	simm.s32 @!p2 $0x9  }
0x86: {  	_ =	swait.ge @!p2 [sflag:s5], $0x800  }
0x87: {  	s7 =	simm.s32 @!p4 $0x4E20;
	[sflag:s5] =	ssyncset.done @!p2 $0x0  }
0x88: {  	[sflag:s5] =	ssyncadd.s32 @!p2 $0xFFFFF800;
	s5 =	simm.s32 @!p4 $0x80;
	p2 =	por p1, p0  }
0x89: {  	[tilespmem:s7], [sflag:$0x1] =	stream.indirect.gather @!p4 [hbm4b:s4+s5], $0x10, s21, s5, $0xb8;
	[tilespmem:$0xDF20] =	vst v63  }
0x8a: {  	s5 =	simm.s32 @!p2 $0x6;
	p3 =	sgt.u32 @!p2 s22, $0x49  }
0x8b: {  	_ =	swait.ge @!p2 [sflag:s5], $0x800;
	p4 =	por @!p0 p3, p1  }
0x8c: {  	s7 =	simm.s32 @!p2 $0x7620;
	[sflag:s5] =	ssyncset.done @!p2 $0x0;
	p4 =	por p4, p0  }
0x8d: {  	[sflag:s5] =	ssyncadd.s32 @!p2 $0xFFFFF800;
	s5 =	simm.s32 @!p2 $0x80;
	p5 =	slt.u32 @!p4 s22, $0x4  }
0x8e: {  	[spmem:s2] =	stream.indirect.scatter.add.f32 @!p2 [tilespmem:s7], [sflag:$0xE], $0x10, s20, s5, $0xb8;
	[tilespmem:$0xDF20] =	vst v63  }
0x8f: {  	p2 =	por @!p2 p5, p3  }
0x90: {  	p1 =	por @!p0 p2, p1  }
0x91: {  	p0 =	por p1, p0  }
0x92: {  	s5 =	simm.s32 @!p0 $0xA  }
0x93: {  	_ =	swait.ge @!p0 [sflag:s5], $0x800  }
0x94: {  	[sflag:s5] =	ssyncset.done @!p0 $0x0  }
0x95: {  	s7 =	simm.s32 @!p4 $0x5620;
	[sflag:s5] =	ssyncadd.s32 @!p0 $0xFFFFF800;
	s5 =	simm.s32 @!p4 $0x80  }
0x96: {  	[tilespmem:s7], [sflag:$0x2] =	stream.indirect.gather @!p4 [hbm4b:s4+s5], $0x10, s21, s5, $0xb8;
	[tilespmem:$0xDF20] =	vst v63  }
.LBB2_5:
0x97: {  	s22 =	sadd.s32 $0x1, s22  }
0x98: {  	p0 =	sne.s32 s22, $0x4E  }
.Ltmp3:
0x99: {  	_ = 	snop;
	(pc) =	sbr.rel @!p0 .LBB2_6-.Ltmp3, $2  }
0x9a: {  	_ =	sdelay $0x2  }
0x9b: {  	s21 =	sadd.s32 $0x80, s21;
	s20 =	sadd.s32 $0x80, s20  }
.LBB2_2:
0x9c: {  	s23 =	sand.u32 $0x7, s22  }
0x9d: {  	p0 =	sgt.s32 s23, $0x3  }
.Ltmp4:
0x9e: {  	_ = 	snop;
	(pc) =	sbr.rel @p0 .LBB2_4-.Ltmp4, $1  }
0x9f: {  	_ =	sdelay $0x3  }
0xa0: {  	p0 =	sgt.s32 s23, $0x1  }
0xa1: {  	p1 =	seq.s32 @p0 s23, $0x2  }
0xa2: {  	p2 =	por !p1, !p0  }
0xa3: {  	s5 =	simm.s32 @!p2 $0x3;
	p3 =	sgt.u32 @!p2 s22, $0x49  }
0xa4: {  	_ =	swait.ge @!p2 [sflag:s5], $0x800;
	p4 =	por @p0 p3, !p1  }
0xa5: {  	s7 =	simm.s32 @!p2 $0x5E20;
	[sflag:s5] =	ssyncset.done @!p2 $0x0;
	p4 =	por p4, !p0  }
0xa6: {  	[sflag:s5] =	ssyncadd.s32 @!p2 $0xFFFFF800;
	s5 =	simm.s32 @!p2 $0x80;
	p5 =	slt.u32 @!p4 s22, $0x4  }
0xa7: {  	[spmem:s2] =	stream.indirect.scatter.add.f32 @!p2 [tilespmem:s7], [sflag:$0xB], $0x10, s20, s5, $0xb8;
	[tilespmem:$0xDF20] =	vst v63  }
0xa8: {  	p2 =	por @!p2 p5, p3  }
0xa9: {  	p2 =	por @p0 p2, !p1  }
0xaa: {  	p2 =	por p2, !p0  }
0xab: {  	s5 =	simm.s32 @!p2 $0xF  }
0xac: {  	_ =	swait.ge @!p2 [sflag:s5], $0x800  }
0xad: {  	s7 =	simm.s32 @!p4 $0x7E20;
	[sflag:s5] =	ssyncset.done @!p2 $0x0  }
0xae: {  	[sflag:s5] =	ssyncadd.s32 @!p2 $0xFFFFF800;
	s5 =	simm.s32 @!p4 $0x80;
	p2 =	por p1, !p0  }
0xaf: {  	[tilespmem:s7], [sflag:$0x7] =	stream.indirect.gather @!p4 [hbm4b:s4+s5], $0x10, s21, s5, $0xb8;
	[tilespmem:$0xDF20] =	vst v63  }
0xb0: {  	s5 =	simm.s32 @!p2 $0x4;
	p3 =	sgt.u32 @!p2 s22, $0x49  }
0xb1: {  	_ =	swait.ge @!p2 [sflag:s5], $0x800;
	p4 =	por @p0 p3, p1  }
0xb2: {  	s7 =	simm.s32 @!p2 $0x6620;
	[sflag:s5] =	ssyncset.done @!p2 $0x0;
	p4 =	por p4, !p0  }
0xb3: {  	[sflag:s5] =	ssyncadd.s32 @!p2 $0xFFFFF800;
	s5 =	simm.s32 @!p2 $0x80;
	p5 =	slt.u32 @!p4 s22, $0x4  }
0xb4: {  	[spmem:s2] =	stream.indirect.scatter.add.f32 @!p2 [tilespmem:s7], [sflag:$0xC], $0x10, s20, s5, $0xb8;
	[tilespmem:$0xDF20] =	vst v63  }
0xb5: {  	p2 =	por @!p2 p5, p3  }
0xb6: {  	p1 =	por @p0 p2, p1  }
0xb7: {  	p1 =	por p1, !p0  }
0xb8: {  	s5 =	simm.s32 @!p1 $0x10  }
0xb9: {  	_ =	swait.ge @!p1 [sflag:s5], $0x800  }
0xba: {  	s7 =	simm.s32 @!p4 $0x8620;
	[sflag:s5] =	ssyncset.done @!p1 $0x0  }
0xbb: {  	[sflag:s5] =	ssyncadd.s32 @!p1 $0xFFFFF800;
	s5 =	simm.s32 @!p4 $0x80;
	p1 =	seq.s32 @!p0 s23, $0x0  }
0xbc: {  	[tilespmem:s7], [sflag:$0x8] =	stream.indirect.gather @!p4 [hbm4b:s4+s5], $0x10, s21, s5, $0xb8;
	[tilespmem:$0xDF20] =	vst v63  }
0xbd: {  	p2 =	por !p1, p0  }
0xbe: {  	s5 =	simm.s32 @!p2 $0x1;
	p3 =	sgt.u32 @!p2 s22, $0x49  }
0xbf: {  	_ =	swait.ge @!p2 [sflag:s5], $0x800;
	p4 =	por @!p0 p3, !p1  }
0xc0: {  	s7 =	simm.s32 @!p2 $0x4E20;
	[sflag:s5] =	ssyncset.done @!p2 $0x0;
	p4 =	por p4, p0  }
0xc1: {  	[sflag:s5] =	ssyncadd.s32 @!p2 $0xFFFFF800;
	s5 =	simm.s32 @!p2 $0x80;
	p5 =	slt.u32 @!p4 s22, $0x4  }
0xc2: {  	[spmem:s2] =	stream.indirect.scatter.add.f32 @!p2 [tilespmem:s7], [sflag:$0x9], $0x10, s20, s5, $0xb8;
	[tilespmem:$0xDF20] =	vst v63  }
0xc3: {  	p2 =	por @!p2 p5, p3  }
0xc4: {  	p2 =	por @!p0 p2, !p1  }
0xc5: {  	p2 =	por p2, p0  }
0xc6: {  	s5 =	simm.s32 @!p2 $0xD  }
0xc7: {  	_ =	swait.ge @!p2 [sflag:s5], $0x800  }
0xc8: {  	s7 =	simm.s32 @!p4 $0x6E20;
	[sflag:s5] =	ssyncset.done @!p2 $0x0  }
0xc9: {  	[sflag:s5] =	ssyncadd.s32 @!p2 $0xFFFFF800;
	s5 =	simm.s32 @!p4 $0x80;
	p2 =	por p1, p0  }
0xca: {  	[tilespmem:s7], [sflag:$0x5] =	stream.indirect.gather @!p4 [hbm4b:s4+s5], $0x10, s21, s5, $0xb8;
	[tilespmem:$0xDF20] =	vst v63  }
0xcb: {  	s5 =	simm.s32 @!p2 $0x2;
	p3 =	sgt.u32 @!p2 s22, $0x49  }
0xcc: {  	_ =	swait.ge @!p2 [sflag:s5], $0x800;
	p4 =	por @!p0 p3, p1  }
0xcd: {  	s7 =	simm.s32 @!p2 $0x5620;
	[sflag:s5] =	ssyncset.done @!p2 $0x0;
	p4 =	por p4, p0  }
0xce: {  	[sflag:s5] =	ssyncadd.s32 @!p2 $0xFFFFF800;
	s5 =	simm.s32 @!p2 $0x80;
	p5 =	slt.u32 @!p4 s22, $0x4  }
0xcf: {  	[spmem:s2] =	stream.indirect.scatter.add.f32 @!p2 [tilespmem:s7], [sflag:$0xA], $0x10, s20, s5, $0xb8;
	[tilespmem:$0xDF20] =	vst v63  }
0xd0: {  	p2 =	por @!p2 p5, p3  }
0xd1: {  	p1 =	por @!p0 p2, p1  }
0xd2: {  	p0 =	por p1, p0  }
.Ltmp5:
0xd3: {  	s5 =	simm.s32 @!p0 $0xE;
	(pc) =	sbr.rel .LBB2_5-.Ltmp5, $4  }
0xd4: {  	_ =	swait.ge @!p0 [sflag:s5], $0x800  }
0xd5: {  	[sflag:s5] =	ssyncset.done @!p0 $0x0  }
0xd6: {  	s7 =	simm.s32 @!p4 $0x7620;
	[sflag:s5] =	ssyncadd.s32 @!p0 $0xFFFFF800;
	s5 =	simm.s32 @!p4 $0x80  }
0xd7: {  	[tilespmem:s7], [sflag:$0x6] =	stream.indirect.gather @!p4 [hbm4b:s4+s5], $0x10, s21, s5, $0xb8;
	[tilespmem:$0xDF20] =	vst v63  }
.LBB2_7:
0xd8: {  	_ =	sfence.sel $0x180000  }
0xd9: {  	[bflag:$0x0] =	sbarrier.arrive $0xFFFF  }
0xda: {  	_ =	strace $0x90000053  }
0xdb: {  	s0 =	stileid.u32;
	[bflag:$0x2] =	sbarrier.arrive $0xFFFF  }
0xdc: {  	p0 =	sne.s32 s0, $0x0;
	s0 =	rddreg [dreg:$0x2]  }
0xdd: {  	s0 =	sadd.s32 @!p0 $0x100000, s0  }
0xde: {  	[sflag:s0] =	ssyncadd.tile.s32 @!p0 $0x1;
	_ =	shalt  }
.Lfunc_end2:
_tile_overlayer_lowered:
.L_overlay_start_2:
0xdf: {  	(tag) =	ssettag $0x2  }
0xe0: {  	s0 =	rddreg [dreg:$0x0];
	s2 =	stileid.u32  }
0xe1: {  	s1 =	rddreg [dreg:$0x1];
	p0 =	sne.s32 s2, $0x0  }
0xe2: {  	s3 =	rddreg [dreg:$0x2];
	[bflag:$0x3] =	sbarrier.arrive $0xFFFF;
	s2 =	simm.s32 @!p0 $0x1C11  }
0xe3: {  	[timem:s3], [sflag:s2] =	dma.local @!p0 [hbm:s0], s1  }
0xe4: {  	s0 =	simm.s32 @!p0 $0x11  }
0xe5: {  	_ =	swait.ge @!p0 [sflag:s0], s1  }
0xe6: {  	s1 =	ssub.s32 @!p0 $0x0, s1;
	[sflag:s0] =	ssyncset.done @!p0 $0x0  }
0xe7: {  	[sflag:s0] =	ssyncadd.s32 @!p0 s1  }
0xe8: {  	[bflag:$0x3] =	sbarrier.arrive $0xFFFF  }
0xe9: {  	_ =	shalt  }

// kernel: kernel.9.cloned.1.call-start
scs
__scs_entry_jumppad:
0x0: {  	(pc) =	sbr.rel $0x88, $3  }
0x1: {  	(tag) =	ssettag $0x0;
	lr =	simm.s32 $0x1  }
0x2: {  	[smem:$0x3F99] =	sst lr;
	_ =	strace $0xD0000000  }
0x3: {  	_ = 	snop  }
0x4: {  	_ = 	snop  }
0x5: {  	_ = 	snop  }
0x6: {  	_ = 	snop  }
0x7: {  	_ = 	snop  }
__scs_overlays_trampoline_lowered:
0x8: {  	[smem:$0x3FA8] =	sst s0  }
0x9: {  	[smem:$0x3FA9] =	sst s1  }
0xa: {  	[smem:$0x3FAA] =	sst s2  }
0xb: {  	[smem:$0x3FAB] =	sst s3  }
0xc: {  	[smem:$0x3FAC] =	sst s4  }
0xd: {  	[smem:$0x3FAD] =	sst s5  }
0xe: {  	[smem:$0x3FAE] =	sst s6  }
0xf: {  	[smem:$0x3FAF] =	sst s7  }
0x10: {  	[smem:$0x3FB0] =	sst s8  }
0x11: {  	[smem:$0x3FB1] =	sst s9;
	s0 =	simm.s32 @!p0 $0x0  }
0x12: {  	s1 =	sld [smem:$0x3F97];
	s0 =	simm.s32 @p0 $0x1  }
0x13: {  	[smem:$0x3FB2] =	sst s0;
	s0 =	simm.s32 @!p1 $0x0  }
0x14: {  	s2 =	sld [smem:$0x3F96];
	s0 =	simm.s32 @p1 $0x1  }
0x15: {  	[smem:$0x3FB3] =	sst s0;
	s0 =	simm.s32 @!p2 $0x0  }
0x16: {  	s3 =	sld [smem:$0x3FDB];
	s0 =	simm.s32 @p2 $0x1  }
0x17: {  	s4 =	simm.s32 $0x1BF5;
	[smem:$0x3FB5] =	sst s0  }
0x18: {  	s0 =	sld [smem:$0x3F98];
	_ =	swait.ge [sflag:s4], $0x0  }
0x19: {  	s7 =	sld [smem:$0x3F99]  }
0x1a: {  	s8 =	sadd.s32 $0xFFFFE003, lr  }
0x1b: {  	s9 =	sadd.s32 $0xFFFFFEF7, lr;
	s5 =	simm.s32 $0xFFFFFFFF;
	p2 =	slt.u32 s8, $0xFFFFF086  }
0x1c: {  	p1 =	slt.u32 s9, $0xF7A;
	s5 =	simm.s32 @!p2 $0x0  }
0x1d: {  	s5 =	simm.s32 @p1 $0x1;
	p0 =	seq.s32 s7, s2  }
0x1e: {  	s7 =	smul.u32 @!p0 $0xF7A, s2;
	p2 =	seq.s32 @!p0 s5, $0x0  }
0x1f: {  	s9 =	smul.u32 $0xF7A, s1;
	s8 =	simm.s32 @!p0 $0x1BF5;
	p2 =	por !p2, p0  }
0x20: {  	[sflag:s8] =	ssyncset.s32 @!p0 $0xFFFFF086;
	s6 =	sadd.s32 @!p0 s3, s7;
	s7 =	simm.s32 @!p0 $0x108  }
0x21: {  	s3 =	sadd.s32 s3, s9;
	s6 =	sadd.s32 @!p0 $0x88, s6;
	s7 =	simm.s32 @p2 $0x1082  }
0x22: {  	[simem:s7], [sflag:s8] =	dma.local @!p0 [hbm:s6], $0xF7A  }
0x23: {  	s9 =	sor.u32 $0xD0000000, s2;
	s6 =	simm.s32 $0x108;
	_ =	swait.ge @!p0 [sflag:s8], $0x0  }
0x24: {  	s3 =	sadd.s32 $0x88, s3;
	s6 =	simm.s32 @!p1 $0x1082;
	[sflag:s4] =	ssyncset.s32 $0xFFFFF086  }
0x25: {  	[simem:s6], [sflag:s4] =	dma.local [hbm:s3], $0xF7A  }
0x26: {  	[smem:$0x3F99] =	sst s1;
	(tag) =	ssettag s2;
	_ =	strace s9  }
0x27: {  	s1 =	sld [smem:$0x3FA9]  }
0x28: {  	s2 =	sld [smem:$0x3FAA]  }
0x29: {  	s4 =	sld [smem:$0x3FAC]  }
0x2a: {  	p0 =	seq.s32 s5, $0x0;
	s5 =	sld [smem:$0x3FAD]  }
0x2b: {  	s6 =	sld [smem:$0x3FAE]  }
0x2c: {  	s7 =	sld [smem:$0x3FAF]  }
0x2d: {  	s3 =	simm.s32 $0x108;
	s8 =	sld [smem:$0x3FB0]  }
0x2e: {  	s3 =	simm.s32 @!p0 $0x1082;
	s9 =	sld [smem:$0x3FB1]  }
0x2f: {  	lr =	sadd.s32 s0, s3;
	s0 =	sld [smem:$0x3FA8]  }
0x30: {  	s3 =	sld [smem:$0x3FAB]  }
0x31: {  	[smem:$0x3FB4] =	sst s10  }
0x32: {  	s10 =	sld [smem:$0x3FB2];
	_ =	sdelay $0x3  }
0x33: {  	p0 =	seq.s32 s10, $0x1;
	s10 =	sld [smem:$0x3FB4];
	_ =	sdelay $0x3  }
0x34: {  	[smem:$0x3FB4] =	sst s10  }
0x35: {  	s10 =	sld [smem:$0x3FB3];
	_ =	sdelay $0x3  }
0x36: {  	p1 =	seq.s32 s10, $0x1;
	s10 =	sld [smem:$0x3FB4];
	_ =	sdelay $0x3  }
0x37: {  	[smem:$0x3FB4] =	sst s10  }
0x38: {  	s10 =	sld [smem:$0x3FB5]  }
0x39: {  	_ = 	snop;
	(pc) =	sbr.ind lr, $3  }
0x3a: {  	_ = 	snop  }
0x3b: {  	_ = 	snop  }
0x3c: {  	p2 =	seq.s32 s10, $0x1;
	s10 =	sld [smem:$0x3FB4]  }
0x3d: {  	_ =	shalt  }
0x3e: {  	_ =	shalt  }
0x3f: {  	_ =	shalt  }
0x40: {  	_ =	shalt  }
0x41: {  	_ =	shalt  }
0x42: {  	_ =	shalt  }
0x43: {  	_ =	shalt  }
0x44: {  	_ =	shalt  }
0x45: {  	_ =	shalt  }
0x46: {  	_ =	shalt  }
0x47: {  	_ =	shalt  }
0x48: {  	_ =	shalt  }
0x49: {  	_ =	shalt  }
0x4a: {  	_ =	shalt  }
0x4b: {  	_ =	shalt  }
0x4c: {  	_ =	shalt  }
0x4d: {  	_ =	shalt  }
0x4e: {  	_ =	shalt  }
0x4f: {  	_ =	shalt  }
0x50: {  	_ =	shalt  }
0x51: {  	_ =	shalt  }
0x52: {  	_ =	shalt  }
0x53: {  	_ =	shalt  }
0x54: {  	_ =	shalt  }
0x55: {  	_ =	shalt  }
0x56: {  	_ =	shalt  }
0x57: {  	_ =	shalt  }
0x58: {  	_ =	shalt  }
0x59: {  	_ =	shalt  }
0x5a: {  	_ =	shalt  }
0x5b: {  	_ =	shalt  }
0x5c: {  	_ =	shalt  }
0x5d: {  	_ =	shalt  }
0x5e: {  	_ =	shalt  }
0x5f: {  	_ =	shalt  }
0x60: {  	_ =	shalt  }
0x61: {  	_ =	shalt  }
0x62: {  	_ =	shalt  }
0x63: {  	_ =	shalt  }
0x64: {  	_ =	shalt  }
0x65: {  	_ =	shalt  }
0x66: {  	_ =	shalt  }
0x67: {  	_ =	shalt  }
0x68: {  	_ =	shalt  }
0x69: {  	_ =	shalt  }
0x6a: {  	_ =	shalt  }
0x6b: {  	_ =	shalt  }
0x6c: {  	_ =	shalt  }
0x6d: {  	_ =	shalt  }
0x6e: {  	_ =	shalt  }
0x6f: {  	_ =	shalt  }
0x70: {  	_ =	shalt  }
0x71: {  	_ =	shalt  }
0x72: {  	_ =	shalt  }
0x73: {  	_ =	shalt  }
0x74: {  	_ =	shalt  }
0x75: {  	_ =	shalt  }
0x76: {  	_ =	shalt  }
0x77: {  	_ =	shalt  }
0x78: {  	_ =	shalt  }
0x79: {  	_ =	shalt  }
0x7a: {  	_ =	shalt  }
0x7b: {  	_ =	shalt  }
0x7c: {  	_ =	shalt  }
0x7d: {  	_ =	shalt  }
0x7e: {  	_ =	shalt  }
0x7f: {  	_ =	shalt  }
0x80: {  	_ =	shalt  }
0x81: {  	_ =	shalt  }
0x82: {  	_ =	shalt  }
0x83: {  	_ =	shalt  }
0x84: {  	_ =	shalt  }
0x85: {  	_ =	shalt  }
0x86: {  	_ =	shalt  }
0x87: {  	_ =	shalt  }
.Lfunc_end0:
.L_simem_size_0:
called_computation_lowered:
.L_overlay_start_0:
0x88: {  	s2 =	sld [smem:$0x3FD9]  }
0x89: {  	s3 =	sld [smem:$0x3FFE];
	_ =	sdelay $0x1  }
0x8a: {  	s1 =	srdreg.scid  }
0x8b: {  	s0 =	sand.u32 $0x1, s1  }
0x8c: {  	s14 =	sshll.u32 s0, $0xA;
	s2 =	sadd.s32 s3, s2  }
0x8d: {  	s2 =	sadd.s32 s2, s14  }
0x8e: {  	[smem:$0x3FC0] =	sst s2  }
0x8f: {  	_ = 	snop  }
0x90: {  	s2 =	sld [smem:$0x3FD0];
	_ =	sdelay $0x2  }
0x91: {  	s15 =	simm.s32 $0xA;
	s4 =	simm.s32 $0x10  }
0x92: {  	[smem:s4], [sflag:s15] =	dma.local [hbm:s2], $0x1  }
0x93: {  	_ =	swait.eq [sflag:s15], $0x1  }
0x94: {  	[sflag:s15] =	ssyncset.done $0x0  }
0x95: {  	s16 =	sld [smem:$0x10];
	[sflag:s15] =	ssyncadd.s32 $0xFFFFFFFF  }
0x96: {  	s17 =	sld [smem:$0x11];
	(tm) =	ssettm $0x1  }
0x97: {  	s18 =	sld [smem:$0x3FFB];
	_ =	sdelay $0x3  }
0x98: {  	_ =	strace s18  }
0x99: {  	s4 =	sld [smem:$0x3FFC];
	_ =	sdelay $0x3  }
0x9a: {  	_ =	strace s4  }
0x9b: {  	s4 =	sld [smem:$0x3FFD];
	_ =	sdelay $0x3  }
0x9c: {  	_ =	strace s4  }
0x9d: {  	_ =	strace $0x8FFFFFFF  }
0x9e: {  	s19 =	sld [smem:$0x3FDB];
	_ =	sdelay $0x1  }
0x9f: {  	s5 =	simm.s32 $_scs_section_size  }
0xa0: {  	s6 =	simm.s32 $_size__tile_overlayer_lowered;
	s7 =	simm.s32 $_tile_overlayer_lowered  }
0xa1: {  	s22 =	simm.s32 $0x1BFF;
	s21 =	sshll.u32 s7, $0x1;
	s4 =	sadd.s32 s5, s19  }
0xa2: {  	s8 =	simm.s32 $0x0;
	s20 =	sshll.u32 s6, $0x1;
	s6 =	sadd.s32 s21, s4  }
0xa3: {  	[timem:s8], [sflag:s22] =	dma.local [hbm:s6], s20  }
0xa4: {  	_ =	swait.ge [sflag:s22], s20  }
0xa5: {  	s5 =	ssub.s32 $0x0, s20;
	[sflag:s22] =	ssyncset.done $0x0  }
0xa6: {  	[sflag:s22] =	ssyncadd.s32 s5;
	_ =	sdelay $0x1  }
0xa7: {  	s23 =	simm.s32 $0x1B8B  }
0xa8: {  	_ =	swait.ge [sflag:s23], $0x1  }
0xa9: {  	[sflag:s23] =	ssyncset.done $0x0  }
0xaa: {  	s25 =	simm.s32 $0x1B8E;
	s24 =	sld [smem:$0x3FFE];
	[sflag:s23] =	ssyncadd.s32 $0xFFFFFFFF  }
0xab: {  	s26 =	simm.s32 $execute0_lowered;
	[smem:$0x3FD2] =	sst s25  }
0xac: {  	s6 =	sshll.u32 s26, $0x1;
	_ =	strace $0x80000046;
	[dreg:$0x1] =	wrdreg $0xFFFFFFFF  }
0xad: {  	s28 =	simm.s32 $_size_execute0_lowered;
	s4 =	sadd.s32 s4, s6;
	[dreg:$0x0] =	wrdreg $0x0  }
0xae: {  	s6 =	sshll.u32 s28, $0x1;
	[dreg:$0x2] =	wrdreg s4  }
0xaf: {  	[dreg:$0x3] =	wrdreg s6  }
0xb0: {  	[dreg:$0x4] =	wrdreg $0xC0  }
0xb1: {  	_ =	task [dreg:s8], $0x5FFFF  }
0xb2: {  	[dreg:$0x1] =	wrdreg $0xFFFFFFFF  }
0xb3: {  	[dreg:$0x0] =	wrdreg $0x60  }
0xb4: {  	[dreg:$0x2] =	wrdreg s24  }
0xb5: {  	[dreg:$0x3] =	wrdreg s17  }
0xb6: {  	[dreg:$0x4] =	wrdreg s16  }
0xb7: {  	[dreg:$0x5] =	wrdreg $0x51200  }
0xb8: {  	[dreg:$0x6] =	wrdreg $0x53A00  }
0xb9: {  	[dreg:$0x7] =	wrdreg $0x9  }
0xba: {  	_ =	task.clear_ibuf [dreg:s8], $0x8FFFF;
	_ =	strace $0x90000046  }
0xbb: {  	s29 =	simm.s32 $0x9;
	_ =	strace $0x80000048  }
0xbc: {  	_ =	swait.ge [sflag:s29], $0x1  }
0xbd: {  	[sflag:s29] =	ssyncadd.s32 $0xFFFFFFFF  }
0xbe: {  	_ =	strace $0x90000048  }
0xbf: {  	_ =	sfence  }
0xc0: {  	s30 =	sld [smem:$0x0];
	_ =	sdelay $0x2  }
0xc1: {  	s31 =	sshll.u32 s1, $0xD;
	s1 =	sshrl.u32 s1, $0x2  }
0xc2: {  	s3 =	sand.u32 $0x4000, s31;
	s1 =	sadd.s32 s1, s30  }
0xc3: {  	s0 =	sor.u32 s3, s0;
	s1 =	sshll.u32 s1, $0x11  }
0xc4: {  	s0 =	sor.u32 s1, s0  }
0xc5: {  	s0 =	sadd.s32 $0x8F2B, s0  }
0xc6: {  	[sflag:s0] =	ssyncadd.remote.s32 $0x1  }
0xc7: {  	_ =	sfence.sel $0xFFFF  }
0xc8: {  	[dreg:$0x0] =	wrdreg $0xFFFFFFFF;
	(pc) =	sbr.abs _section_cstart, $3  }
0xc9: {  	[dreg:$0x1] =	wrdreg $0xFFFFFFFF  }
0xca: {  	_ =	task.clear_ibuf [dreg:s8], $0x2FFFF;
	_ =	strace $0x9FFFFFFF  }
0xcb: {  	(tm) =	ssettm $0x7FFFFFFF  }
tec
execute0_lowered:
.L_overlay_start_1:
0x0: {  	(tag) =	ssettag $0x1  }
0x1: {  	s0 =	rddreg [dreg:$0x0]  }
0x2: {  	s1 =	rddreg [dreg:$0x1]  }
0x3: {  	s13 =	rddreg [dreg:$0x2]  }
0x4: {  	s2 =	rddreg [dreg:$0x3];
	s4 =	srdreg.scid  }
0x5: {  	s8 =	stileid.u32;
	s3 =	rddreg [dreg:$0x4]  }
0x6: {  	s16 =	simm.s32 $0x4E20;
	s17 =	simm.s32 $0x3;
	s18 =	simm.s32 $0x4EA0  }
0x7: {  	s19 =	simm.s32 $0x2700;
	s20 =	simm.s32 $0x4E00;
	s21 =	simm.s32 $0x4E10  }
0x8: {  	s22 =	simm.s32 $0x80;
	s28 =	simm.s32 $0x2880;
	s29 =	simm.s32 $0x1  }
0x9: {  	s30 =	simm.s32 $0x2;
	s31 =	simm.s32 $0x10;
	s5 =	sand.u32 $0x1, s4  }
0xa: {  	s6 =	sshll.u32 s8, $0x1;
	s4 =	simm.s32 $0x0;
	s9 =	smul.u32 $0x280, s8  }
0xb: {  	s6 =	sor.u32 s5, s6;
	[smem:$0x7FF] =	sst s4;
	s11 =	smul.u32 $0x5000, s5  }
0xc: {  	s23 =	ssub.s32 $0x2, s5;
	s5 =	sadd.s32 $0x16E00, s0;
	s7 =	smul.u32 $0x4E0, s6  }
0xd: {  	_ =	strace $0x80000047;
	s6 =	sshll.u32 s6, $0x1;
	s24 =	sshrl.u32 s23, $0x1  }
0xe: {  	s8 =	sshrl.u32 s9, $0x3;
	s12 =	sadd.s32 s6, s0;
	s25 =	ssub.s32 s23, s24  }
0xf: {  	s6 =	sadd.s32 s1, s8;
	s8 =	sadd.s32 s9, s3;
	s26 =	sadd.s32 s9, s11  }
0x10: {  	s10 =	sadd.s32 s7, s0;
	s7 =	sadd.s32 s9, s2;
	s1 =	sshrl.u32 s26, $0x3  }
0x11: {  	s11 =	sadd.s32 $0x3400, s12;
	s12 =	sadd.s32 $0x3200, s12;
	s15 =	smax.u32 s25, $0x1  }
0x12: {  	s26 =	simm.s32 $0x180;
	s9 =	sadd.s32 $0xD200, s10;
	s13 =	sadd.s32 s13, s1  }
0x13: {  	s10 =	sadd.s32 $0x3600, s10;
	s1 =	simm.s32 $0x0;
	s14 =	sadd.s32 $0x500, s13  }
.LBB2_1:
0x14: {  	[tilespmem:s16], [sflag:$0x3] =	stream.linear.gather [hbm4b:s5+s4], $0x80, $0x38;
	[tilespmem:$0x5620] =	vst v63  }
0x15: {  	_ =	swait.ge [sflag:s17], $0x80  }
0x16: {  	[sflag:s17] =	ssyncset.done $0x0  }
0x17: {  	[sflag:s17] =	ssyncadd.s32 $0xFFFFFF80  }
0x18: {  	[tilespmem:s18], [sflag:$0x3] =	stream.linear.gather [hbm4b:s6+s4], $0x280, $0x38;
	[tilespmem:$0x5620] =	vst v63  }
0x19: {  	_ =	swait.ge [sflag:s17], $0x280  }
0x1a: {  	[sflag:s17] =	ssyncset.done $0x0  }
0x1b: {  	[sflag:s17] =	ssyncadd.s32 $0xFFFFFD80  }
0x1c: {  	[spmem:s7] =	stream.linear.scatter [tilespmem:s18], [sflag:$0x3], $0x280, $0x38;
	[tilespmem:$0x5620] =	vst v63  }
0x1d: {  	_ =	swait.ge [sflag:s17], $0x280  }
0x1e: {  	[sflag:s17] =	ssyncset.done $0x0  }
0x1f: {  	[sflag:s17] =	ssyncadd.s32 $0xFFFFFD80  }
0x20: {  	[spmem:s8] =	stream.linear.scatter [tilespmem:s18], [sflag:$0x3], $0x280, $0x38;
	[tilespmem:$0x5620] =	vst v63  }
0x21: {  	_ =	swait.ge [sflag:s17], $0x280  }
0x22: {  	[sflag:s17] =	ssyncset.done $0x0  }
0x23: {  	[sflag:s17] =	ssyncadd.s32 $0xFFFFFD80  }
0x24: {  	[bflag:$0x0] =	sbarrier.arrive $0xFFFF  }
0x25: {  	[tilespmem:s4], [sflag:$0x3] =	stream.linear.gather [hbm4b:s9+s4], $0x2700, $0x38;
	[tilespmem:$0x5620] =	vst v63  }
0x26: {  	_ =	swait.ge [sflag:s17], $0x2700  }
0x27: {  	[sflag:s17] =	ssyncset.done $0x0  }
0x28: {  	[sflag:s17] =	ssyncadd.s32 $0xFFFFD900  }
0x29: {  	[tilespmem:s19], [sflag:$0x3] =	stream.linear.gather [hbm4b:s10+s4], $0x2700, $0x38;
	[tilespmem:$0x5620] =	vst v63  }
0x2a: {  	_ =	swait.ge [sflag:s17], $0x2700  }
0x2b: {  	[sflag:s17] =	ssyncset.done $0x0  }
0x2c: {  	[sflag:s17] =	ssyncadd.s32 $0xFFFFD900  }
0x2d: {  	[tilespmem:s20], [sflag:$0x3] =	stream.linear.gather [hbm4b:s11+s4], $0x10, $0x38;
	[tilespmem:$0x5620] =	vst v63  }
0x2e: {  	_ =	swait.ge [sflag:s17], $0x10  }
0x2f: {  	[sflag:s17] =	ssyncset.done $0x0  }
0x30: {  	[sflag:s17] =	ssyncadd.s32 $0xFFFFFFF0  }
0x31: {  	[tilespmem:s21], [sflag:$0x3] =	stream.linear.gather [hbm4b:s12+s4], $0x10, $0x38;
	[tilespmem:$0x5620] =	vst v63  }
0x32: {  	_ =	swait.ge [sflag:s17], $0x10  }
0x33: {  	[sflag:s17] =	ssyncset.done $0x0  }
0x34: {  	[sflag:s17] =	ssyncadd.s32 $0xFFFFFFF0  }
0x35: {  	[spmem:s2] =	stream.indirect.scatter.add.f32 [tilespmem:s16], [sflag:$0x1], $0x1, s4, s22, $0xb8;
	[tilespmem:$0x5620] =	vst v63  }
0x36: {  	_ = 	snop  }
0x37: {  	[spmem:s3] =	stream.indirect.scatter.add.f32 [tilespmem:s16], [sflag:$0x2], $0x1, s19, s22, $0xb8;
	[tilespmem:$0x5620] =	vst v63  }
0x38: {  	_ = 	snop  }
0x39: {  	[spmem:s2] =	stream.indirect.scatter.add.f32 [tilespmem:s16], [sflag:$0x1], $0x1, s22, s22, $0xb8;
	[tilespmem:$0x5620] =	vst v63  }
0x3a: {  	s0 =	simm.s32 $0x2780  }
0x3b: {  	[spmem:s3] =	stream.indirect.scatter.add.f32 [tilespmem:s16], [sflag:$0x2], $0x1, s0, s22, $0xb8;
	[tilespmem:$0x5620] =	vst v63  }
0x3c: {  	s25 =	simm.s32 $0x100  }
0x3d: {  	[spmem:s2] =	stream.indirect.scatter.add.f32 [tilespmem:s16], [sflag:$0x1], $0x1, s25, s22, $0xb8;
	[tilespmem:$0x5620] =	vst v63  }
0x3e: {  	s23 =	simm.s32 $0x2800  }
0x3f: {  	[spmem:s3] =	stream.indirect.scatter.add.f32 [tilespmem:s16], [sflag:$0x2], $0x1, s23, s22, $0xb8;
	[tilespmem:$0x5620] =	vst v63  }
0x40: {  	_ = 	snop  }
0x41: {  	[spmem:s2] =	stream.indirect.scatter.add.f32 [tilespmem:s16], [sflag:$0x1], $0x1, s26, s22, $0xb8;
	[tilespmem:$0x5620] =	vst v63  }
0x42: {  	_ = 	snop  }
0x43: {  	[spmem:s3] =	stream.indirect.scatter.add.f32 [tilespmem:s16], [sflag:$0x2], $0x1, s28, s22, $0xb8;
	[tilespmem:$0x5620] =	vst v63  }
0x44: {  	s24 =	simm.s32 $0x200  }
0x45: {  	[spmem:s2] =	stream.indirect.scatter.add.f32 [tilespmem:s16], [sflag:$0x1], $0x1, s24, s22, $0xb8;
	[tilespmem:$0x5620] =	vst v63  }
0x46: {  	s25 =	simm.s32 $0x2900  }
0x47: {  	[spmem:s3] =	stream.indirect.scatter.add.f32 [tilespmem:s16], [sflag:$0x2], $0x1, s25, s22, $0xb8;
	[tilespmem:$0x5620] =	vst v63  }
0x48: {  	_ =	swait.ge [sflag:s29], $0x80  }
0x49: {  	[sflag:s29] =	ssyncset.done $0x0  }
0x4a: {  	[sflag:s29] =	ssyncadd.s32 $0xFFFFFF80  }
0x4b: {  	_ =	swait.ge [sflag:s30], $0x80  }
0x4c: {  	s0 =	simm.s32 $0xA00;
	s23 =	simm.s32 $0xC00;
	[sflag:s30] =	ssyncset.done $0x0  }
.LBB2_2:
0x4d: {  	s24 =	sshra.s32 s0, $0x2  }
0x4e: {  	[sflag:s30] =	ssyncadd.s32 $0xFFFFFF80;
	s0 =	smov.u32 s23;
	s25 =	sadd.s32 $0x200, s23  }
0x4f: {  	[spmem:s2] =	stream.indirect.scatter.add.f32 [tilespmem:s16], [sflag:$0x1], $0x1, s24, s22, $0xb8;
	[tilespmem:$0x5620] =	vst v63  }
0x50: {  	p0 =	sne.s32 s23, $0x9A00;
	s23 =	sadd.s32 $0x2700, s24  }
0x51: {  	[spmem:s3] =	stream.indirect.scatter.add.f32 [tilespmem:s16], [sflag:$0x2], $0x1, s23, s22, $0xb8;
	[tilespmem:$0x5620] =	vst v63  }
.Ltmp0:
0x52: {  	_ =	swait.ge [sflag:s29], $0x80;
	(pc) =	sbr.rel @p0 .LBB2_2-.Ltmp0, $4  }
0x53: {  	[sflag:s29] =	ssyncset.done $0x0  }
0x54: {  	[sflag:s29] =	ssyncadd.s32 $0xFFFFFF80  }
0x55: {  	_ =	swait.ge [sflag:s30], $0x80  }
0x56: {  	s23 =	smov.u32 s25;
	[sflag:s30] =	ssyncset.done $0x0  }
0x57: {  	s0 =	sshra.s32 s0, $0x2;
	[sflag:s30] =	ssyncadd.s32 $0xFFFFFF80  }
0x58: {  	[spmem:s2] =	stream.indirect.scatter.add.f32 [tilespmem:s16], [sflag:$0x1], $0x1, s0, s22, $0xb8;
	[tilespmem:$0x5620] =	vst v63  }
0x59: {  	s0 =	sadd.s32 $0x2700, s0  }
0x5a: {  	[spmem:s3] =	stream.indirect.scatter.add.f32 [tilespmem:s16], [sflag:$0x2], $0x1, s0, s22, $0xb8;
	[tilespmem:$0x5620] =	vst v63  }
0x5b: {  	_ =	swait.ge [sflag:s29], $0x80  }
0x5c: {  	[sflag:s29] =	ssyncset.done $0x0  }
0x5d: {  	[sflag:s29] =	ssyncadd.s32 $0xFFFFFF80  }
0x5e: {  	_ =	swait.ge [sflag:s30], $0x80  }
0x5f: {  	[sflag:s30] =	ssyncset.done $0x0  }
0x60: {  	[sflag:s30] =	ssyncadd.s32 $0xFFFFFF80  }
0x61: {  	_ =	swait.ge [sflag:s29], $0x80  }
0x62: {  	[sflag:s29] =	ssyncset.done $0x0  }
0x63: {  	[sflag:s29] =	ssyncadd.s32 $0xFFFFFF80  }
0x64: {  	_ =	swait.ge [sflag:s30], $0x80  }
0x65: {  	[sflag:s30] =	ssyncset.done $0x0  }
0x66: {  	[sflag:s30] =	ssyncadd.s32 $0xFFFFFF80  }
0x67: {  	_ =	swait.ge [sflag:s29], $0x80  }
0x68: {  	[sflag:s29] =	ssyncset.done $0x0  }
0x69: {  	[sflag:s29] =	ssyncadd.s32 $0xFFFFFF80  }
0x6a: {  	_ =	swait.ge [sflag:s30], $0x80  }
0x6b: {  	[sflag:s30] =	ssyncset.done $0x0  }
0x6c: {  	[sflag:s30] =	ssyncadd.s32 $0xFFFFFF80  }
0x6d: {  	_ =	swait.ge [sflag:s29], $0x80  }
0x6e: {  	[sflag:s29] =	ssyncset.done $0x0  }
0x6f: {  	[sflag:s29] =	ssyncadd.s32 $0xFFFFFF80  }
0x70: {  	_ =	swait.ge [sflag:s30], $0x80  }
0x71: {  	[sflag:s30] =	ssyncset.done $0x0  }
0x72: {  	[sflag:s30] =	ssyncadd.s32 $0xFFFFFF80  }
0x73: {  	_ =	swait.ge [sflag:s29], $0x80  }
0x74: {  	[sflag:s29] =	ssyncset.done $0x0  }
0x75: {  	[sflag:s29] =	ssyncadd.s32 $0xFFFFFF80  }
0x76: {  	_ =	swait.ge [sflag:s30], $0x80  }
0x77: {  	[sflag:s30] =	ssyncset.done $0x0  }
0x78: {  	[sflag:s30] =	ssyncadd.s32 $0xFFFFFF80  }
0x79: {  	[spmem:s2] =	stream.indirect.scatter.add.f32 [tilespmem:s16], [sflag:$0x3], $0x1, s20, s31, $0xb8;
	[tilespmem:$0x5620] =	vst v63  }
0x7a: {  	_ =	swait.ge [sflag:s17], $0x10  }
0x7b: {  	[sflag:s17] =	ssyncset.done $0x0  }
0x7c: {  	[sflag:s17] =	ssyncadd.s32 $0xFFFFFFF0  }
0x7d: {  	[spmem:s3] =	stream.indirect.scatter.add.f32 [tilespmem:s16], [sflag:$0x3], $0x1, s21, s31, $0xb8;
	[tilespmem:$0x5620] =	vst v63  }
0x7e: {  	_ =	swait.ge [sflag:s17], $0x10  }
0x7f: {  	[sflag:s17] =	ssyncset.done $0x0  }
0x80: {  	[sflag:s17] =	ssyncadd.s32 $0xFFFFFFF0  }
0x81: {  	[bflag:$0x0] =	sbarrier.arrive $0xFFFF  }
0x82: {  	[tilespmem:s18], [sflag:$0x3] =	stream.linear.gather [spmem:s7], $0x280, $0x38;
	[tilespmem:$0x5620] =	vst v63  }
0x83: {  	_ =	swait.ge [sflag:s17], $0x280  }
0x84: {  	[sflag:s17] =	ssyncset.done $0x0  }
0x85: {  	[sflag:s17] =	ssyncadd.s32 $0xFFFFFD80  }
0x86: {  	[hbm4b:s13+s4] =	stream.linear.scatter [tilespmem:s18], [sflag:$0x3], $0x280, $0x38;
	[tilespmem:$0x5620] =	vst v63  }
0x87: {  	_ =	swait.ge [sflag:s17], $0x280  }
0x88: {  	[sflag:s17] =	ssyncset.done $0x0  }
0x89: {  	[sflag:s17] =	ssyncadd.s32 $0xFFFFFD80  }
0x8a: {  	[tilespmem:s18], [sflag:$0x3] =	stream.linear.gather [spmem:s8], $0x280, $0x38;
	[tilespmem:$0x5620] =	vst v63  }
0x8b: {  	s1 =	sadd.s32 $0x1, s1;
	_ =	swait.ge [sflag:s17], $0x280  }
0x8c: {  	p0 =	sne.s32 s1, s15;
	[sflag:s17] =	ssyncset.done $0x0  }
.Ltmp1:
0x8d: {  	[sflag:s17] =	ssyncadd.s32 $0xFFFFFD80;
	(pc) =	sbr.rel @p0 .LBB2_1-.Ltmp1, $4  }
0x8e: {  	[hbm4b:s14+s4] =	stream.linear.scatter [tilespmem:s18], [sflag:$0x3], $0x280, $0x38;
	[tilespmem:$0x5620] =	vst v63  }
0x8f: {  	_ =	swait.ge [sflag:s17], $0x280  }
0x90: {  	[sflag:s17] =	ssyncset.done $0x0  }
0x91: {  	[sflag:s17] =	ssyncadd.s32 $0xFFFFFD80  }
0x92: {  	_ =	sfence.sel $0x180000  }
0x93: {  	[bflag:$0x0] =	sbarrier.arrive $0xFFFF  }
0x94: {  	_ =	strace $0x90000047  }
0x95: {  	s0 =	stileid.u32;
	[bflag:$0x2] =	sbarrier.arrive $0xFFFF  }
0x96: {  	p0 =	sne.s32 s0, $0x0;
	s0 =	rddreg [dreg:$0x5]  }
0x97: {  	s0 =	sadd.s32 @!p0 $0x100000, s0  }
0x98: {  	[sflag:s0] =	ssyncadd.tile.s32 @!p0 $0x1;
	_ =	shalt  }
.Lfunc_end2:
_tile_overlayer_lowered:
.L_overlay_start_2:
0x99: {  	(tag) =	ssettag $0x2  }
0x9a: {  	s0 =	rddreg [dreg:$0x0];
	s2 =	stileid.u32  }
0x9b: {  	s1 =	rddreg [dreg:$0x1];
	p0 =	sne.s32 s2, $0x0  }
0x9c: {  	s3 =	rddreg [dreg:$0x2];
	[bflag:$0x3] =	sbarrier.arrive $0xFFFF;
	s2 =	simm.s32 @!p0 $0x1C03  }
0x9d: {  	[timem:s3], [sflag:s2] =	dma.local @!p0 [hbm:s0], s1  }
0x9e: {  	s0 =	simm.s32 @!p0 $0x3  }
0x9f: {  	_ =	swait.ge @!p0 [sflag:s0], s1  }
0xa0: {  	s1 =	ssub.s32 @!p0 $0x0, s1;
	[sflag:s0] =	ssyncset.done @!p0 $0x0  }
0xa1: {  	[sflag:s0] =	ssyncadd.s32 @!p0 s1  }
0xa2: {  	[bflag:$0x3] =	sbarrier.arrive $0xFFFF  }
0xa3: {  	_ =	shalt  }

</sc_bundles>
